<compile_context>
chip_gen: v7x
topology: tpu7x:2x2x1
jax: 0.10.2.dev20260603
libtpu: 0.0.44.dev20260713+nightly
codegen_flags: <defaults>
</compile_context>

<pallas_src>
import functools

import jax
import jax.numpy as jnp
from jax import lax
from jax.experimental import pallas as pl
from jax.experimental.pallas import tpu as pltpu
from jax.experimental.pallas import tpu_sc as plsc

H = 128
CH = 128
NC, NS = 2, 16
NW = NC * NS

_MESH = dict(core_axis_name="c", subcore_axis_name="s")


def _wid():
    return lax.axis_index("s") * NC + lax.axis_index("c")


def _bdot(x, w):
    return jnp.dot(x.astype(jnp.bfloat16), w.astype(jnp.bfloat16),
                   preferred_element_type=jnp.float32)




def _egather_batched(tab_hbm, iv, rv, sem, nidx):
    nstream = nidx // CH
    FB = 8
    for t0 in range(0, nstream, FB):
        hs = []
        for b in range(min(FB, nstream - t0)):
            off = (t0 + b) * CH
            src_idx = iv.at[pl.ds(off, CH)]
            hs.append(pltpu.async_copy(tab_hbm.at[src_idx],
                                       rv.at[pl.ds(off, CH)], sem))
        for h in hs:
            h.wait()


def _gather_mn(emb, mnemic, mnidx):
    B = mnidx.shape[0]
    RPW = B // NW
    NB = RPW // 256
    mesh = plsc.VectorSubcoreMesh(**_MESH)

    @functools.partial(
        pl.kernel, mesh=mesh,
        out_type=jax.ShapeDtypeStruct((B, H), jnp.float32),
        scratch_types=[
            pltpu.VMEM((RPW,), jnp.int32),
            pltpu.VMEM((RPW,), jnp.int32),
            pltpu.VMEM((256, H), jnp.float32),
            pltpu.VMEM((256, H), jnp.float32),
            pltpu.SemaphoreType.DMA,
            pltpu.SemaphoreType.DMA,
            pltpu.SemaphoreType.DMA,
        ],
    )
    def k(emb_hbm, mn_hbm, idx_hbm, out_hbm, iv, mv, rows0, rows1,
          s1, s2, s3):
        w = _wid()
        base = w * RPW
        pltpu.sync_copy(idx_hbm.at[pl.ds(base, RPW)], iv)
        _egather_batched(mn_hbm, iv, mv, s1, RPW)

        def body(t, carry):
            hs = []
            for half, rows in ((0, rows0), (1, rows1)):
                o = (2 * t + half) * 256
                hs.append(pltpu.async_copy(
                    emb_hbm.at[mv.at[pl.ds(o, CH)]],
                    rows.at[pl.ds(0, CH)], s2))
                hs.append(pltpu.async_copy(
                    emb_hbm.at[mv.at[pl.ds(o + CH, CH)]],
                    rows.at[pl.ds(CH, CH)], s2))
            ws = []
            for half, rows in ((0, rows0), (1, rows1)):
                o = (2 * t + half) * 256
                hs[2 * half].wait()
                hs[2 * half + 1].wait()
                ws.append(pltpu.async_copy(
                    rows, out_hbm.at[pl.ds(base + o, 256)], s3))
            for h in ws:
                h.wait()
            return carry
        lax.fori_loop(0, NB // 2, body, 0)

    return k(emb, mnemic, mnidx)


def _gather_mem(emb, op_imm, regs, mr0, mr1, mi0, mi1):
    B = mr0.shape[0]
    SPAN = ((-(-B // NW)) + 7) // 8 * 8
    NST = (SPAN + CH - 1) // CH
    mesh = plsc.VectorSubcoreMesh(**_MESH)
    sds = jax.ShapeDtypeStruct((B, H), jnp.float32)

    @functools.partial(
        pl.kernel, mesh=mesh,
        out_type=(sds, sds, sds, sds),
        scratch_types=[
            pltpu.VMEM((SPAN,), jnp.int32),
            pltpu.VMEM((SPAN,), jnp.int32),
            pltpu.VMEM((SPAN,), jnp.int32),
            pltpu.VMEM((SPAN,), jnp.int32),
            pltpu.VMEM((SPAN,), jnp.int32),
            pltpu.VMEM((SPAN,), jnp.int32),
            pltpu.VMEM((CH, H), jnp.float32),
            pltpu.VMEM((CH, H), jnp.float32),
            pltpu.VMEM((CH, H), jnp.float32),
            pltpu.VMEM((CH, H), jnp.float32),
            pltpu.SemaphoreType.DMA,
            pltpu.SemaphoreType.DMA,
            pltpu.SemaphoreType.DMA,
        ],
    )
    def k(emb_hbm, imm_hbm, regs_hbm, mr0_hbm, mr1_hbm, mi0_hbm, mi1_hbm,
          a_hbm, b_hbm, c_hbm, d_hbm,
          iv0, iv1, iv2, iv3, rv0, rv1, ra, rb, rc, rd, s1, s2, s3):
        w = _wid()
        base = jnp.minimum(w * SPAN, B - SPAN)
        hs = [pltpu.async_copy(src.at[pl.ds(base, SPAN)], dst, s1)
              for src, dst in ((mr0_hbm, iv0), (mr1_hbm, iv1),
                               (mi0_hbm, iv2), (mi1_hbm, iv3))]
        for h in hs:
            h.wait()
        pairs = [(iv, rv, c) for c in range(NST) for iv, rv in
                 ((iv0, rv0), (iv1, rv1))]
        for t0 in range(0, len(pairs), 8):
            hs = []
            for iv, rv, c in pairs[t0:t0 + 8]:
                o = min(c * CH, SPAN - CH)
                hs.append(pltpu.async_copy(
                    regs_hbm.at[iv.at[pl.ds(o, CH)]],
                    rv.at[pl.ds(o, CH)], s1))
            for h in hs:
                h.wait()

        def body(c, carry):
            o = jnp.minimum(c * CH, SPAN - CH)
            hs = [pltpu.async_copy(tab.at[idx.at[pl.ds(o, CH)]], rows, s2)
                  for tab, idx, rows in ((emb_hbm, rv0, ra), (emb_hbm, rv1, rb),
                                         (imm_hbm, iv2, rc), (imm_hbm, iv3, rd))]
            for h in hs:
                h.wait()
            ws = [pltpu.async_copy(rows, dst.at[pl.ds(base + o, CH)], s3)
                  for rows, dst in ((ra, a_hbm), (rb, b_hbm),
                                    (rc, c_hbm), (rd, d_hbm))]
            for h in ws:
                h.wait()
            return carry
        lax.fori_loop(0, NST, body, 0)

    return k(emb, op_imm, regs, mr0, mr1, mi0, mi1)


def _gather_final(table, regs_ext, opidx):
    B = opidx.shape[0]
    mesh = plsc.VectorSubcoreMesh(**_MESH)
    RPW = B // NW
    NB = RPW // 256

    @functools.partial(
        pl.kernel, mesh=mesh,
        out_type=jax.ShapeDtypeStruct((B, H), jnp.float32),
        scratch_types=[
            pltpu.VMEM((RPW,), jnp.int32),
            pltpu.VMEM((RPW,), jnp.int32),
            pltpu.VMEM((256, H), jnp.float32),
            pltpu.VMEM((256, H), jnp.float32),
            pltpu.SemaphoreType.DMA,
            pltpu.SemaphoreType.DMA,
            pltpu.SemaphoreType.DMA,
        ],
    )
    def k(tab_hbm, rext_hbm, idx_hbm, out_hbm, iv, cv, rows0, rows1,
          s1, s2, s3):
        w = _wid()
        base = w * RPW
        pltpu.sync_copy(idx_hbm.at[pl.ds(base, RPW)], iv)
        _egather_batched(rext_hbm, iv, cv, s1, RPW)

        def body(t, carry):
            hs = []
            for half, rows in ((0, rows0), (1, rows1)):
                o = (2 * t + half) * 256
                hs.append(pltpu.async_copy(
                    tab_hbm.at[cv.at[pl.ds(o, CH)]],
                    rows.at[pl.ds(0, CH)], s2))
                hs.append(pltpu.async_copy(
                    tab_hbm.at[cv.at[pl.ds(o + CH, CH)]],
                    rows.at[pl.ds(CH, CH)], s2))
            ws = []
            for half, rows in ((0, rows0), (1, rows1)):
                o = (2 * t + half) * 256
                hs[2 * half].wait()
                hs[2 * half + 1].wait()
                ws.append(pltpu.async_copy(
                    rows, out_hbm.at[pl.ds(base + o, 256)], s3))
            for h in ws:
                h.wait()
            return carry
        lax.fori_loop(0, NB // 2, body, 0)

    return k(table, regs_ext, opidx)




def _imm_mlp(imm, w1, b1, w2, b2):
    N = imm.shape[0]
    BLK = 5000
    nblk = N // BLK

    def body(x_ref, w1_ref, b1_ref, w2_ref, b2_ref, o_ref):
        h = jnp.maximum(jnp.tanh(x_ref[...]) * w1_ref[...] + b1_ref[...], 0.0)
        o_ref[...] = _bdot(h, w2_ref[...]) + b2_ref[...]

    return pl.pallas_call(
        body,
        grid=(nblk,),
        in_specs=[
            pl.BlockSpec((BLK, 1), lambda i: (i, 0)),
            pl.BlockSpec((1, H), lambda i: (0, 0)),
            pl.BlockSpec((1, H), lambda i: (0, 0)),
            pl.BlockSpec((H, H), lambda i: (0, 0)),
            pl.BlockSpec((1, H), lambda i: (0, 0)),
        ],
        out_specs=pl.BlockSpec((BLK, H), lambda i: (i, 0)),
        out_shape=jax.ShapeDtypeStruct((N, H), jnp.float32),
    )(imm, w1, b1.reshape(1, H), w2, b2.reshape(1, H))


def _w_spec(shp):
    return pl.BlockSpec(shp, lambda i: (0, 0))


def _imm_into_table(op_imm, ntab, row0):
    BLK = 5000
    nblk = op_imm.shape[0] // BLK
    blk0 = row0 // BLK

    def body(x_ref, o_ref):
        o_ref[...] = x_ref[...]

    return pl.pallas_call(
        body,
        grid=(nblk,),
        in_specs=[pl.BlockSpec((BLK, H), lambda i: (i, 0))],
        out_specs=pl.BlockSpec((BLK, H), lambda i: (i + blk0, 0)),
        out_shape=jax.ShapeDtypeStruct((ntab, H), jnp.float32),
    )(op_imm)


def _reg_table(table, emb, wr1, br1, wr2, br2):
    BLK = 4000
    nblk = emb.shape[0] // BLK

    def body(tab_ref, emb_ref, wr1_ref, br1_ref, wr2_ref, br2_ref, t_ref):
        h = jnp.maximum(_bdot(emb_ref[...], wr1_ref[...]) + br1_ref[...], 0.0)
        t_ref[...] = _bdot(h, wr2_ref[...]) + br2_ref[...]

    return pl.pallas_call(
        body,
        grid=(nblk,),
        in_specs=[
            pl.BlockSpec(memory_space=pl.ANY),
            pl.BlockSpec((BLK, H), lambda i: (i, 0)),
            _w_spec((H, H)), _w_spec((1, H)), _w_spec((H, H)), _w_spec((1, H)),
        ],
        out_specs=pl.BlockSpec((BLK, H), lambda i: (i, 0)),
        out_shape=jax.ShapeDtypeStruct(table.shape, jnp.float32),
        input_output_aliases={0: 0},
    )(table, emb, wr1, br1.reshape(1, H), wr2, br2.reshape(1, H))


def _mem_into_table(table, a, b, c, d, wm1, bm1, wm2, bm2, row0):
    BLK = 5000
    nblk = a.shape[0] // BLK
    blk0 = row0 // BLK

    def body(tab_ref, a_ref, b_ref, c_ref, d_ref,
             wm1_ref, bm1_ref, wm2_ref, bm2_ref, o_ref):
        acc = (_bdot(a_ref[...], wm1_ref[0:H])
               + _bdot(b_ref[...], wm1_ref[H:2 * H])
               + _bdot(c_ref[...], wm1_ref[2 * H:3 * H])
               + _bdot(d_ref[...], wm1_ref[3 * H:4 * H])
               + bm1_ref[...])
        h = jnp.maximum(acc, 0.0)
        o_ref[...] = _bdot(h, wm2_ref[...]) + bm2_ref[...]

    blkspec = lambda: pl.BlockSpec((BLK, H), lambda i: (i, 0))
    return pl.pallas_call(
        body,
        grid=(nblk,),
        in_specs=[
            pl.BlockSpec(memory_space=pl.ANY),
            blkspec(), blkspec(), blkspec(), blkspec(),
            _w_spec((4 * H, H)), _w_spec((1, H)), _w_spec((H, H)), _w_spec((1, H)),
        ],
        out_specs=pl.BlockSpec((BLK, H), lambda i: (i + blk0, 0)),
        out_shape=jax.ShapeDtypeStruct(table.shape, jnp.float32),
        input_output_aliases={0: 0},
    )(table, a, b, c, d,
      wm1, bm1.reshape(1, H), wm2, bm2.reshape(1, H))


def _final_mlp_half(prev_out, mn_g, g_half, w1, b1, w2, b2,
                    bsz, slen, half, nhalves):
    RB = 64
    BLK = RB * slen
    nblk = bsz // nhalves // RB
    mn0 = half * nblk

    def body(tab_ref, mn_ref, g0_ref, g1_ref, g2_ref, g3_ref,
             w1_ref, b1_ref, w2_ref, b2_ref, o_ref):
        acc = (_bdot(mn_ref[...], w1_ref[0:H])
               + _bdot(g0_ref[...], w1_ref[H:2 * H])
               + _bdot(g1_ref[...], w1_ref[2 * H:3 * H])
               + _bdot(g2_ref[...], w1_ref[3 * H:4 * H])
               + _bdot(g3_ref[...], w1_ref[4 * H:5 * H])
               + b1_ref[...])
        h = jnp.maximum(acc, 0.0)
        o_ref[...] = (_bdot(h, w2_ref[...]) + b2_ref[...]).reshape(RB, slen, H)

    slot = lambda k: pl.BlockSpec((BLK, H), lambda i, k=k: (k * nblk + i, 0))
    first = prev_out is None
    args = [mn_g, g_half, g_half, g_half, g_half,
            w1, b1.reshape(1, H), w2, b2.reshape(1, H)]
    in_specs = [
        pl.BlockSpec((BLK, H), lambda i: (mn0 + i, 0)),
        slot(0), slot(1), slot(2), slot(3),
        _w_spec((5 * H, H)), _w_spec((1, H)), _w_spec((H, H)), _w_spec((1, H)),
    ]
    if first:
        def body1(*refs):
            body(None, *refs)
        kernel_body = body1
        aliases = {}
    else:
        args = [prev_out] + args
        in_specs = [pl.BlockSpec(memory_space=pl.ANY)] + in_specs
        kernel_body = body
        aliases = {0: 0}
    return pl.pallas_call(
        kernel_body,
        grid=(nblk,),
        in_specs=in_specs,
        out_specs=pl.BlockSpec((RB, slen, H), lambda i: (mn0 + i, 0, 0)),
        out_shape=jax.ShapeDtypeStruct((bsz, slen, H), jnp.float32),
        input_output_aliases=aliases,
    )(*args)


def kernel(imm, regs, mem_reg0, mem_reg1, mem_imm0, mem_imm1, mnemic,
           mnemic_idx, operand_idx, emb, W_imm1, b_imm1, W_imm2, b_imm2,
           W_reg1, b_reg1, W_reg2, b_reg2, W_mem1, b_mem1, W_mem2, b_mem2,
           W_ins1, b_ins1, W_ins2, b_ins2):
    nreg = regs.shape[0]
    nimm = imm.shape[0]
    nmem = mem_reg0.shape[0]
    ntab = nreg + nimm + nmem
    regs = regs.astype(jnp.int32)
    bsz, slen = mnemic_idx.shape

    regs_ext = jnp.concatenate(
        [regs, jnp.arange(nreg, ntab, dtype=jnp.int32)])
    nh = bsz // 2 * slen
    oi = operand_idx.reshape(-1, 4)
    opcats = [oi[h * nh:(h + 1) * nh].T.reshape(-1).astype(jnp.int32)
              for h in range(2)]

    op_imm = _imm_mlp(imm, W_imm1, b_imm1, W_imm2, b_imm2)
    mn_g = _gather_mn(emb, mnemic.astype(jnp.int32),
                      mnemic_idx.reshape(-1).astype(jnp.int32))
    a, b, c, d = _gather_mem(emb, op_imm, regs,
                             mem_reg0.astype(jnp.int32),
                             mem_reg1.astype(jnp.int32),
                             mem_imm0.astype(jnp.int32),
                             mem_imm1.astype(jnp.int32))
    table1 = _imm_into_table(op_imm, ntab, nreg)
    table2 = _reg_table(table1, emb, W_reg1, b_reg1, W_reg2, b_reg2)
    table3 = _mem_into_table(table2, a, b, c, d,
                             W_mem1, b_mem1, W_mem2, b_mem2, nreg + nimm)
    out = None
    gs = []
    for half in range(2):
        gs.append(_gather_final(table3, regs_ext, opcats[half]))
    for half in range(2):
        out = _final_mlp_half(out, mn_g, gs[half], W_ins1, b_ins1,
                              W_ins2, b_ins2, bsz, slen, half, 2)
    return out

# --- scband reference (transcript-rebuilt; emitter-appended) ---
"""Pipeline reference for scband-instruction-embedding-1666447311064 (READ-ONLY COPY).

The authoritative reference and input builder live on the scoring server;
editing this copy changes nothing except your own understanding.
"""

import jax, jax.numpy as jnp
import numpy as np

V, H = 100000, 128
N_IMM, N_REG, N_MEM, M = 50000, 100000, 50000, 50000
B, S = 4096, 20


def _dense2(x, W1, b1, W2, b2):
    h = jax.nn.relu(x @ W1 + b1)
    return h @ W2 + b2


def setup_inputs(seed: int = 0) -> dict:
    key = jax.random.key(seed)
    ks = jax.random.split(key, 32)
    inp = {}
    inp['imm'] = jax.random.normal(ks[0], (N_IMM, 1), dtype=jnp.float32)
    inp['regs'] = jax.random.randint(ks[1], (N_REG,), 0, V, dtype=jnp.int64) if jax.config.jax_enable_x64 else jax.random.randint(ks[1], (N_REG,), 0, V)
    inp['mem_reg0'] = jax.random.randint(ks[2], (N_MEM,), 0, N_REG)
    inp['mem_reg1'] = jax.random.randint(ks[3], (N_MEM,), 0, N_REG)
    inp['mem_imm0'] = jax.random.randint(ks[4], (N_MEM,), 0, N_IMM)
    inp['mem_imm1'] = jax.random.randint(ks[5], (N_MEM,), 0, N_IMM)
    inp['mnemic'] = jax.random.randint(ks[6], (M,), 0, V)
    inp['mnemic_idx'] = jax.random.randint(ks[7], (B, S), 0, M)
    inp['operand_idx'] = jax.random.randint(ks[8], (B, S, 4), 0, N_REG + N_IMM + N_MEM)
    s = 0.02
    inp['emb'] = jax.random.normal(ks[9], (V, H), dtype=jnp.float32)
    inp['W_imm1'] = jax.random.normal(ks[10], (1, H), dtype=jnp.float32) * s
    inp['b_imm1'] = jnp.zeros((H,), dtype=jnp.float32)
    inp['W_imm2'] = jax.random.normal(ks[11], (H, H), dtype=jnp.float32) * s
    inp['b_imm2'] = jnp.zeros((H,), dtype=jnp.float32)
    inp['W_reg1'] = jax.random.normal(ks[12], (H, H), dtype=jnp.float32) * s
    inp['b_reg1'] = jnp.zeros((H,), dtype=jnp.float32)
    inp['W_reg2'] = jax.random.normal(ks[13], (H, H), dtype=jnp.float32) * s
    inp['b_reg2'] = jnp.zeros((H,), dtype=jnp.float32)
    inp['W_mem1'] = jax.random.normal(ks[14], (4 * H, H), dtype=jnp.float32) * s
    inp['b_mem1'] = jnp.zeros((H,), dtype=jnp.float32)
    inp['W_mem2'] = jax.random.normal(ks[15], (H, H), dtype=jnp.float32) * s
    inp['b_mem2'] = jnp.zeros((H,), dtype=jnp.float32)
    inp['W_ins1'] = jax.random.normal(ks[16], (5 * H, H), dtype=jnp.float32) * s
    inp['b_ins1'] = jnp.zeros((H,), dtype=jnp.float32)
    inp['W_ins2'] = jax.random.normal(ks[17], (H, H), dtype=jnp.float32) * s
    inp['b_ins2'] = jnp.zeros((H,), dtype=jnp.float32)
    return inp


def reference(imm, regs, mem_reg0, mem_reg1, mem_imm0, mem_imm1, mnemic, mnemic_idx, operand_idx, emb, W_imm1, b_imm1, W_imm2, b_imm2, W_reg1, b_reg1, W_reg2, b_reg2, W_mem1, b_mem1, W_mem2, b_mem2, W_ins1, b_ins1, W_ins2, b_ins2):
    # step 1: token embeddings
    imm_t = jnp.tanh(imm)
    regs_emb = jnp.take(emb, regs, axis=0)
    # step 2: operand embeddings
    op_reg = _dense2(regs_emb, W_reg1, b_reg1, W_reg2, b_reg2)
    op_imm = _dense2(imm_t, W_imm1, b_imm1, W_imm2, b_imm2)
    # x86 memory operand: [reg, reg, imm, imm]
    mem_cat = jnp.concatenate([
        jnp.take(regs_emb, mem_reg0, axis=0),
        jnp.take(regs_emb, mem_reg1, axis=0),
        jnp.take(op_imm, mem_imm0, axis=0),
        jnp.take(op_imm, mem_imm1, axis=0),
    ], axis=-1)
    op_mem = _dense2(mem_cat, W_mem1, b_mem1, W_mem2, b_mem2)
    operands = jnp.concatenate([op_reg, op_imm, op_mem], axis=0)
    # step 3: instruction embedding
    mn = jnp.take(emb, mnemic, axis=0)
    mn_g = jnp.take(mn, mnemic_idx, axis=0)
    ops_g = jnp.take(operands, operand_idx, axis=0).reshape(mnemic_idx.shape[0], mnemic_idx.shape[1], -1)
    ins = jnp.concatenate([mn_g, ops_g], axis=-1)
    return _dense2(ins, W_ins1, b_ins1, W_ins2, b_ins2)

if __name__ == "__main__":
    import jax
    _d = setup_inputs()
    print(jax.jit(kernel)(*tuple(_d.values())))

</pallas_src>

<mosaic_0001>
#map = affine_map<(d0, d1) -> (0, 0)>
#map1 = affine_map<(d0, d1) -> (0)>
module attributes {stable_mosaic.version = 14 : i64} {
  func.func @k(%arg0: i32, %arg1: i32, %arg2: memref<200000x128xf32, #tpu.memory_space<hbm>>, %arg3: memref<200000xi32, #tpu.memory_space<hbm>>, %arg4: memref<163840xi32, #tpu.memory_space<hbm>>, %arg5: memref<163840x128xf32, #tpu.memory_space<hbm>>, %arg6: memref<5120xi32, #tpu.memory_space<vmem>>, %arg7: memref<5120xi32, #tpu.memory_space<vmem>>, %arg8: memref<256x128xf32, #tpu.memory_space<vmem>>, %arg9: memref<256x128xf32, #tpu.memory_space<vmem>>, %arg10: memref<!tpu.dma_semaphore, #tpu.memory_space<semaphore_mem>>, %arg11: memref<!tpu.dma_semaphore, #tpu.memory_space<semaphore_mem>>, %arg12: memref<!tpu.dma_semaphore, #tpu.memory_space<semaphore_mem>>) attributes {dimension_semantics = [#tpu.dimension_semantics<core_parallel>, #tpu.dimension_semantics<subcore_parallel>], iteration_bounds = array<i64: 2, 16>, scalar_prefetch = 0 : i64, scratch_operands = 7 : i64, tpu.core_type = #tpu.core_type<sc_vector_subcore>, window_params = [{transform_indices = #map}, {transform_indices = #map1}, {transform_indices = #map1}, {transform_indices = #map}]} {
    %mul3A = arith.constant 2 : i32
    %mul3A_0 = arith.muli %arg1, %mul3A : i32
    %add3A = arith.addi %mul3A_0, %arg0 : i32
    %mul3A_1 = arith.constant 5120 : i32
    %mul3A_2 = arith.muli %add3A, %mul3A_1 : i32
    "tpu.region"() ({
      %run_scoped3A = tpu.sem_alloc : memref<!tpu.dma_semaphore, #tpu.memory_space<semaphore_mem>>
      %dma_start3A_486 = tpu.memref_slice %arg4[%mul3A_2] : memref<163840xi32, #tpu.memory_space<hbm>> -> memref<5120xi32, #tpu.memory_space<hbm>>
      %dma_start3A_487 = tpu.memref_slice %arg4[%mul3A_2] : memref<163840xi32, #tpu.memory_space<hbm>> -> memref<5120xi32, #tpu.memory_space<hbm>>
      tpu.enqueue_dma source(%dma_start3A_487 : memref<5120xi32, #tpu.memory_space<hbm>>) target(%arg6 : memref<5120xi32, #tpu.memory_space<vmem>>) target_semaphore(%run_scoped3A : memref<!tpu.dma_semaphore, #tpu.memory_space<semaphore_mem>>)
      %dma_wait3A_488 = tpu.memref_slice %arg4[%mul3A_2] : memref<163840xi32, #tpu.memory_space<hbm>> -> memref<5120xi32, #tpu.memory_space<hbm>>
      %dma_wait3A_489 = tpu.memref_slice %arg4[%mul3A_2] : memref<163840xi32, #tpu.memory_space<hbm>> -> memref<5120xi32, #tpu.memory_space<hbm>>
      tpu.wait_dma2 semaphore(%run_scoped3A : memref<!tpu.dma_semaphore, #tpu.memory_space<semaphore_mem>>) src(%dma_wait3A_489 : memref<5120xi32, #tpu.memory_space<hbm>>) dst(%arg6 : memref<5120xi32, #tpu.memory_space<vmem>>)
      tpu.yield
    }) : () -> ()
    %dma_start3A = arith.constant 0 : i32
    %dma_start3A_3 = tpu.memref_slice %arg7[%dma_start3A] : memref<5120xi32, #tpu.memory_space<vmem>> -> memref<128xi32, #tpu.memory_space<vmem>>
    %dma_start3A_4 = arith.constant 0 : i32
    %dma_start3A_5 = tpu.memref_slice %arg6[%dma_start3A_4] : memref<5120xi32, #tpu.memory_space<vmem>> -> memref<128xi32, #tpu.memory_space<vmem>>
    %dma_start3A_6 = arith.constant 0 : i32
    %dma_start3A_7 = tpu.memref_slice %arg3[%dma_start3A_6] : memref<200000xi32, #tpu.memory_space<hbm>> -> memref<200000xi32, #tpu.memory_space<hbm>>
    tpu.enqueue_indirect_dma source(%dma_start3A_7 : memref<200000xi32, #tpu.memory_space<hbm>>) target(%dma_start3A_3 : memref<128xi32, #tpu.memory_space<vmem>>) offsets(%dma_start3A_5 : memref<128xi32, #tpu.memory_space<vmem>>) semaphore(%arg10 : memref<!tpu.dma_semaphore, #tpu.memory_space<semaphore_mem>>)
    %dma_start3A_8 = arith.constant 128 : i32
    %dma_start3A_9 = tpu.memref_slice %arg7[%dma_start3A_8] : memref<5120xi32, #tpu.memory_space<vmem>> -> memref<128xi32, #tpu.memory_space<vmem>>
    %dma_start3A_10 = arith.constant 128 : i32
    %dma_start3A_11 = tpu.memref_slice %arg6[%dma_start3A_10] : memref<5120xi32, #tpu.memory_space<vmem>> -> memref<128xi32, #tpu.memory_space<vmem>>
    %dma_start3A_12 = arith.constant 0 : i32
    %dma_start3A_13 = tpu.memref_slice %arg3[%dma_start3A_12] : memref<200000xi32, #tpu.memory_space<hbm>> -> memref<200000xi32, #tpu.memory_space<hbm>>
    tpu.enqueue_indirect_dma source(%dma_start3A_13 : memref<200000xi32, #tpu.memory_space<hbm>>) target(%dma_start3A_9 : memref<128xi32, #tpu.memory_space<vmem>>) offsets(%dma_start3A_11 : memref<128xi32, #tpu.memory_space<vmem>>) semaphore(%arg10 : memref<!tpu.dma_semaphore, #tpu.memory_space<semaphore_mem>>)
    %dma_start3A_14 = arith.constant 256 : i32
    %dma_start3A_15 = tpu.memref_slice %arg7[%dma_start3A_14] : memref<5120xi32, #tpu.memory_space<vmem>> -> memref<128xi32, #tpu.memory_space<vmem>>
    %dma_start3A_16 = arith.constant 256 : i32
    %dma_start3A_17 = tpu.memref_slice %arg6[%dma_start3A_16] : memref<5120xi32, #tpu.memory_space<vmem>> -> memref<128xi32, #tpu.memory_space<vmem>>
    %dma_start3A_18 = arith.constant 0 : i32
    %dma_start3A_19 = tpu.memref_slice %arg3[%dma_start3A_18] : memref<200000xi32, #tpu.memory_space<hbm>> -> memref<200000xi32, #tpu.memory_space<hbm>>
    tpu.enqueue_indirect_dma source(%dma_start3A_19 : memref<200000xi32, #tpu.memory_space<hbm>>) target(%dma_start3A_15 : memref<128xi32, #tpu.memory_space<vmem>>) offsets(%dma_start3A_17 : memref<128xi32, #tpu.memory_space<vmem>>) semaphore(%arg10 : memref<!tpu.dma_semaphore, #tpu.memory_space<semaphore_mem>>)
    %dma_start3A_20 = arith.constant 384 : i32
    %dma_start3A_21 = tpu.memref_slice %arg7[%dma_start3A_20] : memref<5120xi32, #tpu.memory_space<vmem>> -> memref<128xi32, #tpu.memory_space<vmem>>
    %dma_start3A_22 = arith.constant 384 : i32
    %dma_start3A_23 = tpu.memref_slice %arg6[%dma_start3A_22] : memref<5120xi32, #tpu.memory_space<vmem>> -> memref<128xi32, #tpu.memory_space<vmem>>
    %dma_start3A_24 = arith.constant 0 : i32
    %dma_start3A_25 = tpu.memref_slice %arg3[%dma_start3A_24] : memref<200000xi32, #tpu.memory_space<hbm>> -> memref<200000xi32, #tpu.memory_space<hbm>>
    tpu.enqueue_indirect_dma source(%dma_start3A_25 : memref<200000xi32, #tpu.memory_space<hbm>>) target(%dma_start3A_21 : memref<128xi32, #tpu.memory_space<vmem>>) offsets(%dma_start3A_23 : memref<128xi32, #tpu.memory_space<vmem>>) semaphore(%arg10 : memref<!tpu.dma_semaphore, #tpu.memory_space<semaphore_mem>>)
    %dma_start3A_26 = arith.constant 512 : i32
    %dma_start3A_27 = tpu.memref_slice %arg7[%dma_start3A_26] : memref<5120xi32, #tpu.memory_space<vmem>> -> memref<128xi32, #tpu.memory_space<vmem>>
    %dma_start3A_28 = arith.constant 512 : i32
    %dma_start3A_29 = tpu.memref_slice %arg6[%dma_start3A_28] : memref<5120xi32, #tpu.memory_space<vmem>> -> memref<128xi32, #tpu.memory_space<vmem>>
    %dma_start3A_30 = arith.constant 0 : i32
    %dma_start3A_31 = tpu.memref_slice %arg3[%dma_start3A_30] : memref<200000xi32, #tpu.memory_space<hbm>> -> memref<200000xi32, #tpu.memory_space<hbm>>
    tpu.enqueue_indirect_dma source(%dma_start3A_31 : memref<200000xi32, #tpu.memory_space<hbm>>) target(%dma_start3A_27 : memref<128xi32, #tpu.memory_space<vmem>>) offsets(%dma_start3A_29 : memref<128xi32, #tpu.memory_space<vmem>>) semaphore(%arg10 : memref<!tpu.dma_semaphore, #tpu.memory_space<semaphore_mem>>)
    %dma_start3A_32 = arith.constant 640 : i32
    %dma_start3A_33 = tpu.memref_slice %arg7[%dma_start3A_32] : memref<5120xi32, #tpu.memory_space<vmem>> -> memref<128xi32, #tpu.memory_space<vmem>>
    %dma_start3A_34 = arith.constant 640 : i32
    %dma_start3A_35 = tpu.memref_slice %arg6[%dma_start3A_34] : memref<5120xi32, #tpu.memory_space<vmem>> -> memref<128xi32, #tpu.memory_space<vmem>>
    %dma_start3A_36 = arith.constant 0 : i32
    %dma_start3A_37 = tpu.memref_slice %arg3[%dma_start3A_36] : memref<200000xi32, #tpu.memory_space<hbm>> -> memref<200000xi32, #tpu.memory_space<hbm>>
    tpu.enqueue_indirect_dma source(%dma_start3A_37 : memref<200000xi32, #tpu.memory_space<hbm>>) target(%dma_start3A_33 : memref<128xi32, #tpu.memory_space<vmem>>) offsets(%dma_start3A_35 : memref<128xi32, #tpu.memory_space<vmem>>) semaphore(%arg10 : memref<!tpu.dma_semaphore, #tpu.memory_space<semaphore_mem>>)
    %dma_start3A_38 = arith.constant 768 : i32
    %dma_start3A_39 = tpu.memref_slice %arg7[%dma_start3A_38] : memref<5120xi32, #tpu.memory_space<vmem>> -> memref<128xi32, #tpu.memory_space<vmem>>
    %dma_start3A_40 = arith.constant 768 : i32
    %dma_start3A_41 = tpu.memref_slice %arg6[%dma_start3A_40] : memref<5120xi32, #tpu.memory_space<vmem>> -> memref<128xi32, #tpu.memory_space<vmem>>
    %dma_start3A_42 = arith.constant 0 : i32
    %dma_start3A_43 = tpu.memref_slice %arg3[%dma_start3A_42] : memref<200000xi32, #tpu.memory_space<hbm>> -> memref<200000xi32, #tpu.memory_space<hbm>>
    tpu.enqueue_indirect_dma source(%dma_start3A_43 : memref<200000xi32, #tpu.memory_space<hbm>>) target(%dma_start3A_39 : memref<128xi32, #tpu.memory_space<vmem>>) offsets(%dma_start3A_41 : memref<128xi32, #tpu.memory_space<vmem>>) semaphore(%arg10 : memref<!tpu.dma_semaphore, #tpu.memory_space<semaphore_mem>>)
    %dma_start3A_44 = arith.constant 896 : i32
    %dma_start3A_45 = tpu.memref_slice %arg7[%dma_start3A_44] : memref<5120xi32, #tpu.memory_space<vmem>> -> memref<128xi32, #tpu.memory_space<vmem>>
    %dma_start3A_46 = arith.constant 896 : i32
    %dma_start3A_47 = tpu.memref_slice %arg6[%dma_start3A_46] : memref<5120xi32, #tpu.memory_space<vmem>> -> memref<128xi32, #tpu.memory_space<vmem>>
    %dma_start3A_48 = arith.constant 0 : i32
    %dma_start3A_49 = tpu.memref_slice %arg3[%dma_start3A_48] : memref<200000xi32, #tpu.memory_space<hbm>> -> memref<200000xi32, #tpu.memory_space<hbm>>
    tpu.enqueue_indirect_dma source(%dma_start3A_49 : memref<200000xi32, #tpu.memory_space<hbm>>) target(%dma_start3A_45 : memref<128xi32, #tpu.memory_space<vmem>>) offsets(%dma_start3A_47 : memref<128xi32, #tpu.memory_space<vmem>>) semaphore(%arg10 : memref<!tpu.dma_semaphore, #tpu.memory_space<semaphore_mem>>)
    %dma_wait3A = arith.constant 0 : i32
    %dma_wait3A_50 = tpu.memref_slice %arg7[%dma_wait3A] : memref<5120xi32, #tpu.memory_space<vmem>> -> memref<128xi32, #tpu.memory_space<vmem>>
    %dma_wait3A_51 = arith.constant 0 : i32
    %dma_wait3A_52 = tpu.memref_slice %arg6[%dma_wait3A_51] : memref<5120xi32, #tpu.memory_space<vmem>> -> memref<128xi32, #tpu.memory_space<vmem>>
    %dma_wait3A_53 = arith.constant 0 : i32
    %dma_wait3A_54 = tpu.memref_slice %arg3[%dma_wait3A_53] : memref<200000xi32, #tpu.memory_space<hbm>> -> memref<200000xi32, #tpu.memory_space<hbm>>
    tpu.wait_indirect_dma semaphore(%arg10 : memref<!tpu.dma_semaphore, #tpu.memory_space<semaphore_mem>>) src(%dma_wait3A_54 : memref<200000xi32, #tpu.memory_space<hbm>>) dst(%dma_wait3A_50 : memref<128xi32, #tpu.memory_space<vmem>>)
    %dma_wait3A_55 = arith.constant 128 : i32
    %dma_wait3A_56 = tpu.memref_slice %arg7[%dma_wait3A_55] : memref<5120xi32, #tpu.memory_space<vmem>> -> memref<128xi32, #tpu.memory_space<vmem>>
    %dma_wait3A_57 = arith.constant 128 : i32
    %dma_wait3A_58 = tpu.memref_slice %arg6[%dma_wait3A_57] : memref<5120xi32, #tpu.memory_space<vmem>> -> memref<128xi32, #tpu.memory_space<vmem>>
    %dma_wait3A_59 = arith.constant 0 : i32
    %dma_wait3A_60 = tpu.memref_slice %arg3[%dma_wait3A_59] : memref<200000xi32, #tpu.memory_space<hbm>> -> memref<200000xi32, #tpu.memory_space<hbm>>
    tpu.wait_indirect_dma semaphore(%arg10 : memref<!tpu.dma_semaphore, #tpu.memory_space<semaphore_mem>>) src(%dma_wait3A_60 : memref<200000xi32, #tpu.memory_space<hbm>>) dst(%dma_wait3A_56 : memref<128xi32, #tpu.memory_space<vmem>>)
    %dma_wait3A_61 = arith.constant 256 : i32
    %dma_wait3A_62 = tpu.memref_slice %arg7[%dma_wait3A_61] : memref<5120xi32, #tpu.memory_space<vmem>> -> memref<128xi32, #tpu.memory_space<vmem>>
    %dma_wait3A_63 = arith.constant 256 : i32
    %dma_wait3A_64 = tpu.memref_slice %arg6[%dma_wait3A_63] : memref<5120xi32, #tpu.memory_space<vmem>> -> memref<128xi32, #tpu.memory_space<vmem>>
    %dma_wait3A_65 = arith.constant 0 : i32
    %dma_wait3A_66 = tpu.memref_slice %arg3[%dma_wait3A_65] : memref<200000xi32, #tpu.memory_space<hbm>> -> memref<200000xi32, #tpu.memory_space<hbm>>
    tpu.wait_indirect_dma semaphore(%arg10 : memref<!tpu.dma_semaphore, #tpu.memory_space<semaphore_mem>>) src(%dma_wait3A_66 : memref<200000xi32, #tpu.memory_space<hbm>>) dst(%dma_wait3A_62 : memref<128xi32, #tpu.memory_space<vmem>>)
    %dma_wait3A_67 = arith.constant 384 : i32
    %dma_wait3A_68 = tpu.memref_slice %arg7[%dma_wait3A_67] : memref<5120xi32, #tpu.memory_space<vmem>> -> memref<128xi32, #tpu.memory_space<vmem>>
    %dma_wait3A_69 = arith.constant 384 : i32
    %dma_wait3A_70 = tpu.memref_slice %arg6[%dma_wait3A_69] : memref<5120xi32, #tpu.memory_space<vmem>> -> memref<128xi32, #tpu.memory_space<vmem>>
    %dma_wait3A_71 = arith.constant 0 : i32
    %dma_wait3A_72 = tpu.memref_slice %arg3[%dma_wait3A_71] : memref<200000xi32, #tpu.memory_space<hbm>> -> memref<200000xi32, #tpu.memory_space<hbm>>
    tpu.wait_indirect_dma semaphore(%arg10 : memref<!tpu.dma_semaphore, #tpu.memory_space<semaphore_mem>>) src(%dma_wait3A_72 : memref<200000xi32, #tpu.memory_space<hbm>>) dst(%dma_wait3A_68 : memref<128xi32, #tpu.memory_space<vmem>>)
    %dma_wait3A_73 = arith.constant 512 : i32
    %dma_wait3A_74 = tpu.memref_slice %arg7[%dma_wait3A_73] : memref<5120xi32, #tpu.memory_space<vmem>> -> memref<128xi32, #tpu.memory_space<vmem>>
    %dma_wait3A_75 = arith.constant 512 : i32
    %dma_wait3A_76 = tpu.memref_slice %arg6[%dma_wait3A_75] : memref<5120xi32, #tpu.memory_space<vmem>> -> memref<128xi32, #tpu.memory_space<vmem>>
    %dma_wait3A_77 = arith.constant 0 : i32
    %dma_wait3A_78 = tpu.memref_slice %arg3[%dma_wait3A_77] : memref<200000xi32, #tpu.memory_space<hbm>> -> memref<200000xi32, #tpu.memory_space<hbm>>
    tpu.wait_indirect_dma semaphore(%arg10 : memref<!tpu.dma_semaphore, #tpu.memory_space<semaphore_mem>>) src(%dma_wait3A_78 : memref<200000xi32, #tpu.memory_space<hbm>>) dst(%dma_wait3A_74 : memref<128xi32, #tpu.memory_space<vmem>>)
    %dma_wait3A_79 = arith.constant 640 : i32
    %dma_wait3A_80 = tpu.memref_slice %arg7[%dma_wait3A_79] : memref<5120xi32, #tpu.memory_space<vmem>> -> memref<128xi32, #tpu.memory_space<vmem>>
    %dma_wait3A_81 = arith.constant 640 : i32
    %dma_wait3A_82 = tpu.memref_slice %arg6[%dma_wait3A_81] : memref<5120xi32, #tpu.memory_space<vmem>> -> memref<128xi32, #tpu.memory_space<vmem>>
    %dma_wait3A_83 = arith.constant 0 : i32
    %dma_wait3A_84 = tpu.memref_slice %arg3[%dma_wait3A_83] : memref<200000xi32, #tpu.memory_space<hbm>> -> memref<200000xi32, #tpu.memory_space<hbm>>
    tpu.wait_indirect_dma semaphore(%arg10 : memref<!tpu.dma_semaphore, #tpu.memory_space<semaphore_mem>>) src(%dma_wait3A_84 : memref<200000xi32, #tpu.memory_space<hbm>>) dst(%dma_wait3A_80 : memref<128xi32, #tpu.memory_space<vmem>>)
    %dma_wait3A_85 = arith.constant 768 : i32
    %dma_wait3A_86 = tpu.memref_slice %arg7[%dma_wait3A_85] : memref<5120xi32, #tpu.memory_space<vmem>> -> memref<128xi32, #tpu.memory_space<vmem>>
    %dma_wait3A_87 = arith.constant 768 : i32
    %dma_wait3A_88 = tpu.memref_slice %arg6[%dma_wait3A_87] : memref<5120xi32, #tpu.memory_space<vmem>> -> memref<128xi32, #tpu.memory_space<vmem>>
    %dma_wait3A_89 = arith.constant 0 : i32
    %dma_wait3A_90 = tpu.memref_slice %arg3[%dma_wait3A_89] : memref<200000xi32, #tpu.memory_space<hbm>> -> memref<200000xi32, #tpu.memory_space<hbm>>
    tpu.wait_indirect_dma semaphore(%arg10 : memref<!tpu.dma_semaphore, #tpu.memory_space<semaphore_mem>>) src(%dma_wait3A_90 : memref<200000xi32, #tpu.memory_space<hbm>>) dst(%dma_wait3A_86 : memref<128xi32, #tpu.memory_space<vmem>>)
    %dma_wait3A_91 = arith.constant 896 : i32
    %dma_wait3A_92 = tpu.memref_slice %arg7[%dma_wait3A_91] : memref<5120xi32, #tpu.memory_space<vmem>> -> memref<128xi32, #tpu.memory_space<vmem>>
    %dma_wait3A_93 = arith.constant 896 : i32
    %dma_wait3A_94 = tpu.memref_slice %arg6[%dma_wait3A_93] : memref<5120xi32, #tpu.memory_space<vmem>> -> memref<128xi32, #tpu.memory_space<vmem>>
    %dma_wait3A_95 = arith.constant 0 : i32
    %dma_wait3A_96 = tpu.memref_slice %arg3[%dma_wait3A_95] : memref<200000xi32, #tpu.memory_space<hbm>> -> memref<200000xi32, #tpu.memory_space<hbm>>
    tpu.wait_indirect_dma semaphore(%arg10 : memref<!tpu.dma_semaphore, #tpu.memory_space<semaphore_mem>>) src(%dma_wait3A_96 : memref<200000xi32, #tpu.memory_space<hbm>>) dst(%dma_wait3A_92 : memref<128xi32, #tpu.memory_space<vmem>>)
    %dma_start3A_97 = arith.constant 1024 : i32
    %dma_start3A_98 = tpu.memref_slice %arg7[%dma_start3A_97] : memref<5120xi32, #tpu.memory_space<vmem>> -> memref<128xi32, #tpu.memory_space<vmem>>
    %dma_start3A_99 = arith.constant 1024 : i32
    %dma_start3A_100 = tpu.memref_slice %arg6[%dma_start3A_99] : memref<5120xi32, #tpu.memory_space<vmem>> -> memref<128xi32, #tpu.memory_space<vmem>>
    %dma_start3A_101 = arith.constant 0 : i32
    %dma_start3A_102 = tpu.memref_slice %arg3[%dma_start3A_101] : memref<200000xi32, #tpu.memory_space<hbm>> -> memref<200000xi32, #tpu.memory_space<hbm>>
    tpu.enqueue_indirect_dma source(%dma_start3A_102 : memref<200000xi32, #tpu.memory_space<hbm>>) target(%dma_start3A_98 : memref<128xi32, #tpu.memory_space<vmem>>) offsets(%dma_start3A_100 : memref<128xi32, #tpu.memory_space<vmem>>) semaphore(%arg10 : memref<!tpu.dma_semaphore, #tpu.memory_space<semaphore_mem>>)
    %dma_start3A_103 = arith.constant 1152 : i32
    %dma_start3A_104 = tpu.memref_slice %arg7[%dma_start3A_103] : memref<5120xi32, #tpu.memory_space<vmem>> -> memref<128xi32, #tpu.memory_space<vmem>>
    %dma_start3A_105 = arith.constant 1152 : i32
    %dma_start3A_106 = tpu.memref_slice %arg6[%dma_start3A_105] : memref<5120xi32, #tpu.memory_space<vmem>> -> memref<128xi32, #tpu.memory_space<vmem>>
    %dma_start3A_107 = arith.constant 0 : i32
    %dma_start3A_108 = tpu.memref_slice %arg3[%dma_start3A_107] : memref<200000xi32, #tpu.memory_space<hbm>> -> memref<200000xi32, #tpu.memory_space<hbm>>
    tpu.enqueue_indirect_dma source(%dma_start3A_108 : memref<200000xi32, #tpu.memory_space<hbm>>) target(%dma_start3A_104 : memref<128xi32, #tpu.memory_space<vmem>>) offsets(%dma_start3A_106 : memref<128xi32, #tpu.memory_space<vmem>>) semaphore(%arg10 : memref<!tpu.dma_semaphore, #tpu.memory_space<semaphore_mem>>)
    %dma_start3A_109 = arith.constant 1280 : i32
    %dma_start3A_110 = tpu.memref_slice %arg7[%dma_start3A_109] : memref<5120xi32, #tpu.memory_space<vmem>> -> memref<128xi32, #tpu.memory_space<vmem>>
    %dma_start3A_111 = arith.constant 1280 : i32
    %dma_start3A_112 = tpu.memref_slice %arg6[%dma_start3A_111] : memref<5120xi32, #tpu.memory_space<vmem>> -> memref<128xi32, #tpu.memory_space<vmem>>
    %dma_start3A_113 = arith.constant 0 : i32
    %dma_start3A_114 = tpu.memref_slice %arg3[%dma_start3A_113] : memref<200000xi32, #tpu.memory_space<hbm>> -> memref<200000xi32, #tpu.memory_space<hbm>>
    tpu.enqueue_indirect_dma source(%dma_start3A_114 : memref<200000xi32, #tpu.memory_space<hbm>>) target(%dma_start3A_110 : memref<128xi32, #tpu.memory_space<vmem>>) offsets(%dma_start3A_112 : memref<128xi32, #tpu.memory_space<vmem>>) semaphore(%arg10 : memref<!tpu.dma_semaphore, #tpu.memory_space<semaphore_mem>>)
    %dma_start3A_115 = arith.constant 1408 : i32
    %dma_start3A_116 = tpu.memref_slice %arg7[%dma_start3A_115] : memref<5120xi32, #tpu.memory_space<vmem>> -> memref<128xi32, #tpu.memory_space<vmem>>
    %dma_start3A_117 = arith.constant 1408 : i32
    %dma_start3A_118 = tpu.memref_slice %arg6[%dma_start3A_117] : memref<5120xi32, #tpu.memory_space<vmem>> -> memref<128xi32, #tpu.memory_space<vmem>>
    %dma_start3A_119 = arith.constant 0 : i32
    %dma_start3A_120 = tpu.memref_slice %arg3[%dma_start3A_119] : memref<200000xi32, #tpu.memory_space<hbm>> -> memref<200000xi32, #tpu.memory_space<hbm>>
    tpu.enqueue_indirect_dma source(%dma_start3A_120 : memref<200000xi32, #tpu.memory_space<hbm>>) target(%dma_start3A_116 : memref<128xi32, #tpu.memory_space<vmem>>) offsets(%dma_start3A_118 : memref<128xi32, #tpu.memory_space<vmem>>) semaphore(%arg10 : memref<!tpu.dma_semaphore, #tpu.memory_space<semaphore_mem>>)
    %dma_start3A_121 = arith.constant 1536 : i32
    %dma_start3A_122 = tpu.memref_slice %arg7[%dma_start3A_121] : memref<5120xi32, #tpu.memory_space<vmem>> -> memref<128xi32, #tpu.memory_space<vmem>>
    %dma_start3A_123 = arith.constant 1536 : i32
    %dma_start3A_124 = tpu.memref_slice %arg6[%dma_start3A_123] : memref<5120xi32, #tpu.memory_space<vmem>> -> memref<128xi32, #tpu.memory_space<vmem>>
    %dma_start3A_125 = arith.constant 0 : i32
    %dma_start3A_126 = tpu.memref_slice %arg3[%dma_start3A_125] : memref<200000xi32, #tpu.memory_space<hbm>> -> memref<200000xi32, #tpu.memory_space<hbm>>
    tpu.enqueue_indirect_dma source(%dma_start3A_126 : memref<200000xi32, #tpu.memory_space<hbm>>) target(%dma_start3A_122 : memref<128xi32, #tpu.memory_space<vmem>>) offsets(%dma_start3A_124 : memref<128xi32, #tpu.memory_space<vmem>>) semaphore(%arg10 : memref<!tpu.dma_semaphore, #tpu.memory_space<semaphore_mem>>)
    %dma_start3A_127 = arith.constant 1664 : i32
    %dma_start3A_128 = tpu.memref_slice %arg7[%dma_start3A_127] : memref<5120xi32, #tpu.memory_space<vmem>> -> memref<128xi32, #tpu.memory_space<vmem>>
    %dma_start3A_129 = arith.constant 1664 : i32
    %dma_start3A_130 = tpu.memref_slice %arg6[%dma_start3A_129] : memref<5120xi32, #tpu.memory_space<vmem>> -> memref<128xi32, #tpu.memory_space<vmem>>
    %dma_start3A_131 = arith.constant 0 : i32
    %dma_start3A_132 = tpu.memref_slice %arg3[%dma_start3A_131] : memref<200000xi32, #tpu.memory_space<hbm>> -> memref<200000xi32, #tpu.memory_space<hbm>>
    tpu.enqueue_indirect_dma source(%dma_start3A_132 : memref<200000xi32, #tpu.memory_space<hbm>>) target(%dma_start3A_128 : memref<128xi32, #tpu.memory_space<vmem>>) offsets(%dma_start3A_130 : memref<128xi32, #tpu.memory_space<vmem>>) semaphore(%arg10 : memref<!tpu.dma_semaphore, #tpu.memory_space<semaphore_mem>>)
    %dma_start3A_133 = arith.constant 1792 : i32
    %dma_start3A_134 = tpu.memref_slice %arg7[%dma_start3A_133] : memref<5120xi32, #tpu.memory_space<vmem>> -> memref<128xi32, #tpu.memory_space<vmem>>
    %dma_start3A_135 = arith.constant 1792 : i32
    %dma_start3A_136 = tpu.memref_slice %arg6[%dma_start3A_135] : memref<5120xi32, #tpu.memory_space<vmem>> -> memref<128xi32, #tpu.memory_space<vmem>>
    %dma_start3A_137 = arith.constant 0 : i32
    %dma_start3A_138 = tpu.memref_slice %arg3[%dma_start3A_137] : memref<200000xi32, #tpu.memory_space<hbm>> -> memref<200000xi32, #tpu.memory_space<hbm>>
    tpu.enqueue_indirect_dma source(%dma_start3A_138 : memref<200000xi32, #tpu.memory_space<hbm>>) target(%dma_start3A_134 : memref<128xi32, #tpu.memory_space<vmem>>) offsets(%dma_start3A_136 : memref<128xi32, #tpu.memory_space<vmem>>) semaphore(%arg10 : memref<!tpu.dma_semaphore, #tpu.memory_space<semaphore_mem>>)
    %dma_start3A_139 = arith.constant 1920 : i32
    %dma_start3A_140 = tpu.memref_slice %arg7[%dma_start3A_139] : memref<5120xi32, #tpu.memory_space<vmem>> -> memref<128xi32, #tpu.memory_space<vmem>>
    %dma_start3A_141 = arith.constant 1920 : i32
    %dma_start3A_142 = tpu.memref_slice %arg6[%dma_start3A_141] : memref<5120xi32, #tpu.memory_space<vmem>> -> memref<128xi32, #tpu.memory_space<vmem>>
    %dma_start3A_143 = arith.constant 0 : i32
    %dma_start3A_144 = tpu.memref_slice %arg3[%dma_start3A_143] : memref<200000xi32, #tpu.memory_space<hbm>> -> memref<200000xi32, #tpu.memory_space<hbm>>
    tpu.enqueue_indirect_dma source(%dma_start3A_144 : memref<200000xi32, #tpu.memory_space<hbm>>) target(%dma_start3A_140 : memref<128xi32, #tpu.memory_space<vmem>>) offsets(%dma_start3A_142 : memref<128xi32, #tpu.memory_space<vmem>>) semaphore(%arg10 : memref<!tpu.dma_semaphore, #tpu.memory_space<semaphore_mem>>)
    %dma_wait3A_145 = arith.constant 1024 : i32
    %dma_wait3A_146 = tpu.memref_slice %arg7[%dma_wait3A_145] : memref<5120xi32, #tpu.memory_space<vmem>> -> memref<128xi32, #tpu.memory_space<vmem>>
    %dma_wait3A_147 = arith.constant 1024 : i32
    %dma_wait3A_148 = tpu.memref_slice %arg6[%dma_wait3A_147] : memref<5120xi32, #tpu.memory_space<vmem>> -> memref<128xi32, #tpu.memory_space<vmem>>
    %dma_wait3A_149 = arith.constant 0 : i32
    %dma_wait3A_150 = tpu.memref_slice %arg3[%dma_wait3A_149] : memref<200000xi32, #tpu.memory_space<hbm>> -> memref<200000xi32, #tpu.memory_space<hbm>>
    tpu.wait_indirect_dma semaphore(%arg10 : memref<!tpu.dma_semaphore, #tpu.memory_space<semaphore_mem>>) src(%dma_wait3A_150 : memref<200000xi32, #tpu.memory_space<hbm>>) dst(%dma_wait3A_146 : memref<128xi32, #tpu.memory_space<vmem>>)
    %dma_wait3A_151 = arith.constant 1152 : i32
    %dma_wait3A_152 = tpu.memref_slice %arg7[%dma_wait3A_151] : memref<5120xi32, #tpu.memory_space<vmem>> -> memref<128xi32, #tpu.memory_space<vmem>>
    %dma_wait3A_153 = arith.constant 1152 : i32
    %dma_wait3A_154 = tpu.memref_slice %arg6[%dma_wait3A_153] : memref<5120xi32, #tpu.memory_space<vmem>> -> memref<128xi32, #tpu.memory_space<vmem>>
    %dma_wait3A_155 = arith.constant 0 : i32
    %dma_wait3A_156 = tpu.memref_slice %arg3[%dma_wait3A_155] : memref<200000xi32, #tpu.memory_space<hbm>> -> memref<200000xi32, #tpu.memory_space<hbm>>
    tpu.wait_indirect_dma semaphore(%arg10 : memref<!tpu.dma_semaphore, #tpu.memory_space<semaphore_mem>>) src(%dma_wait3A_156 : memref<200000xi32, #tpu.memory_space<hbm>>) dst(%dma_wait3A_152 : memref<128xi32, #tpu.memory_space<vmem>>)
    %dma_wait3A_157 = arith.constant 1280 : i32
    %dma_wait3A_158 = tpu.memref_slice %arg7[%dma_wait3A_157] : memref<5120xi32, #tpu.memory_space<vmem>> -> memref<128xi32, #tpu.memory_space<vmem>>
    %dma_wait3A_159 = arith.constant 1280 : i32
    %dma_wait3A_160 = tpu.memref_slice %arg6[%dma_wait3A_159] : memref<5120xi32, #tpu.memory_space<vmem>> -> memref<128xi32, #tpu.memory_space<vmem>>
    %dma_wait3A_161 = arith.constant 0 : i32
    %dma_wait3A_162 = tpu.memref_slice %arg3[%dma_wait3A_161] : memref<200000xi32, #tpu.memory_space<hbm>> -> memref<200000xi32, #tpu.memory_space<hbm>>
    tpu.wait_indirect_dma semaphore(%arg10 : memref<!tpu.dma_semaphore, #tpu.memory_space<semaphore_mem>>) src(%dma_wait3A_162 : memref<200000xi32, #tpu.memory_space<hbm>>) dst(%dma_wait3A_158 : memref<128xi32, #tpu.memory_space<vmem>>)
    %dma_wait3A_163 = arith.constant 1408 : i32
    %dma_wait3A_164 = tpu.memref_slice %arg7[%dma_wait3A_163] : memref<5120xi32, #tpu.memory_space<vmem>> -> memref<128xi32, #tpu.memory_space<vmem>>
    %dma_wait3A_165 = arith.constant 1408 : i32
    %dma_wait3A_166 = tpu.memref_slice %arg6[%dma_wait3A_165] : memref<5120xi32, #tpu.memory_space<vmem>> -> memref<128xi32, #tpu.memory_space<vmem>>
    %dma_wait3A_167 = arith.constant 0 : i32
    %dma_wait3A_168 = tpu.memref_slice %arg3[%dma_wait3A_167] : memref<200000xi32, #tpu.memory_space<hbm>> -> memref<200000xi32, #tpu.memory_space<hbm>>
    tpu.wait_indirect_dma semaphore(%arg10 : memref<!tpu.dma_semaphore, #tpu.memory_space<semaphore_mem>>) src(%dma_wait3A_168 : memref<200000xi32, #tpu.memory_space<hbm>>) dst(%dma_wait3A_164 : memref<128xi32, #tpu.memory_space<vmem>>)
    %dma_wait3A_169 = arith.constant 1536 : i32
    %dma_wait3A_170 = tpu.memref_slice %arg7[%dma_wait3A_169] : memref<5120xi32, #tpu.memory_space<vmem>> -> memref<128xi32, #tpu.memory_space<vmem>>
    %dma_wait3A_171 = arith.constant 1536 : i32
    %dma_wait3A_172 = tpu.memref_slice %arg6[%dma_wait3A_171] : memref<5120xi32, #tpu.memory_space<vmem>> -> memref<128xi32, #tpu.memory_space<vmem>>
    %dma_wait3A_173 = arith.constant 0 : i32
    %dma_wait3A_174 = tpu.memref_slice %arg3[%dma_wait3A_173] : memref<200000xi32, #tpu.memory_space<hbm>> -> memref<200000xi32, #tpu.memory_space<hbm>>
    tpu.wait_indirect_dma semaphore(%arg10 : memref<!tpu.dma_semaphore, #tpu.memory_space<semaphore_mem>>) src(%dma_wait3A_174 : memref<200000xi32, #tpu.memory_space<hbm>>) dst(%dma_wait3A_170 : memref<128xi32, #tpu.memory_space<vmem>>)
    %dma_wait3A_175 = arith.constant 1664 : i32
    %dma_wait3A_176 = tpu.memref_slice %arg7[%dma_wait3A_175] : memref<5120xi32, #tpu.memory_space<vmem>> -> memref<128xi32, #tpu.memory_space<vmem>>
    %dma_wait3A_177 = arith.constant 1664 : i32
    %dma_wait3A_178 = tpu.memref_slice %arg6[%dma_wait3A_177] : memref<5120xi32, #tpu.memory_space<vmem>> -> memref<128xi32, #tpu.memory_space<vmem>>
    %dma_wait3A_179 = arith.constant 0 : i32
    %dma_wait3A_180 = tpu.memref_slice %arg3[%dma_wait3A_179] : memref<200000xi32, #tpu.memory_space<hbm>> -> memref<200000xi32, #tpu.memory_space<hbm>>
    tpu.wait_indirect_dma semaphore(%arg10 : memref<!tpu.dma_semaphore, #tpu.memory_space<semaphore_mem>>) src(%dma_wait3A_180 : memref<200000xi32, #tpu.memory_space<hbm>>) dst(%dma_wait3A_176 : memref<128xi32, #tpu.memory_space<vmem>>)
    %dma_wait3A_181 = arith.constant 1792 : i32
    %dma_wait3A_182 = tpu.memref_slice %arg7[%dma_wait3A_181] : memref<5120xi32, #tpu.memory_space<vmem>> -> memref<128xi32, #tpu.memory_space<vmem>>
    %dma_wait3A_183 = arith.constant 1792 : i32
    %dma_wait3A_184 = tpu.memref_slice %arg6[%dma_wait3A_183] : memref<5120xi32, #tpu.memory_space<vmem>> -> memref<128xi32, #tpu.memory_space<vmem>>
    %dma_wait3A_185 = arith.constant 0 : i32
    %dma_wait3A_186 = tpu.memref_slice %arg3[%dma_wait3A_185] : memref<200000xi32, #tpu.memory_space<hbm>> -> memref<200000xi32, #tpu.memory_space<hbm>>
    tpu.wait_indirect_dma semaphore(%arg10 : memref<!tpu.dma_semaphore, #tpu.memory_space<semaphore_mem>>) src(%dma_wait3A_186 : memref<200000xi32, #tpu.memory_space<hbm>>) dst(%dma_wait3A_182 : memref<128xi32, #tpu.memory_space<vmem>>)
    %dma_wait3A_187 = arith.constant 1920 : i32
    %dma_wait3A_188 = tpu.memref_slice %arg7[%dma_wait3A_187] : memref<5120xi32, #tpu.memory_space<vmem>> -> memref<128xi32, #tpu.memory_space<vmem>>
    %dma_wait3A_189 = arith.constant 1920 : i32
    %dma_wait3A_190 = tpu.memref_slice %arg6[%dma_wait3A_189] : memref<5120xi32, #tpu.memory_space<vmem>> -> memref<128xi32, #tpu.memory_space<vmem>>
    %dma_wait3A_191 = arith.constant 0 : i32
    %dma_wait3A_192 = tpu.memref_slice %arg3[%dma_wait3A_191] : memref<200000xi32, #tpu.memory_space<hbm>> -> memref<200000xi32, #tpu.memory_space<hbm>>
    tpu.wait_indirect_dma semaphore(%arg10 : memref<!tpu.dma_semaphore, #tpu.memory_space<semaphore_mem>>) src(%dma_wait3A_192 : memref<200000xi32, #tpu.memory_space<hbm>>) dst(%dma_wait3A_188 : memref<128xi32, #tpu.memory_space<vmem>>)
    %dma_start3A_193 = arith.constant 2048 : i32
    %dma_start3A_194 = tpu.memref_slice %arg7[%dma_start3A_193] : memref<5120xi32, #tpu.memory_space<vmem>> -> memref<128xi32, #tpu.memory_space<vmem>>
    %dma_start3A_195 = arith.constant 2048 : i32
    %dma_start3A_196 = tpu.memref_slice %arg6[%dma_start3A_195] : memref<5120xi32, #tpu.memory_space<vmem>> -> memref<128xi32, #tpu.memory_space<vmem>>
    %dma_start3A_197 = arith.constant 0 : i32
    %dma_start3A_198 = tpu.memref_slice %arg3[%dma_start3A_197] : memref<200000xi32, #tpu.memory_space<hbm>> -> memref<200000xi32, #tpu.memory_space<hbm>>
    tpu.enqueue_indirect_dma source(%dma_start3A_198 : memref<200000xi32, #tpu.memory_space<hbm>>) target(%dma_start3A_194 : memref<128xi32, #tpu.memory_space<vmem>>) offsets(%dma_start3A_196 : memref<128xi32, #tpu.memory_space<vmem>>) semaphore(%arg10 : memref<!tpu.dma_semaphore, #tpu.memory_space<semaphore_mem>>)
    %dma_start3A_199 = arith.constant 2176 : i32
    %dma_start3A_200 = tpu.memref_slice %arg7[%dma_start3A_199] : memref<5120xi32, #tpu.memory_space<vmem>> -> memref<128xi32, #tpu.memory_space<vmem>>
    %dma_start3A_201 = arith.constant 2176 : i32
    %dma_start3A_202 = tpu.memref_slice %arg6[%dma_start3A_201] : memref<5120xi32, #tpu.memory_space<vmem>> -> memref<128xi32, #tpu.memory_space<vmem>>
    %dma_start3A_203 = arith.constant 0 : i32
    %dma_start3A_204 = tpu.memref_slice %arg3[%dma_start3A_203] : memref<200000xi32, #tpu.memory_space<hbm>> -> memref<200000xi32, #tpu.memory_space<hbm>>
    tpu.enqueue_indirect_dma source(%dma_start3A_204 : memref<200000xi32, #tpu.memory_space<hbm>>) target(%dma_start3A_200 : memref<128xi32, #tpu.memory_space<vmem>>) offsets(%dma_start3A_202 : memref<128xi32, #tpu.memory_space<vmem>>) semaphore(%arg10 : memref<!tpu.dma_semaphore, #tpu.memory_space<semaphore_mem>>)
    %dma_start3A_205 = arith.constant 2304 : i32
    %dma_start3A_206 = tpu.memref_slice %arg7[%dma_start3A_205] : memref<5120xi32, #tpu.memory_space<vmem>> -> memref<128xi32, #tpu.memory_space<vmem>>
    %dma_start3A_207 = arith.constant 2304 : i32
    %dma_start3A_208 = tpu.memref_slice %arg6[%dma_start3A_207] : memref<5120xi32, #tpu.memory_space<vmem>> -> memref<128xi32, #tpu.memory_space<vmem>>
    %dma_start3A_209 = arith.constant 0 : i32
    %dma_start3A_210 = tpu.memref_slice %arg3[%dma_start3A_209] : memref<200000xi32, #tpu.memory_space<hbm>> -> memref<200000xi32, #tpu.memory_space<hbm>>
    tpu.enqueue_indirect_dma source(%dma_start3A_210 : memref<200000xi32, #tpu.memory_space<hbm>>) target(%dma_start3A_206 : memref<128xi32, #tpu.memory_space<vmem>>) offsets(%dma_start3A_208 : memref<128xi32, #tpu.memory_space<vmem>>) semaphore(%arg10 : memref<!tpu.dma_semaphore, #tpu.memory_space<semaphore_mem>>)
    %dma_start3A_211 = arith.constant 2432 : i32
    %dma_start3A_212 = tpu.memref_slice %arg7[%dma_start3A_211] : memref<5120xi32, #tpu.memory_space<vmem>> -> memref<128xi32, #tpu.memory_space<vmem>>
    %dma_start3A_213 = arith.constant 2432 : i32
    %dma_start3A_214 = tpu.memref_slice %arg6[%dma_start3A_213] : memref<5120xi32, #tpu.memory_space<vmem>> -> memref<128xi32, #tpu.memory_space<vmem>>
    %dma_start3A_215 = arith.constant 0 : i32
    %dma_start3A_216 = tpu.memref_slice %arg3[%dma_start3A_215] : memref<200000xi32, #tpu.memory_space<hbm>> -> memref<200000xi32, #tpu.memory_space<hbm>>
    tpu.enqueue_indirect_dma source(%dma_start3A_216 : memref<200000xi32, #tpu.memory_space<hbm>>) target(%dma_start3A_212 : memref<128xi32, #tpu.memory_space<vmem>>) offsets(%dma_start3A_214 : memref<128xi32, #tpu.memory_space<vmem>>) semaphore(%arg10 : memref<!tpu.dma_semaphore, #tpu.memory_space<semaphore_mem>>)
    %dma_start3A_217 = arith.constant 2560 : i32
    %dma_start3A_218 = tpu.memref_slice %arg7[%dma_start3A_217] : memref<5120xi32, #tpu.memory_space<vmem>> -> memref<128xi32, #tpu.memory_space<vmem>>
    %dma_start3A_219 = arith.constant 2560 : i32
    %dma_start3A_220 = tpu.memref_slice %arg6[%dma_start3A_219] : memref<5120xi32, #tpu.memory_space<vmem>> -> memref<128xi32, #tpu.memory_space<vmem>>
    %dma_start3A_221 = arith.constant 0 : i32
    %dma_start3A_222 = tpu.memref_slice %arg3[%dma_start3A_221] : memref<200000xi32, #tpu.memory_space<hbm>> -> memref<200000xi32, #tpu.memory_space<hbm>>
    tpu.enqueue_indirect_dma source(%dma_start3A_222 : memref<200000xi32, #tpu.memory_space<hbm>>) target(%dma_start3A_218 : memref<128xi32, #tpu.memory_space<vmem>>) offsets(%dma_start3A_220 : memref<128xi32, #tpu.memory_space<vmem>>) semaphore(%arg10 : memref<!tpu.dma_semaphore, #tpu.memory_space<semaphore_mem>>)
    %dma_start3A_223 = arith.constant 2688 : i32
    %dma_start3A_224 = tpu.memref_slice %arg7[%dma_start3A_223] : memref<5120xi32, #tpu.memory_space<vmem>> -> memref<128xi32, #tpu.memory_space<vmem>>
    %dma_start3A_225 = arith.constant 2688 : i32
    %dma_start3A_226 = tpu.memref_slice %arg6[%dma_start3A_225] : memref<5120xi32, #tpu.memory_space<vmem>> -> memref<128xi32, #tpu.memory_space<vmem>>
    %dma_start3A_227 = arith.constant 0 : i32
    %dma_start3A_228 = tpu.memref_slice %arg3[%dma_start3A_227] : memref<200000xi32, #tpu.memory_space<hbm>> -> memref<200000xi32, #tpu.memory_space<hbm>>
    tpu.enqueue_indirect_dma source(%dma_start3A_228 : memref<200000xi32, #tpu.memory_space<hbm>>) target(%dma_start3A_224 : memref<128xi32, #tpu.memory_space<vmem>>) offsets(%dma_start3A_226 : memref<128xi32, #tpu.memory_space<vmem>>) semaphore(%arg10 : memref<!tpu.dma_semaphore, #tpu.memory_space<semaphore_mem>>)
    %dma_start3A_229 = arith.constant 2816 : i32
    %dma_start3A_230 = tpu.memref_slice %arg7[%dma_start3A_229] : memref<5120xi32, #tpu.memory_space<vmem>> -> memref<128xi32, #tpu.memory_space<vmem>>
    %dma_start3A_231 = arith.constant 2816 : i32
    %dma_start3A_232 = tpu.memref_slice %arg6[%dma_start3A_231] : memref<5120xi32, #tpu.memory_space<vmem>> -> memref<128xi32, #tpu.memory_space<vmem>>
    %dma_start3A_233 = arith.constant 0 : i32
    %dma_start3A_234 = tpu.memref_slice %arg3[%dma_start3A_233] : memref<200000xi32, #tpu.memory_space<hbm>> -> memref<200000xi32, #tpu.memory_space<hbm>>
    tpu.enqueue_indirect_dma source(%dma_start3A_234 : memref<200000xi32, #tpu.memory_space<hbm>>) target(%dma_start3A_230 : memref<128xi32, #tpu.memory_space<vmem>>) offsets(%dma_start3A_232 : memref<128xi32, #tpu.memory_space<vmem>>) semaphore(%arg10 : memref<!tpu.dma_semaphore, #tpu.memory_space<semaphore_mem>>)
    %dma_start3A_235 = arith.constant 2944 : i32
    %dma_start3A_236 = tpu.memref_slice %arg7[%dma_start3A_235] : memref<5120xi32, #tpu.memory_space<vmem>> -> memref<128xi32, #tpu.memory_space<vmem>>
    %dma_start3A_237 = arith.constant 2944 : i32
    %dma_start3A_238 = tpu.memref_slice %arg6[%dma_start3A_237] : memref<5120xi32, #tpu.memory_space<vmem>> -> memref<128xi32, #tpu.memory_space<vmem>>
    %dma_start3A_239 = arith.constant 0 : i32
    %dma_start3A_240 = tpu.memref_slice %arg3[%dma_start3A_239] : memref<200000xi32, #tpu.memory_space<hbm>> -> memref<200000xi32, #tpu.memory_space<hbm>>
    tpu.enqueue_indirect_dma source(%dma_start3A_240 : memref<200000xi32, #tpu.memory_space<hbm>>) target(%dma_start3A_236 : memref<128xi32, #tpu.memory_space<vmem>>) offsets(%dma_start3A_238 : memref<128xi32, #tpu.memory_space<vmem>>) semaphore(%arg10 : memref<!tpu.dma_semaphore, #tpu.memory_space<semaphore_mem>>)
    %dma_wait3A_241 = arith.constant 2048 : i32
    %dma_wait3A_242 = tpu.memref_slice %arg7[%dma_wait3A_241] : memref<5120xi32, #tpu.memory_space<vmem>> -> memref<128xi32, #tpu.memory_space<vmem>>
    %dma_wait3A_243 = arith.constant 2048 : i32
    %dma_wait3A_244 = tpu.memref_slice %arg6[%dma_wait3A_243] : memref<5120xi32, #tpu.memory_space<vmem>> -> memref<128xi32, #tpu.memory_space<vmem>>
    %dma_wait3A_245 = arith.constant 0 : i32
    %dma_wait3A_246 = tpu.memref_slice %arg3[%dma_wait3A_245] : memref<200000xi32, #tpu.memory_space<hbm>> -> memref<200000xi32, #tpu.memory_space<hbm>>
    tpu.wait_indirect_dma semaphore(%arg10 : memref<!tpu.dma_semaphore, #tpu.memory_space<semaphore_mem>>) src(%dma_wait3A_246 : memref<200000xi32, #tpu.memory_space<hbm>>) dst(%dma_wait3A_242 : memref<128xi32, #tpu.memory_space<vmem>>)
    %dma_wait3A_247 = arith.constant 2176 : i32
    %dma_wait3A_248 = tpu.memref_slice %arg7[%dma_wait3A_247] : memref<5120xi32, #tpu.memory_space<vmem>> -> memref<128xi32, #tpu.memory_space<vmem>>
    %dma_wait3A_249 = arith.constant 2176 : i32
    %dma_wait3A_250 = tpu.memref_slice %arg6[%dma_wait3A_249] : memref<5120xi32, #tpu.memory_space<vmem>> -> memref<128xi32, #tpu.memory_space<vmem>>
    %dma_wait3A_251 = arith.constant 0 : i32
    %dma_wait3A_252 = tpu.memref_slice %arg3[%dma_wait3A_251] : memref<200000xi32, #tpu.memory_space<hbm>> -> memref<200000xi32, #tpu.memory_space<hbm>>
    tpu.wait_indirect_dma semaphore(%arg10 : memref<!tpu.dma_semaphore, #tpu.memory_space<semaphore_mem>>) src(%dma_wait3A_252 : memref<200000xi32, #tpu.memory_space<hbm>>) dst(%dma_wait3A_248 : memref<128xi32, #tpu.memory_space<vmem>>)
    %dma_wait3A_253 = arith.constant 2304 : i32
    %dma_wait3A_254 = tpu.memref_slice %arg7[%dma_wait3A_253] : memref<5120xi32, #tpu.memory_space<vmem>> -> memref<128xi32, #tpu.memory_space<vmem>>
    %dma_wait3A_255 = arith.constant 2304 : i32
    %dma_wait3A_256 = tpu.memref_slice %arg6[%dma_wait3A_255] : memref<5120xi32, #tpu.memory_space<vmem>> -> memref<128xi32, #tpu.memory_space<vmem>>
    %dma_wait3A_257 = arith.constant 0 : i32
    %dma_wait3A_258 = tpu.memref_slice %arg3[%dma_wait3A_257] : memref<200000xi32, #tpu.memory_space<hbm>> -> memref<200000xi32, #tpu.memory_space<hbm>>
    tpu.wait_indirect_dma semaphore(%arg10 : memref<!tpu.dma_semaphore, #tpu.memory_space<semaphore_mem>>) src(%dma_wait3A_258 : memref<200000xi32, #tpu.memory_space<hbm>>) dst(%dma_wait3A_254 : memref<128xi32, #tpu.memory_space<vmem>>)
    %dma_wait3A_259 = arith.constant 2432 : i32
    %dma_wait3A_260 = tpu.memref_slice %arg7[%dma_wait3A_259] : memref<5120xi32, #tpu.memory_space<vmem>> -> memref<128xi32, #tpu.memory_space<vmem>>
    %dma_wait3A_261 = arith.constant 2432 : i32
    %dma_wait3A_262 = tpu.memref_slice %arg6[%dma_wait3A_261] : memref<5120xi32, #tpu.memory_space<vmem>> -> memref<128xi32, #tpu.memory_space<vmem>>
    %dma_wait3A_263 = arith.constant 0 : i32
    %dma_wait3A_264 = tpu.memref_slice %arg3[%dma_wait3A_263] : memref<200000xi32, #tpu.memory_space<hbm>> -> memref<200000xi32, #tpu.memory_space<hbm>>
    tpu.wait_indirect_dma semaphore(%arg10 : memref<!tpu.dma_semaphore, #tpu.memory_space<semaphore_mem>>) src(%dma_wait3A_264 : memref<200000xi32, #tpu.memory_space<hbm>>) dst(%dma_wait3A_260 : memref<128xi32, #tpu.memory_space<vmem>>)
    %dma_wait3A_265 = arith.constant 2560 : i32
    %dma_wait3A_266 = tpu.memref_slice %arg7[%dma_wait3A_265] : memref<5120xi32, #tpu.memory_space<vmem>> -> memref<128xi32, #tpu.memory_space<vmem>>
    %dma_wait3A_267 = arith.constant 2560 : i32
    %dma_wait3A_268 = tpu.memref_slice %arg6[%dma_wait3A_267] : memref<5120xi32, #tpu.memory_space<vmem>> -> memref<128xi32, #tpu.memory_space<vmem>>
    %dma_wait3A_269 = arith.constant 0 : i32
    %dma_wait3A_270 = tpu.memref_slice %arg3[%dma_wait3A_269] : memref<200000xi32, #tpu.memory_space<hbm>> -> memref<200000xi32, #tpu.memory_space<hbm>>
    tpu.wait_indirect_dma semaphore(%arg10 : memref<!tpu.dma_semaphore, #tpu.memory_space<semaphore_mem>>) src(%dma_wait3A_270 : memref<200000xi32, #tpu.memory_space<hbm>>) dst(%dma_wait3A_266 : memref<128xi32, #tpu.memory_space<vmem>>)
    %dma_wait3A_271 = arith.constant 2688 : i32
    %dma_wait3A_272 = tpu.memref_slice %arg7[%dma_wait3A_271] : memref<5120xi32, #tpu.memory_space<vmem>> -> memref<128xi32, #tpu.memory_space<vmem>>
    %dma_wait3A_273 = arith.constant 2688 : i32
    %dma_wait3A_274 = tpu.memref_slice %arg6[%dma_wait3A_273] : memref<5120xi32, #tpu.memory_space<vmem>> -> memref<128xi32, #tpu.memory_space<vmem>>
    %dma_wait3A_275 = arith.constant 0 : i32
    %dma_wait3A_276 = tpu.memref_slice %arg3[%dma_wait3A_275] : memref<200000xi32, #tpu.memory_space<hbm>> -> memref<200000xi32, #tpu.memory_space<hbm>>
    tpu.wait_indirect_dma semaphore(%arg10 : memref<!tpu.dma_semaphore, #tpu.memory_space<semaphore_mem>>) src(%dma_wait3A_276 : memref<200000xi32, #tpu.memory_space<hbm>>) dst(%dma_wait3A_272 : memref<128xi32, #tpu.memory_space<vmem>>)
    %dma_wait3A_277 = arith.constant 2816 : i32
    %dma_wait3A_278 = tpu.memref_slice %arg7[%dma_wait3A_277] : memref<5120xi32, #tpu.memory_space<vmem>> -> memref<128xi32, #tpu.memory_space<vmem>>
    %dma_wait3A_279 = arith.constant 2816 : i32
    %dma_wait3A_280 = tpu.memref_slice %arg6[%dma_wait3A_279] : memref<5120xi32, #tpu.memory_space<vmem>> -> memref<128xi32, #tpu.memory_space<vmem>>
    %dma_wait3A_281 = arith.constant 0 : i32
    %dma_wait3A_282 = tpu.memref_slice %arg3[%dma_wait3A_281] : memref<200000xi32, #tpu.memory_space<hbm>> -> memref<200000xi32, #tpu.memory_space<hbm>>
    tpu.wait_indirect_dma semaphore(%arg10 : memref<!tpu.dma_semaphore, #tpu.memory_space<semaphore_mem>>) src(%dma_wait3A_282 : memref<200000xi32, #tpu.memory_space<hbm>>) dst(%dma_wait3A_278 : memref<128xi32, #tpu.memory_space<vmem>>)
    %dma_wait3A_283 = arith.constant 2944 : i32
    %dma_wait3A_284 = tpu.memref_slice %arg7[%dma_wait3A_283] : memref<5120xi32, #tpu.memory_space<vmem>> -> memref<128xi32, #tpu.memory_space<vmem>>
    %dma_wait3A_285 = arith.constant 2944 : i32
    %dma_wait3A_286 = tpu.memref_slice %arg6[%dma_wait3A_285] : memref<5120xi32, #tpu.memory_space<vmem>> -> memref<128xi32, #tpu.memory_space<vmem>>
    %dma_wait3A_287 = arith.constant 0 : i32
    %dma_wait3A_288 = tpu.memref_slice %arg3[%dma_wait3A_287] : memref<200000xi32, #tpu.memory_space<hbm>> -> memref<200000xi32, #tpu.memory_space<hbm>>
    tpu.wait_indirect_dma semaphore(%arg10 : memref<!tpu.dma_semaphore, #tpu.memory_space<semaphore_mem>>) src(%dma_wait3A_288 : memref<200000xi32, #tpu.memory_space<hbm>>) dst(%dma_wait3A_284 : memref<128xi32, #tpu.memory_space<vmem>>)
    %dma_start3A_289 = arith.constant 3072 : i32
    %dma_start3A_290 = tpu.memref_slice %arg7[%dma_start3A_289] : memref<5120xi32, #tpu.memory_space<vmem>> -> memref<128xi32, #tpu.memory_space<vmem>>
    %dma_start3A_291 = arith.constant 3072 : i32
    %dma_start3A_292 = tpu.memref_slice %arg6[%dma_start3A_291] : memref<5120xi32, #tpu.memory_space<vmem>> -> memref<128xi32, #tpu.memory_space<vmem>>
    %dma_start3A_293 = arith.constant 0 : i32
    %dma_start3A_294 = tpu.memref_slice %arg3[%dma_start3A_293] : memref<200000xi32, #tpu.memory_space<hbm>> -> memref<200000xi32, #tpu.memory_space<hbm>>
    tpu.enqueue_indirect_dma source(%dma_start3A_294 : memref<200000xi32, #tpu.memory_space<hbm>>) target(%dma_start3A_290 : memref<128xi32, #tpu.memory_space<vmem>>) offsets(%dma_start3A_292 : memref<128xi32, #tpu.memory_space<vmem>>) semaphore(%arg10 : memref<!tpu.dma_semaphore, #tpu.memory_space<semaphore_mem>>)
    %dma_start3A_295 = arith.constant 3200 : i32
    %dma_start3A_296 = tpu.memref_slice %arg7[%dma_start3A_295] : memref<5120xi32, #tpu.memory_space<vmem>> -> memref<128xi32, #tpu.memory_space<vmem>>
    %dma_start3A_297 = arith.constant 3200 : i32
    %dma_start3A_298 = tpu.memref_slice %arg6[%dma_start3A_297] : memref<5120xi32, #tpu.memory_space<vmem>> -> memref<128xi32, #tpu.memory_space<vmem>>
    %dma_start3A_299 = arith.constant 0 : i32
    %dma_start3A_300 = tpu.memref_slice %arg3[%dma_start3A_299] : memref<200000xi32, #tpu.memory_space<hbm>> -> memref<200000xi32, #tpu.memory_space<hbm>>
    tpu.enqueue_indirect_dma source(%dma_start3A_300 : memref<200000xi32, #tpu.memory_space<hbm>>) target(%dma_start3A_296 : memref<128xi32, #tpu.memory_space<vmem>>) offsets(%dma_start3A_298 : memref<128xi32, #tpu.memory_space<vmem>>) semaphore(%arg10 : memref<!tpu.dma_semaphore, #tpu.memory_space<semaphore_mem>>)
    %dma_start3A_301 = arith.constant 3328 : i32
    %dma_start3A_302 = tpu.memref_slice %arg7[%dma_start3A_301] : memref<5120xi32, #tpu.memory_space<vmem>> -> memref<128xi32, #tpu.memory_space<vmem>>
    %dma_start3A_303 = arith.constant 3328 : i32
    %dma_start3A_304 = tpu.memref_slice %arg6[%dma_start3A_303] : memref<5120xi32, #tpu.memory_space<vmem>> -> memref<128xi32, #tpu.memory_space<vmem>>
    %dma_start3A_305 = arith.constant 0 : i32
    %dma_start3A_306 = tpu.memref_slice %arg3[%dma_start3A_305] : memref<200000xi32, #tpu.memory_space<hbm>> -> memref<200000xi32, #tpu.memory_space<hbm>>
    tpu.enqueue_indirect_dma source(%dma_start3A_306 : memref<200000xi32, #tpu.memory_space<hbm>>) target(%dma_start3A_302 : memref<128xi32, #tpu.memory_space<vmem>>) offsets(%dma_start3A_304 : memref<128xi32, #tpu.memory_space<vmem>>) semaphore(%arg10 : memref<!tpu.dma_semaphore, #tpu.memory_space<semaphore_mem>>)
    %dma_start3A_307 = arith.constant 3456 : i32
    %dma_start3A_308 = tpu.memref_slice %arg7[%dma_start3A_307] : memref<5120xi32, #tpu.memory_space<vmem>> -> memref<128xi32, #tpu.memory_space<vmem>>
    %dma_start3A_309 = arith.constant 3456 : i32
    %dma_start3A_310 = tpu.memref_slice %arg6[%dma_start3A_309] : memref<5120xi32, #tpu.memory_space<vmem>> -> memref<128xi32, #tpu.memory_space<vmem>>
    %dma_start3A_311 = arith.constant 0 : i32
    %dma_start3A_312 = tpu.memref_slice %arg3[%dma_start3A_311] : memref<200000xi32, #tpu.memory_space<hbm>> -> memref<200000xi32, #tpu.memory_space<hbm>>
    tpu.enqueue_indirect_dma source(%dma_start3A_312 : memref<200000xi32, #tpu.memory_space<hbm>>) target(%dma_start3A_308 : memref<128xi32, #tpu.memory_space<vmem>>) offsets(%dma_start3A_310 : memref<128xi32, #tpu.memory_space<vmem>>) semaphore(%arg10 : memref<!tpu.dma_semaphore, #tpu.memory_space<semaphore_mem>>)
    %dma_start3A_313 = arith.constant 3584 : i32
    %dma_start3A_314 = tpu.memref_slice %arg7[%dma_start3A_313] : memref<5120xi32, #tpu.memory_space<vmem>> -> memref<128xi32, #tpu.memory_space<vmem>>
    %dma_start3A_315 = arith.constant 3584 : i32
    %dma_start3A_316 = tpu.memref_slice %arg6[%dma_start3A_315] : memref<5120xi32, #tpu.memory_space<vmem>> -> memref<128xi32, #tpu.memory_space<vmem>>
    %dma_start3A_317 = arith.constant 0 : i32
    %dma_start3A_318 = tpu.memref_slice %arg3[%dma_start3A_317] : memref<200000xi32, #tpu.memory_space<hbm>> -> memref<200000xi32, #tpu.memory_space<hbm>>
    tpu.enqueue_indirect_dma source(%dma_start3A_318 : memref<200000xi32, #tpu.memory_space<hbm>>) target(%dma_start3A_314 : memref<128xi32, #tpu.memory_space<vmem>>) offsets(%dma_start3A_316 : memref<128xi32, #tpu.memory_space<vmem>>) semaphore(%arg10 : memref<!tpu.dma_semaphore, #tpu.memory_space<semaphore_mem>>)
    %dma_start3A_319 = arith.constant 3712 : i32
    %dma_start3A_320 = tpu.memref_slice %arg7[%dma_start3A_319] : memref<5120xi32, #tpu.memory_space<vmem>> -> memref<128xi32, #tpu.memory_space<vmem>>
    %dma_start3A_321 = arith.constant 3712 : i32
    %dma_start3A_322 = tpu.memref_slice %arg6[%dma_start3A_321] : memref<5120xi32, #tpu.memory_space<vmem>> -> memref<128xi32, #tpu.memory_space<vmem>>
    %dma_start3A_323 = arith.constant 0 : i32
    %dma_start3A_324 = tpu.memref_slice %arg3[%dma_start3A_323] : memref<200000xi32, #tpu.memory_space<hbm>> -> memref<200000xi32, #tpu.memory_space<hbm>>
    tpu.enqueue_indirect_dma source(%dma_start3A_324 : memref<200000xi32, #tpu.memory_space<hbm>>) target(%dma_start3A_320 : memref<128xi32, #tpu.memory_space<vmem>>) offsets(%dma_start3A_322 : memref<128xi32, #tpu.memory_space<vmem>>) semaphore(%arg10 : memref<!tpu.dma_semaphore, #tpu.memory_space<semaphore_mem>>)
    %dma_start3A_325 = arith.constant 3840 : i32
    %dma_start3A_326 = tpu.memref_slice %arg7[%dma_start3A_325] : memref<5120xi32, #tpu.memory_space<vmem>> -> memref<128xi32, #tpu.memory_space<vmem>>
    %dma_start3A_327 = arith.constant 3840 : i32
    %dma_start3A_328 = tpu.memref_slice %arg6[%dma_start3A_327] : memref<5120xi32, #tpu.memory_space<vmem>> -> memref<128xi32, #tpu.memory_space<vmem>>
    %dma_start3A_329 = arith.constant 0 : i32
    %dma_start3A_330 = tpu.memref_slice %arg3[%dma_start3A_329] : memref<200000xi32, #tpu.memory_space<hbm>> -> memref<200000xi32, #tpu.memory_space<hbm>>
    tpu.enqueue_indirect_dma source(%dma_start3A_330 : memref<200000xi32, #tpu.memory_space<hbm>>) target(%dma_start3A_326 : memref<128xi32, #tpu.memory_space<vmem>>) offsets(%dma_start3A_328 : memref<128xi32, #tpu.memory_space<vmem>>) semaphore(%arg10 : memref<!tpu.dma_semaphore, #tpu.memory_space<semaphore_mem>>)
    %dma_start3A_331 = arith.constant 3968 : i32
    %dma_start3A_332 = tpu.memref_slice %arg7[%dma_start3A_331] : memref<5120xi32, #tpu.memory_space<vmem>> -> memref<128xi32, #tpu.memory_space<vmem>>
    %dma_start3A_333 = arith.constant 3968 : i32
    %dma_start3A_334 = tpu.memref_slice %arg6[%dma_start3A_333] : memref<5120xi32, #tpu.memory_space<vmem>> -> memref<128xi32, #tpu.memory_space<vmem>>
    %dma_start3A_335 = arith.constant 0 : i32
    %dma_start3A_336 = tpu.memref_slice %arg3[%dma_start3A_335] : memref<200000xi32, #tpu.memory_space<hbm>> -> memref<200000xi32, #tpu.memory_space<hbm>>
    tpu.enqueue_indirect_dma source(%dma_start3A_336 : memref<200000xi32, #tpu.memory_space<hbm>>) target(%dma_start3A_332 : memref<128xi32, #tpu.memory_space<vmem>>) offsets(%dma_start3A_334 : memref<128xi32, #tpu.memory_space<vmem>>) semaphore(%arg10 : memref<!tpu.dma_semaphore, #tpu.memory_space<semaphore_mem>>)
    %dma_wait3A_337 = arith.constant 3072 : i32
    %dma_wait3A_338 = tpu.memref_slice %arg7[%dma_wait3A_337] : memref<5120xi32, #tpu.memory_space<vmem>> -> memref<128xi32, #tpu.memory_space<vmem>>
    %dma_wait3A_339 = arith.constant 3072 : i32
    %dma_wait3A_340 = tpu.memref_slice %arg6[%dma_wait3A_339] : memref<5120xi32, #tpu.memory_space<vmem>> -> memref<128xi32, #tpu.memory_space<vmem>>
    %dma_wait3A_341 = arith.constant 0 : i32
    %dma_wait3A_342 = tpu.memref_slice %arg3[%dma_wait3A_341] : memref<200000xi32, #tpu.memory_space<hbm>> -> memref<200000xi32, #tpu.memory_space<hbm>>
    tpu.wait_indirect_dma semaphore(%arg10 : memref<!tpu.dma_semaphore, #tpu.memory_space<semaphore_mem>>) src(%dma_wait3A_342 : memref<200000xi32, #tpu.memory_space<hbm>>) dst(%dma_wait3A_338 : memref<128xi32, #tpu.memory_space<vmem>>)
    %dma_wait3A_343 = arith.constant 3200 : i32
    %dma_wait3A_344 = tpu.memref_slice %arg7[%dma_wait3A_343] : memref<5120xi32, #tpu.memory_space<vmem>> -> memref<128xi32, #tpu.memory_space<vmem>>
    %dma_wait3A_345 = arith.constant 3200 : i32
    %dma_wait3A_346 = tpu.memref_slice %arg6[%dma_wait3A_345] : memref<5120xi32, #tpu.memory_space<vmem>> -> memref<128xi32, #tpu.memory_space<vmem>>
    %dma_wait3A_347 = arith.constant 0 : i32
    %dma_wait3A_348 = tpu.memref_slice %arg3[%dma_wait3A_347] : memref<200000xi32, #tpu.memory_space<hbm>> -> memref<200000xi32, #tpu.memory_space<hbm>>
    tpu.wait_indirect_dma semaphore(%arg10 : memref<!tpu.dma_semaphore, #tpu.memory_space<semaphore_mem>>) src(%dma_wait3A_348 : memref<200000xi32, #tpu.memory_space<hbm>>) dst(%dma_wait3A_344 : memref<128xi32, #tpu.memory_space<vmem>>)
    %dma_wait3A_349 = arith.constant 3328 : i32
    %dma_wait3A_350 = tpu.memref_slice %arg7[%dma_wait3A_349] : memref<5120xi32, #tpu.memory_space<vmem>> -> memref<128xi32, #tpu.memory_space<vmem>>
    %dma_wait3A_351 = arith.constant 3328 : i32
    %dma_wait3A_352 = tpu.memref_slice %arg6[%dma_wait3A_351] : memref<5120xi32, #tpu.memory_space<vmem>> -> memref<128xi32, #tpu.memory_space<vmem>>
    %dma_wait3A_353 = arith.constant 0 : i32
    %dma_wait3A_354 = tpu.memref_slice %arg3[%dma_wait3A_353] : memref<200000xi32, #tpu.memory_space<hbm>> -> memref<200000xi32, #tpu.memory_space<hbm>>
    tpu.wait_indirect_dma semaphore(%arg10 : memref<!tpu.dma_semaphore, #tpu.memory_space<semaphore_mem>>) src(%dma_wait3A_354 : memref<200000xi32, #tpu.memory_space<hbm>>) dst(%dma_wait3A_350 : memref<128xi32, #tpu.memory_space<vmem>>)
    %dma_wait3A_355 = arith.constant 3456 : i32
    %dma_wait3A_356 = tpu.memref_slice %arg7[%dma_wait3A_355] : memref<5120xi32, #tpu.memory_space<vmem>> -> memref<128xi32, #tpu.memory_space<vmem>>
    %dma_wait3A_357 = arith.constant 3456 : i32
    %dma_wait3A_358 = tpu.memref_slice %arg6[%dma_wait3A_357] : memref<5120xi32, #tpu.memory_space<vmem>> -> memref<128xi32, #tpu.memory_space<vmem>>
    %dma_wait3A_359 = arith.constant 0 : i32
    %dma_wait3A_360 = tpu.memref_slice %arg3[%dma_wait3A_359] : memref<200000xi32, #tpu.memory_space<hbm>> -> memref<200000xi32, #tpu.memory_space<hbm>>
    tpu.wait_indirect_dma semaphore(%arg10 : memref<!tpu.dma_semaphore, #tpu.memory_space<semaphore_mem>>) src(%dma_wait3A_360 : memref<200000xi32, #tpu.memory_space<hbm>>) dst(%dma_wait3A_356 : memref<128xi32, #tpu.memory_space<vmem>>)
    %dma_wait3A_361 = arith.constant 3584 : i32
    %dma_wait3A_362 = tpu.memref_slice %arg7[%dma_wait3A_361] : memref<5120xi32, #tpu.memory_space<vmem>> -> memref<128xi32, #tpu.memory_space<vmem>>
    %dma_wait3A_363 = arith.constant 3584 : i32
    %dma_wait3A_364 = tpu.memref_slice %arg6[%dma_wait3A_363] : memref<5120xi32, #tpu.memory_space<vmem>> -> memref<128xi32, #tpu.memory_space<vmem>>
    %dma_wait3A_365 = arith.constant 0 : i32
    %dma_wait3A_366 = tpu.memref_slice %arg3[%dma_wait3A_365] : memref<200000xi32, #tpu.memory_space<hbm>> -> memref<200000xi32, #tpu.memory_space<hbm>>
    tpu.wait_indirect_dma semaphore(%arg10 : memref<!tpu.dma_semaphore, #tpu.memory_space<semaphore_mem>>) src(%dma_wait3A_366 : memref<200000xi32, #tpu.memory_space<hbm>>) dst(%dma_wait3A_362 : memref<128xi32, #tpu.memory_space<vmem>>)
    %dma_wait3A_367 = arith.constant 3712 : i32
    %dma_wait3A_368 = tpu.memref_slice %arg7[%dma_wait3A_367] : memref<5120xi32, #tpu.memory_space<vmem>> -> memref<128xi32, #tpu.memory_space<vmem>>
    %dma_wait3A_369 = arith.constant 3712 : i32
    %dma_wait3A_370 = tpu.memref_slice %arg6[%dma_wait3A_369] : memref<5120xi32, #tpu.memory_space<vmem>> -> memref<128xi32, #tpu.memory_space<vmem>>
    %dma_wait3A_371 = arith.constant 0 : i32
    %dma_wait3A_372 = tpu.memref_slice %arg3[%dma_wait3A_371] : memref<200000xi32, #tpu.memory_space<hbm>> -> memref<200000xi32, #tpu.memory_space<hbm>>
    tpu.wait_indirect_dma semaphore(%arg10 : memref<!tpu.dma_semaphore, #tpu.memory_space<semaphore_mem>>) src(%dma_wait3A_372 : memref<200000xi32, #tpu.memory_space<hbm>>) dst(%dma_wait3A_368 : memref<128xi32, #tpu.memory_space<vmem>>)
    %dma_wait3A_373 = arith.constant 3840 : i32
    %dma_wait3A_374 = tpu.memref_slice %arg7[%dma_wait3A_373] : memref<5120xi32, #tpu.memory_space<vmem>> -> memref<128xi32, #tpu.memory_space<vmem>>
    %dma_wait3A_375 = arith.constant 3840 : i32
    %dma_wait3A_376 = tpu.memref_slice %arg6[%dma_wait3A_375] : memref<5120xi32, #tpu.memory_space<vmem>> -> memref<128xi32, #tpu.memory_space<vmem>>
    %dma_wait3A_377 = arith.constant 0 : i32
    %dma_wait3A_378 = tpu.memref_slice %arg3[%dma_wait3A_377] : memref<200000xi32, #tpu.memory_space<hbm>> -> memref<200000xi32, #tpu.memory_space<hbm>>
    tpu.wait_indirect_dma semaphore(%arg10 : memref<!tpu.dma_semaphore, #tpu.memory_space<semaphore_mem>>) src(%dma_wait3A_378 : memref<200000xi32, #tpu.memory_space<hbm>>) dst(%dma_wait3A_374 : memref<128xi32, #tpu.memory_space<vmem>>)
    %dma_wait3A_379 = arith.constant 3968 : i32
    %dma_wait3A_380 = tpu.memref_slice %arg7[%dma_wait3A_379] : memref<5120xi32, #tpu.memory_space<vmem>> -> memref<128xi32, #tpu.memory_space<vmem>>
    %dma_wait3A_381 = arith.constant 3968 : i32
    %dma_wait3A_382 = tpu.memref_slice %arg6[%dma_wait3A_381] : memref<5120xi32, #tpu.memory_space<vmem>> -> memref<128xi32, #tpu.memory_space<vmem>>
    %dma_wait3A_383 = arith.constant 0 : i32
    %dma_wait3A_384 = tpu.memref_slice %arg3[%dma_wait3A_383] : memref<200000xi32, #tpu.memory_space<hbm>> -> memref<200000xi32, #tpu.memory_space<hbm>>
    tpu.wait_indirect_dma semaphore(%arg10 : memref<!tpu.dma_semaphore, #tpu.memory_space<semaphore_mem>>) src(%dma_wait3A_384 : memref<200000xi32, #tpu.memory_space<hbm>>) dst(%dma_wait3A_380 : memref<128xi32, #tpu.memory_space<vmem>>)
    %dma_start3A_385 = arith.constant 4096 : i32
    %dma_start3A_386 = tpu.memref_slice %arg7[%dma_start3A_385] : memref<5120xi32, #tpu.memory_space<vmem>> -> memref<128xi32, #tpu.memory_space<vmem>>
    %dma_start3A_387 = arith.constant 4096 : i32
    %dma_start3A_388 = tpu.memref_slice %arg6[%dma_start3A_387] : memref<5120xi32, #tpu.memory_space<vmem>> -> memref<128xi32, #tpu.memory_space<vmem>>
    %dma_start3A_389 = arith.constant 0 : i32
    %dma_start3A_390 = tpu.memref_slice %arg3[%dma_start3A_389] : memref<200000xi32, #tpu.memory_space<hbm>> -> memref<200000xi32, #tpu.memory_space<hbm>>
    tpu.enqueue_indirect_dma source(%dma_start3A_390 : memref<200000xi32, #tpu.memory_space<hbm>>) target(%dma_start3A_386 : memref<128xi32, #tpu.memory_space<vmem>>) offsets(%dma_start3A_388 : memref<128xi32, #tpu.memory_space<vmem>>) semaphore(%arg10 : memref<!tpu.dma_semaphore, #tpu.memory_space<semaphore_mem>>)
    %dma_start3A_391 = arith.constant 4224 : i32
    %dma_start3A_392 = tpu.memref_slice %arg7[%dma_start3A_391] : memref<5120xi32, #tpu.memory_space<vmem>> -> memref<128xi32, #tpu.memory_space<vmem>>
    %dma_start3A_393 = arith.constant 4224 : i32
    %dma_start3A_394 = tpu.memref_slice %arg6[%dma_start3A_393] : memref<5120xi32, #tpu.memory_space<vmem>> -> memref<128xi32, #tpu.memory_space<vmem>>
    %dma_start3A_395 = arith.constant 0 : i32
    %dma_start3A_396 = tpu.memref_slice %arg3[%dma_start3A_395] : memref<200000xi32, #tpu.memory_space<hbm>> -> memref<200000xi32, #tpu.memory_space<hbm>>
    tpu.enqueue_indirect_dma source(%dma_start3A_396 : memref<200000xi32, #tpu.memory_space<hbm>>) target(%dma_start3A_392 : memref<128xi32, #tpu.memory_space<vmem>>) offsets(%dma_start3A_394 : memref<128xi32, #tpu.memory_space<vmem>>) semaphore(%arg10 : memref<!tpu.dma_semaphore, #tpu.memory_space<semaphore_mem>>)
    %dma_start3A_397 = arith.constant 4352 : i32
    %dma_start3A_398 = tpu.memref_slice %arg7[%dma_start3A_397] : memref<5120xi32, #tpu.memory_space<vmem>> -> memref<128xi32, #tpu.memory_space<vmem>>
    %dma_start3A_399 = arith.constant 4352 : i32
    %dma_start3A_400 = tpu.memref_slice %arg6[%dma_start3A_399] : memref<5120xi32, #tpu.memory_space<vmem>> -> memref<128xi32, #tpu.memory_space<vmem>>
    %dma_start3A_401 = arith.constant 0 : i32
    %dma_start3A_402 = tpu.memref_slice %arg3[%dma_start3A_401] : memref<200000xi32, #tpu.memory_space<hbm>> -> memref<200000xi32, #tpu.memory_space<hbm>>
    tpu.enqueue_indirect_dma source(%dma_start3A_402 : memref<200000xi32, #tpu.memory_space<hbm>>) target(%dma_start3A_398 : memref<128xi32, #tpu.memory_space<vmem>>) offsets(%dma_start3A_400 : memref<128xi32, #tpu.memory_space<vmem>>) semaphore(%arg10 : memref<!tpu.dma_semaphore, #tpu.memory_space<semaphore_mem>>)
    %dma_start3A_403 = arith.constant 4480 : i32
    %dma_start3A_404 = tpu.memref_slice %arg7[%dma_start3A_403] : memref<5120xi32, #tpu.memory_space<vmem>> -> memref<128xi32, #tpu.memory_space<vmem>>
    %dma_start3A_405 = arith.constant 4480 : i32
    %dma_start3A_406 = tpu.memref_slice %arg6[%dma_start3A_405] : memref<5120xi32, #tpu.memory_space<vmem>> -> memref<128xi32, #tpu.memory_space<vmem>>
    %dma_start3A_407 = arith.constant 0 : i32
    %dma_start3A_408 = tpu.memref_slice %arg3[%dma_start3A_407] : memref<200000xi32, #tpu.memory_space<hbm>> -> memref<200000xi32, #tpu.memory_space<hbm>>
    tpu.enqueue_indirect_dma source(%dma_start3A_408 : memref<200000xi32, #tpu.memory_space<hbm>>) target(%dma_start3A_404 : memref<128xi32, #tpu.memory_space<vmem>>) offsets(%dma_start3A_406 : memref<128xi32, #tpu.memory_space<vmem>>) semaphore(%arg10 : memref<!tpu.dma_semaphore, #tpu.memory_space<semaphore_mem>>)
    %dma_start3A_409 = arith.constant 4608 : i32
    %dma_start3A_410 = tpu.memref_slice %arg7[%dma_start3A_409] : memref<5120xi32, #tpu.memory_space<vmem>> -> memref<128xi32, #tpu.memory_space<vmem>>
    %dma_start3A_411 = arith.constant 4608 : i32
    %dma_start3A_412 = tpu.memref_slice %arg6[%dma_start3A_411] : memref<5120xi32, #tpu.memory_space<vmem>> -> memref<128xi32, #tpu.memory_space<vmem>>
    %dma_start3A_413 = arith.constant 0 : i32
    %dma_start3A_414 = tpu.memref_slice %arg3[%dma_start3A_413] : memref<200000xi32, #tpu.memory_space<hbm>> -> memref<200000xi32, #tpu.memory_space<hbm>>
    tpu.enqueue_indirect_dma source(%dma_start3A_414 : memref<200000xi32, #tpu.memory_space<hbm>>) target(%dma_start3A_410 : memref<128xi32, #tpu.memory_space<vmem>>) offsets(%dma_start3A_412 : memref<128xi32, #tpu.memory_space<vmem>>) semaphore(%arg10 : memref<!tpu.dma_semaphore, #tpu.memory_space<semaphore_mem>>)
    %dma_start3A_415 = arith.constant 4736 : i32
    %dma_start3A_416 = tpu.memref_slice %arg7[%dma_start3A_415] : memref<5120xi32, #tpu.memory_space<vmem>> -> memref<128xi32, #tpu.memory_space<vmem>>
    %dma_start3A_417 = arith.constant 4736 : i32
    %dma_start3A_418 = tpu.memref_slice %arg6[%dma_start3A_417] : memref<5120xi32, #tpu.memory_space<vmem>> -> memref<128xi32, #tpu.memory_space<vmem>>
    %dma_start3A_419 = arith.constant 0 : i32
    %dma_start3A_420 = tpu.memref_slice %arg3[%dma_start3A_419] : memref<200000xi32, #tpu.memory_space<hbm>> -> memref<200000xi32, #tpu.memory_space<hbm>>
    tpu.enqueue_indirect_dma source(%dma_start3A_420 : memref<200000xi32, #tpu.memory_space<hbm>>) target(%dma_start3A_416 : memref<128xi32, #tpu.memory_space<vmem>>) offsets(%dma_start3A_418 : memref<128xi32, #tpu.memory_space<vmem>>) semaphore(%arg10 : memref<!tpu.dma_semaphore, #tpu.memory_space<semaphore_mem>>)
    %dma_start3A_421 = arith.constant 4864 : i32
    %dma_start3A_422 = tpu.memref_slice %arg7[%dma_start3A_421] : memref<5120xi32, #tpu.memory_space<vmem>> -> memref<128xi32, #tpu.memory_space<vmem>>
    %dma_start3A_423 = arith.constant 4864 : i32
    %dma_start3A_424 = tpu.memref_slice %arg6[%dma_start3A_423] : memref<5120xi32, #tpu.memory_space<vmem>> -> memref<128xi32, #tpu.memory_space<vmem>>
    %dma_start3A_425 = arith.constant 0 : i32
    %dma_start3A_426 = tpu.memref_slice %arg3[%dma_start3A_425] : memref<200000xi32, #tpu.memory_space<hbm>> -> memref<200000xi32, #tpu.memory_space<hbm>>
    tpu.enqueue_indirect_dma source(%dma_start3A_426 : memref<200000xi32, #tpu.memory_space<hbm>>) target(%dma_start3A_422 : memref<128xi32, #tpu.memory_space<vmem>>) offsets(%dma_start3A_424 : memref<128xi32, #tpu.memory_space<vmem>>) semaphore(%arg10 : memref<!tpu.dma_semaphore, #tpu.memory_space<semaphore_mem>>)
    %dma_start3A_427 = arith.constant 4992 : i32
    %dma_start3A_428 = tpu.memref_slice %arg7[%dma_start3A_427] : memref<5120xi32, #tpu.memory_space<vmem>> -> memref<128xi32, #tpu.memory_space<vmem>>
    %dma_start3A_429 = arith.constant 4992 : i32
    %dma_start3A_430 = tpu.memref_slice %arg6[%dma_start3A_429] : memref<5120xi32, #tpu.memory_space<vmem>> -> memref<128xi32, #tpu.memory_space<vmem>>
    %dma_start3A_431 = arith.constant 0 : i32
    %dma_start3A_432 = tpu.memref_slice %arg3[%dma_start3A_431] : memref<200000xi32, #tpu.memory_space<hbm>> -> memref<200000xi32, #tpu.memory_space<hbm>>
    tpu.enqueue_indirect_dma source(%dma_start3A_432 : memref<200000xi32, #tpu.memory_space<hbm>>) target(%dma_start3A_428 : memref<128xi32, #tpu.memory_space<vmem>>) offsets(%dma_start3A_430 : memref<128xi32, #tpu.memory_space<vmem>>) semaphore(%arg10 : memref<!tpu.dma_semaphore, #tpu.memory_space<semaphore_mem>>)
    %dma_wait3A_433 = arith.constant 4096 : i32
    %dma_wait3A_434 = tpu.memref_slice %arg7[%dma_wait3A_433] : memref<5120xi32, #tpu.memory_space<vmem>> -> memref<128xi32, #tpu.memory_space<vmem>>
    %dma_wait3A_435 = arith.constant 4096 : i32
    %dma_wait3A_436 = tpu.memref_slice %arg6[%dma_wait3A_435] : memref<5120xi32, #tpu.memory_space<vmem>> -> memref<128xi32, #tpu.memory_space<vmem>>
    %dma_wait3A_437 = arith.constant 0 : i32
    %dma_wait3A_438 = tpu.memref_slice %arg3[%dma_wait3A_437] : memref<200000xi32, #tpu.memory_space<hbm>> -> memref<200000xi32, #tpu.memory_space<hbm>>
    tpu.wait_indirect_dma semaphore(%arg10 : memref<!tpu.dma_semaphore, #tpu.memory_space<semaphore_mem>>) src(%dma_wait3A_438 : memref<200000xi32, #tpu.memory_space<hbm>>) dst(%dma_wait3A_434 : memref<128xi32, #tpu.memory_space<vmem>>)
    %dma_wait3A_439 = arith.constant 4224 : i32
    %dma_wait3A_440 = tpu.memref_slice %arg7[%dma_wait3A_439] : memref<5120xi32, #tpu.memory_space<vmem>> -> memref<128xi32, #tpu.memory_space<vmem>>
    %dma_wait3A_441 = arith.constant 4224 : i32
    %dma_wait3A_442 = tpu.memref_slice %arg6[%dma_wait3A_441] : memref<5120xi32, #tpu.memory_space<vmem>> -> memref<128xi32, #tpu.memory_space<vmem>>
    %dma_wait3A_443 = arith.constant 0 : i32
    %dma_wait3A_444 = tpu.memref_slice %arg3[%dma_wait3A_443] : memref<200000xi32, #tpu.memory_space<hbm>> -> memref<200000xi32, #tpu.memory_space<hbm>>
    tpu.wait_indirect_dma semaphore(%arg10 : memref<!tpu.dma_semaphore, #tpu.memory_space<semaphore_mem>>) src(%dma_wait3A_444 : memref<200000xi32, #tpu.memory_space<hbm>>) dst(%dma_wait3A_440 : memref<128xi32, #tpu.memory_space<vmem>>)
    %dma_wait3A_445 = arith.constant 4352 : i32
    %dma_wait3A_446 = tpu.memref_slice %arg7[%dma_wait3A_445] : memref<5120xi32, #tpu.memory_space<vmem>> -> memref<128xi32, #tpu.memory_space<vmem>>
    %dma_wait3A_447 = arith.constant 4352 : i32
    %dma_wait3A_448 = tpu.memref_slice %arg6[%dma_wait3A_447] : memref<5120xi32, #tpu.memory_space<vmem>> -> memref<128xi32, #tpu.memory_space<vmem>>
    %dma_wait3A_449 = arith.constant 0 : i32
    %dma_wait3A_450 = tpu.memref_slice %arg3[%dma_wait3A_449] : memref<200000xi32, #tpu.memory_space<hbm>> -> memref<200000xi32, #tpu.memory_space<hbm>>
    tpu.wait_indirect_dma semaphore(%arg10 : memref<!tpu.dma_semaphore, #tpu.memory_space<semaphore_mem>>) src(%dma_wait3A_450 : memref<200000xi32, #tpu.memory_space<hbm>>) dst(%dma_wait3A_446 : memref<128xi32, #tpu.memory_space<vmem>>)
    %dma_wait3A_451 = arith.constant 4480 : i32
    %dma_wait3A_452 = tpu.memref_slice %arg7[%dma_wait3A_451] : memref<5120xi32, #tpu.memory_space<vmem>> -> memref<128xi32, #tpu.memory_space<vmem>>
    %dma_wait3A_453 = arith.constant 4480 : i32
    %dma_wait3A_454 = tpu.memref_slice %arg6[%dma_wait3A_453] : memref<5120xi32, #tpu.memory_space<vmem>> -> memref<128xi32, #tpu.memory_space<vmem>>
    %dma_wait3A_455 = arith.constant 0 : i32
    %dma_wait3A_456 = tpu.memref_slice %arg3[%dma_wait3A_455] : memref<200000xi32, #tpu.memory_space<hbm>> -> memref<200000xi32, #tpu.memory_space<hbm>>
    tpu.wait_indirect_dma semaphore(%arg10 : memref<!tpu.dma_semaphore, #tpu.memory_space<semaphore_mem>>) src(%dma_wait3A_456 : memref<200000xi32, #tpu.memory_space<hbm>>) dst(%dma_wait3A_452 : memref<128xi32, #tpu.memory_space<vmem>>)
    %dma_wait3A_457 = arith.constant 4608 : i32
    %dma_wait3A_458 = tpu.memref_slice %arg7[%dma_wait3A_457] : memref<5120xi32, #tpu.memory_space<vmem>> -> memref<128xi32, #tpu.memory_space<vmem>>
    %dma_wait3A_459 = arith.constant 4608 : i32
    %dma_wait3A_460 = tpu.memref_slice %arg6[%dma_wait3A_459] : memref<5120xi32, #tpu.memory_space<vmem>> -> memref<128xi32, #tpu.memory_space<vmem>>
    %dma_wait3A_461 = arith.constant 0 : i32
    %dma_wait3A_462 = tpu.memref_slice %arg3[%dma_wait3A_461] : memref<200000xi32, #tpu.memory_space<hbm>> -> memref<200000xi32, #tpu.memory_space<hbm>>
    tpu.wait_indirect_dma semaphore(%arg10 : memref<!tpu.dma_semaphore, #tpu.memory_space<semaphore_mem>>) src(%dma_wait3A_462 : memref<200000xi32, #tpu.memory_space<hbm>>) dst(%dma_wait3A_458 : memref<128xi32, #tpu.memory_space<vmem>>)
    %dma_wait3A_463 = arith.constant 4736 : i32
    %dma_wait3A_464 = tpu.memref_slice %arg7[%dma_wait3A_463] : memref<5120xi32, #tpu.memory_space<vmem>> -> memref<128xi32, #tpu.memory_space<vmem>>
    %dma_wait3A_465 = arith.constant 4736 : i32
    %dma_wait3A_466 = tpu.memref_slice %arg6[%dma_wait3A_465] : memref<5120xi32, #tpu.memory_space<vmem>> -> memref<128xi32, #tpu.memory_space<vmem>>
    %dma_wait3A_467 = arith.constant 0 : i32
    %dma_wait3A_468 = tpu.memref_slice %arg3[%dma_wait3A_467] : memref<200000xi32, #tpu.memory_space<hbm>> -> memref<200000xi32, #tpu.memory_space<hbm>>
    tpu.wait_indirect_dma semaphore(%arg10 : memref<!tpu.dma_semaphore, #tpu.memory_space<semaphore_mem>>) src(%dma_wait3A_468 : memref<200000xi32, #tpu.memory_space<hbm>>) dst(%dma_wait3A_464 : memref<128xi32, #tpu.memory_space<vmem>>)
    %dma_wait3A_469 = arith.constant 4864 : i32
    %dma_wait3A_470 = tpu.memref_slice %arg7[%dma_wait3A_469] : memref<5120xi32, #tpu.memory_space<vmem>> -> memref<128xi32, #tpu.memory_space<vmem>>
    %dma_wait3A_471 = arith.constant 4864 : i32
    %dma_wait3A_472 = tpu.memref_slice %arg6[%dma_wait3A_471] : memref<5120xi32, #tpu.memory_space<vmem>> -> memref<128xi32, #tpu.memory_space<vmem>>
    %dma_wait3A_473 = arith.constant 0 : i32
    %dma_wait3A_474 = tpu.memref_slice %arg3[%dma_wait3A_473] : memref<200000xi32, #tpu.memory_space<hbm>> -> memref<200000xi32, #tpu.memory_space<hbm>>
    tpu.wait_indirect_dma semaphore(%arg10 : memref<!tpu.dma_semaphore, #tpu.memory_space<semaphore_mem>>) src(%dma_wait3A_474 : memref<200000xi32, #tpu.memory_space<hbm>>) dst(%dma_wait3A_470 : memref<128xi32, #tpu.memory_space<vmem>>)
    %dma_wait3A_475 = arith.constant 4992 : i32
    %dma_wait3A_476 = tpu.memref_slice %arg7[%dma_wait3A_475] : memref<5120xi32, #tpu.memory_space<vmem>> -> memref<128xi32, #tpu.memory_space<vmem>>
    %dma_wait3A_477 = arith.constant 4992 : i32
    %dma_wait3A_478 = tpu.memref_slice %arg6[%dma_wait3A_477] : memref<5120xi32, #tpu.memory_space<vmem>> -> memref<128xi32, #tpu.memory_space<vmem>>
    %dma_wait3A_479 = arith.constant 0 : i32
    %dma_wait3A_480 = tpu.memref_slice %arg3[%dma_wait3A_479] : memref<200000xi32, #tpu.memory_space<hbm>> -> memref<200000xi32, #tpu.memory_space<hbm>>
    tpu.wait_indirect_dma semaphore(%arg10 : memref<!tpu.dma_semaphore, #tpu.memory_space<semaphore_mem>>) src(%dma_wait3A_480 : memref<200000xi32, #tpu.memory_space<hbm>>) dst(%dma_wait3A_476 : memref<128xi32, #tpu.memory_space<vmem>>)
    %scan3A = arith.constant 0 : i32
    %scan3A_481 = arith.constant 0 : i32
    %scan3A_482 = arith.constant 10 : i32
    %scan3A_483 = arith.addi %scan3A_481, %scan3A_482 : i32
    %scan3A_484 = arith.constant 1 : i32
    scf.for %scan3A_486 = %scan3A_481 to %scan3A_483 step %scan3A_484  : i32 {
      %mul3A_487 = arith.constant 2 : i32
      %mul3A_488 = arith.muli %mul3A_487, %scan3A_486 : i32
      %add3A_489 = arith.constant 0 : i32
      %add3A_490 = arith.addi %mul3A_488, %add3A_489 : i32
      %mul3A_491 = arith.constant 256 : i32
      %mul3A_492 = arith.muli %add3A_490, %mul3A_491 : i32
      %dma_start3A_493 = arith.constant 0 : i32
      %dma_start3A_494 = arith.constant 0 : i32
      %dma_start3A_495 = tpu.memref_slice %arg8[%dma_start3A_493, %dma_start3A_494] : memref<256x128xf32, #tpu.memory_space<vmem>> -> memref<128x128xf32, #tpu.memory_space<vmem>>
      %dma_start3A_496 = tpu.memref_slice %arg7[%mul3A_492] : memref<5120xi32, #tpu.memory_space<vmem>> -> memref<128xi32, #tpu.memory_space<vmem>>
      %dma_start3A_497 = arith.constant 0 : i32
      %dma_start3A_498 = arith.constant 0 : i32
      %dma_start3A_499 = tpu.memref_slice %arg2[%dma_start3A_497, %dma_start3A_498] : memref<200000x128xf32, #tpu.memory_space<hbm>> -> memref<200000x128xf32, #tpu.memory_space<hbm>>
      tpu.enqueue_indirect_dma source(%dma_start3A_499 : memref<200000x128xf32, #tpu.memory_space<hbm>>) target(%dma_start3A_495 : memref<128x128xf32, #tpu.memory_space<vmem>>) offsets(%dma_start3A_496 : memref<128xi32, #tpu.memory_space<vmem>>) semaphore(%arg11 : memref<!tpu.dma_semaphore, #tpu.memory_space<semaphore_mem>>)
      %add3A_500 = arith.constant 128 : i32
      %add3A_501 = arith.addi %mul3A_492, %add3A_500 : i32
      %dma_start3A_502 = arith.constant 128 : i32
      %dma_start3A_503 = arith.constant 0 : i32
      %dma_start3A_504 = tpu.memref_slice %arg8[%dma_start3A_502, %dma_start3A_503] : memref<256x128xf32, #tpu.memory_space<vmem>> -> memref<128x128xf32, #tpu.memory_space<vmem>>
      %dma_start3A_505 = tpu.memref_slice %arg7[%add3A_501] : memref<5120xi32, #tpu.memory_space<vmem>> -> memref<128xi32, #tpu.memory_space<vmem>>
      %dma_start3A_506 = arith.constant 0 : i32
      %dma_start3A_507 = arith.constant 0 : i32
      %dma_start3A_508 = tpu.memref_slice %arg2[%dma_start3A_506, %dma_start3A_507] : memref<200000x128xf32, #tpu.memory_space<hbm>> -> memref<200000x128xf32, #tpu.memory_space<hbm>>
      tpu.enqueue_indirect_dma source(%dma_start3A_508 : memref<200000x128xf32, #tpu.memory_space<hbm>>) target(%dma_start3A_504 : memref<128x128xf32, #tpu.memory_space<vmem>>) offsets(%dma_start3A_505 : memref<128xi32, #tpu.memory_space<vmem>>) semaphore(%arg11 : memref<!tpu.dma_semaphore, #tpu.memory_space<semaphore_mem>>)
      %mul3A_509 = arith.constant 2 : i32
      %mul3A_510 = arith.muli %mul3A_509, %scan3A_486 : i32
      %add3A_511 = arith.constant 1 : i32
      %add3A_512 = arith.addi %mul3A_510, %add3A_511 : i32
      %mul3A_513 = arith.constant 256 : i32
      %mul3A_514 = arith.muli %add3A_512, %mul3A_513 : i32
      %dma_start3A_515 = arith.constant 0 : i32
      %dma_start3A_516 = arith.constant 0 : i32
      %dma_start3A_517 = tpu.memref_slice %arg9[%dma_start3A_515, %dma_start3A_516] : memref<256x128xf32, #tpu.memory_space<vmem>> -> memref<128x128xf32, #tpu.memory_space<vmem>>
      %dma_start3A_518 = tpu.memref_slice %arg7[%mul3A_514] : memref<5120xi32, #tpu.memory_space<vmem>> -> memref<128xi32, #tpu.memory_space<vmem>>
      %dma_start3A_519 = arith.constant 0 : i32
      %dma_start3A_520 = arith.constant 0 : i32
      %dma_start3A_521 = tpu.memref_slice %arg2[%dma_start3A_519, %dma_start3A_520] : memref<200000x128xf32, #tpu.memory_space<hbm>> -> memref<200000x128xf32, #tpu.memory_space<hbm>>
      tpu.enqueue_indirect_dma source(%dma_start3A_521 : memref<200000x128xf32, #tpu.memory_space<hbm>>) target(%dma_start3A_517 : memref<128x128xf32, #tpu.memory_space<vmem>>) offsets(%dma_start3A_518 : memref<128xi32, #tpu.memory_space<vmem>>) semaphore(%arg11 : memref<!tpu.dma_semaphore, #tpu.memory_space<semaphore_mem>>)
      %add3A_522 = arith.constant 128 : i32
      %add3A_523 = arith.addi %mul3A_514, %add3A_522 : i32
      %dma_start3A_524 = arith.constant 128 : i32
      %dma_start3A_525 = arith.constant 0 : i32
      %dma_start3A_526 = tpu.memref_slice %arg9[%dma_start3A_524, %dma_start3A_525] : memref<256x128xf32, #tpu.memory_space<vmem>> -> memref<128x128xf32, #tpu.memory_space<vmem>>
      %dma_start3A_527 = tpu.memref_slice %arg7[%add3A_523] : memref<5120xi32, #tpu.memory_space<vmem>> -> memref<128xi32, #tpu.memory_space<vmem>>
      %dma_start3A_528 = arith.constant 0 : i32
      %dma_start3A_529 = arith.constant 0 : i32
      %dma_start3A_530 = tpu.memref_slice %arg2[%dma_start3A_528, %dma_start3A_529] : memref<200000x128xf32, #tpu.memory_space<hbm>> -> memref<200000x128xf32, #tpu.memory_space<hbm>>
      tpu.enqueue_indirect_dma source(%dma_start3A_530 : memref<200000x128xf32, #tpu.memory_space<hbm>>) target(%dma_start3A_526 : memref<128x128xf32, #tpu.memory_space<vmem>>) offsets(%dma_start3A_527 : memref<128xi32, #tpu.memory_space<vmem>>) semaphore(%arg11 : memref<!tpu.dma_semaphore, #tpu.memory_space<semaphore_mem>>)
      %mul3A_531 = arith.constant 2 : i32
      %mul3A_532 = arith.muli %mul3A_531, %scan3A_486 : i32
      %add3A_533 = arith.constant 0 : i32
      %add3A_534 = arith.addi %mul3A_532, %add3A_533 : i32
      %mul3A_535 = arith.constant 256 : i32
      %mul3A_536 = arith.muli %add3A_534, %mul3A_535 : i32
      %dma_wait3A_537 = arith.constant 0 : i32
      %dma_wait3A_538 = arith.constant 0 : i32
      %dma_wait3A_539 = tpu.memref_slice %arg8[%dma_wait3A_537, %dma_wait3A_538] : memref<256x128xf32, #tpu.memory_space<vmem>> -> memref<128x128xf32, #tpu.memory_space<vmem>>
      %dma_wait3A_540 = tpu.memref_slice %arg7[%mul3A_492] : memref<5120xi32, #tpu.memory_space<vmem>> -> memref<128xi32, #tpu.memory_space<vmem>>
      %dma_wait3A_541 = arith.constant 0 : i32
      %dma_wait3A_542 = arith.constant 0 : i32
      %dma_wait3A_543 = tpu.memref_slice %arg2[%dma_wait3A_541, %dma_wait3A_542] : memref<200000x128xf32, #tpu.memory_space<hbm>> -> memref<200000x128xf32, #tpu.memory_space<hbm>>
      tpu.wait_indirect_dma semaphore(%arg11 : memref<!tpu.dma_semaphore, #tpu.memory_space<semaphore_mem>>) src(%dma_wait3A_543 : memref<200000x128xf32, #tpu.memory_space<hbm>>) dst(%dma_wait3A_539 : memref<128x128xf32, #tpu.memory_space<vmem>>)
      %dma_wait3A_544 = arith.constant 128 : i32
      %dma_wait3A_545 = arith.constant 0 : i32
      %dma_wait3A_546 = tpu.memref_slice %arg8[%dma_wait3A_544, %dma_wait3A_545] : memref<256x128xf32, #tpu.memory_space<vmem>> -> memref<128x128xf32, #tpu.memory_space<vmem>>
      %dma_wait3A_547 = tpu.memref_slice %arg7[%add3A_501] : memref<5120xi32, #tpu.memory_space<vmem>> -> memref<128xi32, #tpu.memory_space<vmem>>
      %dma_wait3A_548 = arith.constant 0 : i32
      %dma_wait3A_549 = arith.constant 0 : i32
      %dma_wait3A_550 = tpu.memref_slice %arg2[%dma_wait3A_548, %dma_wait3A_549] : memref<200000x128xf32, #tpu.memory_space<hbm>> -> memref<200000x128xf32, #tpu.memory_space<hbm>>
      tpu.wait_indirect_dma semaphore(%arg11 : memref<!tpu.dma_semaphore, #tpu.memory_space<semaphore_mem>>) src(%dma_wait3A_550 : memref<200000x128xf32, #tpu.memory_space<hbm>>) dst(%dma_wait3A_546 : memref<128x128xf32, #tpu.memory_space<vmem>>)
      %add3A_551 = arith.addi %mul3A_2, %mul3A_536 : i32
      %dma_start3A_552 = arith.constant 0 : i32
      %dma_start3A_553 = tpu.memref_slice %arg5[%add3A_551, %dma_start3A_552] : memref<163840x128xf32, #tpu.memory_space<hbm>> -> memref<256x128xf32, #tpu.memory_space<hbm>>
      %dma_start3A_554 = arith.constant 0 : i32
      %dma_start3A_555 = tpu.memref_slice %arg5[%add3A_551, %dma_start3A_554] : memref<163840x128xf32, #tpu.memory_space<hbm>> -> memref<256x128xf32, #tpu.memory_space<hbm>>
      tpu.enqueue_dma source(%arg8 : memref<256x128xf32, #tpu.memory_space<vmem>>) target(%dma_start3A_555 : memref<256x128xf32, #tpu.memory_space<hbm>>) target_semaphore(%arg12 : memref<!tpu.dma_semaphore, #tpu.memory_space<semaphore_mem>>)
      %mul3A_556 = arith.constant 2 : i32
      %mul3A_557 = arith.muli %mul3A_556, %scan3A_486 : i32
      %add3A_558 = arith.constant 1 : i32
      %add3A_559 = arith.addi %mul3A_557, %add3A_558 : i32
      %mul3A_560 = arith.constant 256 : i32
      %mul3A_561 = arith.muli %add3A_559, %mul3A_560 : i32
      %dma_wait3A_562 = arith.constant 0 : i32
      %dma_wait3A_563 = arith.constant 0 : i32
      %dma_wait3A_564 = tpu.memref_slice %arg9[%dma_wait3A_562, %dma_wait3A_563] : memref<256x128xf32, #tpu.memory_space<vmem>> -> memref<128x128xf32, #tpu.memory_space<vmem>>
      %dma_wait3A_565 = tpu.memref_slice %arg7[%mul3A_514] : memref<5120xi32, #tpu.memory_space<vmem>> -> memref<128xi32, #tpu.memory_space<vmem>>
      %dma_wait3A_566 = arith.constant 0 : i32
      %dma_wait3A_567 = arith.constant 0 : i32
      %dma_wait3A_568 = tpu.memref_slice %arg2[%dma_wait3A_566, %dma_wait3A_567] : memref<200000x128xf32, #tpu.memory_space<hbm>> -> memref<200000x128xf32, #tpu.memory_space<hbm>>
      tpu.wait_indirect_dma semaphore(%arg11 : memref<!tpu.dma_semaphore, #tpu.memory_space<semaphore_mem>>) src(%dma_wait3A_568 : memref<200000x128xf32, #tpu.memory_space<hbm>>) dst(%dma_wait3A_564 : memref<128x128xf32, #tpu.memory_space<vmem>>)
      %dma_wait3A_569 = arith.constant 128 : i32
      %dma_wait3A_570 = arith.constant 0 : i32
      %dma_wait3A_571 = tpu.memref_slice %arg9[%dma_wait3A_569, %dma_wait3A_570] : memref<256x128xf32, #tpu.memory_space<vmem>> -> memref<128x128xf32, #tpu.memory_space<vmem>>
      %dma_wait3A_572 = tpu.memref_slice %arg7[%add3A_523] : memref<5120xi32, #tpu.memory_space<vmem>> -> memref<128xi32, #tpu.memory_space<vmem>>
      %dma_wait3A_573 = arith.constant 0 : i32
      %dma_wait3A_574 = arith.constant 0 : i32
      %dma_wait3A_575 = tpu.memref_slice %arg2[%dma_wait3A_573, %dma_wait3A_574] : memref<200000x128xf32, #tpu.memory_space<hbm>> -> memref<200000x128xf32, #tpu.memory_space<hbm>>
      tpu.wait_indirect_dma semaphore(%arg11 : memref<!tpu.dma_semaphore, #tpu.memory_space<semaphore_mem>>) src(%dma_wait3A_575 : memref<200000x128xf32, #tpu.memory_space<hbm>>) dst(%dma_wait3A_571 : memref<128x128xf32, #tpu.memory_space<vmem>>)
      %add3A_576 = arith.addi %mul3A_2, %mul3A_561 : i32
      %dma_start3A_577 = arith.constant 0 : i32
      %dma_start3A_578 = tpu.memref_slice %arg5[%add3A_576, %dma_start3A_577] : memref<163840x128xf32, #tpu.memory_space<hbm>> -> memref<256x128xf32, #tpu.memory_space<hbm>>
      %dma_start3A_579 = arith.constant 0 : i32
      %dma_start3A_580 = tpu.memref_slice %arg5[%add3A_576, %dma_start3A_579] : memref<163840x128xf32, #tpu.memory_space<hbm>> -> memref<256x128xf32, #tpu.memory_space<hbm>>
      tpu.enqueue_dma source(%arg9 : memref<256x128xf32, #tpu.memory_space<vmem>>) target(%dma_start3A_580 : memref<256x128xf32, #tpu.memory_space<hbm>>) target_semaphore(%arg12 : memref<!tpu.dma_semaphore, #tpu.memory_space<semaphore_mem>>)
      %dma_wait3A_581 = arith.constant 0 : i32
      %dma_wait3A_582 = tpu.memref_slice %arg5[%add3A_551, %dma_wait3A_581] : memref<163840x128xf32, #tpu.memory_space<hbm>> -> memref<256x128xf32, #tpu.memory_space<hbm>>
      %dma_wait3A_583 = arith.constant 0 : i32
      %dma_wait3A_584 = tpu.memref_slice %arg5[%add3A_551, %dma_wait3A_583] : memref<163840x128xf32, #tpu.memory_space<hbm>> -> memref<256x128xf32, #tpu.memory_space<hbm>>
      tpu.wait_dma2 semaphore(%arg12 : memref<!tpu.dma_semaphore, #tpu.memory_space<semaphore_mem>>) src(%arg8 : memref<256x128xf32, #tpu.memory_space<vmem>>) dst(%dma_wait3A_584 : memref<256x128xf32, #tpu.memory_space<hbm>>)
      %dma_wait3A_585 = arith.constant 0 : i32
      %dma_wait3A_586 = tpu.memref_slice %arg5[%add3A_576, %dma_wait3A_585] : memref<163840x128xf32, #tpu.memory_space<hbm>> -> memref<256x128xf32, #tpu.memory_space<hbm>>
      %dma_wait3A_587 = arith.constant 0 : i32
      %dma_wait3A_588 = tpu.memref_slice %arg5[%add3A_576, %dma_wait3A_587] : memref<163840x128xf32, #tpu.memory_space<hbm>> -> memref<256x128xf32, #tpu.memory_space<hbm>>
      tpu.wait_dma2 semaphore(%arg12 : memref<!tpu.dma_semaphore, #tpu.memory_space<semaphore_mem>>) src(%arg9 : memref<256x128xf32, #tpu.memory_space<vmem>>) dst(%dma_wait3A_588 : memref<256x128xf32, #tpu.memory_space<hbm>>)
    }
    %scan3A_485 = arith.constant 10 : i32
    return
  }
}

#map = affine_map<(d0, d1) -> (0, 0)>
#map1 = affine_map<(d0, d1) -> (0)>
module attributes {stable_mosaic.version = 14 : i64} {
  func.func @k(%arg0: i32, %arg1: i32, %arg2: memref<100000x128xf32, #tpu.memory_space<hbm>>, %arg3: memref<50000xi32, #tpu.memory_space<hbm>>, %arg4: memref<81920xi32, #tpu.memory_space<hbm>>, %arg5: memref<81920x128xf32, #tpu.memory_space<hbm>>, %arg6: memref<2560xi32, #tpu.memory_space<vmem>>, %arg7: memref<2560xi32, #tpu.memory_space<vmem>>, %arg8: memref<256x128xf32, #tpu.memory_space<vmem>>, %arg9: memref<256x128xf32, #tpu.memory_space<vmem>>, %arg10: memref<!tpu.dma_semaphore, #tpu.memory_space<semaphore_mem>>, %arg11: memref<!tpu.dma_semaphore, #tpu.memory_space<semaphore_mem>>, %arg12: memref<!tpu.dma_semaphore, #tpu.memory_space<semaphore_mem>>) attributes {dimension_semantics = [#tpu.dimension_semantics<core_parallel>, #tpu.dimension_semantics<subcore_parallel>], iteration_bounds = array<i64: 2, 16>, scalar_prefetch = 0 : i64, scratch_operands = 7 : i64, tpu.core_type = #tpu.core_type<sc_vector_subcore>, window_params = [{transform_indices = #map}, {transform_indices = #map1}, {transform_indices = #map1}, {transform_indices = #map}]} {
    %mul3A = arith.constant 2 : i32
    %mul3A_0 = arith.muli %arg1, %mul3A : i32
    %add3A = arith.addi %mul3A_0, %arg0 : i32
    %mul3A_1 = arith.constant 2560 : i32
    %mul3A_2 = arith.muli %add3A, %mul3A_1 : i32
    "tpu.region"() ({
      %run_scoped3A = tpu.sem_alloc : memref<!tpu.dma_semaphore, #tpu.memory_space<semaphore_mem>>
      %dma_start3A_246 = tpu.memref_slice %arg4[%mul3A_2] : memref<81920xi32, #tpu.memory_space<hbm>> -> memref<2560xi32, #tpu.memory_space<hbm>>
      %dma_start3A_247 = tpu.memref_slice %arg4[%mul3A_2] : memref<81920xi32, #tpu.memory_space<hbm>> -> memref<2560xi32, #tpu.memory_space<hbm>>
      tpu.enqueue_dma source(%dma_start3A_247 : memref<2560xi32, #tpu.memory_space<hbm>>) target(%arg6 : memref<2560xi32, #tpu.memory_space<vmem>>) target_semaphore(%run_scoped3A : memref<!tpu.dma_semaphore, #tpu.memory_space<semaphore_mem>>)
      %dma_wait3A_248 = tpu.memref_slice %arg4[%mul3A_2] : memref<81920xi32, #tpu.memory_space<hbm>> -> memref<2560xi32, #tpu.memory_space<hbm>>
      %dma_wait3A_249 = tpu.memref_slice %arg4[%mul3A_2] : memref<81920xi32, #tpu.memory_space<hbm>> -> memref<2560xi32, #tpu.memory_space<hbm>>
      tpu.wait_dma2 semaphore(%run_scoped3A : memref<!tpu.dma_semaphore, #tpu.memory_space<semaphore_mem>>) src(%dma_wait3A_249 : memref<2560xi32, #tpu.memory_space<hbm>>) dst(%arg6 : memref<2560xi32, #tpu.memory_space<vmem>>)
      tpu.yield
    }) : () -> ()
    %dma_start3A = arith.constant 0 : i32
    %dma_start3A_3 = tpu.memref_slice %arg7[%dma_start3A] : memref<2560xi32, #tpu.memory_space<vmem>> -> memref<128xi32, #tpu.memory_space<vmem>>
    %dma_start3A_4 = arith.constant 0 : i32
    %dma_start3A_5 = tpu.memref_slice %arg6[%dma_start3A_4] : memref<2560xi32, #tpu.memory_space<vmem>> -> memref<128xi32, #tpu.memory_space<vmem>>
    %dma_start3A_6 = arith.constant 0 : i32
    %dma_start3A_7 = tpu.memref_slice %arg3[%dma_start3A_6] : memref<50000xi32, #tpu.memory_space<hbm>> -> memref<50000xi32, #tpu.memory_space<hbm>>
    tpu.enqueue_indirect_dma source(%dma_start3A_7 : memref<50000xi32, #tpu.memory_space<hbm>>) target(%dma_start3A_3 : memref<128xi32, #tpu.memory_space<vmem>>) offsets(%dma_start3A_5 : memref<128xi32, #tpu.memory_space<vmem>>) semaphore(%arg10 : memref<!tpu.dma_semaphore, #tpu.memory_space<semaphore_mem>>)
    %dma_start3A_8 = arith.constant 128 : i32
    %dma_start3A_9 = tpu.memref_slice %arg7[%dma_start3A_8] : memref<2560xi32, #tpu.memory_space<vmem>> -> memref<128xi32, #tpu.memory_space<vmem>>
    %dma_start3A_10 = arith.constant 128 : i32
    %dma_start3A_11 = tpu.memref_slice %arg6[%dma_start3A_10] : memref<2560xi32, #tpu.memory_space<vmem>> -> memref<128xi32, #tpu.memory_space<vmem>>
    %dma_start3A_12 = arith.constant 0 : i32
    %dma_start3A_13 = tpu.memref_slice %arg3[%dma_start3A_12] : memref<50000xi32, #tpu.memory_space<hbm>> -> memref<50000xi32, #tpu.memory_space<hbm>>
    tpu.enqueue_indirect_dma source(%dma_start3A_13 : memref<50000xi32, #tpu.memory_space<hbm>>) target(%dma_start3A_9 : memref<128xi32, #tpu.memory_space<vmem>>) offsets(%dma_start3A_11 : memref<128xi32, #tpu.memory_space<vmem>>) semaphore(%arg10 : memref<!tpu.dma_semaphore, #tpu.memory_space<semaphore_mem>>)
    %dma_start3A_14 = arith.constant 256 : i32
    %dma_start3A_15 = tpu.memref_slice %arg7[%dma_start3A_14] : memref<2560xi32, #tpu.memory_space<vmem>> -> memref<128xi32, #tpu.memory_space<vmem>>
    %dma_start3A_16 = arith.constant 256 : i32
    %dma_start3A_17 = tpu.memref_slice %arg6[%dma_start3A_16] : memref<2560xi32, #tpu.memory_space<vmem>> -> memref<128xi32, #tpu.memory_space<vmem>>
    %dma_start3A_18 = arith.constant 0 : i32
    %dma_start3A_19 = tpu.memref_slice %arg3[%dma_start3A_18] : memref<50000xi32, #tpu.memory_space<hbm>> -> memref<50000xi32, #tpu.memory_space<hbm>>
    tpu.enqueue_indirect_dma source(%dma_start3A_19 : memref<50000xi32, #tpu.memory_space<hbm>>) target(%dma_start3A_15 : memref<128xi32, #tpu.memory_space<vmem>>) offsets(%dma_start3A_17 : memref<128xi32, #tpu.memory_space<vmem>>) semaphore(%arg10 : memref<!tpu.dma_semaphore, #tpu.memory_space<semaphore_mem>>)
    %dma_start3A_20 = arith.constant 384 : i32
    %dma_start3A_21 = tpu.memref_slice %arg7[%dma_start3A_20] : memref<2560xi32, #tpu.memory_space<vmem>> -> memref<128xi32, #tpu.memory_space<vmem>>
    %dma_start3A_22 = arith.constant 384 : i32
    %dma_start3A_23 = tpu.memref_slice %arg6[%dma_start3A_22] : memref<2560xi32, #tpu.memory_space<vmem>> -> memref<128xi32, #tpu.memory_space<vmem>>
    %dma_start3A_24 = arith.constant 0 : i32
    %dma_start3A_25 = tpu.memref_slice %arg3[%dma_start3A_24] : memref<50000xi32, #tpu.memory_space<hbm>> -> memref<50000xi32, #tpu.memory_space<hbm>>
    tpu.enqueue_indirect_dma source(%dma_start3A_25 : memref<50000xi32, #tpu.memory_space<hbm>>) target(%dma_start3A_21 : memref<128xi32, #tpu.memory_space<vmem>>) offsets(%dma_start3A_23 : memref<128xi32, #tpu.memory_space<vmem>>) semaphore(%arg10 : memref<!tpu.dma_semaphore, #tpu.memory_space<semaphore_mem>>)
    %dma_start3A_26 = arith.constant 512 : i32
    %dma_start3A_27 = tpu.memref_slice %arg7[%dma_start3A_26] : memref<2560xi32, #tpu.memory_space<vmem>> -> memref<128xi32, #tpu.memory_space<vmem>>
    %dma_start3A_28 = arith.constant 512 : i32
    %dma_start3A_29 = tpu.memref_slice %arg6[%dma_start3A_28] : memref<2560xi32, #tpu.memory_space<vmem>> -> memref<128xi32, #tpu.memory_space<vmem>>
    %dma_start3A_30 = arith.constant 0 : i32
    %dma_start3A_31 = tpu.memref_slice %arg3[%dma_start3A_30] : memref<50000xi32, #tpu.memory_space<hbm>> -> memref<50000xi32, #tpu.memory_space<hbm>>
    tpu.enqueue_indirect_dma source(%dma_start3A_31 : memref<50000xi32, #tpu.memory_space<hbm>>) target(%dma_start3A_27 : memref<128xi32, #tpu.memory_space<vmem>>) offsets(%dma_start3A_29 : memref<128xi32, #tpu.memory_space<vmem>>) semaphore(%arg10 : memref<!tpu.dma_semaphore, #tpu.memory_space<semaphore_mem>>)
    %dma_start3A_32 = arith.constant 640 : i32
    %dma_start3A_33 = tpu.memref_slice %arg7[%dma_start3A_32] : memref<2560xi32, #tpu.memory_space<vmem>> -> memref<128xi32, #tpu.memory_space<vmem>>
    %dma_start3A_34 = arith.constant 640 : i32
    %dma_start3A_35 = tpu.memref_slice %arg6[%dma_start3A_34] : memref<2560xi32, #tpu.memory_space<vmem>> -> memref<128xi32, #tpu.memory_space<vmem>>
    %dma_start3A_36 = arith.constant 0 : i32
    %dma_start3A_37 = tpu.memref_slice %arg3[%dma_start3A_36] : memref<50000xi32, #tpu.memory_space<hbm>> -> memref<50000xi32, #tpu.memory_space<hbm>>
    tpu.enqueue_indirect_dma source(%dma_start3A_37 : memref<50000xi32, #tpu.memory_space<hbm>>) target(%dma_start3A_33 : memref<128xi32, #tpu.memory_space<vmem>>) offsets(%dma_start3A_35 : memref<128xi32, #tpu.memory_space<vmem>>) semaphore(%arg10 : memref<!tpu.dma_semaphore, #tpu.memory_space<semaphore_mem>>)
    %dma_start3A_38 = arith.constant 768 : i32
    %dma_start3A_39 = tpu.memref_slice %arg7[%dma_start3A_38] : memref<2560xi32, #tpu.memory_space<vmem>> -> memref<128xi32, #tpu.memory_space<vmem>>
    %dma_start3A_40 = arith.constant 768 : i32
    %dma_start3A_41 = tpu.memref_slice %arg6[%dma_start3A_40] : memref<2560xi32, #tpu.memory_space<vmem>> -> memref<128xi32, #tpu.memory_space<vmem>>
    %dma_start3A_42 = arith.constant 0 : i32
    %dma_start3A_43 = tpu.memref_slice %arg3[%dma_start3A_42] : memref<50000xi32, #tpu.memory_space<hbm>> -> memref<50000xi32, #tpu.memory_space<hbm>>
    tpu.enqueue_indirect_dma source(%dma_start3A_43 : memref<50000xi32, #tpu.memory_space<hbm>>) target(%dma_start3A_39 : memref<128xi32, #tpu.memory_space<vmem>>) offsets(%dma_start3A_41 : memref<128xi32, #tpu.memory_space<vmem>>) semaphore(%arg10 : memref<!tpu.dma_semaphore, #tpu.memory_space<semaphore_mem>>)
    %dma_start3A_44 = arith.constant 896 : i32
    %dma_start3A_45 = tpu.memref_slice %arg7[%dma_start3A_44] : memref<2560xi32, #tpu.memory_space<vmem>> -> memref<128xi32, #tpu.memory_space<vmem>>
    %dma_start3A_46 = arith.constant 896 : i32
    %dma_start3A_47 = tpu.memref_slice %arg6[%dma_start3A_46] : memref<2560xi32, #tpu.memory_space<vmem>> -> memref<128xi32, #tpu.memory_space<vmem>>
    %dma_start3A_48 = arith.constant 0 : i32
    %dma_start3A_49 = tpu.memref_slice %arg3[%dma_start3A_48] : memref<50000xi32, #tpu.memory_space<hbm>> -> memref<50000xi32, #tpu.memory_space<hbm>>
    tpu.enqueue_indirect_dma source(%dma_start3A_49 : memref<50000xi32, #tpu.memory_space<hbm>>) target(%dma_start3A_45 : memref<128xi32, #tpu.memory_space<vmem>>) offsets(%dma_start3A_47 : memref<128xi32, #tpu.memory_space<vmem>>) semaphore(%arg10 : memref<!tpu.dma_semaphore, #tpu.memory_space<semaphore_mem>>)
    %dma_wait3A = arith.constant 0 : i32
    %dma_wait3A_50 = tpu.memref_slice %arg7[%dma_wait3A] : memref<2560xi32, #tpu.memory_space<vmem>> -> memref<128xi32, #tpu.memory_space<vmem>>
    %dma_wait3A_51 = arith.constant 0 : i32
    %dma_wait3A_52 = tpu.memref_slice %arg6[%dma_wait3A_51] : memref<2560xi32, #tpu.memory_space<vmem>> -> memref<128xi32, #tpu.memory_space<vmem>>
    %dma_wait3A_53 = arith.constant 0 : i32
    %dma_wait3A_54 = tpu.memref_slice %arg3[%dma_wait3A_53] : memref<50000xi32, #tpu.memory_space<hbm>> -> memref<50000xi32, #tpu.memory_space<hbm>>
    tpu.wait_indirect_dma semaphore(%arg10 : memref<!tpu.dma_semaphore, #tpu.memory_space<semaphore_mem>>) src(%dma_wait3A_54 : memref<50000xi32, #tpu.memory_space<hbm>>) dst(%dma_wait3A_50 : memref<128xi32, #tpu.memory_space<vmem>>)
    %dma_wait3A_55 = arith.constant 128 : i32
    %dma_wait3A_56 = tpu.memref_slice %arg7[%dma_wait3A_55] : memref<2560xi32, #tpu.memory_space<vmem>> -> memref<128xi32, #tpu.memory_space<vmem>>
    %dma_wait3A_57 = arith.constant 128 : i32
    %dma_wait3A_58 = tpu.memref_slice %arg6[%dma_wait3A_57] : memref<2560xi32, #tpu.memory_space<vmem>> -> memref<128xi32, #tpu.memory_space<vmem>>
    %dma_wait3A_59 = arith.constant 0 : i32
    %dma_wait3A_60 = tpu.memref_slice %arg3[%dma_wait3A_59] : memref<50000xi32, #tpu.memory_space<hbm>> -> memref<50000xi32, #tpu.memory_space<hbm>>
    tpu.wait_indirect_dma semaphore(%arg10 : memref<!tpu.dma_semaphore, #tpu.memory_space<semaphore_mem>>) src(%dma_wait3A_60 : memref<50000xi32, #tpu.memory_space<hbm>>) dst(%dma_wait3A_56 : memref<128xi32, #tpu.memory_space<vmem>>)
    %dma_wait3A_61 = arith.constant 256 : i32
    %dma_wait3A_62 = tpu.memref_slice %arg7[%dma_wait3A_61] : memref<2560xi32, #tpu.memory_space<vmem>> -> memref<128xi32, #tpu.memory_space<vmem>>
    %dma_wait3A_63 = arith.constant 256 : i32
    %dma_wait3A_64 = tpu.memref_slice %arg6[%dma_wait3A_63] : memref<2560xi32, #tpu.memory_space<vmem>> -> memref<128xi32, #tpu.memory_space<vmem>>
    %dma_wait3A_65 = arith.constant 0 : i32
    %dma_wait3A_66 = tpu.memref_slice %arg3[%dma_wait3A_65] : memref<50000xi32, #tpu.memory_space<hbm>> -> memref<50000xi32, #tpu.memory_space<hbm>>
    tpu.wait_indirect_dma semaphore(%arg10 : memref<!tpu.dma_semaphore, #tpu.memory_space<semaphore_mem>>) src(%dma_wait3A_66 : memref<50000xi32, #tpu.memory_space<hbm>>) dst(%dma_wait3A_62 : memref<128xi32, #tpu.memory_space<vmem>>)
    %dma_wait3A_67 = arith.constant 384 : i32
    %dma_wait3A_68 = tpu.memref_slice %arg7[%dma_wait3A_67] : memref<2560xi32, #tpu.memory_space<vmem>> -> memref<128xi32, #tpu.memory_space<vmem>>
    %dma_wait3A_69 = arith.constant 384 : i32
    %dma_wait3A_70 = tpu.memref_slice %arg6[%dma_wait3A_69] : memref<2560xi32, #tpu.memory_space<vmem>> -> memref<128xi32, #tpu.memory_space<vmem>>
    %dma_wait3A_71 = arith.constant 0 : i32
    %dma_wait3A_72 = tpu.memref_slice %arg3[%dma_wait3A_71] : memref<50000xi32, #tpu.memory_space<hbm>> -> memref<50000xi32, #tpu.memory_space<hbm>>
    tpu.wait_indirect_dma semaphore(%arg10 : memref<!tpu.dma_semaphore, #tpu.memory_space<semaphore_mem>>) src(%dma_wait3A_72 : memref<50000xi32, #tpu.memory_space<hbm>>) dst(%dma_wait3A_68 : memref<128xi32, #tpu.memory_space<vmem>>)
    %dma_wait3A_73 = arith.constant 512 : i32
    %dma_wait3A_74 = tpu.memref_slice %arg7[%dma_wait3A_73] : memref<2560xi32, #tpu.memory_space<vmem>> -> memref<128xi32, #tpu.memory_space<vmem>>
    %dma_wait3A_75 = arith.constant 512 : i32
    %dma_wait3A_76 = tpu.memref_slice %arg6[%dma_wait3A_75] : memref<2560xi32, #tpu.memory_space<vmem>> -> memref<128xi32, #tpu.memory_space<vmem>>
    %dma_wait3A_77 = arith.constant 0 : i32
    %dma_wait3A_78 = tpu.memref_slice %arg3[%dma_wait3A_77] : memref<50000xi32, #tpu.memory_space<hbm>> -> memref<50000xi32, #tpu.memory_space<hbm>>
    tpu.wait_indirect_dma semaphore(%arg10 : memref<!tpu.dma_semaphore, #tpu.memory_space<semaphore_mem>>) src(%dma_wait3A_78 : memref<50000xi32, #tpu.memory_space<hbm>>) dst(%dma_wait3A_74 : memref<128xi32, #tpu.memory_space<vmem>>)
    %dma_wait3A_79 = arith.constant 640 : i32
    %dma_wait3A_80 = tpu.memref_slice %arg7[%dma_wait3A_79] : memref<2560xi32, #tpu.memory_space<vmem>> -> memref<128xi32, #tpu.memory_space<vmem>>
    %dma_wait3A_81 = arith.constant 640 : i32
    %dma_wait3A_82 = tpu.memref_slice %arg6[%dma_wait3A_81] : memref<2560xi32, #tpu.memory_space<vmem>> -> memref<128xi32, #tpu.memory_space<vmem>>
    %dma_wait3A_83 = arith.constant 0 : i32
    %dma_wait3A_84 = tpu.memref_slice %arg3[%dma_wait3A_83] : memref<50000xi32, #tpu.memory_space<hbm>> -> memref<50000xi32, #tpu.memory_space<hbm>>
    tpu.wait_indirect_dma semaphore(%arg10 : memref<!tpu.dma_semaphore, #tpu.memory_space<semaphore_mem>>) src(%dma_wait3A_84 : memref<50000xi32, #tpu.memory_space<hbm>>) dst(%dma_wait3A_80 : memref<128xi32, #tpu.memory_space<vmem>>)
    %dma_wait3A_85 = arith.constant 768 : i32
    %dma_wait3A_86 = tpu.memref_slice %arg7[%dma_wait3A_85] : memref<2560xi32, #tpu.memory_space<vmem>> -> memref<128xi32, #tpu.memory_space<vmem>>
    %dma_wait3A_87 = arith.constant 768 : i32
    %dma_wait3A_88 = tpu.memref_slice %arg6[%dma_wait3A_87] : memref<2560xi32, #tpu.memory_space<vmem>> -> memref<128xi32, #tpu.memory_space<vmem>>
    %dma_wait3A_89 = arith.constant 0 : i32
    %dma_wait3A_90 = tpu.memref_slice %arg3[%dma_wait3A_89] : memref<50000xi32, #tpu.memory_space<hbm>> -> memref<50000xi32, #tpu.memory_space<hbm>>
    tpu.wait_indirect_dma semaphore(%arg10 : memref<!tpu.dma_semaphore, #tpu.memory_space<semaphore_mem>>) src(%dma_wait3A_90 : memref<50000xi32, #tpu.memory_space<hbm>>) dst(%dma_wait3A_86 : memref<128xi32, #tpu.memory_space<vmem>>)
    %dma_wait3A_91 = arith.constant 896 : i32
    %dma_wait3A_92 = tpu.memref_slice %arg7[%dma_wait3A_91] : memref<2560xi32, #tpu.memory_space<vmem>> -> memref<128xi32, #tpu.memory_space<vmem>>
    %dma_wait3A_93 = arith.constant 896 : i32
    %dma_wait3A_94 = tpu.memref_slice %arg6[%dma_wait3A_93] : memref<2560xi32, #tpu.memory_space<vmem>> -> memref<128xi32, #tpu.memory_space<vmem>>
    %dma_wait3A_95 = arith.constant 0 : i32
    %dma_wait3A_96 = tpu.memref_slice %arg3[%dma_wait3A_95] : memref<50000xi32, #tpu.memory_space<hbm>> -> memref<50000xi32, #tpu.memory_space<hbm>>
    tpu.wait_indirect_dma semaphore(%arg10 : memref<!tpu.dma_semaphore, #tpu.memory_space<semaphore_mem>>) src(%dma_wait3A_96 : memref<50000xi32, #tpu.memory_space<hbm>>) dst(%dma_wait3A_92 : memref<128xi32, #tpu.memory_space<vmem>>)
    %dma_start3A_97 = arith.constant 1024 : i32
    %dma_start3A_98 = tpu.memref_slice %arg7[%dma_start3A_97] : memref<2560xi32, #tpu.memory_space<vmem>> -> memref<128xi32, #tpu.memory_space<vmem>>
    %dma_start3A_99 = arith.constant 1024 : i32
    %dma_start3A_100 = tpu.memref_slice %arg6[%dma_start3A_99] : memref<2560xi32, #tpu.memory_space<vmem>> -> memref<128xi32, #tpu.memory_space<vmem>>
    %dma_start3A_101 = arith.constant 0 : i32
    %dma_start3A_102 = tpu.memref_slice %arg3[%dma_start3A_101] : memref<50000xi32, #tpu.memory_space<hbm>> -> memref<50000xi32, #tpu.memory_space<hbm>>
    tpu.enqueue_indirect_dma source(%dma_start3A_102 : memref<50000xi32, #tpu.memory_space<hbm>>) target(%dma_start3A_98 : memref<128xi32, #tpu.memory_space<vmem>>) offsets(%dma_start3A_100 : memref<128xi32, #tpu.memory_space<vmem>>) semaphore(%arg10 : memref<!tpu.dma_semaphore, #tpu.memory_space<semaphore_mem>>)
    %dma_start3A_103 = arith.constant 1152 : i32
    %dma_start3A_104 = tpu.memref_slice %arg7[%dma_start3A_103] : memref<2560xi32, #tpu.memory_space<vmem>> -> memref<128xi32, #tpu.memory_space<vmem>>
    %dma_start3A_105 = arith.constant 1152 : i32
    %dma_start3A_106 = tpu.memref_slice %arg6[%dma_start3A_105] : memref<2560xi32, #tpu.memory_space<vmem>> -> memref<128xi32, #tpu.memory_space<vmem>>
    %dma_start3A_107 = arith.constant 0 : i32
    %dma_start3A_108 = tpu.memref_slice %arg3[%dma_start3A_107] : memref<50000xi32, #tpu.memory_space<hbm>> -> memref<50000xi32, #tpu.memory_space<hbm>>
    tpu.enqueue_indirect_dma source(%dma_start3A_108 : memref<50000xi32, #tpu.memory_space<hbm>>) target(%dma_start3A_104 : memref<128xi32, #tpu.memory_space<vmem>>) offsets(%dma_start3A_106 : memref<128xi32, #tpu.memory_space<vmem>>) semaphore(%arg10 : memref<!tpu.dma_semaphore, #tpu.memory_space<semaphore_mem>>)
    %dma_start3A_109 = arith.constant 1280 : i32
    %dma_start3A_110 = tpu.memref_slice %arg7[%dma_start3A_109] : memref<2560xi32, #tpu.memory_space<vmem>> -> memref<128xi32, #tpu.memory_space<vmem>>
    %dma_start3A_111 = arith.constant 1280 : i32
    %dma_start3A_112 = tpu.memref_slice %arg6[%dma_start3A_111] : memref<2560xi32, #tpu.memory_space<vmem>> -> memref<128xi32, #tpu.memory_space<vmem>>
    %dma_start3A_113 = arith.constant 0 : i32
    %dma_start3A_114 = tpu.memref_slice %arg3[%dma_start3A_113] : memref<50000xi32, #tpu.memory_space<hbm>> -> memref<50000xi32, #tpu.memory_space<hbm>>
    tpu.enqueue_indirect_dma source(%dma_start3A_114 : memref<50000xi32, #tpu.memory_space<hbm>>) target(%dma_start3A_110 : memref<128xi32, #tpu.memory_space<vmem>>) offsets(%dma_start3A_112 : memref<128xi32, #tpu.memory_space<vmem>>) semaphore(%arg10 : memref<!tpu.dma_semaphore, #tpu.memory_space<semaphore_mem>>)
    %dma_start3A_115 = arith.constant 1408 : i32
    %dma_start3A_116 = tpu.memref_slice %arg7[%dma_start3A_115] : memref<2560xi32, #tpu.memory_space<vmem>> -> memref<128xi32, #tpu.memory_space<vmem>>
    %dma_start3A_117 = arith.constant 1408 : i32
    %dma_start3A_118 = tpu.memref_slice %arg6[%dma_start3A_117] : memref<2560xi32, #tpu.memory_space<vmem>> -> memref<128xi32, #tpu.memory_space<vmem>>
    %dma_start3A_119 = arith.constant 0 : i32
    %dma_start3A_120 = tpu.memref_slice %arg3[%dma_start3A_119] : memref<50000xi32, #tpu.memory_space<hbm>> -> memref<50000xi32, #tpu.memory_space<hbm>>
    tpu.enqueue_indirect_dma source(%dma_start3A_120 : memref<50000xi32, #tpu.memory_space<hbm>>) target(%dma_start3A_116 : memref<128xi32, #tpu.memory_space<vmem>>) offsets(%dma_start3A_118 : memref<128xi32, #tpu.memory_space<vmem>>) semaphore(%arg10 : memref<!tpu.dma_semaphore, #tpu.memory_space<semaphore_mem>>)
    %dma_start3A_121 = arith.constant 1536 : i32
    %dma_start3A_122 = tpu.memref_slice %arg7[%dma_start3A_121] : memref<2560xi32, #tpu.memory_space<vmem>> -> memref<128xi32, #tpu.memory_space<vmem>>
    %dma_start3A_123 = arith.constant 1536 : i32
    %dma_start3A_124 = tpu.memref_slice %arg6[%dma_start3A_123] : memref<2560xi32, #tpu.memory_space<vmem>> -> memref<128xi32, #tpu.memory_space<vmem>>
    %dma_start3A_125 = arith.constant 0 : i32
    %dma_start3A_126 = tpu.memref_slice %arg3[%dma_start3A_125] : memref<50000xi32, #tpu.memory_space<hbm>> -> memref<50000xi32, #tpu.memory_space<hbm>>
    tpu.enqueue_indirect_dma source(%dma_start3A_126 : memref<50000xi32, #tpu.memory_space<hbm>>) target(%dma_start3A_122 : memref<128xi32, #tpu.memory_space<vmem>>) offsets(%dma_start3A_124 : memref<128xi32, #tpu.memory_space<vmem>>) semaphore(%arg10 : memref<!tpu.dma_semaphore, #tpu.memory_space<semaphore_mem>>)
    %dma_start3A_127 = arith.constant 1664 : i32
    %dma_start3A_128 = tpu.memref_slice %arg7[%dma_start3A_127] : memref<2560xi32, #tpu.memory_space<vmem>> -> memref<128xi32, #tpu.memory_space<vmem>>
    %dma_start3A_129 = arith.constant 1664 : i32
    %dma_start3A_130 = tpu.memref_slice %arg6[%dma_start3A_129] : memref<2560xi32, #tpu.memory_space<vmem>> -> memref<128xi32, #tpu.memory_space<vmem>>
    %dma_start3A_131 = arith.constant 0 : i32
    %dma_start3A_132 = tpu.memref_slice %arg3[%dma_start3A_131] : memref<50000xi32, #tpu.memory_space<hbm>> -> memref<50000xi32, #tpu.memory_space<hbm>>
    tpu.enqueue_indirect_dma source(%dma_start3A_132 : memref<50000xi32, #tpu.memory_space<hbm>>) target(%dma_start3A_128 : memref<128xi32, #tpu.memory_space<vmem>>) offsets(%dma_start3A_130 : memref<128xi32, #tpu.memory_space<vmem>>) semaphore(%arg10 : memref<!tpu.dma_semaphore, #tpu.memory_space<semaphore_mem>>)
    %dma_start3A_133 = arith.constant 1792 : i32
    %dma_start3A_134 = tpu.memref_slice %arg7[%dma_start3A_133] : memref<2560xi32, #tpu.memory_space<vmem>> -> memref<128xi32, #tpu.memory_space<vmem>>
    %dma_start3A_135 = arith.constant 1792 : i32
    %dma_start3A_136 = tpu.memref_slice %arg6[%dma_start3A_135] : memref<2560xi32, #tpu.memory_space<vmem>> -> memref<128xi32, #tpu.memory_space<vmem>>
    %dma_start3A_137 = arith.constant 0 : i32
    %dma_start3A_138 = tpu.memref_slice %arg3[%dma_start3A_137] : memref<50000xi32, #tpu.memory_space<hbm>> -> memref<50000xi32, #tpu.memory_space<hbm>>
    tpu.enqueue_indirect_dma source(%dma_start3A_138 : memref<50000xi32, #tpu.memory_space<hbm>>) target(%dma_start3A_134 : memref<128xi32, #tpu.memory_space<vmem>>) offsets(%dma_start3A_136 : memref<128xi32, #tpu.memory_space<vmem>>) semaphore(%arg10 : memref<!tpu.dma_semaphore, #tpu.memory_space<semaphore_mem>>)
    %dma_start3A_139 = arith.constant 1920 : i32
    %dma_start3A_140 = tpu.memref_slice %arg7[%dma_start3A_139] : memref<2560xi32, #tpu.memory_space<vmem>> -> memref<128xi32, #tpu.memory_space<vmem>>
    %dma_start3A_141 = arith.constant 1920 : i32
    %dma_start3A_142 = tpu.memref_slice %arg6[%dma_start3A_141] : memref<2560xi32, #tpu.memory_space<vmem>> -> memref<128xi32, #tpu.memory_space<vmem>>
    %dma_start3A_143 = arith.constant 0 : i32
    %dma_start3A_144 = tpu.memref_slice %arg3[%dma_start3A_143] : memref<50000xi32, #tpu.memory_space<hbm>> -> memref<50000xi32, #tpu.memory_space<hbm>>
    tpu.enqueue_indirect_dma source(%dma_start3A_144 : memref<50000xi32, #tpu.memory_space<hbm>>) target(%dma_start3A_140 : memref<128xi32, #tpu.memory_space<vmem>>) offsets(%dma_start3A_142 : memref<128xi32, #tpu.memory_space<vmem>>) semaphore(%arg10 : memref<!tpu.dma_semaphore, #tpu.memory_space<semaphore_mem>>)
    %dma_wait3A_145 = arith.constant 1024 : i32
    %dma_wait3A_146 = tpu.memref_slice %arg7[%dma_wait3A_145] : memref<2560xi32, #tpu.memory_space<vmem>> -> memref<128xi32, #tpu.memory_space<vmem>>
    %dma_wait3A_147 = arith.constant 1024 : i32
    %dma_wait3A_148 = tpu.memref_slice %arg6[%dma_wait3A_147] : memref<2560xi32, #tpu.memory_space<vmem>> -> memref<128xi32, #tpu.memory_space<vmem>>
    %dma_wait3A_149 = arith.constant 0 : i32
    %dma_wait3A_150 = tpu.memref_slice %arg3[%dma_wait3A_149] : memref<50000xi32, #tpu.memory_space<hbm>> -> memref<50000xi32, #tpu.memory_space<hbm>>
    tpu.wait_indirect_dma semaphore(%arg10 : memref<!tpu.dma_semaphore, #tpu.memory_space<semaphore_mem>>) src(%dma_wait3A_150 : memref<50000xi32, #tpu.memory_space<hbm>>) dst(%dma_wait3A_146 : memref<128xi32, #tpu.memory_space<vmem>>)
    %dma_wait3A_151 = arith.constant 1152 : i32
    %dma_wait3A_152 = tpu.memref_slice %arg7[%dma_wait3A_151] : memref<2560xi32, #tpu.memory_space<vmem>> -> memref<128xi32, #tpu.memory_space<vmem>>
    %dma_wait3A_153 = arith.constant 1152 : i32
    %dma_wait3A_154 = tpu.memref_slice %arg6[%dma_wait3A_153] : memref<2560xi32, #tpu.memory_space<vmem>> -> memref<128xi32, #tpu.memory_space<vmem>>
    %dma_wait3A_155 = arith.constant 0 : i32
    %dma_wait3A_156 = tpu.memref_slice %arg3[%dma_wait3A_155] : memref<50000xi32, #tpu.memory_space<hbm>> -> memref<50000xi32, #tpu.memory_space<hbm>>
    tpu.wait_indirect_dma semaphore(%arg10 : memref<!tpu.dma_semaphore, #tpu.memory_space<semaphore_mem>>) src(%dma_wait3A_156 : memref<50000xi32, #tpu.memory_space<hbm>>) dst(%dma_wait3A_152 : memref<128xi32, #tpu.memory_space<vmem>>)
    %dma_wait3A_157 = arith.constant 1280 : i32
    %dma_wait3A_158 = tpu.memref_slice %arg7[%dma_wait3A_157] : memref<2560xi32, #tpu.memory_space<vmem>> -> memref<128xi32, #tpu.memory_space<vmem>>
    %dma_wait3A_159 = arith.constant 1280 : i32
    %dma_wait3A_160 = tpu.memref_slice %arg6[%dma_wait3A_159] : memref<2560xi32, #tpu.memory_space<vmem>> -> memref<128xi32, #tpu.memory_space<vmem>>
    %dma_wait3A_161 = arith.constant 0 : i32
    %dma_wait3A_162 = tpu.memref_slice %arg3[%dma_wait3A_161] : memref<50000xi32, #tpu.memory_space<hbm>> -> memref<50000xi32, #tpu.memory_space<hbm>>
    tpu.wait_indirect_dma semaphore(%arg10 : memref<!tpu.dma_semaphore, #tpu.memory_space<semaphore_mem>>) src(%dma_wait3A_162 : memref<50000xi32, #tpu.memory_space<hbm>>) dst(%dma_wait3A_158 : memref<128xi32, #tpu.memory_space<vmem>>)
    %dma_wait3A_163 = arith.constant 1408 : i32
    %dma_wait3A_164 = tpu.memref_slice %arg7[%dma_wait3A_163] : memref<2560xi32, #tpu.memory_space<vmem>> -> memref<128xi32, #tpu.memory_space<vmem>>
    %dma_wait3A_165 = arith.constant 1408 : i32
    %dma_wait3A_166 = tpu.memref_slice %arg6[%dma_wait3A_165] : memref<2560xi32, #tpu.memory_space<vmem>> -> memref<128xi32, #tpu.memory_space<vmem>>
    %dma_wait3A_167 = arith.constant 0 : i32
    %dma_wait3A_168 = tpu.memref_slice %arg3[%dma_wait3A_167] : memref<50000xi32, #tpu.memory_space<hbm>> -> memref<50000xi32, #tpu.memory_space<hbm>>
    tpu.wait_indirect_dma semaphore(%arg10 : memref<!tpu.dma_semaphore, #tpu.memory_space<semaphore_mem>>) src(%dma_wait3A_168 : memref<50000xi32, #tpu.memory_space<hbm>>) dst(%dma_wait3A_164 : memref<128xi32, #tpu.memory_space<vmem>>)
    %dma_wait3A_169 = arith.constant 1536 : i32
    %dma_wait3A_170 = tpu.memref_slice %arg7[%dma_wait3A_169] : memref<2560xi32, #tpu.memory_space<vmem>> -> memref<128xi32, #tpu.memory_space<vmem>>
    %dma_wait3A_171 = arith.constant 1536 : i32
    %dma_wait3A_172 = tpu.memref_slice %arg6[%dma_wait3A_171] : memref<2560xi32, #tpu.memory_space<vmem>> -> memref<128xi32, #tpu.memory_space<vmem>>
    %dma_wait3A_173 = arith.constant 0 : i32
    %dma_wait3A_174 = tpu.memref_slice %arg3[%dma_wait3A_173] : memref<50000xi32, #tpu.memory_space<hbm>> -> memref<50000xi32, #tpu.memory_space<hbm>>
    tpu.wait_indirect_dma semaphore(%arg10 : memref<!tpu.dma_semaphore, #tpu.memory_space<semaphore_mem>>) src(%dma_wait3A_174 : memref<50000xi32, #tpu.memory_space<hbm>>) dst(%dma_wait3A_170 : memref<128xi32, #tpu.memory_space<vmem>>)
    %dma_wait3A_175 = arith.constant 1664 : i32
    %dma_wait3A_176 = tpu.memref_slice %arg7[%dma_wait3A_175] : memref<2560xi32, #tpu.memory_space<vmem>> -> memref<128xi32, #tpu.memory_space<vmem>>
    %dma_wait3A_177 = arith.constant 1664 : i32
    %dma_wait3A_178 = tpu.memref_slice %arg6[%dma_wait3A_177] : memref<2560xi32, #tpu.memory_space<vmem>> -> memref<128xi32, #tpu.memory_space<vmem>>
    %dma_wait3A_179 = arith.constant 0 : i32
    %dma_wait3A_180 = tpu.memref_slice %arg3[%dma_wait3A_179] : memref<50000xi32, #tpu.memory_space<hbm>> -> memref<50000xi32, #tpu.memory_space<hbm>>
    tpu.wait_indirect_dma semaphore(%arg10 : memref<!tpu.dma_semaphore, #tpu.memory_space<semaphore_mem>>) src(%dma_wait3A_180 : memref<50000xi32, #tpu.memory_space<hbm>>) dst(%dma_wait3A_176 : memref<128xi32, #tpu.memory_space<vmem>>)
    %dma_wait3A_181 = arith.constant 1792 : i32
    %dma_wait3A_182 = tpu.memref_slice %arg7[%dma_wait3A_181] : memref<2560xi32, #tpu.memory_space<vmem>> -> memref<128xi32, #tpu.memory_space<vmem>>
    %dma_wait3A_183 = arith.constant 1792 : i32
    %dma_wait3A_184 = tpu.memref_slice %arg6[%dma_wait3A_183] : memref<2560xi32, #tpu.memory_space<vmem>> -> memref<128xi32, #tpu.memory_space<vmem>>
    %dma_wait3A_185 = arith.constant 0 : i32
    %dma_wait3A_186 = tpu.memref_slice %arg3[%dma_wait3A_185] : memref<50000xi32, #tpu.memory_space<hbm>> -> memref<50000xi32, #tpu.memory_space<hbm>>
    tpu.wait_indirect_dma semaphore(%arg10 : memref<!tpu.dma_semaphore, #tpu.memory_space<semaphore_mem>>) src(%dma_wait3A_186 : memref<50000xi32, #tpu.memory_space<hbm>>) dst(%dma_wait3A_182 : memref<128xi32, #tpu.memory_space<vmem>>)
    %dma_wait3A_187 = arith.constant 1920 : i32
    %dma_wait3A_188 = tpu.memref_slice %arg7[%dma_wait3A_187] : memref<2560xi32, #tpu.memory_space<vmem>> -> memref<128xi32, #tpu.memory_space<vmem>>
    %dma_wait3A_189 = arith.constant 1920 : i32
    %dma_wait3A_190 = tpu.memref_slice %arg6[%dma_wait3A_189] : memref<2560xi32, #tpu.memory_space<vmem>> -> memref<128xi32, #tpu.memory_space<vmem>>
    %dma_wait3A_191 = arith.constant 0 : i32
    %dma_wait3A_192 = tpu.memref_slice %arg3[%dma_wait3A_191] : memref<50000xi32, #tpu.memory_space<hbm>> -> memref<50000xi32, #tpu.memory_space<hbm>>
    tpu.wait_indirect_dma semaphore(%arg10 : memref<!tpu.dma_semaphore, #tpu.memory_space<semaphore_mem>>) src(%dma_wait3A_192 : memref<50000xi32, #tpu.memory_space<hbm>>) dst(%dma_wait3A_188 : memref<128xi32, #tpu.memory_space<vmem>>)
    %dma_start3A_193 = arith.constant 2048 : i32
    %dma_start3A_194 = tpu.memref_slice %arg7[%dma_start3A_193] : memref<2560xi32, #tpu.memory_space<vmem>> -> memref<128xi32, #tpu.memory_space<vmem>>
    %dma_start3A_195 = arith.constant 2048 : i32
    %dma_start3A_196 = tpu.memref_slice %arg6[%dma_start3A_195] : memref<2560xi32, #tpu.memory_space<vmem>> -> memref<128xi32, #tpu.memory_space<vmem>>
    %dma_start3A_197 = arith.constant 0 : i32
    %dma_start3A_198 = tpu.memref_slice %arg3[%dma_start3A_197] : memref<50000xi32, #tpu.memory_space<hbm>> -> memref<50000xi32, #tpu.memory_space<hbm>>
    tpu.enqueue_indirect_dma source(%dma_start3A_198 : memref<50000xi32, #tpu.memory_space<hbm>>) target(%dma_start3A_194 : memref<128xi32, #tpu.memory_space<vmem>>) offsets(%dma_start3A_196 : memref<128xi32, #tpu.memory_space<vmem>>) semaphore(%arg10 : memref<!tpu.dma_semaphore, #tpu.memory_space<semaphore_mem>>)
    %dma_start3A_199 = arith.constant 2176 : i32
    %dma_start3A_200 = tpu.memref_slice %arg7[%dma_start3A_199] : memref<2560xi32, #tpu.memory_space<vmem>> -> memref<128xi32, #tpu.memory_space<vmem>>
    %dma_start3A_201 = arith.constant 2176 : i32
    %dma_start3A_202 = tpu.memref_slice %arg6[%dma_start3A_201] : memref<2560xi32, #tpu.memory_space<vmem>> -> memref<128xi32, #tpu.memory_space<vmem>>
    %dma_start3A_203 = arith.constant 0 : i32
    %dma_start3A_204 = tpu.memref_slice %arg3[%dma_start3A_203] : memref<50000xi32, #tpu.memory_space<hbm>> -> memref<50000xi32, #tpu.memory_space<hbm>>
    tpu.enqueue_indirect_dma source(%dma_start3A_204 : memref<50000xi32, #tpu.memory_space<hbm>>) target(%dma_start3A_200 : memref<128xi32, #tpu.memory_space<vmem>>) offsets(%dma_start3A_202 : memref<128xi32, #tpu.memory_space<vmem>>) semaphore(%arg10 : memref<!tpu.dma_semaphore, #tpu.memory_space<semaphore_mem>>)
    %dma_start3A_205 = arith.constant 2304 : i32
    %dma_start3A_206 = tpu.memref_slice %arg7[%dma_start3A_205] : memref<2560xi32, #tpu.memory_space<vmem>> -> memref<128xi32, #tpu.memory_space<vmem>>
    %dma_start3A_207 = arith.constant 2304 : i32
    %dma_start3A_208 = tpu.memref_slice %arg6[%dma_start3A_207] : memref<2560xi32, #tpu.memory_space<vmem>> -> memref<128xi32, #tpu.memory_space<vmem>>
    %dma_start3A_209 = arith.constant 0 : i32
    %dma_start3A_210 = tpu.memref_slice %arg3[%dma_start3A_209] : memref<50000xi32, #tpu.memory_space<hbm>> -> memref<50000xi32, #tpu.memory_space<hbm>>
    tpu.enqueue_indirect_dma source(%dma_start3A_210 : memref<50000xi32, #tpu.memory_space<hbm>>) target(%dma_start3A_206 : memref<128xi32, #tpu.memory_space<vmem>>) offsets(%dma_start3A_208 : memref<128xi32, #tpu.memory_space<vmem>>) semaphore(%arg10 : memref<!tpu.dma_semaphore, #tpu.memory_space<semaphore_mem>>)
    %dma_start3A_211 = arith.constant 2432 : i32
    %dma_start3A_212 = tpu.memref_slice %arg7[%dma_start3A_211] : memref<2560xi32, #tpu.memory_space<vmem>> -> memref<128xi32, #tpu.memory_space<vmem>>
    %dma_start3A_213 = arith.constant 2432 : i32
    %dma_start3A_214 = tpu.memref_slice %arg6[%dma_start3A_213] : memref<2560xi32, #tpu.memory_space<vmem>> -> memref<128xi32, #tpu.memory_space<vmem>>
    %dma_start3A_215 = arith.constant 0 : i32
    %dma_start3A_216 = tpu.memref_slice %arg3[%dma_start3A_215] : memref<50000xi32, #tpu.memory_space<hbm>> -> memref<50000xi32, #tpu.memory_space<hbm>>
    tpu.enqueue_indirect_dma source(%dma_start3A_216 : memref<50000xi32, #tpu.memory_space<hbm>>) target(%dma_start3A_212 : memref<128xi32, #tpu.memory_space<vmem>>) offsets(%dma_start3A_214 : memref<128xi32, #tpu.memory_space<vmem>>) semaphore(%arg10 : memref<!tpu.dma_semaphore, #tpu.memory_space<semaphore_mem>>)
    %dma_wait3A_217 = arith.constant 2048 : i32
    %dma_wait3A_218 = tpu.memref_slice %arg7[%dma_wait3A_217] : memref<2560xi32, #tpu.memory_space<vmem>> -> memref<128xi32, #tpu.memory_space<vmem>>
    %dma_wait3A_219 = arith.constant 2048 : i32
    %dma_wait3A_220 = tpu.memref_slice %arg6[%dma_wait3A_219] : memref<2560xi32, #tpu.memory_space<vmem>> -> memref<128xi32, #tpu.memory_space<vmem>>
    %dma_wait3A_221 = arith.constant 0 : i32
    %dma_wait3A_222 = tpu.memref_slice %arg3[%dma_wait3A_221] : memref<50000xi32, #tpu.memory_space<hbm>> -> memref<50000xi32, #tpu.memory_space<hbm>>
    tpu.wait_indirect_dma semaphore(%arg10 : memref<!tpu.dma_semaphore, #tpu.memory_space<semaphore_mem>>) src(%dma_wait3A_222 : memref<50000xi32, #tpu.memory_space<hbm>>) dst(%dma_wait3A_218 : memref<128xi32, #tpu.memory_space<vmem>>)
    %dma_wait3A_223 = arith.constant 2176 : i32
    %dma_wait3A_224 = tpu.memref_slice %arg7[%dma_wait3A_223] : memref<2560xi32, #tpu.memory_space<vmem>> -> memref<128xi32, #tpu.memory_space<vmem>>
    %dma_wait3A_225 = arith.constant 2176 : i32
    %dma_wait3A_226 = tpu.memref_slice %arg6[%dma_wait3A_225] : memref<2560xi32, #tpu.memory_space<vmem>> -> memref<128xi32, #tpu.memory_space<vmem>>
    %dma_wait3A_227 = arith.constant 0 : i32
    %dma_wait3A_228 = tpu.memref_slice %arg3[%dma_wait3A_227] : memref<50000xi32, #tpu.memory_space<hbm>> -> memref<50000xi32, #tpu.memory_space<hbm>>
    tpu.wait_indirect_dma semaphore(%arg10 : memref<!tpu.dma_semaphore, #tpu.memory_space<semaphore_mem>>) src(%dma_wait3A_228 : memref<50000xi32, #tpu.memory_space<hbm>>) dst(%dma_wait3A_224 : memref<128xi32, #tpu.memory_space<vmem>>)
    %dma_wait3A_229 = arith.constant 2304 : i32
    %dma_wait3A_230 = tpu.memref_slice %arg7[%dma_wait3A_229] : memref<2560xi32, #tpu.memory_space<vmem>> -> memref<128xi32, #tpu.memory_space<vmem>>
    %dma_wait3A_231 = arith.constant 2304 : i32
    %dma_wait3A_232 = tpu.memref_slice %arg6[%dma_wait3A_231] : memref<2560xi32, #tpu.memory_space<vmem>> -> memref<128xi32, #tpu.memory_space<vmem>>
    %dma_wait3A_233 = arith.constant 0 : i32
    %dma_wait3A_234 = tpu.memref_slice %arg3[%dma_wait3A_233] : memref<50000xi32, #tpu.memory_space<hbm>> -> memref<50000xi32, #tpu.memory_space<hbm>>
    tpu.wait_indirect_dma semaphore(%arg10 : memref<!tpu.dma_semaphore, #tpu.memory_space<semaphore_mem>>) src(%dma_wait3A_234 : memref<50000xi32, #tpu.memory_space<hbm>>) dst(%dma_wait3A_230 : memref<128xi32, #tpu.memory_space<vmem>>)
    %dma_wait3A_235 = arith.constant 2432 : i32
    %dma_wait3A_236 = tpu.memref_slice %arg7[%dma_wait3A_235] : memref<2560xi32, #tpu.memory_space<vmem>> -> memref<128xi32, #tpu.memory_space<vmem>>
    %dma_wait3A_237 = arith.constant 2432 : i32
    %dma_wait3A_238 = tpu.memref_slice %arg6[%dma_wait3A_237] : memref<2560xi32, #tpu.memory_space<vmem>> -> memref<128xi32, #tpu.memory_space<vmem>>
    %dma_wait3A_239 = arith.constant 0 : i32
    %dma_wait3A_240 = tpu.memref_slice %arg3[%dma_wait3A_239] : memref<50000xi32, #tpu.memory_space<hbm>> -> memref<50000xi32, #tpu.memory_space<hbm>>
    tpu.wait_indirect_dma semaphore(%arg10 : memref<!tpu.dma_semaphore, #tpu.memory_space<semaphore_mem>>) src(%dma_wait3A_240 : memref<50000xi32, #tpu.memory_space<hbm>>) dst(%dma_wait3A_236 : memref<128xi32, #tpu.memory_space<vmem>>)
    %scan3A = arith.constant 0 : i32
    %scan3A_241 = arith.constant 0 : i32
    %scan3A_242 = arith.constant 5 : i32
    %scan3A_243 = arith.addi %scan3A_241, %scan3A_242 : i32
    %scan3A_244 = arith.constant 1 : i32
    scf.for %scan3A_246 = %scan3A_241 to %scan3A_243 step %scan3A_244  : i32 {
      %mul3A_247 = arith.constant 2 : i32
      %mul3A_248 = arith.muli %mul3A_247, %scan3A_246 : i32
      %add3A_249 = arith.constant 0 : i32
      %add3A_250 = arith.addi %mul3A_248, %add3A_249 : i32
      %mul3A_251 = arith.constant 256 : i32
      %mul3A_252 = arith.muli %add3A_250, %mul3A_251 : i32
      %dma_start3A_253 = arith.constant 0 : i32
      %dma_start3A_254 = arith.constant 0 : i32
      %dma_start3A_255 = tpu.memref_slice %arg8[%dma_start3A_253, %dma_start3A_254] : memref<256x128xf32, #tpu.memory_space<vmem>> -> memref<128x128xf32, #tpu.memory_space<vmem>>
      %dma_start3A_256 = tpu.memref_slice %arg7[%mul3A_252] : memref<2560xi32, #tpu.memory_space<vmem>> -> memref<128xi32, #tpu.memory_space<vmem>>
      %dma_start3A_257 = arith.constant 0 : i32
      %dma_start3A_258 = arith.constant 0 : i32
      %dma_start3A_259 = tpu.memref_slice %arg2[%dma_start3A_257, %dma_start3A_258] : memref<100000x128xf32, #tpu.memory_space<hbm>> -> memref<100000x128xf32, #tpu.memory_space<hbm>>
      tpu.enqueue_indirect_dma source(%dma_start3A_259 : memref<100000x128xf32, #tpu.memory_space<hbm>>) target(%dma_start3A_255 : memref<128x128xf32, #tpu.memory_space<vmem>>) offsets(%dma_start3A_256 : memref<128xi32, #tpu.memory_space<vmem>>) semaphore(%arg11 : memref<!tpu.dma_semaphore, #tpu.memory_space<semaphore_mem>>)
      %add3A_260 = arith.constant 128 : i32
      %add3A_261 = arith.addi %mul3A_252, %add3A_260 : i32
      %dma_start3A_262 = arith.constant 128 : i32
      %dma_start3A_263 = arith.constant 0 : i32
      %dma_start3A_264 = tpu.memref_slice %arg8[%dma_start3A_262, %dma_start3A_263] : memref<256x128xf32, #tpu.memory_space<vmem>> -> memref<128x128xf32, #tpu.memory_space<vmem>>
      %dma_start3A_265 = tpu.memref_slice %arg7[%add3A_261] : memref<2560xi32, #tpu.memory_space<vmem>> -> memref<128xi32, #tpu.memory_space<vmem>>
      %dma_start3A_266 = arith.constant 0 : i32
      %dma_start3A_267 = arith.constant 0 : i32
      %dma_start3A_268 = tpu.memref_slice %arg2[%dma_start3A_266, %dma_start3A_267] : memref<100000x128xf32, #tpu.memory_space<hbm>> -> memref<100000x128xf32, #tpu.memory_space<hbm>>
      tpu.enqueue_indirect_dma source(%dma_start3A_268 : memref<100000x128xf32, #tpu.memory_space<hbm>>) target(%dma_start3A_264 : memref<128x128xf32, #tpu.memory_space<vmem>>) offsets(%dma_start3A_265 : memref<128xi32, #tpu.memory_space<vmem>>) semaphore(%arg11 : memref<!tpu.dma_semaphore, #tpu.memory_space<semaphore_mem>>)
      %mul3A_269 = arith.constant 2 : i32
      %mul3A_270 = arith.muli %mul3A_269, %scan3A_246 : i32
      %add3A_271 = arith.constant 1 : i32
      %add3A_272 = arith.addi %mul3A_270, %add3A_271 : i32
      %mul3A_273 = arith.constant 256 : i32
      %mul3A_274 = arith.muli %add3A_272, %mul3A_273 : i32
      %dma_start3A_275 = arith.constant 0 : i32
      %dma_start3A_276 = arith.constant 0 : i32
      %dma_start3A_277 = tpu.memref_slice %arg9[%dma_start3A_275, %dma_start3A_276] : memref<256x128xf32, #tpu.memory_space<vmem>> -> memref<128x128xf32, #tpu.memory_space<vmem>>
      %dma_start3A_278 = tpu.memref_slice %arg7[%mul3A_274] : memref<2560xi32, #tpu.memory_space<vmem>> -> memref<128xi32, #tpu.memory_space<vmem>>
      %dma_start3A_279 = arith.constant 0 : i32
      %dma_start3A_280 = arith.constant 0 : i32
      %dma_start3A_281 = tpu.memref_slice %arg2[%dma_start3A_279, %dma_start3A_280] : memref<100000x128xf32, #tpu.memory_space<hbm>> -> memref<100000x128xf32, #tpu.memory_space<hbm>>
      tpu.enqueue_indirect_dma source(%dma_start3A_281 : memref<100000x128xf32, #tpu.memory_space<hbm>>) target(%dma_start3A_277 : memref<128x128xf32, #tpu.memory_space<vmem>>) offsets(%dma_start3A_278 : memref<128xi32, #tpu.memory_space<vmem>>) semaphore(%arg11 : memref<!tpu.dma_semaphore, #tpu.memory_space<semaphore_mem>>)
      %add3A_282 = arith.constant 128 : i32
      %add3A_283 = arith.addi %mul3A_274, %add3A_282 : i32
      %dma_start3A_284 = arith.constant 128 : i32
      %dma_start3A_285 = arith.constant 0 : i32
      %dma_start3A_286 = tpu.memref_slice %arg9[%dma_start3A_284, %dma_start3A_285] : memref<256x128xf32, #tpu.memory_space<vmem>> -> memref<128x128xf32, #tpu.memory_space<vmem>>
      %dma_start3A_287 = tpu.memref_slice %arg7[%add3A_283] : memref<2560xi32, #tpu.memory_space<vmem>> -> memref<128xi32, #tpu.memory_space<vmem>>
      %dma_start3A_288 = arith.constant 0 : i32
      %dma_start3A_289 = arith.constant 0 : i32
      %dma_start3A_290 = tpu.memref_slice %arg2[%dma_start3A_288, %dma_start3A_289] : memref<100000x128xf32, #tpu.memory_space<hbm>> -> memref<100000x128xf32, #tpu.memory_space<hbm>>
      tpu.enqueue_indirect_dma source(%dma_start3A_290 : memref<100000x128xf32, #tpu.memory_space<hbm>>) target(%dma_start3A_286 : memref<128x128xf32, #tpu.memory_space<vmem>>) offsets(%dma_start3A_287 : memref<128xi32, #tpu.memory_space<vmem>>) semaphore(%arg11 : memref<!tpu.dma_semaphore, #tpu.memory_space<semaphore_mem>>)
      %mul3A_291 = arith.constant 2 : i32
      %mul3A_292 = arith.muli %mul3A_291, %scan3A_246 : i32
      %add3A_293 = arith.constant 0 : i32
      %add3A_294 = arith.addi %mul3A_292, %add3A_293 : i32
      %mul3A_295 = arith.constant 256 : i32
      %mul3A_296 = arith.muli %add3A_294, %mul3A_295 : i32
      %dma_wait3A_297 = arith.constant 0 : i32
      %dma_wait3A_298 = arith.constant 0 : i32
      %dma_wait3A_299 = tpu.memref_slice %arg8[%dma_wait3A_297, %dma_wait3A_298] : memref<256x128xf32, #tpu.memory_space<vmem>> -> memref<128x128xf32, #tpu.memory_space<vmem>>
      %dma_wait3A_300 = tpu.memref_slice %arg7[%mul3A_252] : memref<2560xi32, #tpu.memory_space<vmem>> -> memref<128xi32, #tpu.memory_space<vmem>>
      %dma_wait3A_301 = arith.constant 0 : i32
      %dma_wait3A_302 = arith.constant 0 : i32
      %dma_wait3A_303 = tpu.memref_slice %arg2[%dma_wait3A_301, %dma_wait3A_302] : memref<100000x128xf32, #tpu.memory_space<hbm>> -> memref<100000x128xf32, #tpu.memory_space<hbm>>
      tpu.wait_indirect_dma semaphore(%arg11 : memref<!tpu.dma_semaphore, #tpu.memory_space<semaphore_mem>>) src(%dma_wait3A_303 : memref<100000x128xf32, #tpu.memory_space<hbm>>) dst(%dma_wait3A_299 : memref<128x128xf32, #tpu.memory_space<vmem>>)
      %dma_wait3A_304 = arith.constant 128 : i32
      %dma_wait3A_305 = arith.constant 0 : i32
      %dma_wait3A_306 = tpu.memref_slice %arg8[%dma_wait3A_304, %dma_wait3A_305] : memref<256x128xf32, #tpu.memory_space<vmem>> -> memref<128x128xf32, #tpu.memory_space<vmem>>
      %dma_wait3A_307 = tpu.memref_slice %arg7[%add3A_261] : memref<2560xi32, #tpu.memory_space<vmem>> -> memref<128xi32, #tpu.memory_space<vmem>>
      %dma_wait3A_308 = arith.constant 0 : i32
      %dma_wait3A_309 = arith.constant 0 : i32
      %dma_wait3A_310 = tpu.memref_slice %arg2[%dma_wait3A_308, %dma_wait3A_309] : memref<100000x128xf32, #tpu.memory_space<hbm>> -> memref<100000x128xf32, #tpu.memory_space<hbm>>
      tpu.wait_indirect_dma semaphore(%arg11 : memref<!tpu.dma_semaphore, #tpu.memory_space<semaphore_mem>>) src(%dma_wait3A_310 : memref<100000x128xf32, #tpu.memory_space<hbm>>) dst(%dma_wait3A_306 : memref<128x128xf32, #tpu.memory_space<vmem>>)
      %add3A_311 = arith.addi %mul3A_2, %mul3A_296 : i32
      %dma_start3A_312 = arith.constant 0 : i32
      %dma_start3A_313 = tpu.memref_slice %arg5[%add3A_311, %dma_start3A_312] : memref<81920x128xf32, #tpu.memory_space<hbm>> -> memref<256x128xf32, #tpu.memory_space<hbm>>
      %dma_start3A_314 = arith.constant 0 : i32
      %dma_start3A_315 = tpu.memref_slice %arg5[%add3A_311, %dma_start3A_314] : memref<81920x128xf32, #tpu.memory_space<hbm>> -> memref<256x128xf32, #tpu.memory_space<hbm>>
      tpu.enqueue_dma source(%arg8 : memref<256x128xf32, #tpu.memory_space<vmem>>) target(%dma_start3A_315 : memref<256x128xf32, #tpu.memory_space<hbm>>) target_semaphore(%arg12 : memref<!tpu.dma_semaphore, #tpu.memory_space<semaphore_mem>>)
      %mul3A_316 = arith.constant 2 : i32
      %mul3A_317 = arith.muli %mul3A_316, %scan3A_246 : i32
      %add3A_318 = arith.constant 1 : i32
      %add3A_319 = arith.addi %mul3A_317, %add3A_318 : i32
      %mul3A_320 = arith.constant 256 : i32
      %mul3A_321 = arith.muli %add3A_319, %mul3A_320 : i32
      %dma_wait3A_322 = arith.constant 0 : i32
      %dma_wait3A_323 = arith.constant 0 : i32
      %dma_wait3A_324 = tpu.memref_slice %arg9[%dma_wait3A_322, %dma_wait3A_323] : memref<256x128xf32, #tpu.memory_space<vmem>> -> memref<128x128xf32, #tpu.memory_space<vmem>>
      %dma_wait3A_325 = tpu.memref_slice %arg7[%mul3A_274] : memref<2560xi32, #tpu.memory_space<vmem>> -> memref<128xi32, #tpu.memory_space<vmem>>
      %dma_wait3A_326 = arith.constant 0 : i32
      %dma_wait3A_327 = arith.constant 0 : i32
      %dma_wait3A_328 = tpu.memref_slice %arg2[%dma_wait3A_326, %dma_wait3A_327] : memref<100000x128xf32, #tpu.memory_space<hbm>> -> memref<100000x128xf32, #tpu.memory_space<hbm>>
      tpu.wait_indirect_dma semaphore(%arg11 : memref<!tpu.dma_semaphore, #tpu.memory_space<semaphore_mem>>) src(%dma_wait3A_328 : memref<100000x128xf32, #tpu.memory_space<hbm>>) dst(%dma_wait3A_324 : memref<128x128xf32, #tpu.memory_space<vmem>>)
      %dma_wait3A_329 = arith.constant 128 : i32
      %dma_wait3A_330 = arith.constant 0 : i32
      %dma_wait3A_331 = tpu.memref_slice %arg9[%dma_wait3A_329, %dma_wait3A_330] : memref<256x128xf32, #tpu.memory_space<vmem>> -> memref<128x128xf32, #tpu.memory_space<vmem>>
      %dma_wait3A_332 = tpu.memref_slice %arg7[%add3A_283] : memref<2560xi32, #tpu.memory_space<vmem>> -> memref<128xi32, #tpu.memory_space<vmem>>
      %dma_wait3A_333 = arith.constant 0 : i32
      %dma_wait3A_334 = arith.constant 0 : i32
      %dma_wait3A_335 = tpu.memref_slice %arg2[%dma_wait3A_333, %dma_wait3A_334] : memref<100000x128xf32, #tpu.memory_space<hbm>> -> memref<100000x128xf32, #tpu.memory_space<hbm>>
      tpu.wait_indirect_dma semaphore(%arg11 : memref<!tpu.dma_semaphore, #tpu.memory_space<semaphore_mem>>) src(%dma_wait3A_335 : memref<100000x128xf32, #tpu.memory_space<hbm>>) dst(%dma_wait3A_331 : memref<128x128xf32, #tpu.memory_space<vmem>>)
      %add3A_336 = arith.addi %mul3A_2, %mul3A_321 : i32
      %dma_start3A_337 = arith.constant 0 : i32
      %dma_start3A_338 = tpu.memref_slice %arg5[%add3A_336, %dma_start3A_337] : memref<81920x128xf32, #tpu.memory_space<hbm>> -> memref<256x128xf32, #tpu.memory_space<hbm>>
      %dma_start3A_339 = arith.constant 0 : i32
      %dma_start3A_340 = tpu.memref_slice %arg5[%add3A_336, %dma_start3A_339] : memref<81920x128xf32, #tpu.memory_space<hbm>> -> memref<256x128xf32, #tpu.memory_space<hbm>>
      tpu.enqueue_dma source(%arg9 : memref<256x128xf32, #tpu.memory_space<vmem>>) target(%dma_start3A_340 : memref<256x128xf32, #tpu.memory_space<hbm>>) target_semaphore(%arg12 : memref<!tpu.dma_semaphore, #tpu.memory_space<semaphore_mem>>)
      %dma_wait3A_341 = arith.constant 0 : i32
      %dma_wait3A_342 = tpu.memref_slice %arg5[%add3A_311, %dma_wait3A_341] : memref<81920x128xf32, #tpu.memory_space<hbm>> -> memref<256x128xf32, #tpu.memory_space<hbm>>
      %dma_wait3A_343 = arith.constant 0 : i32
      %dma_wait3A_344 = tpu.memref_slice %arg5[%add3A_311, %dma_wait3A_343] : memref<81920x128xf32, #tpu.memory_space<hbm>> -> memref<256x128xf32, #tpu.memory_space<hbm>>
      tpu.wait_dma2 semaphore(%arg12 : memref<!tpu.dma_semaphore, #tpu.memory_space<semaphore_mem>>) src(%arg8 : memref<256x128xf32, #tpu.memory_space<vmem>>) dst(%dma_wait3A_344 : memref<256x128xf32, #tpu.memory_space<hbm>>)
      %dma_wait3A_345 = arith.constant 0 : i32
      %dma_wait3A_346 = tpu.memref_slice %arg5[%add3A_336, %dma_wait3A_345] : memref<81920x128xf32, #tpu.memory_space<hbm>> -> memref<256x128xf32, #tpu.memory_space<hbm>>
      %dma_wait3A_347 = arith.constant 0 : i32
      %dma_wait3A_348 = tpu.memref_slice %arg5[%add3A_336, %dma_wait3A_347] : memref<81920x128xf32, #tpu.memory_space<hbm>> -> memref<256x128xf32, #tpu.memory_space<hbm>>
      tpu.wait_dma2 semaphore(%arg12 : memref<!tpu.dma_semaphore, #tpu.memory_space<semaphore_mem>>) src(%arg9 : memref<256x128xf32, #tpu.memory_space<vmem>>) dst(%dma_wait3A_348 : memref<256x128xf32, #tpu.memory_space<hbm>>)
    }
    %scan3A_245 = arith.constant 5 : i32
    return
  }
}

#map = affine_map<(d0, d1) -> (0, 0)>
#map1 = affine_map<(d0, d1) -> (0)>
module attributes {stable_mosaic.version = 14 : i64} {
  func.func @k(%arg0: i32, %arg1: i32, %arg2: memref<100000x128xf32, #tpu.memory_space<hbm>>, %arg3: memref<50000x128xf32, #tpu.memory_space<hbm>>, %arg4: memref<100000xi32, #tpu.memory_space<hbm>>, %arg5: memref<50000xi32, #tpu.memory_space<hbm>>, %arg6: memref<50000xi32, #tpu.memory_space<hbm>>, %arg7: memref<50000xi32, #tpu.memory_space<hbm>>, %arg8: memref<50000xi32, #tpu.memory_space<hbm>>, %arg9: memref<50000x128xf32, #tpu.memory_space<hbm>>, %arg10: memref<50000x128xf32, #tpu.memory_space<hbm>>, %arg11: memref<50000x128xf32, #tpu.memory_space<hbm>>, %arg12: memref<50000x128xf32, #tpu.memory_space<hbm>>, %arg13: memref<1568xi32, #tpu.memory_space<vmem>>, %arg14: memref<1568xi32, #tpu.memory_space<vmem>>, %arg15: memref<1568xi32, #tpu.memory_space<vmem>>, %arg16: memref<1568xi32, #tpu.memory_space<vmem>>, %arg17: memref<1568xi32, #tpu.memory_space<vmem>>, %arg18: memref<1568xi32, #tpu.memory_space<vmem>>, %arg19: memref<128x128xf32, #tpu.memory_space<vmem>>, %arg20: memref<128x128xf32, #tpu.memory_space<vmem>>, %arg21: memref<128x128xf32, #tpu.memory_space<vmem>>, %arg22: memref<128x128xf32, #tpu.memory_space<vmem>>, %arg23: memref<!tpu.dma_semaphore, #tpu.memory_space<semaphore_mem>>, %arg24: memref<!tpu.dma_semaphore, #tpu.memory_space<semaphore_mem>>, %arg25: memref<!tpu.dma_semaphore, #tpu.memory_space<semaphore_mem>>) attributes {dimension_semantics = [#tpu.dimension_semantics<core_parallel>, #tpu.dimension_semantics<subcore_parallel>], iteration_bounds = array<i64: 2, 16>, scalar_prefetch = 0 : i64, scratch_operands = 13 : i64, tpu.core_type = #tpu.core_type<sc_vector_subcore>, window_params = [{transform_indices = #map}, {transform_indices = #map}, {transform_indices = #map1}, {transform_indices = #map1}, {transform_indices = #map1}, {transform_indices = #map1}, {transform_indices = #map1}, {transform_indices = #map}, {transform_indices = #map}, {transform_indices = #map}, {transform_indices = #map}]} {
    %mul3A = arith.constant 2 : i32
    %mul3A_0 = arith.muli %arg1, %mul3A : i32
    %add3A = arith.addi %mul3A_0, %arg0 : i32
    %mul3A_1 = arith.constant 1568 : i32
    %mul3A_2 = arith.muli %add3A, %mul3A_1 : i32
    %min3A = arith.constant 48432 : i32
    %min3A_3 = arith.minsi %mul3A_2, %min3A : i32
    %dma_start3A = tpu.memref_slice %arg5[%min3A_3] : memref<50000xi32, #tpu.memory_space<hbm>> -> memref<1568xi32, #tpu.memory_space<hbm>>
    %dma_start3A_4 = tpu.memref_slice %arg5[%min3A_3] : memref<50000xi32, #tpu.memory_space<hbm>> -> memref<1568xi32, #tpu.memory_space<hbm>>
    tpu.enqueue_dma source(%dma_start3A_4 : memref<1568xi32, #tpu.memory_space<hbm>>) target(%arg13 : memref<1568xi32, #tpu.memory_space<vmem>>) target_semaphore(%arg23 : memref<!tpu.dma_semaphore, #tpu.memory_space<semaphore_mem>>)
    %dma_start3A_5 = tpu.memref_slice %arg6[%min3A_3] : memref<50000xi32, #tpu.memory_space<hbm>> -> memref<1568xi32, #tpu.memory_space<hbm>>
    %dma_start3A_6 = tpu.memref_slice %arg6[%min3A_3] : memref<50000xi32, #tpu.memory_space<hbm>> -> memref<1568xi32, #tpu.memory_space<hbm>>
    tpu.enqueue_dma source(%dma_start3A_6 : memref<1568xi32, #tpu.memory_space<hbm>>) target(%arg14 : memref<1568xi32, #tpu.memory_space<vmem>>) target_semaphore(%arg23 : memref<!tpu.dma_semaphore, #tpu.memory_space<semaphore_mem>>)
    %dma_start3A_7 = tpu.memref_slice %arg7[%min3A_3] : memref<50000xi32, #tpu.memory_space<hbm>> -> memref<1568xi32, #tpu.memory_space<hbm>>
    %dma_start3A_8 = tpu.memref_slice %arg7[%min3A_3] : memref<50000xi32, #tpu.memory_space<hbm>> -> memref<1568xi32, #tpu.memory_space<hbm>>
    tpu.enqueue_dma source(%dma_start3A_8 : memref<1568xi32, #tpu.memory_space<hbm>>) target(%arg15 : memref<1568xi32, #tpu.memory_space<vmem>>) target_semaphore(%arg23 : memref<!tpu.dma_semaphore, #tpu.memory_space<semaphore_mem>>)
    %dma_start3A_9 = tpu.memref_slice %arg8[%min3A_3] : memref<50000xi32, #tpu.memory_space<hbm>> -> memref<1568xi32, #tpu.memory_space<hbm>>
    %dma_start3A_10 = tpu.memref_slice %arg8[%min3A_3] : memref<50000xi32, #tpu.memory_space<hbm>> -> memref<1568xi32, #tpu.memory_space<hbm>>
    tpu.enqueue_dma source(%dma_start3A_10 : memref<1568xi32, #tpu.memory_space<hbm>>) target(%arg16 : memref<1568xi32, #tpu.memory_space<vmem>>) target_semaphore(%arg23 : memref<!tpu.dma_semaphore, #tpu.memory_space<semaphore_mem>>)
    %dma_wait3A = tpu.memref_slice %arg5[%min3A_3] : memref<50000xi32, #tpu.memory_space<hbm>> -> memref<1568xi32, #tpu.memory_space<hbm>>
    %dma_wait3A_11 = tpu.memref_slice %arg5[%min3A_3] : memref<50000xi32, #tpu.memory_space<hbm>> -> memref<1568xi32, #tpu.memory_space<hbm>>
    tpu.wait_dma2 semaphore(%arg23 : memref<!tpu.dma_semaphore, #tpu.memory_space<semaphore_mem>>) src(%dma_wait3A_11 : memref<1568xi32, #tpu.memory_space<hbm>>) dst(%arg13 : memref<1568xi32, #tpu.memory_space<vmem>>)
    %dma_wait3A_12 = tpu.memref_slice %arg6[%min3A_3] : memref<50000xi32, #tpu.memory_space<hbm>> -> memref<1568xi32, #tpu.memory_space<hbm>>
    %dma_wait3A_13 = tpu.memref_slice %arg6[%min3A_3] : memref<50000xi32, #tpu.memory_space<hbm>> -> memref<1568xi32, #tpu.memory_space<hbm>>
    tpu.wait_dma2 semaphore(%arg23 : memref<!tpu.dma_semaphore, #tpu.memory_space<semaphore_mem>>) src(%dma_wait3A_13 : memref<1568xi32, #tpu.memory_space<hbm>>) dst(%arg14 : memref<1568xi32, #tpu.memory_space<vmem>>)
    %dma_wait3A_14 = tpu.memref_slice %arg7[%min3A_3] : memref<50000xi32, #tpu.memory_space<hbm>> -> memref<1568xi32, #tpu.memory_space<hbm>>
    %dma_wait3A_15 = tpu.memref_slice %arg7[%min3A_3] : memref<50000xi32, #tpu.memory_space<hbm>> -> memref<1568xi32, #tpu.memory_space<hbm>>
    tpu.wait_dma2 semaphore(%arg23 : memref<!tpu.dma_semaphore, #tpu.memory_space<semaphore_mem>>) src(%dma_wait3A_15 : memref<1568xi32, #tpu.memory_space<hbm>>) dst(%arg15 : memref<1568xi32, #tpu.memory_space<vmem>>)
    %dma_wait3A_16 = tpu.memref_slice %arg8[%min3A_3] : memref<50000xi32, #tpu.memory_space<hbm>> -> memref<1568xi32, #tpu.memory_space<hbm>>
    %dma_wait3A_17 = tpu.memref_slice %arg8[%min3A_3] : memref<50000xi32, #tpu.memory_space<hbm>> -> memref<1568xi32, #tpu.memory_space<hbm>>
    tpu.wait_dma2 semaphore(%arg23 : memref<!tpu.dma_semaphore, #tpu.memory_space<semaphore_mem>>) src(%dma_wait3A_17 : memref<1568xi32, #tpu.memory_space<hbm>>) dst(%arg16 : memref<1568xi32, #tpu.memory_space<vmem>>)
    %dma_start3A_18 = arith.constant 0 : i32
    %dma_start3A_19 = tpu.memref_slice %arg17[%dma_start3A_18] : memref<1568xi32, #tpu.memory_space<vmem>> -> memref<128xi32, #tpu.memory_space<vmem>>
    %dma_start3A_20 = arith.constant 0 : i32
    %dma_start3A_21 = tpu.memref_slice %arg13[%dma_start3A_20] : memref<1568xi32, #tpu.memory_space<vmem>> -> memref<128xi32, #tpu.memory_space<vmem>>
    %dma_start3A_22 = arith.constant 0 : i32
    %dma_start3A_23 = tpu.memref_slice %arg4[%dma_start3A_22] : memref<100000xi32, #tpu.memory_space<hbm>> -> memref<100000xi32, #tpu.memory_space<hbm>>
    tpu.enqueue_indirect_dma source(%dma_start3A_23 : memref<100000xi32, #tpu.memory_space<hbm>>) target(%dma_start3A_19 : memref<128xi32, #tpu.memory_space<vmem>>) offsets(%dma_start3A_21 : memref<128xi32, #tpu.memory_space<vmem>>) semaphore(%arg23 : memref<!tpu.dma_semaphore, #tpu.memory_space<semaphore_mem>>)
    %dma_start3A_24 = arith.constant 0 : i32
    %dma_start3A_25 = tpu.memref_slice %arg18[%dma_start3A_24] : memref<1568xi32, #tpu.memory_space<vmem>> -> memref<128xi32, #tpu.memory_space<vmem>>
    %dma_start3A_26 = arith.constant 0 : i32
    %dma_start3A_27 = tpu.memref_slice %arg14[%dma_start3A_26] : memref<1568xi32, #tpu.memory_space<vmem>> -> memref<128xi32, #tpu.memory_space<vmem>>
    %dma_start3A_28 = arith.constant 0 : i32
    %dma_start3A_29 = tpu.memref_slice %arg4[%dma_start3A_28] : memref<100000xi32, #tpu.memory_space<hbm>> -> memref<100000xi32, #tpu.memory_space<hbm>>
    tpu.enqueue_indirect_dma source(%dma_start3A_29 : memref<100000xi32, #tpu.memory_space<hbm>>) target(%dma_start3A_25 : memref<128xi32, #tpu.memory_space<vmem>>) offsets(%dma_start3A_27 : memref<128xi32, #tpu.memory_space<vmem>>) semaphore(%arg23 : memref<!tpu.dma_semaphore, #tpu.memory_space<semaphore_mem>>)
    %dma_start3A_30 = arith.constant 128 : i32
    %dma_start3A_31 = tpu.memref_slice %arg17[%dma_start3A_30] : memref<1568xi32, #tpu.memory_space<vmem>> -> memref<128xi32, #tpu.memory_space<vmem>>
    %dma_start3A_32 = arith.constant 128 : i32
    %dma_start3A_33 = tpu.memref_slice %arg13[%dma_start3A_32] : memref<1568xi32, #tpu.memory_space<vmem>> -> memref<128xi32, #tpu.memory_space<vmem>>
    %dma_start3A_34 = arith.constant 0 : i32
    %dma_start3A_35 = tpu.memref_slice %arg4[%dma_start3A_34] : memref<100000xi32, #tpu.memory_space<hbm>> -> memref<100000xi32, #tpu.memory_space<hbm>>
    tpu.enqueue_indirect_dma source(%dma_start3A_35 : memref<100000xi32, #tpu.memory_space<hbm>>) target(%dma_start3A_31 : memref<128xi32, #tpu.memory_space<vmem>>) offsets(%dma_start3A_33 : memref<128xi32, #tpu.memory_space<vmem>>) semaphore(%arg23 : memref<!tpu.dma_semaphore, #tpu.memory_space<semaphore_mem>>)
    %dma_start3A_36 = arith.constant 128 : i32
    %dma_start3A_37 = tpu.memref_slice %arg18[%dma_start3A_36] : memref<1568xi32, #tpu.memory_space<vmem>> -> memref<128xi32, #tpu.memory_space<vmem>>
    %dma_start3A_38 = arith.constant 128 : i32
    %dma_start3A_39 = tpu.memref_slice %arg14[%dma_start3A_38] : memref<1568xi32, #tpu.memory_space<vmem>> -> memref<128xi32, #tpu.memory_space<vmem>>
    %dma_start3A_40 = arith.constant 0 : i32
    %dma_start3A_41 = tpu.memref_slice %arg4[%dma_start3A_40] : memref<100000xi32, #tpu.memory_space<hbm>> -> memref<100000xi32, #tpu.memory_space<hbm>>
    tpu.enqueue_indirect_dma source(%dma_start3A_41 : memref<100000xi32, #tpu.memory_space<hbm>>) target(%dma_start3A_37 : memref<128xi32, #tpu.memory_space<vmem>>) offsets(%dma_start3A_39 : memref<128xi32, #tpu.memory_space<vmem>>) semaphore(%arg23 : memref<!tpu.dma_semaphore, #tpu.memory_space<semaphore_mem>>)
    %dma_start3A_42 = arith.constant 256 : i32
    %dma_start3A_43 = tpu.memref_slice %arg17[%dma_start3A_42] : memref<1568xi32, #tpu.memory_space<vmem>> -> memref<128xi32, #tpu.memory_space<vmem>>
    %dma_start3A_44 = arith.constant 256 : i32
    %dma_start3A_45 = tpu.memref_slice %arg13[%dma_start3A_44] : memref<1568xi32, #tpu.memory_space<vmem>> -> memref<128xi32, #tpu.memory_space<vmem>>
    %dma_start3A_46 = arith.constant 0 : i32
    %dma_start3A_47 = tpu.memref_slice %arg4[%dma_start3A_46] : memref<100000xi32, #tpu.memory_space<hbm>> -> memref<100000xi32, #tpu.memory_space<hbm>>
    tpu.enqueue_indirect_dma source(%dma_start3A_47 : memref<100000xi32, #tpu.memory_space<hbm>>) target(%dma_start3A_43 : memref<128xi32, #tpu.memory_space<vmem>>) offsets(%dma_start3A_45 : memref<128xi32, #tpu.memory_space<vmem>>) semaphore(%arg23 : memref<!tpu.dma_semaphore, #tpu.memory_space<semaphore_mem>>)
    %dma_start3A_48 = arith.constant 256 : i32
    %dma_start3A_49 = tpu.memref_slice %arg18[%dma_start3A_48] : memref<1568xi32, #tpu.memory_space<vmem>> -> memref<128xi32, #tpu.memory_space<vmem>>
    %dma_start3A_50 = arith.constant 256 : i32
    %dma_start3A_51 = tpu.memref_slice %arg14[%dma_start3A_50] : memref<1568xi32, #tpu.memory_space<vmem>> -> memref<128xi32, #tpu.memory_space<vmem>>
    %dma_start3A_52 = arith.constant 0 : i32
    %dma_start3A_53 = tpu.memref_slice %arg4[%dma_start3A_52] : memref<100000xi32, #tpu.memory_space<hbm>> -> memref<100000xi32, #tpu.memory_space<hbm>>
    tpu.enqueue_indirect_dma source(%dma_start3A_53 : memref<100000xi32, #tpu.memory_space<hbm>>) target(%dma_start3A_49 : memref<128xi32, #tpu.memory_space<vmem>>) offsets(%dma_start3A_51 : memref<128xi32, #tpu.memory_space<vmem>>) semaphore(%arg23 : memref<!tpu.dma_semaphore, #tpu.memory_space<semaphore_mem>>)
    %dma_start3A_54 = arith.constant 384 : i32
    %dma_start3A_55 = tpu.memref_slice %arg17[%dma_start3A_54] : memref<1568xi32, #tpu.memory_space<vmem>> -> memref<128xi32, #tpu.memory_space<vmem>>
    %dma_start3A_56 = arith.constant 384 : i32
    %dma_start3A_57 = tpu.memref_slice %arg13[%dma_start3A_56] : memref<1568xi32, #tpu.memory_space<vmem>> -> memref<128xi32, #tpu.memory_space<vmem>>
    %dma_start3A_58 = arith.constant 0 : i32
    %dma_start3A_59 = tpu.memref_slice %arg4[%dma_start3A_58] : memref<100000xi32, #tpu.memory_space<hbm>> -> memref<100000xi32, #tpu.memory_space<hbm>>
    tpu.enqueue_indirect_dma source(%dma_start3A_59 : memref<100000xi32, #tpu.memory_space<hbm>>) target(%dma_start3A_55 : memref<128xi32, #tpu.memory_space<vmem>>) offsets(%dma_start3A_57 : memref<128xi32, #tpu.memory_space<vmem>>) semaphore(%arg23 : memref<!tpu.dma_semaphore, #tpu.memory_space<semaphore_mem>>)
    %dma_start3A_60 = arith.constant 384 : i32
    %dma_start3A_61 = tpu.memref_slice %arg18[%dma_start3A_60] : memref<1568xi32, #tpu.memory_space<vmem>> -> memref<128xi32, #tpu.memory_space<vmem>>
    %dma_start3A_62 = arith.constant 384 : i32
    %dma_start3A_63 = tpu.memref_slice %arg14[%dma_start3A_62] : memref<1568xi32, #tpu.memory_space<vmem>> -> memref<128xi32, #tpu.memory_space<vmem>>
    %dma_start3A_64 = arith.constant 0 : i32
    %dma_start3A_65 = tpu.memref_slice %arg4[%dma_start3A_64] : memref<100000xi32, #tpu.memory_space<hbm>> -> memref<100000xi32, #tpu.memory_space<hbm>>
    tpu.enqueue_indirect_dma source(%dma_start3A_65 : memref<100000xi32, #tpu.memory_space<hbm>>) target(%dma_start3A_61 : memref<128xi32, #tpu.memory_space<vmem>>) offsets(%dma_start3A_63 : memref<128xi32, #tpu.memory_space<vmem>>) semaphore(%arg23 : memref<!tpu.dma_semaphore, #tpu.memory_space<semaphore_mem>>)
    %dma_wait3A_66 = arith.constant 0 : i32
    %dma_wait3A_67 = tpu.memref_slice %arg17[%dma_wait3A_66] : memref<1568xi32, #tpu.memory_space<vmem>> -> memref<128xi32, #tpu.memory_space<vmem>>
    %dma_wait3A_68 = arith.constant 0 : i32
    %dma_wait3A_69 = tpu.memref_slice %arg13[%dma_wait3A_68] : memref<1568xi32, #tpu.memory_space<vmem>> -> memref<128xi32, #tpu.memory_space<vmem>>
    %dma_wait3A_70 = arith.constant 0 : i32
    %dma_wait3A_71 = tpu.memref_slice %arg4[%dma_wait3A_70] : memref<100000xi32, #tpu.memory_space<hbm>> -> memref<100000xi32, #tpu.memory_space<hbm>>
    tpu.wait_indirect_dma semaphore(%arg23 : memref<!tpu.dma_semaphore, #tpu.memory_space<semaphore_mem>>) src(%dma_wait3A_71 : memref<100000xi32, #tpu.memory_space<hbm>>) dst(%dma_wait3A_67 : memref<128xi32, #tpu.memory_space<vmem>>)
    %dma_wait3A_72 = arith.constant 0 : i32
    %dma_wait3A_73 = tpu.memref_slice %arg18[%dma_wait3A_72] : memref<1568xi32, #tpu.memory_space<vmem>> -> memref<128xi32, #tpu.memory_space<vmem>>
    %dma_wait3A_74 = arith.constant 0 : i32
    %dma_wait3A_75 = tpu.memref_slice %arg14[%dma_wait3A_74] : memref<1568xi32, #tpu.memory_space<vmem>> -> memref<128xi32, #tpu.memory_space<vmem>>
    %dma_wait3A_76 = arith.constant 0 : i32
    %dma_wait3A_77 = tpu.memref_slice %arg4[%dma_wait3A_76] : memref<100000xi32, #tpu.memory_space<hbm>> -> memref<100000xi32, #tpu.memory_space<hbm>>
    tpu.wait_indirect_dma semaphore(%arg23 : memref<!tpu.dma_semaphore, #tpu.memory_space<semaphore_mem>>) src(%dma_wait3A_77 : memref<100000xi32, #tpu.memory_space<hbm>>) dst(%dma_wait3A_73 : memref<128xi32, #tpu.memory_space<vmem>>)
    %dma_wait3A_78 = arith.constant 128 : i32
    %dma_wait3A_79 = tpu.memref_slice %arg17[%dma_wait3A_78] : memref<1568xi32, #tpu.memory_space<vmem>> -> memref<128xi32, #tpu.memory_space<vmem>>
    %dma_wait3A_80 = arith.constant 128 : i32
    %dma_wait3A_81 = tpu.memref_slice %arg13[%dma_wait3A_80] : memref<1568xi32, #tpu.memory_space<vmem>> -> memref<128xi32, #tpu.memory_space<vmem>>
    %dma_wait3A_82 = arith.constant 0 : i32
    %dma_wait3A_83 = tpu.memref_slice %arg4[%dma_wait3A_82] : memref<100000xi32, #tpu.memory_space<hbm>> -> memref<100000xi32, #tpu.memory_space<hbm>>
    tpu.wait_indirect_dma semaphore(%arg23 : memref<!tpu.dma_semaphore, #tpu.memory_space<semaphore_mem>>) src(%dma_wait3A_83 : memref<100000xi32, #tpu.memory_space<hbm>>) dst(%dma_wait3A_79 : memref<128xi32, #tpu.memory_space<vmem>>)
    %dma_wait3A_84 = arith.constant 128 : i32
    %dma_wait3A_85 = tpu.memref_slice %arg18[%dma_wait3A_84] : memref<1568xi32, #tpu.memory_space<vmem>> -> memref<128xi32, #tpu.memory_space<vmem>>
    %dma_wait3A_86 = arith.constant 128 : i32
    %dma_wait3A_87 = tpu.memref_slice %arg14[%dma_wait3A_86] : memref<1568xi32, #tpu.memory_space<vmem>> -> memref<128xi32, #tpu.memory_space<vmem>>
    %dma_wait3A_88 = arith.constant 0 : i32
    %dma_wait3A_89 = tpu.memref_slice %arg4[%dma_wait3A_88] : memref<100000xi32, #tpu.memory_space<hbm>> -> memref<100000xi32, #tpu.memory_space<hbm>>
    tpu.wait_indirect_dma semaphore(%arg23 : memref<!tpu.dma_semaphore, #tpu.memory_space<semaphore_mem>>) src(%dma_wait3A_89 : memref<100000xi32, #tpu.memory_space<hbm>>) dst(%dma_wait3A_85 : memref<128xi32, #tpu.memory_space<vmem>>)
    %dma_wait3A_90 = arith.constant 256 : i32
    %dma_wait3A_91 = tpu.memref_slice %arg17[%dma_wait3A_90] : memref<1568xi32, #tpu.memory_space<vmem>> -> memref<128xi32, #tpu.memory_space<vmem>>
    %dma_wait3A_92 = arith.constant 256 : i32
    %dma_wait3A_93 = tpu.memref_slice %arg13[%dma_wait3A_92] : memref<1568xi32, #tpu.memory_space<vmem>> -> memref<128xi32, #tpu.memory_space<vmem>>
    %dma_wait3A_94 = arith.constant 0 : i32
    %dma_wait3A_95 = tpu.memref_slice %arg4[%dma_wait3A_94] : memref<100000xi32, #tpu.memory_space<hbm>> -> memref<100000xi32, #tpu.memory_space<hbm>>
    tpu.wait_indirect_dma semaphore(%arg23 : memref<!tpu.dma_semaphore, #tpu.memory_space<semaphore_mem>>) src(%dma_wait3A_95 : memref<100000xi32, #tpu.memory_space<hbm>>) dst(%dma_wait3A_91 : memref<128xi32, #tpu.memory_space<vmem>>)
    %dma_wait3A_96 = arith.constant 256 : i32
    %dma_wait3A_97 = tpu.memref_slice %arg18[%dma_wait3A_96] : memref<1568xi32, #tpu.memory_space<vmem>> -> memref<128xi32, #tpu.memory_space<vmem>>
    %dma_wait3A_98 = arith.constant 256 : i32
    %dma_wait3A_99 = tpu.memref_slice %arg14[%dma_wait3A_98] : memref<1568xi32, #tpu.memory_space<vmem>> -> memref<128xi32, #tpu.memory_space<vmem>>
    %dma_wait3A_100 = arith.constant 0 : i32
    %dma_wait3A_101 = tpu.memref_slice %arg4[%dma_wait3A_100] : memref<100000xi32, #tpu.memory_space<hbm>> -> memref<100000xi32, #tpu.memory_space<hbm>>
    tpu.wait_indirect_dma semaphore(%arg23 : memref<!tpu.dma_semaphore, #tpu.memory_space<semaphore_mem>>) src(%dma_wait3A_101 : memref<100000xi32, #tpu.memory_space<hbm>>) dst(%dma_wait3A_97 : memref<128xi32, #tpu.memory_space<vmem>>)
    %dma_wait3A_102 = arith.constant 384 : i32
    %dma_wait3A_103 = tpu.memref_slice %arg17[%dma_wait3A_102] : memref<1568xi32, #tpu.memory_space<vmem>> -> memref<128xi32, #tpu.memory_space<vmem>>
    %dma_wait3A_104 = arith.constant 384 : i32
    %dma_wait3A_105 = tpu.memref_slice %arg13[%dma_wait3A_104] : memref<1568xi32, #tpu.memory_space<vmem>> -> memref<128xi32, #tpu.memory_space<vmem>>
    %dma_wait3A_106 = arith.constant 0 : i32
    %dma_wait3A_107 = tpu.memref_slice %arg4[%dma_wait3A_106] : memref<100000xi32, #tpu.memory_space<hbm>> -> memref<100000xi32, #tpu.memory_space<hbm>>
    tpu.wait_indirect_dma semaphore(%arg23 : memref<!tpu.dma_semaphore, #tpu.memory_space<semaphore_mem>>) src(%dma_wait3A_107 : memref<100000xi32, #tpu.memory_space<hbm>>) dst(%dma_wait3A_103 : memref<128xi32, #tpu.memory_space<vmem>>)
    %dma_wait3A_108 = arith.constant 384 : i32
    %dma_wait3A_109 = tpu.memref_slice %arg18[%dma_wait3A_108] : memref<1568xi32, #tpu.memory_space<vmem>> -> memref<128xi32, #tpu.memory_space<vmem>>
    %dma_wait3A_110 = arith.constant 384 : i32
    %dma_wait3A_111 = tpu.memref_slice %arg14[%dma_wait3A_110] : memref<1568xi32, #tpu.memory_space<vmem>> -> memref<128xi32, #tpu.memory_space<vmem>>
    %dma_wait3A_112 = arith.constant 0 : i32
    %dma_wait3A_113 = tpu.memref_slice %arg4[%dma_wait3A_112] : memref<100000xi32, #tpu.memory_space<hbm>> -> memref<100000xi32, #tpu.memory_space<hbm>>
    tpu.wait_indirect_dma semaphore(%arg23 : memref<!tpu.dma_semaphore, #tpu.memory_space<semaphore_mem>>) src(%dma_wait3A_113 : memref<100000xi32, #tpu.memory_space<hbm>>) dst(%dma_wait3A_109 : memref<128xi32, #tpu.memory_space<vmem>>)
    %dma_start3A_114 = arith.constant 512 : i32
    %dma_start3A_115 = tpu.memref_slice %arg17[%dma_start3A_114] : memref<1568xi32, #tpu.memory_space<vmem>> -> memref<128xi32, #tpu.memory_space<vmem>>
    %dma_start3A_116 = arith.constant 512 : i32
    %dma_start3A_117 = tpu.memref_slice %arg13[%dma_start3A_116] : memref<1568xi32, #tpu.memory_space<vmem>> -> memref<128xi32, #tpu.memory_space<vmem>>
    %dma_start3A_118 = arith.constant 0 : i32
    %dma_start3A_119 = tpu.memref_slice %arg4[%dma_start3A_118] : memref<100000xi32, #tpu.memory_space<hbm>> -> memref<100000xi32, #tpu.memory_space<hbm>>
    tpu.enqueue_indirect_dma source(%dma_start3A_119 : memref<100000xi32, #tpu.memory_space<hbm>>) target(%dma_start3A_115 : memref<128xi32, #tpu.memory_space<vmem>>) offsets(%dma_start3A_117 : memref<128xi32, #tpu.memory_space<vmem>>) semaphore(%arg23 : memref<!tpu.dma_semaphore, #tpu.memory_space<semaphore_mem>>)
    %dma_start3A_120 = arith.constant 512 : i32
    %dma_start3A_121 = tpu.memref_slice %arg18[%dma_start3A_120] : memref<1568xi32, #tpu.memory_space<vmem>> -> memref<128xi32, #tpu.memory_space<vmem>>
    %dma_start3A_122 = arith.constant 512 : i32
    %dma_start3A_123 = tpu.memref_slice %arg14[%dma_start3A_122] : memref<1568xi32, #tpu.memory_space<vmem>> -> memref<128xi32, #tpu.memory_space<vmem>>
    %dma_start3A_124 = arith.constant 0 : i32
    %dma_start3A_125 = tpu.memref_slice %arg4[%dma_start3A_124] : memref<100000xi32, #tpu.memory_space<hbm>> -> memref<100000xi32, #tpu.memory_space<hbm>>
    tpu.enqueue_indirect_dma source(%dma_start3A_125 : memref<100000xi32, #tpu.memory_space<hbm>>) target(%dma_start3A_121 : memref<128xi32, #tpu.memory_space<vmem>>) offsets(%dma_start3A_123 : memref<128xi32, #tpu.memory_space<vmem>>) semaphore(%arg23 : memref<!tpu.dma_semaphore, #tpu.memory_space<semaphore_mem>>)
    %dma_start3A_126 = arith.constant 640 : i32
    %dma_start3A_127 = tpu.memref_slice %arg17[%dma_start3A_126] : memref<1568xi32, #tpu.memory_space<vmem>> -> memref<128xi32, #tpu.memory_space<vmem>>
    %dma_start3A_128 = arith.constant 640 : i32
    %dma_start3A_129 = tpu.memref_slice %arg13[%dma_start3A_128] : memref<1568xi32, #tpu.memory_space<vmem>> -> memref<128xi32, #tpu.memory_space<vmem>>
    %dma_start3A_130 = arith.constant 0 : i32
    %dma_start3A_131 = tpu.memref_slice %arg4[%dma_start3A_130] : memref<100000xi32, #tpu.memory_space<hbm>> -> memref<100000xi32, #tpu.memory_space<hbm>>
    tpu.enqueue_indirect_dma source(%dma_start3A_131 : memref<100000xi32, #tpu.memory_space<hbm>>) target(%dma_start3A_127 : memref<128xi32, #tpu.memory_space<vmem>>) offsets(%dma_start3A_129 : memref<128xi32, #tpu.memory_space<vmem>>) semaphore(%arg23 : memref<!tpu.dma_semaphore, #tpu.memory_space<semaphore_mem>>)
    %dma_start3A_132 = arith.constant 640 : i32
    %dma_start3A_133 = tpu.memref_slice %arg18[%dma_start3A_132] : memref<1568xi32, #tpu.memory_space<vmem>> -> memref<128xi32, #tpu.memory_space<vmem>>
    %dma_start3A_134 = arith.constant 640 : i32
    %dma_start3A_135 = tpu.memref_slice %arg14[%dma_start3A_134] : memref<1568xi32, #tpu.memory_space<vmem>> -> memref<128xi32, #tpu.memory_space<vmem>>
    %dma_start3A_136 = arith.constant 0 : i32
    %dma_start3A_137 = tpu.memref_slice %arg4[%dma_start3A_136] : memref<100000xi32, #tpu.memory_space<hbm>> -> memref<100000xi32, #tpu.memory_space<hbm>>
    tpu.enqueue_indirect_dma source(%dma_start3A_137 : memref<100000xi32, #tpu.memory_space<hbm>>) target(%dma_start3A_133 : memref<128xi32, #tpu.memory_space<vmem>>) offsets(%dma_start3A_135 : memref<128xi32, #tpu.memory_space<vmem>>) semaphore(%arg23 : memref<!tpu.dma_semaphore, #tpu.memory_space<semaphore_mem>>)
    %dma_start3A_138 = arith.constant 768 : i32
    %dma_start3A_139 = tpu.memref_slice %arg17[%dma_start3A_138] : memref<1568xi32, #tpu.memory_space<vmem>> -> memref<128xi32, #tpu.memory_space<vmem>>
    %dma_start3A_140 = arith.constant 768 : i32
    %dma_start3A_141 = tpu.memref_slice %arg13[%dma_start3A_140] : memref<1568xi32, #tpu.memory_space<vmem>> -> memref<128xi32, #tpu.memory_space<vmem>>
    %dma_start3A_142 = arith.constant 0 : i32
    %dma_start3A_143 = tpu.memref_slice %arg4[%dma_start3A_142] : memref<100000xi32, #tpu.memory_space<hbm>> -> memref<100000xi32, #tpu.memory_space<hbm>>
    tpu.enqueue_indirect_dma source(%dma_start3A_143 : memref<100000xi32, #tpu.memory_space<hbm>>) target(%dma_start3A_139 : memref<128xi32, #tpu.memory_space<vmem>>) offsets(%dma_start3A_141 : memref<128xi32, #tpu.memory_space<vmem>>) semaphore(%arg23 : memref<!tpu.dma_semaphore, #tpu.memory_space<semaphore_mem>>)
    %dma_start3A_144 = arith.constant 768 : i32
    %dma_start3A_145 = tpu.memref_slice %arg18[%dma_start3A_144] : memref<1568xi32, #tpu.memory_space<vmem>> -> memref<128xi32, #tpu.memory_space<vmem>>
    %dma_start3A_146 = arith.constant 768 : i32
    %dma_start3A_147 = tpu.memref_slice %arg14[%dma_start3A_146] : memref<1568xi32, #tpu.memory_space<vmem>> -> memref<128xi32, #tpu.memory_space<vmem>>
    %dma_start3A_148 = arith.constant 0 : i32
    %dma_start3A_149 = tpu.memref_slice %arg4[%dma_start3A_148] : memref<100000xi32, #tpu.memory_space<hbm>> -> memref<100000xi32, #tpu.memory_space<hbm>>
    tpu.enqueue_indirect_dma source(%dma_start3A_149 : memref<100000xi32, #tpu.memory_space<hbm>>) target(%dma_start3A_145 : memref<128xi32, #tpu.memory_space<vmem>>) offsets(%dma_start3A_147 : memref<128xi32, #tpu.memory_space<vmem>>) semaphore(%arg23 : memref<!tpu.dma_semaphore, #tpu.memory_space<semaphore_mem>>)
    %dma_start3A_150 = arith.constant 896 : i32
    %dma_start3A_151 = tpu.memref_slice %arg17[%dma_start3A_150] : memref<1568xi32, #tpu.memory_space<vmem>> -> memref<128xi32, #tpu.memory_space<vmem>>
    %dma_start3A_152 = arith.constant 896 : i32
    %dma_start3A_153 = tpu.memref_slice %arg13[%dma_start3A_152] : memref<1568xi32, #tpu.memory_space<vmem>> -> memref<128xi32, #tpu.memory_space<vmem>>
    %dma_start3A_154 = arith.constant 0 : i32
    %dma_start3A_155 = tpu.memref_slice %arg4[%dma_start3A_154] : memref<100000xi32, #tpu.memory_space<hbm>> -> memref<100000xi32, #tpu.memory_space<hbm>>
    tpu.enqueue_indirect_dma source(%dma_start3A_155 : memref<100000xi32, #tpu.memory_space<hbm>>) target(%dma_start3A_151 : memref<128xi32, #tpu.memory_space<vmem>>) offsets(%dma_start3A_153 : memref<128xi32, #tpu.memory_space<vmem>>) semaphore(%arg23 : memref<!tpu.dma_semaphore, #tpu.memory_space<semaphore_mem>>)
    %dma_start3A_156 = arith.constant 896 : i32
    %dma_start3A_157 = tpu.memref_slice %arg18[%dma_start3A_156] : memref<1568xi32, #tpu.memory_space<vmem>> -> memref<128xi32, #tpu.memory_space<vmem>>
    %dma_start3A_158 = arith.constant 896 : i32
    %dma_start3A_159 = tpu.memref_slice %arg14[%dma_start3A_158] : memref<1568xi32, #tpu.memory_space<vmem>> -> memref<128xi32, #tpu.memory_space<vmem>>
    %dma_start3A_160 = arith.constant 0 : i32
    %dma_start3A_161 = tpu.memref_slice %arg4[%dma_start3A_160] : memref<100000xi32, #tpu.memory_space<hbm>> -> memref<100000xi32, #tpu.memory_space<hbm>>
    tpu.enqueue_indirect_dma source(%dma_start3A_161 : memref<100000xi32, #tpu.memory_space<hbm>>) target(%dma_start3A_157 : memref<128xi32, #tpu.memory_space<vmem>>) offsets(%dma_start3A_159 : memref<128xi32, #tpu.memory_space<vmem>>) semaphore(%arg23 : memref<!tpu.dma_semaphore, #tpu.memory_space<semaphore_mem>>)
    %dma_wait3A_162 = arith.constant 512 : i32
    %dma_wait3A_163 = tpu.memref_slice %arg17[%dma_wait3A_162] : memref<1568xi32, #tpu.memory_space<vmem>> -> memref<128xi32, #tpu.memory_space<vmem>>
    %dma_wait3A_164 = arith.constant 512 : i32
    %dma_wait3A_165 = tpu.memref_slice %arg13[%dma_wait3A_164] : memref<1568xi32, #tpu.memory_space<vmem>> -> memref<128xi32, #tpu.memory_space<vmem>>
    %dma_wait3A_166 = arith.constant 0 : i32
    %dma_wait3A_167 = tpu.memref_slice %arg4[%dma_wait3A_166] : memref<100000xi32, #tpu.memory_space<hbm>> -> memref<100000xi32, #tpu.memory_space<hbm>>
    tpu.wait_indirect_dma semaphore(%arg23 : memref<!tpu.dma_semaphore, #tpu.memory_space<semaphore_mem>>) src(%dma_wait3A_167 : memref<100000xi32, #tpu.memory_space<hbm>>) dst(%dma_wait3A_163 : memref<128xi32, #tpu.memory_space<vmem>>)
    %dma_wait3A_168 = arith.constant 512 : i32
    %dma_wait3A_169 = tpu.memref_slice %arg18[%dma_wait3A_168] : memref<1568xi32, #tpu.memory_space<vmem>> -> memref<128xi32, #tpu.memory_space<vmem>>
    %dma_wait3A_170 = arith.constant 512 : i32
    %dma_wait3A_171 = tpu.memref_slice %arg14[%dma_wait3A_170] : memref<1568xi32, #tpu.memory_space<vmem>> -> memref<128xi32, #tpu.memory_space<vmem>>
    %dma_wait3A_172 = arith.constant 0 : i32
    %dma_wait3A_173 = tpu.memref_slice %arg4[%dma_wait3A_172] : memref<100000xi32, #tpu.memory_space<hbm>> -> memref<100000xi32, #tpu.memory_space<hbm>>
    tpu.wait_indirect_dma semaphore(%arg23 : memref<!tpu.dma_semaphore, #tpu.memory_space<semaphore_mem>>) src(%dma_wait3A_173 : memref<100000xi32, #tpu.memory_space<hbm>>) dst(%dma_wait3A_169 : memref<128xi32, #tpu.memory_space<vmem>>)
    %dma_wait3A_174 = arith.constant 640 : i32
    %dma_wait3A_175 = tpu.memref_slice %arg17[%dma_wait3A_174] : memref<1568xi32, #tpu.memory_space<vmem>> -> memref<128xi32, #tpu.memory_space<vmem>>
    %dma_wait3A_176 = arith.constant 640 : i32
    %dma_wait3A_177 = tpu.memref_slice %arg13[%dma_wait3A_176] : memref<1568xi32, #tpu.memory_space<vmem>> -> memref<128xi32, #tpu.memory_space<vmem>>
    %dma_wait3A_178 = arith.constant 0 : i32
    %dma_wait3A_179 = tpu.memref_slice %arg4[%dma_wait3A_178] : memref<100000xi32, #tpu.memory_space<hbm>> -> memref<100000xi32, #tpu.memory_space<hbm>>
    tpu.wait_indirect_dma semaphore(%arg23 : memref<!tpu.dma_semaphore, #tpu.memory_space<semaphore_mem>>) src(%dma_wait3A_179 : memref<100000xi32, #tpu.memory_space<hbm>>) dst(%dma_wait3A_175 : memref<128xi32, #tpu.memory_space<vmem>>)
    %dma_wait3A_180 = arith.constant 640 : i32
    %dma_wait3A_181 = tpu.memref_slice %arg18[%dma_wait3A_180] : memref<1568xi32, #tpu.memory_space<vmem>> -> memref<128xi32, #tpu.memory_space<vmem>>
    %dma_wait3A_182 = arith.constant 640 : i32
    %dma_wait3A_183 = tpu.memref_slice %arg14[%dma_wait3A_182] : memref<1568xi32, #tpu.memory_space<vmem>> -> memref<128xi32, #tpu.memory_space<vmem>>
    %dma_wait3A_184 = arith.constant 0 : i32
    %dma_wait3A_185 = tpu.memref_slice %arg4[%dma_wait3A_184] : memref<100000xi32, #tpu.memory_space<hbm>> -> memref<100000xi32, #tpu.memory_space<hbm>>
    tpu.wait_indirect_dma semaphore(%arg23 : memref<!tpu.dma_semaphore, #tpu.memory_space<semaphore_mem>>) src(%dma_wait3A_185 : memref<100000xi32, #tpu.memory_space<hbm>>) dst(%dma_wait3A_181 : memref<128xi32, #tpu.memory_space<vmem>>)
    %dma_wait3A_186 = arith.constant 768 : i32
    %dma_wait3A_187 = tpu.memref_slice %arg17[%dma_wait3A_186] : memref<1568xi32, #tpu.memory_space<vmem>> -> memref<128xi32, #tpu.memory_space<vmem>>
    %dma_wait3A_188 = arith.constant 768 : i32
    %dma_wait3A_189 = tpu.memref_slice %arg13[%dma_wait3A_188] : memref<1568xi32, #tpu.memory_space<vmem>> -> memref<128xi32, #tpu.memory_space<vmem>>
    %dma_wait3A_190 = arith.constant 0 : i32
    %dma_wait3A_191 = tpu.memref_slice %arg4[%dma_wait3A_190] : memref<100000xi32, #tpu.memory_space<hbm>> -> memref<100000xi32, #tpu.memory_space<hbm>>
    tpu.wait_indirect_dma semaphore(%arg23 : memref<!tpu.dma_semaphore, #tpu.memory_space<semaphore_mem>>) src(%dma_wait3A_191 : memref<100000xi32, #tpu.memory_space<hbm>>) dst(%dma_wait3A_187 : memref<128xi32, #tpu.memory_space<vmem>>)
    %dma_wait3A_192 = arith.constant 768 : i32
    %dma_wait3A_193 = tpu.memref_slice %arg18[%dma_wait3A_192] : memref<1568xi32, #tpu.memory_space<vmem>> -> memref<128xi32, #tpu.memory_space<vmem>>
    %dma_wait3A_194 = arith.constant 768 : i32
    %dma_wait3A_195 = tpu.memref_slice %arg14[%dma_wait3A_194] : memref<1568xi32, #tpu.memory_space<vmem>> -> memref<128xi32, #tpu.memory_space<vmem>>
    %dma_wait3A_196 = arith.constant 0 : i32
    %dma_wait3A_197 = tpu.memref_slice %arg4[%dma_wait3A_196] : memref<100000xi32, #tpu.memory_space<hbm>> -> memref<100000xi32, #tpu.memory_space<hbm>>
    tpu.wait_indirect_dma semaphore(%arg23 : memref<!tpu.dma_semaphore, #tpu.memory_space<semaphore_mem>>) src(%dma_wait3A_197 : memref<100000xi32, #tpu.memory_space<hbm>>) dst(%dma_wait3A_193 : memref<128xi32, #tpu.memory_space<vmem>>)
    %dma_wait3A_198 = arith.constant 896 : i32
    %dma_wait3A_199 = tpu.memref_slice %arg17[%dma_wait3A_198] : memref<1568xi32, #tpu.memory_space<vmem>> -> memref<128xi32, #tpu.memory_space<vmem>>
    %dma_wait3A_200 = arith.constant 896 : i32
    %dma_wait3A_201 = tpu.memref_slice %arg13[%dma_wait3A_200] : memref<1568xi32, #tpu.memory_space<vmem>> -> memref<128xi32, #tpu.memory_space<vmem>>
    %dma_wait3A_202 = arith.constant 0 : i32
    %dma_wait3A_203 = tpu.memref_slice %arg4[%dma_wait3A_202] : memref<100000xi32, #tpu.memory_space<hbm>> -> memref<100000xi32, #tpu.memory_space<hbm>>
    tpu.wait_indirect_dma semaphore(%arg23 : memref<!tpu.dma_semaphore, #tpu.memory_space<semaphore_mem>>) src(%dma_wait3A_203 : memref<100000xi32, #tpu.memory_space<hbm>>) dst(%dma_wait3A_199 : memref<128xi32, #tpu.memory_space<vmem>>)
    %dma_wait3A_204 = arith.constant 896 : i32
    %dma_wait3A_205 = tpu.memref_slice %arg18[%dma_wait3A_204] : memref<1568xi32, #tpu.memory_space<vmem>> -> memref<128xi32, #tpu.memory_space<vmem>>
    %dma_wait3A_206 = arith.constant 896 : i32
    %dma_wait3A_207 = tpu.memref_slice %arg14[%dma_wait3A_206] : memref<1568xi32, #tpu.memory_space<vmem>> -> memref<128xi32, #tpu.memory_space<vmem>>
    %dma_wait3A_208 = arith.constant 0 : i32
    %dma_wait3A_209 = tpu.memref_slice %arg4[%dma_wait3A_208] : memref<100000xi32, #tpu.memory_space<hbm>> -> memref<100000xi32, #tpu.memory_space<hbm>>
    tpu.wait_indirect_dma semaphore(%arg23 : memref<!tpu.dma_semaphore, #tpu.memory_space<semaphore_mem>>) src(%dma_wait3A_209 : memref<100000xi32, #tpu.memory_space<hbm>>) dst(%dma_wait3A_205 : memref<128xi32, #tpu.memory_space<vmem>>)
    %dma_start3A_210 = arith.constant 1024 : i32
    %dma_start3A_211 = tpu.memref_slice %arg17[%dma_start3A_210] : memref<1568xi32, #tpu.memory_space<vmem>> -> memref<128xi32, #tpu.memory_space<vmem>>
    %dma_start3A_212 = arith.constant 1024 : i32
    %dma_start3A_213 = tpu.memref_slice %arg13[%dma_start3A_212] : memref<1568xi32, #tpu.memory_space<vmem>> -> memref<128xi32, #tpu.memory_space<vmem>>
    %dma_start3A_214 = arith.constant 0 : i32
    %dma_start3A_215 = tpu.memref_slice %arg4[%dma_start3A_214] : memref<100000xi32, #tpu.memory_space<hbm>> -> memref<100000xi32, #tpu.memory_space<hbm>>
    tpu.enqueue_indirect_dma source(%dma_start3A_215 : memref<100000xi32, #tpu.memory_space<hbm>>) target(%dma_start3A_211 : memref<128xi32, #tpu.memory_space<vmem>>) offsets(%dma_start3A_213 : memref<128xi32, #tpu.memory_space<vmem>>) semaphore(%arg23 : memref<!tpu.dma_semaphore, #tpu.memory_space<semaphore_mem>>)
    %dma_start3A_216 = arith.constant 1024 : i32
    %dma_start3A_217 = tpu.memref_slice %arg18[%dma_start3A_216] : memref<1568xi32, #tpu.memory_space<vmem>> -> memref<128xi32, #tpu.memory_space<vmem>>
    %dma_start3A_218 = arith.constant 1024 : i32
    %dma_start3A_219 = tpu.memref_slice %arg14[%dma_start3A_218] : memref<1568xi32, #tpu.memory_space<vmem>> -> memref<128xi32, #tpu.memory_space<vmem>>
    %dma_start3A_220 = arith.constant 0 : i32
    %dma_start3A_221 = tpu.memref_slice %arg4[%dma_start3A_220] : memref<100000xi32, #tpu.memory_space<hbm>> -> memref<100000xi32, #tpu.memory_space<hbm>>
    tpu.enqueue_indirect_dma source(%dma_start3A_221 : memref<100000xi32, #tpu.memory_space<hbm>>) target(%dma_start3A_217 : memref<128xi32, #tpu.memory_space<vmem>>) offsets(%dma_start3A_219 : memref<128xi32, #tpu.memory_space<vmem>>) semaphore(%arg23 : memref<!tpu.dma_semaphore, #tpu.memory_space<semaphore_mem>>)
    %dma_start3A_222 = arith.constant 1152 : i32
    %dma_start3A_223 = tpu.memref_slice %arg17[%dma_start3A_222] : memref<1568xi32, #tpu.memory_space<vmem>> -> memref<128xi32, #tpu.memory_space<vmem>>
    %dma_start3A_224 = arith.constant 1152 : i32
    %dma_start3A_225 = tpu.memref_slice %arg13[%dma_start3A_224] : memref<1568xi32, #tpu.memory_space<vmem>> -> memref<128xi32, #tpu.memory_space<vmem>>
    %dma_start3A_226 = arith.constant 0 : i32
    %dma_start3A_227 = tpu.memref_slice %arg4[%dma_start3A_226] : memref<100000xi32, #tpu.memory_space<hbm>> -> memref<100000xi32, #tpu.memory_space<hbm>>
    tpu.enqueue_indirect_dma source(%dma_start3A_227 : memref<100000xi32, #tpu.memory_space<hbm>>) target(%dma_start3A_223 : memref<128xi32, #tpu.memory_space<vmem>>) offsets(%dma_start3A_225 : memref<128xi32, #tpu.memory_space<vmem>>) semaphore(%arg23 : memref<!tpu.dma_semaphore, #tpu.memory_space<semaphore_mem>>)
    %dma_start3A_228 = arith.constant 1152 : i32
    %dma_start3A_229 = tpu.memref_slice %arg18[%dma_start3A_228] : memref<1568xi32, #tpu.memory_space<vmem>> -> memref<128xi32, #tpu.memory_space<vmem>>
    %dma_start3A_230 = arith.constant 1152 : i32
    %dma_start3A_231 = tpu.memref_slice %arg14[%dma_start3A_230] : memref<1568xi32, #tpu.memory_space<vmem>> -> memref<128xi32, #tpu.memory_space<vmem>>
    %dma_start3A_232 = arith.constant 0 : i32
    %dma_start3A_233 = tpu.memref_slice %arg4[%dma_start3A_232] : memref<100000xi32, #tpu.memory_space<hbm>> -> memref<100000xi32, #tpu.memory_space<hbm>>
    tpu.enqueue_indirect_dma source(%dma_start3A_233 : memref<100000xi32, #tpu.memory_space<hbm>>) target(%dma_start3A_229 : memref<128xi32, #tpu.memory_space<vmem>>) offsets(%dma_start3A_231 : memref<128xi32, #tpu.memory_space<vmem>>) semaphore(%arg23 : memref<!tpu.dma_semaphore, #tpu.memory_space<semaphore_mem>>)
    %dma_start3A_234 = arith.constant 1280 : i32
    %dma_start3A_235 = tpu.memref_slice %arg17[%dma_start3A_234] : memref<1568xi32, #tpu.memory_space<vmem>> -> memref<128xi32, #tpu.memory_space<vmem>>
    %dma_start3A_236 = arith.constant 1280 : i32
    %dma_start3A_237 = tpu.memref_slice %arg13[%dma_start3A_236] : memref<1568xi32, #tpu.memory_space<vmem>> -> memref<128xi32, #tpu.memory_space<vmem>>
    %dma_start3A_238 = arith.constant 0 : i32
    %dma_start3A_239 = tpu.memref_slice %arg4[%dma_start3A_238] : memref<100000xi32, #tpu.memory_space<hbm>> -> memref<100000xi32, #tpu.memory_space<hbm>>
    tpu.enqueue_indirect_dma source(%dma_start3A_239 : memref<100000xi32, #tpu.memory_space<hbm>>) target(%dma_start3A_235 : memref<128xi32, #tpu.memory_space<vmem>>) offsets(%dma_start3A_237 : memref<128xi32, #tpu.memory_space<vmem>>) semaphore(%arg23 : memref<!tpu.dma_semaphore, #tpu.memory_space<semaphore_mem>>)
    %dma_start3A_240 = arith.constant 1280 : i32
    %dma_start3A_241 = tpu.memref_slice %arg18[%dma_start3A_240] : memref<1568xi32, #tpu.memory_space<vmem>> -> memref<128xi32, #tpu.memory_space<vmem>>
    %dma_start3A_242 = arith.constant 1280 : i32
    %dma_start3A_243 = tpu.memref_slice %arg14[%dma_start3A_242] : memref<1568xi32, #tpu.memory_space<vmem>> -> memref<128xi32, #tpu.memory_space<vmem>>
    %dma_start3A_244 = arith.constant 0 : i32
    %dma_start3A_245 = tpu.memref_slice %arg4[%dma_start3A_244] : memref<100000xi32, #tpu.memory_space<hbm>> -> memref<100000xi32, #tpu.memory_space<hbm>>
    tpu.enqueue_indirect_dma source(%dma_start3A_245 : memref<100000xi32, #tpu.memory_space<hbm>>) target(%dma_start3A_241 : memref<128xi32, #tpu.memory_space<vmem>>) offsets(%dma_start3A_243 : memref<128xi32, #tpu.memory_space<vmem>>) semaphore(%arg23 : memref<!tpu.dma_semaphore, #tpu.memory_space<semaphore_mem>>)
    %dma_start3A_246 = arith.constant 1408 : i32
    %dma_start3A_247 = tpu.memref_slice %arg17[%dma_start3A_246] : memref<1568xi32, #tpu.memory_space<vmem>> -> memref<128xi32, #tpu.memory_space<vmem>>
    %dma_start3A_248 = arith.constant 1408 : i32
    %dma_start3A_249 = tpu.memref_slice %arg13[%dma_start3A_248] : memref<1568xi32, #tpu.memory_space<vmem>> -> memref<128xi32, #tpu.memory_space<vmem>>
    %dma_start3A_250 = arith.constant 0 : i32
    %dma_start3A_251 = tpu.memref_slice %arg4[%dma_start3A_250] : memref<100000xi32, #tpu.memory_space<hbm>> -> memref<100000xi32, #tpu.memory_space<hbm>>
    tpu.enqueue_indirect_dma source(%dma_start3A_251 : memref<100000xi32, #tpu.memory_space<hbm>>) target(%dma_start3A_247 : memref<128xi32, #tpu.memory_space<vmem>>) offsets(%dma_start3A_249 : memref<128xi32, #tpu.memory_space<vmem>>) semaphore(%arg23 : memref<!tpu.dma_semaphore, #tpu.memory_space<semaphore_mem>>)
    %dma_start3A_252 = arith.constant 1408 : i32
    %dma_start3A_253 = tpu.memref_slice %arg18[%dma_start3A_252] : memref<1568xi32, #tpu.memory_space<vmem>> -> memref<128xi32, #tpu.memory_space<vmem>>
    %dma_start3A_254 = arith.constant 1408 : i32
    %dma_start3A_255 = tpu.memref_slice %arg14[%dma_start3A_254] : memref<1568xi32, #tpu.memory_space<vmem>> -> memref<128xi32, #tpu.memory_space<vmem>>
    %dma_start3A_256 = arith.constant 0 : i32
    %dma_start3A_257 = tpu.memref_slice %arg4[%dma_start3A_256] : memref<100000xi32, #tpu.memory_space<hbm>> -> memref<100000xi32, #tpu.memory_space<hbm>>
    tpu.enqueue_indirect_dma source(%dma_start3A_257 : memref<100000xi32, #tpu.memory_space<hbm>>) target(%dma_start3A_253 : memref<128xi32, #tpu.memory_space<vmem>>) offsets(%dma_start3A_255 : memref<128xi32, #tpu.memory_space<vmem>>) semaphore(%arg23 : memref<!tpu.dma_semaphore, #tpu.memory_space<semaphore_mem>>)
    %dma_wait3A_258 = arith.constant 1024 : i32
    %dma_wait3A_259 = tpu.memref_slice %arg17[%dma_wait3A_258] : memref<1568xi32, #tpu.memory_space<vmem>> -> memref<128xi32, #tpu.memory_space<vmem>>
    %dma_wait3A_260 = arith.constant 1024 : i32
    %dma_wait3A_261 = tpu.memref_slice %arg13[%dma_wait3A_260] : memref<1568xi32, #tpu.memory_space<vmem>> -> memref<128xi32, #tpu.memory_space<vmem>>
    %dma_wait3A_262 = arith.constant 0 : i32
    %dma_wait3A_263 = tpu.memref_slice %arg4[%dma_wait3A_262] : memref<100000xi32, #tpu.memory_space<hbm>> -> memref<100000xi32, #tpu.memory_space<hbm>>
    tpu.wait_indirect_dma semaphore(%arg23 : memref<!tpu.dma_semaphore, #tpu.memory_space<semaphore_mem>>) src(%dma_wait3A_263 : memref<100000xi32, #tpu.memory_space<hbm>>) dst(%dma_wait3A_259 : memref<128xi32, #tpu.memory_space<vmem>>)
    %dma_wait3A_264 = arith.constant 1024 : i32
    %dma_wait3A_265 = tpu.memref_slice %arg18[%dma_wait3A_264] : memref<1568xi32, #tpu.memory_space<vmem>> -> memref<128xi32, #tpu.memory_space<vmem>>
    %dma_wait3A_266 = arith.constant 1024 : i32
    %dma_wait3A_267 = tpu.memref_slice %arg14[%dma_wait3A_266] : memref<1568xi32, #tpu.memory_space<vmem>> -> memref<128xi32, #tpu.memory_space<vmem>>
    %dma_wait3A_268 = arith.constant 0 : i32
    %dma_wait3A_269 = tpu.memref_slice %arg4[%dma_wait3A_268] : memref<100000xi32, #tpu.memory_space<hbm>> -> memref<100000xi32, #tpu.memory_space<hbm>>
    tpu.wait_indirect_dma semaphore(%arg23 : memref<!tpu.dma_semaphore, #tpu.memory_space<semaphore_mem>>) src(%dma_wait3A_269 : memref<100000xi32, #tpu.memory_space<hbm>>) dst(%dma_wait3A_265 : memref<128xi32, #tpu.memory_space<vmem>>)
    %dma_wait3A_270 = arith.constant 1152 : i32
    %dma_wait3A_271 = tpu.memref_slice %arg17[%dma_wait3A_270] : memref<1568xi32, #tpu.memory_space<vmem>> -> memref<128xi32, #tpu.memory_space<vmem>>
    %dma_wait3A_272 = arith.constant 1152 : i32
    %dma_wait3A_273 = tpu.memref_slice %arg13[%dma_wait3A_272] : memref<1568xi32, #tpu.memory_space<vmem>> -> memref<128xi32, #tpu.memory_space<vmem>>
    %dma_wait3A_274 = arith.constant 0 : i32
    %dma_wait3A_275 = tpu.memref_slice %arg4[%dma_wait3A_274] : memref<100000xi32, #tpu.memory_space<hbm>> -> memref<100000xi32, #tpu.memory_space<hbm>>
    tpu.wait_indirect_dma semaphore(%arg23 : memref<!tpu.dma_semaphore, #tpu.memory_space<semaphore_mem>>) src(%dma_wait3A_275 : memref<100000xi32, #tpu.memory_space<hbm>>) dst(%dma_wait3A_271 : memref<128xi32, #tpu.memory_space<vmem>>)
    %dma_wait3A_276 = arith.constant 1152 : i32
    %dma_wait3A_277 = tpu.memref_slice %arg18[%dma_wait3A_276] : memref<1568xi32, #tpu.memory_space<vmem>> -> memref<128xi32, #tpu.memory_space<vmem>>
    %dma_wait3A_278 = arith.constant 1152 : i32
    %dma_wait3A_279 = tpu.memref_slice %arg14[%dma_wait3A_278] : memref<1568xi32, #tpu.memory_space<vmem>> -> memref<128xi32, #tpu.memory_space<vmem>>
    %dma_wait3A_280 = arith.constant 0 : i32
    %dma_wait3A_281 = tpu.memref_slice %arg4[%dma_wait3A_280] : memref<100000xi32, #tpu.memory_space<hbm>> -> memref<100000xi32, #tpu.memory_space<hbm>>
    tpu.wait_indirect_dma semaphore(%arg23 : memref<!tpu.dma_semaphore, #tpu.memory_space<semaphore_mem>>) src(%dma_wait3A_281 : memref<100000xi32, #tpu.memory_space<hbm>>) dst(%dma_wait3A_277 : memref<128xi32, #tpu.memory_space<vmem>>)
    %dma_wait3A_282 = arith.constant 1280 : i32
    %dma_wait3A_283 = tpu.memref_slice %arg17[%dma_wait3A_282] : memref<1568xi32, #tpu.memory_space<vmem>> -> memref<128xi32, #tpu.memory_space<vmem>>
    %dma_wait3A_284 = arith.constant 1280 : i32
    %dma_wait3A_285 = tpu.memref_slice %arg13[%dma_wait3A_284] : memref<1568xi32, #tpu.memory_space<vmem>> -> memref<128xi32, #tpu.memory_space<vmem>>
    %dma_wait3A_286 = arith.constant 0 : i32
    %dma_wait3A_287 = tpu.memref_slice %arg4[%dma_wait3A_286] : memref<100000xi32, #tpu.memory_space<hbm>> -> memref<100000xi32, #tpu.memory_space<hbm>>
    tpu.wait_indirect_dma semaphore(%arg23 : memref<!tpu.dma_semaphore, #tpu.memory_space<semaphore_mem>>) src(%dma_wait3A_287 : memref<100000xi32, #tpu.memory_space<hbm>>) dst(%dma_wait3A_283 : memref<128xi32, #tpu.memory_space<vmem>>)
    %dma_wait3A_288 = arith.constant 1280 : i32
    %dma_wait3A_289 = tpu.memref_slice %arg18[%dma_wait3A_288] : memref<1568xi32, #tpu.memory_space<vmem>> -> memref<128xi32, #tpu.memory_space<vmem>>
    %dma_wait3A_290 = arith.constant 1280 : i32
    %dma_wait3A_291 = tpu.memref_slice %arg14[%dma_wait3A_290] : memref<1568xi32, #tpu.memory_space<vmem>> -> memref<128xi32, #tpu.memory_space<vmem>>
    %dma_wait3A_292 = arith.constant 0 : i32
    %dma_wait3A_293 = tpu.memref_slice %arg4[%dma_wait3A_292] : memref<100000xi32, #tpu.memory_space<hbm>> -> memref<100000xi32, #tpu.memory_space<hbm>>
    tpu.wait_indirect_dma semaphore(%arg23 : memref<!tpu.dma_semaphore, #tpu.memory_space<semaphore_mem>>) src(%dma_wait3A_293 : memref<100000xi32, #tpu.memory_space<hbm>>) dst(%dma_wait3A_289 : memref<128xi32, #tpu.memory_space<vmem>>)
    %dma_wait3A_294 = arith.constant 1408 : i32
    %dma_wait3A_295 = tpu.memref_slice %arg17[%dma_wait3A_294] : memref<1568xi32, #tpu.memory_space<vmem>> -> memref<128xi32, #tpu.memory_space<vmem>>
    %dma_wait3A_296 = arith.constant 1408 : i32
    %dma_wait3A_297 = tpu.memref_slice %arg13[%dma_wait3A_296] : memref<1568xi32, #tpu.memory_space<vmem>> -> memref<128xi32, #tpu.memory_space<vmem>>
    %dma_wait3A_298 = arith.constant 0 : i32
    %dma_wait3A_299 = tpu.memref_slice %arg4[%dma_wait3A_298] : memref<100000xi32, #tpu.memory_space<hbm>> -> memref<100000xi32, #tpu.memory_space<hbm>>
    tpu.wait_indirect_dma semaphore(%arg23 : memref<!tpu.dma_semaphore, #tpu.memory_space<semaphore_mem>>) src(%dma_wait3A_299 : memref<100000xi32, #tpu.memory_space<hbm>>) dst(%dma_wait3A_295 : memref<128xi32, #tpu.memory_space<vmem>>)
    %dma_wait3A_300 = arith.constant 1408 : i32
    %dma_wait3A_301 = tpu.memref_slice %arg18[%dma_wait3A_300] : memref<1568xi32, #tpu.memory_space<vmem>> -> memref<128xi32, #tpu.memory_space<vmem>>
    %dma_wait3A_302 = arith.constant 1408 : i32
    %dma_wait3A_303 = tpu.memref_slice %arg14[%dma_wait3A_302] : memref<1568xi32, #tpu.memory_space<vmem>> -> memref<128xi32, #tpu.memory_space<vmem>>
    %dma_wait3A_304 = arith.constant 0 : i32
    %dma_wait3A_305 = tpu.memref_slice %arg4[%dma_wait3A_304] : memref<100000xi32, #tpu.memory_space<hbm>> -> memref<100000xi32, #tpu.memory_space<hbm>>
    tpu.wait_indirect_dma semaphore(%arg23 : memref<!tpu.dma_semaphore, #tpu.memory_space<semaphore_mem>>) src(%dma_wait3A_305 : memref<100000xi32, #tpu.memory_space<hbm>>) dst(%dma_wait3A_301 : memref<128xi32, #tpu.memory_space<vmem>>)
    %dma_start3A_306 = arith.constant 1440 : i32
    %dma_start3A_307 = tpu.memref_slice %arg17[%dma_start3A_306] : memref<1568xi32, #tpu.memory_space<vmem>> -> memref<128xi32, #tpu.memory_space<vmem>>
    %dma_start3A_308 = arith.constant 1440 : i32
    %dma_start3A_309 = tpu.memref_slice %arg13[%dma_start3A_308] : memref<1568xi32, #tpu.memory_space<vmem>> -> memref<128xi32, #tpu.memory_space<vmem>>
    %dma_start3A_310 = arith.constant 0 : i32
    %dma_start3A_311 = tpu.memref_slice %arg4[%dma_start3A_310] : memref<100000xi32, #tpu.memory_space<hbm>> -> memref<100000xi32, #tpu.memory_space<hbm>>
    tpu.enqueue_indirect_dma source(%dma_start3A_311 : memref<100000xi32, #tpu.memory_space<hbm>>) target(%dma_start3A_307 : memref<128xi32, #tpu.memory_space<vmem>>) offsets(%dma_start3A_309 : memref<128xi32, #tpu.memory_space<vmem>>) semaphore(%arg23 : memref<!tpu.dma_semaphore, #tpu.memory_space<semaphore_mem>>)
    %dma_start3A_312 = arith.constant 1440 : i32
    %dma_start3A_313 = tpu.memref_slice %arg18[%dma_start3A_312] : memref<1568xi32, #tpu.memory_space<vmem>> -> memref<128xi32, #tpu.memory_space<vmem>>
    %dma_start3A_314 = arith.constant 1440 : i32
    %dma_start3A_315 = tpu.memref_slice %arg14[%dma_start3A_314] : memref<1568xi32, #tpu.memory_space<vmem>> -> memref<128xi32, #tpu.memory_space<vmem>>
    %dma_start3A_316 = arith.constant 0 : i32
    %dma_start3A_317 = tpu.memref_slice %arg4[%dma_start3A_316] : memref<100000xi32, #tpu.memory_space<hbm>> -> memref<100000xi32, #tpu.memory_space<hbm>>
    tpu.enqueue_indirect_dma source(%dma_start3A_317 : memref<100000xi32, #tpu.memory_space<hbm>>) target(%dma_start3A_313 : memref<128xi32, #tpu.memory_space<vmem>>) offsets(%dma_start3A_315 : memref<128xi32, #tpu.memory_space<vmem>>) semaphore(%arg23 : memref<!tpu.dma_semaphore, #tpu.memory_space<semaphore_mem>>)
    %dma_wait3A_318 = arith.constant 1440 : i32
    %dma_wait3A_319 = tpu.memref_slice %arg17[%dma_wait3A_318] : memref<1568xi32, #tpu.memory_space<vmem>> -> memref<128xi32, #tpu.memory_space<vmem>>
    %dma_wait3A_320 = arith.constant 1440 : i32
    %dma_wait3A_321 = tpu.memref_slice %arg13[%dma_wait3A_320] : memref<1568xi32, #tpu.memory_space<vmem>> -> memref<128xi32, #tpu.memory_space<vmem>>
    %dma_wait3A_322 = arith.constant 0 : i32
    %dma_wait3A_323 = tpu.memref_slice %arg4[%dma_wait3A_322] : memref<100000xi32, #tpu.memory_space<hbm>> -> memref<100000xi32, #tpu.memory_space<hbm>>
    tpu.wait_indirect_dma semaphore(%arg23 : memref<!tpu.dma_semaphore, #tpu.memory_space<semaphore_mem>>) src(%dma_wait3A_323 : memref<100000xi32, #tpu.memory_space<hbm>>) dst(%dma_wait3A_319 : memref<128xi32, #tpu.memory_space<vmem>>)
    %dma_wait3A_324 = arith.constant 1440 : i32
    %dma_wait3A_325 = tpu.memref_slice %arg18[%dma_wait3A_324] : memref<1568xi32, #tpu.memory_space<vmem>> -> memref<128xi32, #tpu.memory_space<vmem>>
    %dma_wait3A_326 = arith.constant 1440 : i32
    %dma_wait3A_327 = tpu.memref_slice %arg14[%dma_wait3A_326] : memref<1568xi32, #tpu.memory_space<vmem>> -> memref<128xi32, #tpu.memory_space<vmem>>
    %dma_wait3A_328 = arith.constant 0 : i32
    %dma_wait3A_329 = tpu.memref_slice %arg4[%dma_wait3A_328] : memref<100000xi32, #tpu.memory_space<hbm>> -> memref<100000xi32, #tpu.memory_space<hbm>>
    tpu.wait_indirect_dma semaphore(%arg23 : memref<!tpu.dma_semaphore, #tpu.memory_space<semaphore_mem>>) src(%dma_wait3A_329 : memref<100000xi32, #tpu.memory_space<hbm>>) dst(%dma_wait3A_325 : memref<128xi32, #tpu.memory_space<vmem>>)
    %scan3A = arith.constant 0 : i32
    %scan3A_330 = arith.constant 0 : i32
    %scan3A_331 = arith.constant 13 : i32
    %scan3A_332 = arith.addi %scan3A_330, %scan3A_331 : i32
    %scan3A_333 = arith.constant 1 : i32
    scf.for %scan3A_335 = %scan3A_330 to %scan3A_332 step %scan3A_333  : i32 {
      %mul3A_336 = arith.constant 128 : i32
      %mul3A_337 = arith.muli %scan3A_335, %mul3A_336 : i32
      %min3A_338 = arith.constant 1440 : i32
      %min3A_339 = arith.minsi %mul3A_337, %min3A_338 : i32
      %dma_start3A_340 = tpu.memref_slice %arg17[%min3A_339] : memref<1568xi32, #tpu.memory_space<vmem>> -> memref<128xi32, #tpu.memory_space<vmem>>
      %dma_start3A_341 = arith.constant 0 : i32
      %dma_start3A_342 = arith.constant 0 : i32
      %dma_start3A_343 = tpu.memref_slice %arg2[%dma_start3A_341, %dma_start3A_342] : memref<100000x128xf32, #tpu.memory_space<hbm>> -> memref<100000x128xf32, #tpu.memory_space<hbm>>
      tpu.enqueue_indirect_dma source(%dma_start3A_343 : memref<100000x128xf32, #tpu.memory_space<hbm>>) target(%arg19 : memref<128x128xf32, #tpu.memory_space<vmem>>) offsets(%dma_start3A_340 : memref<128xi32, #tpu.memory_space<vmem>>) semaphore(%arg24 : memref<!tpu.dma_semaphore, #tpu.memory_space<semaphore_mem>>)
      %dma_start3A_344 = tpu.memref_slice %arg18[%min3A_339] : memref<1568xi32, #tpu.memory_space<vmem>> -> memref<128xi32, #tpu.memory_space<vmem>>
      %dma_start3A_345 = arith.constant 0 : i32
      %dma_start3A_346 = arith.constant 0 : i32
      %dma_start3A_347 = tpu.memref_slice %arg2[%dma_start3A_345, %dma_start3A_346] : memref<100000x128xf32, #tpu.memory_space<hbm>> -> memref<100000x128xf32, #tpu.memory_space<hbm>>
      tpu.enqueue_indirect_dma source(%dma_start3A_347 : memref<100000x128xf32, #tpu.memory_space<hbm>>) target(%arg20 : memref<128x128xf32, #tpu.memory_space<vmem>>) offsets(%dma_start3A_344 : memref<128xi32, #tpu.memory_space<vmem>>) semaphore(%arg24 : memref<!tpu.dma_semaphore, #tpu.memory_space<semaphore_mem>>)
      %dma_start3A_348 = tpu.memref_slice %arg15[%min3A_339] : memref<1568xi32, #tpu.memory_space<vmem>> -> memref<128xi32, #tpu.memory_space<vmem>>
      %dma_start3A_349 = arith.constant 0 : i32
      %dma_start3A_350 = arith.constant 0 : i32
      %dma_start3A_351 = tpu.memref_slice %arg3[%dma_start3A_349, %dma_start3A_350] : memref<50000x128xf32, #tpu.memory_space<hbm>> -> memref<50000x128xf32, #tpu.memory_space<hbm>>
      tpu.enqueue_indirect_dma source(%dma_start3A_351 : memref<50000x128xf32, #tpu.memory_space<hbm>>) target(%arg21 : memref<128x128xf32, #tpu.memory_space<vmem>>) offsets(%dma_start3A_348 : memref<128xi32, #tpu.memory_space<vmem>>) semaphore(%arg24 : memref<!tpu.dma_semaphore, #tpu.memory_space<semaphore_mem>>)
      %dma_start3A_352 = tpu.memref_slice %arg16[%min3A_339] : memref<1568xi32, #tpu.memory_space<vmem>> -> memref<128xi32, #tpu.memory_space<vmem>>
      %dma_start3A_353 = arith.constant 0 : i32
      %dma_start3A_354 = arith.constant 0 : i32
      %dma_start3A_355 = tpu.memref_slice %arg3[%dma_start3A_353, %dma_start3A_354] : memref<50000x128xf32, #tpu.memory_space<hbm>> -> memref<50000x128xf32, #tpu.memory_space<hbm>>
      tpu.enqueue_indirect_dma source(%dma_start3A_355 : memref<50000x128xf32, #tpu.memory_space<hbm>>) target(%arg22 : memref<128x128xf32, #tpu.memory_space<vmem>>) offsets(%dma_start3A_352 : memref<128xi32, #tpu.memory_space<vmem>>) semaphore(%arg24 : memref<!tpu.dma_semaphore, #tpu.memory_space<semaphore_mem>>)
      %dma_wait3A_356 = tpu.memref_slice %arg17[%min3A_339] : memref<1568xi32, #tpu.memory_space<vmem>> -> memref<128xi32, #tpu.memory_space<vmem>>
      %dma_wait3A_357 = arith.constant 0 : i32
      %dma_wait3A_358 = arith.constant 0 : i32
      %dma_wait3A_359 = tpu.memref_slice %arg2[%dma_wait3A_357, %dma_wait3A_358] : memref<100000x128xf32, #tpu.memory_space<hbm>> -> memref<100000x128xf32, #tpu.memory_space<hbm>>
      tpu.wait_indirect_dma semaphore(%arg24 : memref<!tpu.dma_semaphore, #tpu.memory_space<semaphore_mem>>) src(%dma_wait3A_359 : memref<100000x128xf32, #tpu.memory_space<hbm>>) dst(%arg19 : memref<128x128xf32, #tpu.memory_space<vmem>>)
      %dma_wait3A_360 = tpu.memref_slice %arg18[%min3A_339] : memref<1568xi32, #tpu.memory_space<vmem>> -> memref<128xi32, #tpu.memory_space<vmem>>
      %dma_wait3A_361 = arith.constant 0 : i32
      %dma_wait3A_362 = arith.constant 0 : i32
      %dma_wait3A_363 = tpu.memref_slice %arg2[%dma_wait3A_361, %dma_wait3A_362] : memref<100000x128xf32, #tpu.memory_space<hbm>> -> memref<100000x128xf32, #tpu.memory_space<hbm>>
      tpu.wait_indirect_dma semaphore(%arg24 : memref<!tpu.dma_semaphore, #tpu.memory_space<semaphore_mem>>) src(%dma_wait3A_363 : memref<100000x128xf32, #tpu.memory_space<hbm>>) dst(%arg20 : memref<128x128xf32, #tpu.memory_space<vmem>>)
      %dma_wait3A_364 = tpu.memref_slice %arg15[%min3A_339] : memref<1568xi32, #tpu.memory_space<vmem>> -> memref<128xi32, #tpu.memory_space<vmem>>
      %dma_wait3A_365 = arith.constant 0 : i32
      %dma_wait3A_366 = arith.constant 0 : i32
      %dma_wait3A_367 = tpu.memref_slice %arg3[%dma_wait3A_365, %dma_wait3A_366] : memref<50000x128xf32, #tpu.memory_space<hbm>> -> memref<50000x128xf32, #tpu.memory_space<hbm>>
      tpu.wait_indirect_dma semaphore(%arg24 : memref<!tpu.dma_semaphore, #tpu.memory_space<semaphore_mem>>) src(%dma_wait3A_367 : memref<50000x128xf32, #tpu.memory_space<hbm>>) dst(%arg21 : memref<128x128xf32, #tpu.memory_space<vmem>>)
      %dma_wait3A_368 = tpu.memref_slice %arg16[%min3A_339] : memref<1568xi32, #tpu.memory_space<vmem>> -> memref<128xi32, #tpu.memory_space<vmem>>
      %dma_wait3A_369 = arith.constant 0 : i32
      %dma_wait3A_370 = arith.constant 0 : i32
      %dma_wait3A_371 = tpu.memref_slice %arg3[%dma_wait3A_369, %dma_wait3A_370] : memref<50000x128xf32, #tpu.memory_space<hbm>> -> memref<50000x128xf32, #tpu.memory_space<hbm>>
      tpu.wait_indirect_dma semaphore(%arg24 : memref<!tpu.dma_semaphore, #tpu.memory_space<semaphore_mem>>) src(%dma_wait3A_371 : memref<50000x128xf32, #tpu.memory_space<hbm>>) dst(%arg22 : memref<128x128xf32, #tpu.memory_space<vmem>>)
      %add3A_372 = arith.addi %min3A_3, %min3A_339 : i32
      %dma_start3A_373 = arith.constant 0 : i32
      %dma_start3A_374 = tpu.memref_slice %arg9[%add3A_372, %dma_start3A_373] : memref<50000x128xf32, #tpu.memory_space<hbm>> -> memref<128x128xf32, #tpu.memory_space<hbm>>
      %dma_start3A_375 = arith.constant 0 : i32
      %dma_start3A_376 = tpu.memref_slice %arg9[%add3A_372, %dma_start3A_375] : memref<50000x128xf32, #tpu.memory_space<hbm>> -> memref<128x128xf32, #tpu.memory_space<hbm>>
      tpu.enqueue_dma source(%arg19 : memref<128x128xf32, #tpu.memory_space<vmem>>) target(%dma_start3A_376 : memref<128x128xf32, #tpu.memory_space<hbm>>) target_semaphore(%arg25 : memref<!tpu.dma_semaphore, #tpu.memory_space<semaphore_mem>>)
      %add3A_377 = arith.addi %min3A_3, %min3A_339 : i32
      %dma_start3A_378 = arith.constant 0 : i32
      %dma_start3A_379 = tpu.memref_slice %arg10[%add3A_377, %dma_start3A_378] : memref<50000x128xf32, #tpu.memory_space<hbm>> -> memref<128x128xf32, #tpu.memory_space<hbm>>
      %dma_start3A_380 = arith.constant 0 : i32
      %dma_start3A_381 = tpu.memref_slice %arg10[%add3A_377, %dma_start3A_380] : memref<50000x128xf32, #tpu.memory_space<hbm>> -> memref<128x128xf32, #tpu.memory_space<hbm>>
      tpu.enqueue_dma source(%arg20 : memref<128x128xf32, #tpu.memory_space<vmem>>) target(%dma_start3A_381 : memref<128x128xf32, #tpu.memory_space<hbm>>) target_semaphore(%arg25 : memref<!tpu.dma_semaphore, #tpu.memory_space<semaphore_mem>>)
      %add3A_382 = arith.addi %min3A_3, %min3A_339 : i32
      %dma_start3A_383 = arith.constant 0 : i32
      %dma_start3A_384 = tpu.memref_slice %arg11[%add3A_382, %dma_start3A_383] : memref<50000x128xf32, #tpu.memory_space<hbm>> -> memref<128x128xf32, #tpu.memory_space<hbm>>
      %dma_start3A_385 = arith.constant 0 : i32
      %dma_start3A_386 = tpu.memref_slice %arg11[%add3A_382, %dma_start3A_385] : memref<50000x128xf32, #tpu.memory_space<hbm>> -> memref<128x128xf32, #tpu.memory_space<hbm>>
      tpu.enqueue_dma source(%arg21 : memref<128x128xf32, #tpu.memory_space<vmem>>) target(%dma_start3A_386 : memref<128x128xf32, #tpu.memory_space<hbm>>) target_semaphore(%arg25 : memref<!tpu.dma_semaphore, #tpu.memory_space<semaphore_mem>>)
      %add3A_387 = arith.addi %min3A_3, %min3A_339 : i32
      %dma_start3A_388 = arith.constant 0 : i32
      %dma_start3A_389 = tpu.memref_slice %arg12[%add3A_387, %dma_start3A_388] : memref<50000x128xf32, #tpu.memory_space<hbm>> -> memref<128x128xf32, #tpu.memory_space<hbm>>
      %dma_start3A_390 = arith.constant 0 : i32
      %dma_start3A_391 = tpu.memref_slice %arg12[%add3A_387, %dma_start3A_390] : memref<50000x128xf32, #tpu.memory_space<hbm>> -> memref<128x128xf32, #tpu.memory_space<hbm>>
      tpu.enqueue_dma source(%arg22 : memref<128x128xf32, #tpu.memory_space<vmem>>) target(%dma_start3A_391 : memref<128x128xf32, #tpu.memory_space<hbm>>) target_semaphore(%arg25 : memref<!tpu.dma_semaphore, #tpu.memory_space<semaphore_mem>>)
      %dma_wait3A_392 = arith.constant 0 : i32
      %dma_wait3A_393 = tpu.memref_slice %arg9[%add3A_372, %dma_wait3A_392] : memref<50000x128xf32, #tpu.memory_space<hbm>> -> memref<128x128xf32, #tpu.memory_space<hbm>>
      %dma_wait3A_394 = arith.constant 0 : i32
      %dma_wait3A_395 = tpu.memref_slice %arg9[%add3A_372, %dma_wait3A_394] : memref<50000x128xf32, #tpu.memory_space<hbm>> -> memref<128x128xf32, #tpu.memory_space<hbm>>
      tpu.wait_dma2 semaphore(%arg25 : memref<!tpu.dma_semaphore, #tpu.memory_space<semaphore_mem>>) src(%arg19 : memref<128x128xf32, #tpu.memory_space<vmem>>) dst(%dma_wait3A_395 : memref<128x128xf32, #tpu.memory_space<hbm>>)
      %dma_wait3A_396 = arith.constant 0 : i32
      %dma_wait3A_397 = tpu.memref_slice %arg10[%add3A_377, %dma_wait3A_396] : memref<50000x128xf32, #tpu.memory_space<hbm>> -> memref<128x128xf32, #tpu.memory_space<hbm>>
      %dma_wait3A_398 = arith.constant 0 : i32
      %dma_wait3A_399 = tpu.memref_slice %arg10[%add3A_377, %dma_wait3A_398] : memref<50000x128xf32, #tpu.memory_space<hbm>> -> memref<128x128xf32, #tpu.memory_space<hbm>>
      tpu.wait_dma2 semaphore(%arg25 : memref<!tpu.dma_semaphore, #tpu.memory_space<semaphore_mem>>) src(%arg20 : memref<128x128xf32, #tpu.memory_space<vmem>>) dst(%dma_wait3A_399 : memref<128x128xf32, #tpu.memory_space<hbm>>)
      %dma_wait3A_400 = arith.constant 0 : i32
      %dma_wait3A_401 = tpu.memref_slice %arg11[%add3A_382, %dma_wait3A_400] : memref<50000x128xf32, #tpu.memory_space<hbm>> -> memref<128x128xf32, #tpu.memory_space<hbm>>
      %dma_wait3A_402 = arith.constant 0 : i32
      %dma_wait3A_403 = tpu.memref_slice %arg11[%add3A_382, %dma_wait3A_402] : memref<50000x128xf32, #tpu.memory_space<hbm>> -> memref<128x128xf32, #tpu.memory_space<hbm>>
      tpu.wait_dma2 semaphore(%arg25 : memref<!tpu.dma_semaphore, #tpu.memory_space<semaphore_mem>>) src(%arg21 : memref<128x128xf32, #tpu.memory_space<vmem>>) dst(%dma_wait3A_403 : memref<128x128xf32, #tpu.memory_space<hbm>>)
      %dma_wait3A_404 = arith.constant 0 : i32
      %dma_wait3A_405 = tpu.memref_slice %arg12[%add3A_387, %dma_wait3A_404] : memref<50000x128xf32, #tpu.memory_space<hbm>> -> memref<128x128xf32, #tpu.memory_space<hbm>>
      %dma_wait3A_406 = arith.constant 0 : i32
      %dma_wait3A_407 = tpu.memref_slice %arg12[%add3A_387, %dma_wait3A_406] : memref<50000x128xf32, #tpu.memory_space<hbm>> -> memref<128x128xf32, #tpu.memory_space<hbm>>
      tpu.wait_dma2 semaphore(%arg25 : memref<!tpu.dma_semaphore, #tpu.memory_space<semaphore_mem>>) src(%arg22 : memref<128x128xf32, #tpu.memory_space<vmem>>) dst(%dma_wait3A_407 : memref<128x128xf32, #tpu.memory_space<hbm>>)
    }
    %scan3A_334 = arith.constant 13 : i32
    return
  }
}

#map = affine_map<(d0, d1) -> (0, 0)>
#map1 = affine_map<(d0, d1) -> (0)>
module attributes {stable_mosaic.version = 14 : i64} {
  func.func @k(%arg0: i32, %arg1: i32, %arg2: memref<200000x128xf32, #tpu.memory_space<hbm>>, %arg3: memref<200000xi32, #tpu.memory_space<hbm>>, %arg4: memref<163840xi32, #tpu.memory_space<hbm>>, %arg5: memref<163840x128xf32, #tpu.memory_space<hbm>>, %arg6: memref<5120xi32, #tpu.memory_space<vmem>>, %arg7: memref<5120xi32, #tpu.memory_space<vmem>>, %arg8: memref<256x128xf32, #tpu.memory_space<vmem>>, %arg9: memref<256x128xf32, #tpu.memory_space<vmem>>, %arg10: memref<!tpu.dma_semaphore, #tpu.memory_space<semaphore_mem>>, %arg11: memref<!tpu.dma_semaphore, #tpu.memory_space<semaphore_mem>>, %arg12: memref<!tpu.dma_semaphore, #tpu.memory_space<semaphore_mem>>) attributes {dimension_semantics = [#tpu.dimension_semantics<core_parallel>, #tpu.dimension_semantics<subcore_parallel>], iteration_bounds = array<i64: 2, 16>, scalar_prefetch = 0 : i64, scratch_operands = 7 : i64, tpu.core_type = #tpu.core_type<sc_vector_subcore>, window_params = [{transform_indices = #map}, {transform_indices = #map1}, {transform_indices = #map1}, {transform_indices = #map}]} {
    %mul3A = arith.constant 2 : i32
    %mul3A_0 = arith.muli %arg1, %mul3A : i32
    %add3A = arith.addi %mul3A_0, %arg0 : i32
    %mul3A_1 = arith.constant 5120 : i32
    %mul3A_2 = arith.muli %add3A, %mul3A_1 : i32
    "tpu.region"() ({
      %run_scoped3A = tpu.sem_alloc : memref<!tpu.dma_semaphore, #tpu.memory_space<semaphore_mem>>
      %dma_start3A_486 = tpu.memref_slice %arg4[%mul3A_2] : memref<163840xi32, #tpu.memory_space<hbm>> -> memref<5120xi32, #tpu.memory_space<hbm>>
      %dma_start3A_487 = tpu.memref_slice %arg4[%mul3A_2] : memref<163840xi32, #tpu.memory_space<hbm>> -> memref<5120xi32, #tpu.memory_space<hbm>>
      tpu.enqueue_dma source(%dma_start3A_487 : memref<5120xi32, #tpu.memory_space<hbm>>) target(%arg6 : memref<5120xi32, #tpu.memory_space<vmem>>) target_semaphore(%run_scoped3A : memref<!tpu.dma_semaphore, #tpu.memory_space<semaphore_mem>>)
      %dma_wait3A_488 = tpu.memref_slice %arg4[%mul3A_2] : memref<163840xi32, #tpu.memory_space<hbm>> -> memref<5120xi32, #tpu.memory_space<hbm>>
      %dma_wait3A_489 = tpu.memref_slice %arg4[%mul3A_2] : memref<163840xi32, #tpu.memory_space<hbm>> -> memref<5120xi32, #tpu.memory_space<hbm>>
      tpu.wait_dma2 semaphore(%run_scoped3A : memref<!tpu.dma_semaphore, #tpu.memory_space<semaphore_mem>>) src(%dma_wait3A_489 : memref<5120xi32, #tpu.memory_space<hbm>>) dst(%arg6 : memref<5120xi32, #tpu.memory_space<vmem>>)
      tpu.yield
    }) : () -> ()
    %dma_start3A = arith.constant 0 : i32
    %dma_start3A_3 = tpu.memref_slice %arg7[%dma_start3A] : memref<5120xi32, #tpu.memory_space<vmem>> -> memref<128xi32, #tpu.memory_space<vmem>>
    %dma_start3A_4 = arith.constant 0 : i32
    %dma_start3A_5 = tpu.memref_slice %arg6[%dma_start3A_4] : memref<5120xi32, #tpu.memory_space<vmem>> -> memref<128xi32, #tpu.memory_space<vmem>>
    %dma_start3A_6 = arith.constant 0 : i32
    %dma_start3A_7 = tpu.memref_slice %arg3[%dma_start3A_6] : memref<200000xi32, #tpu.memory_space<hbm>> -> memref<200000xi32, #tpu.memory_space<hbm>>
    tpu.enqueue_indirect_dma source(%dma_start3A_7 : memref<200000xi32, #tpu.memory_space<hbm>>) target(%dma_start3A_3 : memref<128xi32, #tpu.memory_space<vmem>>) offsets(%dma_start3A_5 : memref<128xi32, #tpu.memory_space<vmem>>) semaphore(%arg10 : memref<!tpu.dma_semaphore, #tpu.memory_space<semaphore_mem>>)
    %dma_start3A_8 = arith.constant 128 : i32
    %dma_start3A_9 = tpu.memref_slice %arg7[%dma_start3A_8] : memref<5120xi32, #tpu.memory_space<vmem>> -> memref<128xi32, #tpu.memory_space<vmem>>
    %dma_start3A_10 = arith.constant 128 : i32
    %dma_start3A_11 = tpu.memref_slice %arg6[%dma_start3A_10] : memref<5120xi32, #tpu.memory_space<vmem>> -> memref<128xi32, #tpu.memory_space<vmem>>
    %dma_start3A_12 = arith.constant 0 : i32
    %dma_start3A_13 = tpu.memref_slice %arg3[%dma_start3A_12] : memref<200000xi32, #tpu.memory_space<hbm>> -> memref<200000xi32, #tpu.memory_space<hbm>>
    tpu.enqueue_indirect_dma source(%dma_start3A_13 : memref<200000xi32, #tpu.memory_space<hbm>>) target(%dma_start3A_9 : memref<128xi32, #tpu.memory_space<vmem>>) offsets(%dma_start3A_11 : memref<128xi32, #tpu.memory_space<vmem>>) semaphore(%arg10 : memref<!tpu.dma_semaphore, #tpu.memory_space<semaphore_mem>>)
    %dma_start3A_14 = arith.constant 256 : i32
    %dma_start3A_15 = tpu.memref_slice %arg7[%dma_start3A_14] : memref<5120xi32, #tpu.memory_space<vmem>> -> memref<128xi32, #tpu.memory_space<vmem>>
    %dma_start3A_16 = arith.constant 256 : i32
    %dma_start3A_17 = tpu.memref_slice %arg6[%dma_start3A_16] : memref<5120xi32, #tpu.memory_space<vmem>> -> memref<128xi32, #tpu.memory_space<vmem>>
    %dma_start3A_18 = arith.constant 0 : i32
    %dma_start3A_19 = tpu.memref_slice %arg3[%dma_start3A_18] : memref<200000xi32, #tpu.memory_space<hbm>> -> memref<200000xi32, #tpu.memory_space<hbm>>
    tpu.enqueue_indirect_dma source(%dma_start3A_19 : memref<200000xi32, #tpu.memory_space<hbm>>) target(%dma_start3A_15 : memref<128xi32, #tpu.memory_space<vmem>>) offsets(%dma_start3A_17 : memref<128xi32, #tpu.memory_space<vmem>>) semaphore(%arg10 : memref<!tpu.dma_semaphore, #tpu.memory_space<semaphore_mem>>)
    %dma_start3A_20 = arith.constant 384 : i32
    %dma_start3A_21 = tpu.memref_slice %arg7[%dma_start3A_20] : memref<5120xi32, #tpu.memory_space<vmem>> -> memref<128xi32, #tpu.memory_space<vmem>>
    %dma_start3A_22 = arith.constant 384 : i32
    %dma_start3A_23 = tpu.memref_slice %arg6[%dma_start3A_22] : memref<5120xi32, #tpu.memory_space<vmem>> -> memref<128xi32, #tpu.memory_space<vmem>>
    %dma_start3A_24 = arith.constant 0 : i32
    %dma_start3A_25 = tpu.memref_slice %arg3[%dma_start3A_24] : memref<200000xi32, #tpu.memory_space<hbm>> -> memref<200000xi32, #tpu.memory_space<hbm>>
    tpu.enqueue_indirect_dma source(%dma_start3A_25 : memref<200000xi32, #tpu.memory_space<hbm>>) target(%dma_start3A_21 : memref<128xi32, #tpu.memory_space<vmem>>) offsets(%dma_start3A_23 : memref<128xi32, #tpu.memory_space<vmem>>) semaphore(%arg10 : memref<!tpu.dma_semaphore, #tpu.memory_space<semaphore_mem>>)
    %dma_start3A_26 = arith.constant 512 : i32
    %dma_start3A_27 = tpu.memref_slice %arg7[%dma_start3A_26] : memref<5120xi32, #tpu.memory_space<vmem>> -> memref<128xi32, #tpu.memory_space<vmem>>
    %dma_start3A_28 = arith.constant 512 : i32
    %dma_start3A_29 = tpu.memref_slice %arg6[%dma_start3A_28] : memref<5120xi32, #tpu.memory_space<vmem>> -> memref<128xi32, #tpu.memory_space<vmem>>
    %dma_start3A_30 = arith.constant 0 : i32
    %dma_start3A_31 = tpu.memref_slice %arg3[%dma_start3A_30] : memref<200000xi32, #tpu.memory_space<hbm>> -> memref<200000xi32, #tpu.memory_space<hbm>>
    tpu.enqueue_indirect_dma source(%dma_start3A_31 : memref<200000xi32, #tpu.memory_space<hbm>>) target(%dma_start3A_27 : memref<128xi32, #tpu.memory_space<vmem>>) offsets(%dma_start3A_29 : memref<128xi32, #tpu.memory_space<vmem>>) semaphore(%arg10 : memref<!tpu.dma_semaphore, #tpu.memory_space<semaphore_mem>>)
    %dma_start3A_32 = arith.constant 640 : i32
    %dma_start3A_33 = tpu.memref_slice %arg7[%dma_start3A_32] : memref<5120xi32, #tpu.memory_space<vmem>> -> memref<128xi32, #tpu.memory_space<vmem>>
    %dma_start3A_34 = arith.constant 640 : i32
    %dma_start3A_35 = tpu.memref_slice %arg6[%dma_start3A_34] : memref<5120xi32, #tpu.memory_space<vmem>> -> memref<128xi32, #tpu.memory_space<vmem>>
    %dma_start3A_36 = arith.constant 0 : i32
    %dma_start3A_37 = tpu.memref_slice %arg3[%dma_start3A_36] : memref<200000xi32, #tpu.memory_space<hbm>> -> memref<200000xi32, #tpu.memory_space<hbm>>
    tpu.enqueue_indirect_dma source(%dma_start3A_37 : memref<200000xi32, #tpu.memory_space<hbm>>) target(%dma_start3A_33 : memref<128xi32, #tpu.memory_space<vmem>>) offsets(%dma_start3A_35 : memref<128xi32, #tpu.memory_space<vmem>>) semaphore(%arg10 : memref<!tpu.dma_semaphore, #tpu.memory_space<semaphore_mem>>)
    %dma_start3A_38 = arith.constant 768 : i32
    %dma_start3A_39 = tpu.memref_slice %arg7[%dma_start3A_38] : memref<5120xi32, #tpu.memory_space<vmem>> -> memref<128xi32, #tpu.memory_space<vmem>>
    %dma_start3A_40 = arith.constant 768 : i32
    %dma_start3A_41 = tpu.memref_slice %arg6[%dma_start3A_40] : memref<5120xi32, #tpu.memory_space<vmem>> -> memref<128xi32, #tpu.memory_space<vmem>>
    %dma_start3A_42 = arith.constant 0 : i32
    %dma_start3A_43 = tpu.memref_slice %arg3[%dma_start3A_42] : memref<200000xi32, #tpu.memory_space<hbm>> -> memref<200000xi32, #tpu.memory_space<hbm>>
    tpu.enqueue_indirect_dma source(%dma_start3A_43 : memref<200000xi32, #tpu.memory_space<hbm>>) target(%dma_start3A_39 : memref<128xi32, #tpu.memory_space<vmem>>) offsets(%dma_start3A_41 : memref<128xi32, #tpu.memory_space<vmem>>) semaphore(%arg10 : memref<!tpu.dma_semaphore, #tpu.memory_space<semaphore_mem>>)
    %dma_start3A_44 = arith.constant 896 : i32
    %dma_start3A_45 = tpu.memref_slice %arg7[%dma_start3A_44] : memref<5120xi32, #tpu.memory_space<vmem>> -> memref<128xi32, #tpu.memory_space<vmem>>
    %dma_start3A_46 = arith.constant 896 : i32
    %dma_start3A_47 = tpu.memref_slice %arg6[%dma_start3A_46] : memref<5120xi32, #tpu.memory_space<vmem>> -> memref<128xi32, #tpu.memory_space<vmem>>
    %dma_start3A_48 = arith.constant 0 : i32
    %dma_start3A_49 = tpu.memref_slice %arg3[%dma_start3A_48] : memref<200000xi32, #tpu.memory_space<hbm>> -> memref<200000xi32, #tpu.memory_space<hbm>>
    tpu.enqueue_indirect_dma source(%dma_start3A_49 : memref<200000xi32, #tpu.memory_space<hbm>>) target(%dma_start3A_45 : memref<128xi32, #tpu.memory_space<vmem>>) offsets(%dma_start3A_47 : memref<128xi32, #tpu.memory_space<vmem>>) semaphore(%arg10 : memref<!tpu.dma_semaphore, #tpu.memory_space<semaphore_mem>>)
    %dma_wait3A = arith.constant 0 : i32
    %dma_wait3A_50 = tpu.memref_slice %arg7[%dma_wait3A] : memref<5120xi32, #tpu.memory_space<vmem>> -> memref<128xi32, #tpu.memory_space<vmem>>
    %dma_wait3A_51 = arith.constant 0 : i32
    %dma_wait3A_52 = tpu.memref_slice %arg6[%dma_wait3A_51] : memref<5120xi32, #tpu.memory_space<vmem>> -> memref<128xi32, #tpu.memory_space<vmem>>
    %dma_wait3A_53 = arith.constant 0 : i32
    %dma_wait3A_54 = tpu.memref_slice %arg3[%dma_wait3A_53] : memref<200000xi32, #tpu.memory_space<hbm>> -> memref<200000xi32, #tpu.memory_space<hbm>>
    tpu.wait_indirect_dma semaphore(%arg10 : memref<!tpu.dma_semaphore, #tpu.memory_space<semaphore_mem>>) src(%dma_wait3A_54 : memref<200000xi32, #tpu.memory_space<hbm>>) dst(%dma_wait3A_50 : memref<128xi32, #tpu.memory_space<vmem>>)
    %dma_wait3A_55 = arith.constant 128 : i32
    %dma_wait3A_56 = tpu.memref_slice %arg7[%dma_wait3A_55] : memref<5120xi32, #tpu.memory_space<vmem>> -> memref<128xi32, #tpu.memory_space<vmem>>
    %dma_wait3A_57 = arith.constant 128 : i32
    %dma_wait3A_58 = tpu.memref_slice %arg6[%dma_wait3A_57] : memref<5120xi32, #tpu.memory_space<vmem>> -> memref<128xi32, #tpu.memory_space<vmem>>
    %dma_wait3A_59 = arith.constant 0 : i32
    %dma_wait3A_60 = tpu.memref_slice %arg3[%dma_wait3A_59] : memref<200000xi32, #tpu.memory_space<hbm>> -> memref<200000xi32, #tpu.memory_space<hbm>>
    tpu.wait_indirect_dma semaphore(%arg10 : memref<!tpu.dma_semaphore, #tpu.memory_space<semaphore_mem>>) src(%dma_wait3A_60 : memref<200000xi32, #tpu.memory_space<hbm>>) dst(%dma_wait3A_56 : memref<128xi32, #tpu.memory_space<vmem>>)
    %dma_wait3A_61 = arith.constant 256 : i32
    %dma_wait3A_62 = tpu.memref_slice %arg7[%dma_wait3A_61] : memref<5120xi32, #tpu.memory_space<vmem>> -> memref<128xi32, #tpu.memory_space<vmem>>
    %dma_wait3A_63 = arith.constant 256 : i32
    %dma_wait3A_64 = tpu.memref_slice %arg6[%dma_wait3A_63] : memref<5120xi32, #tpu.memory_space<vmem>> -> memref<128xi32, #tpu.memory_space<vmem>>
    %dma_wait3A_65 = arith.constant 0 : i32
    %dma_wait3A_66 = tpu.memref_slice %arg3[%dma_wait3A_65] : memref<200000xi32, #tpu.memory_space<hbm>> -> memref<200000xi32, #tpu.memory_space<hbm>>
    tpu.wait_indirect_dma semaphore(%arg10 : memref<!tpu.dma_semaphore, #tpu.memory_space<semaphore_mem>>) src(%dma_wait3A_66 : memref<200000xi32, #tpu.memory_space<hbm>>) dst(%dma_wait3A_62 : memref<128xi32, #tpu.memory_space<vmem>>)
    %dma_wait3A_67 = arith.constant 384 : i32
    %dma_wait3A_68 = tpu.memref_slice %arg7[%dma_wait3A_67] : memref<5120xi32, #tpu.memory_space<vmem>> -> memref<128xi32, #tpu.memory_space<vmem>>
    %dma_wait3A_69 = arith.constant 384 : i32
    %dma_wait3A_70 = tpu.memref_slice %arg6[%dma_wait3A_69] : memref<5120xi32, #tpu.memory_space<vmem>> -> memref<128xi32, #tpu.memory_space<vmem>>
    %dma_wait3A_71 = arith.constant 0 : i32
    %dma_wait3A_72 = tpu.memref_slice %arg3[%dma_wait3A_71] : memref<200000xi32, #tpu.memory_space<hbm>> -> memref<200000xi32, #tpu.memory_space<hbm>>
    tpu.wait_indirect_dma semaphore(%arg10 : memref<!tpu.dma_semaphore, #tpu.memory_space<semaphore_mem>>) src(%dma_wait3A_72 : memref<200000xi32, #tpu.memory_space<hbm>>) dst(%dma_wait3A_68 : memref<128xi32, #tpu.memory_space<vmem>>)
    %dma_wait3A_73 = arith.constant 512 : i32
    %dma_wait3A_74 = tpu.memref_slice %arg7[%dma_wait3A_73] : memref<5120xi32, #tpu.memory_space<vmem>> -> memref<128xi32, #tpu.memory_space<vmem>>
    %dma_wait3A_75 = arith.constant 512 : i32
    %dma_wait3A_76 = tpu.memref_slice %arg6[%dma_wait3A_75] : memref<5120xi32, #tpu.memory_space<vmem>> -> memref<128xi32, #tpu.memory_space<vmem>>
    %dma_wait3A_77 = arith.constant 0 : i32
    %dma_wait3A_78 = tpu.memref_slice %arg3[%dma_wait3A_77] : memref<200000xi32, #tpu.memory_space<hbm>> -> memref<200000xi32, #tpu.memory_space<hbm>>
    tpu.wait_indirect_dma semaphore(%arg10 : memref<!tpu.dma_semaphore, #tpu.memory_space<semaphore_mem>>) src(%dma_wait3A_78 : memref<200000xi32, #tpu.memory_space<hbm>>) dst(%dma_wait3A_74 : memref<128xi32, #tpu.memory_space<vmem>>)
    %dma_wait3A_79 = arith.constant 640 : i32
    %dma_wait3A_80 = tpu.memref_slice %arg7[%dma_wait3A_79] : memref<5120xi32, #tpu.memory_space<vmem>> -> memref<128xi32, #tpu.memory_space<vmem>>
    %dma_wait3A_81 = arith.constant 640 : i32
    %dma_wait3A_82 = tpu.memref_slice %arg6[%dma_wait3A_81] : memref<5120xi32, #tpu.memory_space<vmem>> -> memref<128xi32, #tpu.memory_space<vmem>>
    %dma_wait3A_83 = arith.constant 0 : i32
    %dma_wait3A_84 = tpu.memref_slice %arg3[%dma_wait3A_83] : memref<200000xi32, #tpu.memory_space<hbm>> -> memref<200000xi32, #tpu.memory_space<hbm>>
    tpu.wait_indirect_dma semaphore(%arg10 : memref<!tpu.dma_semaphore, #tpu.memory_space<semaphore_mem>>) src(%dma_wait3A_84 : memref<200000xi32, #tpu.memory_space<hbm>>) dst(%dma_wait3A_80 : memref<128xi32, #tpu.memory_space<vmem>>)
    %dma_wait3A_85 = arith.constant 768 : i32
    %dma_wait3A_86 = tpu.memref_slice %arg7[%dma_wait3A_85] : memref<5120xi32, #tpu.memory_space<vmem>> -> memref<128xi32, #tpu.memory_space<vmem>>
    %dma_wait3A_87 = arith.constant 768 : i32
    %dma_wait3A_88 = tpu.memref_slice %arg6[%dma_wait3A_87] : memref<5120xi32, #tpu.memory_space<vmem>> -> memref<128xi32, #tpu.memory_space<vmem>>
    %dma_wait3A_89 = arith.constant 0 : i32
    %dma_wait3A_90 = tpu.memref_slice %arg3[%dma_wait3A_89] : memref<200000xi32, #tpu.memory_space<hbm>> -> memref<200000xi32, #tpu.memory_space<hbm>>
    tpu.wait_indirect_dma semaphore(%arg10 : memref<!tpu.dma_semaphore, #tpu.memory_space<semaphore_mem>>) src(%dma_wait3A_90 : memref<200000xi32, #tpu.memory_space<hbm>>) dst(%dma_wait3A_86 : memref<128xi32, #tpu.memory_space<vmem>>)
    %dma_wait3A_91 = arith.constant 896 : i32
    %dma_wait3A_92 = tpu.memref_slice %arg7[%dma_wait3A_91] : memref<5120xi32, #tpu.memory_space<vmem>> -> memref<128xi32, #tpu.memory_space<vmem>>
    %dma_wait3A_93 = arith.constant 896 : i32
    %dma_wait3A_94 = tpu.memref_slice %arg6[%dma_wait3A_93] : memref<5120xi32, #tpu.memory_space<vmem>> -> memref<128xi32, #tpu.memory_space<vmem>>
    %dma_wait3A_95 = arith.constant 0 : i32
    %dma_wait3A_96 = tpu.memref_slice %arg3[%dma_wait3A_95] : memref<200000xi32, #tpu.memory_space<hbm>> -> memref<200000xi32, #tpu.memory_space<hbm>>
    tpu.wait_indirect_dma semaphore(%arg10 : memref<!tpu.dma_semaphore, #tpu.memory_space<semaphore_mem>>) src(%dma_wait3A_96 : memref<200000xi32, #tpu.memory_space<hbm>>) dst(%dma_wait3A_92 : memref<128xi32, #tpu.memory_space<vmem>>)
    %dma_start3A_97 = arith.constant 1024 : i32
    %dma_start3A_98 = tpu.memref_slice %arg7[%dma_start3A_97] : memref<5120xi32, #tpu.memory_space<vmem>> -> memref<128xi32, #tpu.memory_space<vmem>>
    %dma_start3A_99 = arith.constant 1024 : i32
    %dma_start3A_100 = tpu.memref_slice %arg6[%dma_start3A_99] : memref<5120xi32, #tpu.memory_space<vmem>> -> memref<128xi32, #tpu.memory_space<vmem>>
    %dma_start3A_101 = arith.constant 0 : i32
    %dma_start3A_102 = tpu.memref_slice %arg3[%dma_start3A_101] : memref<200000xi32, #tpu.memory_space<hbm>> -> memref<200000xi32, #tpu.memory_space<hbm>>
    tpu.enqueue_indirect_dma source(%dma_start3A_102 : memref<200000xi32, #tpu.memory_space<hbm>>) target(%dma_start3A_98 : memref<128xi32, #tpu.memory_space<vmem>>) offsets(%dma_start3A_100 : memref<128xi32, #tpu.memory_space<vmem>>) semaphore(%arg10 : memref<!tpu.dma_semaphore, #tpu.memory_space<semaphore_mem>>)
    %dma_start3A_103 = arith.constant 1152 : i32
    %dma_start3A_104 = tpu.memref_slice %arg7[%dma_start3A_103] : memref<5120xi32, #tpu.memory_space<vmem>> -> memref<128xi32, #tpu.memory_space<vmem>>
    %dma_start3A_105 = arith.constant 1152 : i32
    %dma_start3A_106 = tpu.memref_slice %arg6[%dma_start3A_105] : memref<5120xi32, #tpu.memory_space<vmem>> -> memref<128xi32, #tpu.memory_space<vmem>>
    %dma_start3A_107 = arith.constant 0 : i32
    %dma_start3A_108 = tpu.memref_slice %arg3[%dma_start3A_107] : memref<200000xi32, #tpu.memory_space<hbm>> -> memref<200000xi32, #tpu.memory_space<hbm>>
    tpu.enqueue_indirect_dma source(%dma_start3A_108 : memref<200000xi32, #tpu.memory_space<hbm>>) target(%dma_start3A_104 : memref<128xi32, #tpu.memory_space<vmem>>) offsets(%dma_start3A_106 : memref<128xi32, #tpu.memory_space<vmem>>) semaphore(%arg10 : memref<!tpu.dma_semaphore, #tpu.memory_space<semaphore_mem>>)
    %dma_start3A_109 = arith.constant 1280 : i32
    %dma_start3A_110 = tpu.memref_slice %arg7[%dma_start3A_109] : memref<5120xi32, #tpu.memory_space<vmem>> -> memref<128xi32, #tpu.memory_space<vmem>>
    %dma_start3A_111 = arith.constant 1280 : i32
    %dma_start3A_112 = tpu.memref_slice %arg6[%dma_start3A_111] : memref<5120xi32, #tpu.memory_space<vmem>> -> memref<128xi32, #tpu.memory_space<vmem>>
    %dma_start3A_113 = arith.constant 0 : i32
    %dma_start3A_114 = tpu.memref_slice %arg3[%dma_start3A_113] : memref<200000xi32, #tpu.memory_space<hbm>> -> memref<200000xi32, #tpu.memory_space<hbm>>
    tpu.enqueue_indirect_dma source(%dma_start3A_114 : memref<200000xi32, #tpu.memory_space<hbm>>) target(%dma_start3A_110 : memref<128xi32, #tpu.memory_space<vmem>>) offsets(%dma_start3A_112 : memref<128xi32, #tpu.memory_space<vmem>>) semaphore(%arg10 : memref<!tpu.dma_semaphore, #tpu.memory_space<semaphore_mem>>)
    %dma_start3A_115 = arith.constant 1408 : i32
    %dma_start3A_116 = tpu.memref_slice %arg7[%dma_start3A_115] : memref<5120xi32, #tpu.memory_space<vmem>> -> memref<128xi32, #tpu.memory_space<vmem>>
    %dma_start3A_117 = arith.constant 1408 : i32
    %dma_start3A_118 = tpu.memref_slice %arg6[%dma_start3A_117] : memref<5120xi32, #tpu.memory_space<vmem>> -> memref<128xi32, #tpu.memory_space<vmem>>
    %dma_start3A_119 = arith.constant 0 : i32
    %dma_start3A_120 = tpu.memref_slice %arg3[%dma_start3A_119] : memref<200000xi32, #tpu.memory_space<hbm>> -> memref<200000xi32, #tpu.memory_space<hbm>>
    tpu.enqueue_indirect_dma source(%dma_start3A_120 : memref<200000xi32, #tpu.memory_space<hbm>>) target(%dma_start3A_116 : memref<128xi32, #tpu.memory_space<vmem>>) offsets(%dma_start3A_118 : memref<128xi32, #tpu.memory_space<vmem>>) semaphore(%arg10 : memref<!tpu.dma_semaphore, #tpu.memory_space<semaphore_mem>>)
    %dma_start3A_121 = arith.constant 1536 : i32
    %dma_start3A_122 = tpu.memref_slice %arg7[%dma_start3A_121] : memref<5120xi32, #tpu.memory_space<vmem>> -> memref<128xi32, #tpu.memory_space<vmem>>
    %dma_start3A_123 = arith.constant 1536 : i32
    %dma_start3A_124 = tpu.memref_slice %arg6[%dma_start3A_123] : memref<5120xi32, #tpu.memory_space<vmem>> -> memref<128xi32, #tpu.memory_space<vmem>>
    %dma_start3A_125 = arith.constant 0 : i32
    %dma_start3A_126 = tpu.memref_slice %arg3[%dma_start3A_125] : memref<200000xi32, #tpu.memory_space<hbm>> -> memref<200000xi32, #tpu.memory_space<hbm>>
    tpu.enqueue_indirect_dma source(%dma_start3A_126 : memref<200000xi32, #tpu.memory_space<hbm>>) target(%dma_start3A_122 : memref<128xi32, #tpu.memory_space<vmem>>) offsets(%dma_start3A_124 : memref<128xi32, #tpu.memory_space<vmem>>) semaphore(%arg10 : memref<!tpu.dma_semaphore, #tpu.memory_space<semaphore_mem>>)
    %dma_start3A_127 = arith.constant 1664 : i32
    %dma_start3A_128 = tpu.memref_slice %arg7[%dma_start3A_127] : memref<5120xi32, #tpu.memory_space<vmem>> -> memref<128xi32, #tpu.memory_space<vmem>>
    %dma_start3A_129 = arith.constant 1664 : i32
    %dma_start3A_130 = tpu.memref_slice %arg6[%dma_start3A_129] : memref<5120xi32, #tpu.memory_space<vmem>> -> memref<128xi32, #tpu.memory_space<vmem>>
    %dma_start3A_131 = arith.constant 0 : i32
    %dma_start3A_132 = tpu.memref_slice %arg3[%dma_start3A_131] : memref<200000xi32, #tpu.memory_space<hbm>> -> memref<200000xi32, #tpu.memory_space<hbm>>
    tpu.enqueue_indirect_dma source(%dma_start3A_132 : memref<200000xi32, #tpu.memory_space<hbm>>) target(%dma_start3A_128 : memref<128xi32, #tpu.memory_space<vmem>>) offsets(%dma_start3A_130 : memref<128xi32, #tpu.memory_space<vmem>>) semaphore(%arg10 : memref<!tpu.dma_semaphore, #tpu.memory_space<semaphore_mem>>)
    %dma_start3A_133 = arith.constant 1792 : i32
    %dma_start3A_134 = tpu.memref_slice %arg7[%dma_start3A_133] : memref<5120xi32, #tpu.memory_space<vmem>> -> memref<128xi32, #tpu.memory_space<vmem>>
    %dma_start3A_135 = arith.constant 1792 : i32
    %dma_start3A_136 = tpu.memref_slice %arg6[%dma_start3A_135] : memref<5120xi32, #tpu.memory_space<vmem>> -> memref<128xi32, #tpu.memory_space<vmem>>
    %dma_start3A_137 = arith.constant 0 : i32
    %dma_start3A_138 = tpu.memref_slice %arg3[%dma_start3A_137] : memref<200000xi32, #tpu.memory_space<hbm>> -> memref<200000xi32, #tpu.memory_space<hbm>>
    tpu.enqueue_indirect_dma source(%dma_start3A_138 : memref<200000xi32, #tpu.memory_space<hbm>>) target(%dma_start3A_134 : memref<128xi32, #tpu.memory_space<vmem>>) offsets(%dma_start3A_136 : memref<128xi32, #tpu.memory_space<vmem>>) semaphore(%arg10 : memref<!tpu.dma_semaphore, #tpu.memory_space<semaphore_mem>>)
    %dma_start3A_139 = arith.constant 1920 : i32
    %dma_start3A_140 = tpu.memref_slice %arg7[%dma_start3A_139] : memref<5120xi32, #tpu.memory_space<vmem>> -> memref<128xi32, #tpu.memory_space<vmem>>
    %dma_start3A_141 = arith.constant 1920 : i32
    %dma_start3A_142 = tpu.memref_slice %arg6[%dma_start3A_141] : memref<5120xi32, #tpu.memory_space<vmem>> -> memref<128xi32, #tpu.memory_space<vmem>>
    %dma_start3A_143 = arith.constant 0 : i32
    %dma_start3A_144 = tpu.memref_slice %arg3[%dma_start3A_143] : memref<200000xi32, #tpu.memory_space<hbm>> -> memref<200000xi32, #tpu.memory_space<hbm>>
    tpu.enqueue_indirect_dma source(%dma_start3A_144 : memref<200000xi32, #tpu.memory_space<hbm>>) target(%dma_start3A_140 : memref<128xi32, #tpu.memory_space<vmem>>) offsets(%dma_start3A_142 : memref<128xi32, #tpu.memory_space<vmem>>) semaphore(%arg10 : memref<!tpu.dma_semaphore, #tpu.memory_space<semaphore_mem>>)
    %dma_wait3A_145 = arith.constant 1024 : i32
    %dma_wait3A_146 = tpu.memref_slice %arg7[%dma_wait3A_145] : memref<5120xi32, #tpu.memory_space<vmem>> -> memref<128xi32, #tpu.memory_space<vmem>>
    %dma_wait3A_147 = arith.constant 1024 : i32
    %dma_wait3A_148 = tpu.memref_slice %arg6[%dma_wait3A_147] : memref<5120xi32, #tpu.memory_space<vmem>> -> memref<128xi32, #tpu.memory_space<vmem>>
    %dma_wait3A_149 = arith.constant 0 : i32
    %dma_wait3A_150 = tpu.memref_slice %arg3[%dma_wait3A_149] : memref<200000xi32, #tpu.memory_space<hbm>> -> memref<200000xi32, #tpu.memory_space<hbm>>
    tpu.wait_indirect_dma semaphore(%arg10 : memref<!tpu.dma_semaphore, #tpu.memory_space<semaphore_mem>>) src(%dma_wait3A_150 : memref<200000xi32, #tpu.memory_space<hbm>>) dst(%dma_wait3A_146 : memref<128xi32, #tpu.memory_space<vmem>>)
    %dma_wait3A_151 = arith.constant 1152 : i32
    %dma_wait3A_152 = tpu.memref_slice %arg7[%dma_wait3A_151] : memref<5120xi32, #tpu.memory_space<vmem>> -> memref<128xi32, #tpu.memory_space<vmem>>
    %dma_wait3A_153 = arith.constant 1152 : i32
    %dma_wait3A_154 = tpu.memref_slice %arg6[%dma_wait3A_153] : memref<5120xi32, #tpu.memory_space<vmem>> -> memref<128xi32, #tpu.memory_space<vmem>>
    %dma_wait3A_155 = arith.constant 0 : i32
    %dma_wait3A_156 = tpu.memref_slice %arg3[%dma_wait3A_155] : memref<200000xi32, #tpu.memory_space<hbm>> -> memref<200000xi32, #tpu.memory_space<hbm>>
    tpu.wait_indirect_dma semaphore(%arg10 : memref<!tpu.dma_semaphore, #tpu.memory_space<semaphore_mem>>) src(%dma_wait3A_156 : memref<200000xi32, #tpu.memory_space<hbm>>) dst(%dma_wait3A_152 : memref<128xi32, #tpu.memory_space<vmem>>)
    %dma_wait3A_157 = arith.constant 1280 : i32
    %dma_wait3A_158 = tpu.memref_slice %arg7[%dma_wait3A_157] : memref<5120xi32, #tpu.memory_space<vmem>> -> memref<128xi32, #tpu.memory_space<vmem>>
    %dma_wait3A_159 = arith.constant 1280 : i32
    %dma_wait3A_160 = tpu.memref_slice %arg6[%dma_wait3A_159] : memref<5120xi32, #tpu.memory_space<vmem>> -> memref<128xi32, #tpu.memory_space<vmem>>
    %dma_wait3A_161 = arith.constant 0 : i32
    %dma_wait3A_162 = tpu.memref_slice %arg3[%dma_wait3A_161] : memref<200000xi32, #tpu.memory_space<hbm>> -> memref<200000xi32, #tpu.memory_space<hbm>>
    tpu.wait_indirect_dma semaphore(%arg10 : memref<!tpu.dma_semaphore, #tpu.memory_space<semaphore_mem>>) src(%dma_wait3A_162 : memref<200000xi32, #tpu.memory_space<hbm>>) dst(%dma_wait3A_158 : memref<128xi32, #tpu.memory_space<vmem>>)
    %dma_wait3A_163 = arith.constant 1408 : i32
    %dma_wait3A_164 = tpu.memref_slice %arg7[%dma_wait3A_163] : memref<5120xi32, #tpu.memory_space<vmem>> -> memref<128xi32, #tpu.memory_space<vmem>>
    %dma_wait3A_165 = arith.constant 1408 : i32
    %dma_wait3A_166 = tpu.memref_slice %arg6[%dma_wait3A_165] : memref<5120xi32, #tpu.memory_space<vmem>> -> memref<128xi32, #tpu.memory_space<vmem>>
    %dma_wait3A_167 = arith.constant 0 : i32
    %dma_wait3A_168 = tpu.memref_slice %arg3[%dma_wait3A_167] : memref<200000xi32, #tpu.memory_space<hbm>> -> memref<200000xi32, #tpu.memory_space<hbm>>
    tpu.wait_indirect_dma semaphore(%arg10 : memref<!tpu.dma_semaphore, #tpu.memory_space<semaphore_mem>>) src(%dma_wait3A_168 : memref<200000xi32, #tpu.memory_space<hbm>>) dst(%dma_wait3A_164 : memref<128xi32, #tpu.memory_space<vmem>>)
    %dma_wait3A_169 = arith.constant 1536 : i32
    %dma_wait3A_170 = tpu.memref_slice %arg7[%dma_wait3A_169] : memref<5120xi32, #tpu.memory_space<vmem>> -> memref<128xi32, #tpu.memory_space<vmem>>
    %dma_wait3A_171 = arith.constant 1536 : i32
    %dma_wait3A_172 = tpu.memref_slice %arg6[%dma_wait3A_171] : memref<5120xi32, #tpu.memory_space<vmem>> -> memref<128xi32, #tpu.memory_space<vmem>>
    %dma_wait3A_173 = arith.constant 0 : i32
    %dma_wait3A_174 = tpu.memref_slice %arg3[%dma_wait3A_173] : memref<200000xi32, #tpu.memory_space<hbm>> -> memref<200000xi32, #tpu.memory_space<hbm>>
    tpu.wait_indirect_dma semaphore(%arg10 : memref<!tpu.dma_semaphore, #tpu.memory_space<semaphore_mem>>) src(%dma_wait3A_174 : memref<200000xi32, #tpu.memory_space<hbm>>) dst(%dma_wait3A_170 : memref<128xi32, #tpu.memory_space<vmem>>)
    %dma_wait3A_175 = arith.constant 1664 : i32
    %dma_wait3A_176 = tpu.memref_slice %arg7[%dma_wait3A_175] : memref<5120xi32, #tpu.memory_space<vmem>> -> memref<128xi32, #tpu.memory_space<vmem>>
    %dma_wait3A_177 = arith.constant 1664 : i32
    %dma_wait3A_178 = tpu.memref_slice %arg6[%dma_wait3A_177] : memref<5120xi32, #tpu.memory_space<vmem>> -> memref<128xi32, #tpu.memory_space<vmem>>
    %dma_wait3A_179 = arith.constant 0 : i32
    %dma_wait3A_180 = tpu.memref_slice %arg3[%dma_wait3A_179] : memref<200000xi32, #tpu.memory_space<hbm>> -> memref<200000xi32, #tpu.memory_space<hbm>>
    tpu.wait_indirect_dma semaphore(%arg10 : memref<!tpu.dma_semaphore, #tpu.memory_space<semaphore_mem>>) src(%dma_wait3A_180 : memref<200000xi32, #tpu.memory_space<hbm>>) dst(%dma_wait3A_176 : memref<128xi32, #tpu.memory_space<vmem>>)
    %dma_wait3A_181 = arith.constant 1792 : i32
    %dma_wait3A_182 = tpu.memref_slice %arg7[%dma_wait3A_181] : memref<5120xi32, #tpu.memory_space<vmem>> -> memref<128xi32, #tpu.memory_space<vmem>>
    %dma_wait3A_183 = arith.constant 1792 : i32
    %dma_wait3A_184 = tpu.memref_slice %arg6[%dma_wait3A_183] : memref<5120xi32, #tpu.memory_space<vmem>> -> memref<128xi32, #tpu.memory_space<vmem>>
    %dma_wait3A_185 = arith.constant 0 : i32
    %dma_wait3A_186 = tpu.memref_slice %arg3[%dma_wait3A_185] : memref<200000xi32, #tpu.memory_space<hbm>> -> memref<200000xi32, #tpu.memory_space<hbm>>
    tpu.wait_indirect_dma semaphore(%arg10 : memref<!tpu.dma_semaphore, #tpu.memory_space<semaphore_mem>>) src(%dma_wait3A_186 : memref<200000xi32, #tpu.memory_space<hbm>>) dst(%dma_wait3A_182 : memref<128xi32, #tpu.memory_space<vmem>>)
    %dma_wait3A_187 = arith.constant 1920 : i32
    %dma_wait3A_188 = tpu.memref_slice %arg7[%dma_wait3A_187] : memref<5120xi32, #tpu.memory_space<vmem>> -> memref<128xi32, #tpu.memory_space<vmem>>
    %dma_wait3A_189 = arith.constant 1920 : i32
    %dma_wait3A_190 = tpu.memref_slice %arg6[%dma_wait3A_189] : memref<5120xi32, #tpu.memory_space<vmem>> -> memref<128xi32, #tpu.memory_space<vmem>>
    %dma_wait3A_191 = arith.constant 0 : i32
    %dma_wait3A_192 = tpu.memref_slice %arg3[%dma_wait3A_191] : memref<200000xi32, #tpu.memory_space<hbm>> -> memref<200000xi32, #tpu.memory_space<hbm>>
    tpu.wait_indirect_dma semaphore(%arg10 : memref<!tpu.dma_semaphore, #tpu.memory_space<semaphore_mem>>) src(%dma_wait3A_192 : memref<200000xi32, #tpu.memory_space<hbm>>) dst(%dma_wait3A_188 : memref<128xi32, #tpu.memory_space<vmem>>)
    %dma_start3A_193 = arith.constant 2048 : i32
    %dma_start3A_194 = tpu.memref_slice %arg7[%dma_start3A_193] : memref<5120xi32, #tpu.memory_space<vmem>> -> memref<128xi32, #tpu.memory_space<vmem>>
    %dma_start3A_195 = arith.constant 2048 : i32
    %dma_start3A_196 = tpu.memref_slice %arg6[%dma_start3A_195] : memref<5120xi32, #tpu.memory_space<vmem>> -> memref<128xi32, #tpu.memory_space<vmem>>
    %dma_start3A_197 = arith.constant 0 : i32
    %dma_start3A_198 = tpu.memref_slice %arg3[%dma_start3A_197] : memref<200000xi32, #tpu.memory_space<hbm>> -> memref<200000xi32, #tpu.memory_space<hbm>>
    tpu.enqueue_indirect_dma source(%dma_start3A_198 : memref<200000xi32, #tpu.memory_space<hbm>>) target(%dma_start3A_194 : memref<128xi32, #tpu.memory_space<vmem>>) offsets(%dma_start3A_196 : memref<128xi32, #tpu.memory_space<vmem>>) semaphore(%arg10 : memref<!tpu.dma_semaphore, #tpu.memory_space<semaphore_mem>>)
    %dma_start3A_199 = arith.constant 2176 : i32
    %dma_start3A_200 = tpu.memref_slice %arg7[%dma_start3A_199] : memref<5120xi32, #tpu.memory_space<vmem>> -> memref<128xi32, #tpu.memory_space<vmem>>
    %dma_start3A_201 = arith.constant 2176 : i32
    %dma_start3A_202 = tpu.memref_slice %arg6[%dma_start3A_201] : memref<5120xi32, #tpu.memory_space<vmem>> -> memref<128xi32, #tpu.memory_space<vmem>>
    %dma_start3A_203 = arith.constant 0 : i32
    %dma_start3A_204 = tpu.memref_slice %arg3[%dma_start3A_203] : memref<200000xi32, #tpu.memory_space<hbm>> -> memref<200000xi32, #tpu.memory_space<hbm>>
    tpu.enqueue_indirect_dma source(%dma_start3A_204 : memref<200000xi32, #tpu.memory_space<hbm>>) target(%dma_start3A_200 : memref<128xi32, #tpu.memory_space<vmem>>) offsets(%dma_start3A_202 : memref<128xi32, #tpu.memory_space<vmem>>) semaphore(%arg10 : memref<!tpu.dma_semaphore, #tpu.memory_space<semaphore_mem>>)
    %dma_start3A_205 = arith.constant 2304 : i32
    %dma_start3A_206 = tpu.memref_slice %arg7[%dma_start3A_205] : memref<5120xi32, #tpu.memory_space<vmem>> -> memref<128xi32, #tpu.memory_space<vmem>>
    %dma_start3A_207 = arith.constant 2304 : i32
    %dma_start3A_208 = tpu.memref_slice %arg6[%dma_start3A_207] : memref<5120xi32, #tpu.memory_space<vmem>> -> memref<128xi32, #tpu.memory_space<vmem>>
    %dma_start3A_209 = arith.constant 0 : i32
    %dma_start3A_210 = tpu.memref_slice %arg3[%dma_start3A_209] : memref<200000xi32, #tpu.memory_space<hbm>> -> memref<200000xi32, #tpu.memory_space<hbm>>
    tpu.enqueue_indirect_dma source(%dma_start3A_210 : memref<200000xi32, #tpu.memory_space<hbm>>) target(%dma_start3A_206 : memref<128xi32, #tpu.memory_space<vmem>>) offsets(%dma_start3A_208 : memref<128xi32, #tpu.memory_space<vmem>>) semaphore(%arg10 : memref<!tpu.dma_semaphore, #tpu.memory_space<semaphore_mem>>)
    %dma_start3A_211 = arith.constant 2432 : i32
    %dma_start3A_212 = tpu.memref_slice %arg7[%dma_start3A_211] : memref<5120xi32, #tpu.memory_space<vmem>> -> memref<128xi32, #tpu.memory_space<vmem>>
    %dma_start3A_213 = arith.constant 2432 : i32
    %dma_start3A_214 = tpu.memref_slice %arg6[%dma_start3A_213] : memref<5120xi32, #tpu.memory_space<vmem>> -> memref<128xi32, #tpu.memory_space<vmem>>
    %dma_start3A_215 = arith.constant 0 : i32
    %dma_start3A_216 = tpu.memref_slice %arg3[%dma_start3A_215] : memref<200000xi32, #tpu.memory_space<hbm>> -> memref<200000xi32, #tpu.memory_space<hbm>>
    tpu.enqueue_indirect_dma source(%dma_start3A_216 : memref<200000xi32, #tpu.memory_space<hbm>>) target(%dma_start3A_212 : memref<128xi32, #tpu.memory_space<vmem>>) offsets(%dma_start3A_214 : memref<128xi32, #tpu.memory_space<vmem>>) semaphore(%arg10 : memref<!tpu.dma_semaphore, #tpu.memory_space<semaphore_mem>>)
    %dma_start3A_217 = arith.constant 2560 : i32
    %dma_start3A_218 = tpu.memref_slice %arg7[%dma_start3A_217] : memref<5120xi32, #tpu.memory_space<vmem>> -> memref<128xi32, #tpu.memory_space<vmem>>
    %dma_start3A_219 = arith.constant 2560 : i32
    %dma_start3A_220 = tpu.memref_slice %arg6[%dma_start3A_219] : memref<5120xi32, #tpu.memory_space<vmem>> -> memref<128xi32, #tpu.memory_space<vmem>>
    %dma_start3A_221 = arith.constant 0 : i32
    %dma_start3A_222 = tpu.memref_slice %arg3[%dma_start3A_221] : memref<200000xi32, #tpu.memory_space<hbm>> -> memref<200000xi32, #tpu.memory_space<hbm>>
    tpu.enqueue_indirect_dma source(%dma_start3A_222 : memref<200000xi32, #tpu.memory_space<hbm>>) target(%dma_start3A_218 : memref<128xi32, #tpu.memory_space<vmem>>) offsets(%dma_start3A_220 : memref<128xi32, #tpu.memory_space<vmem>>) semaphore(%arg10 : memref<!tpu.dma_semaphore, #tpu.memory_space<semaphore_mem>>)
    %dma_start3A_223 = arith.constant 2688 : i32
    %dma_start3A_224 = tpu.memref_slice %arg7[%dma_start3A_223] : memref<5120xi32, #tpu.memory_space<vmem>> -> memref<128xi32, #tpu.memory_space<vmem>>
    %dma_start3A_225 = arith.constant 2688 : i32
    %dma_start3A_226 = tpu.memref_slice %arg6[%dma_start3A_225] : memref<5120xi32, #tpu.memory_space<vmem>> -> memref<128xi32, #tpu.memory_space<vmem>>
    %dma_start3A_227 = arith.constant 0 : i32
    %dma_start3A_228 = tpu.memref_slice %arg3[%dma_start3A_227] : memref<200000xi32, #tpu.memory_space<hbm>> -> memref<200000xi32, #tpu.memory_space<hbm>>
    tpu.enqueue_indirect_dma source(%dma_start3A_228 : memref<200000xi32, #tpu.memory_space<hbm>>) target(%dma_start3A_224 : memref<128xi32, #tpu.memory_space<vmem>>) offsets(%dma_start3A_226 : memref<128xi32, #tpu.memory_space<vmem>>) semaphore(%arg10 : memref<!tpu.dma_semaphore, #tpu.memory_space<semaphore_mem>>)
    %dma_start3A_229 = arith.constant 2816 : i32
    %dma_start3A_230 = tpu.memref_slice %arg7[%dma_start3A_229] : memref<5120xi32, #tpu.memory_space<vmem>> -> memref<128xi32, #tpu.memory_space<vmem>>
    %dma_start3A_231 = arith.constant 2816 : i32
    %dma_start3A_232 = tpu.memref_slice %arg6[%dma_start3A_231] : memref<5120xi32, #tpu.memory_space<vmem>> -> memref<128xi32, #tpu.memory_space<vmem>>
    %dma_start3A_233 = arith.constant 0 : i32
    %dma_start3A_234 = tpu.memref_slice %arg3[%dma_start3A_233] : memref<200000xi32, #tpu.memory_space<hbm>> -> memref<200000xi32, #tpu.memory_space<hbm>>
    tpu.enqueue_indirect_dma source(%dma_start3A_234 : memref<200000xi32, #tpu.memory_space<hbm>>) target(%dma_start3A_230 : memref<128xi32, #tpu.memory_space<vmem>>) offsets(%dma_start3A_232 : memref<128xi32, #tpu.memory_space<vmem>>) semaphore(%arg10 : memref<!tpu.dma_semaphore, #tpu.memory_space<semaphore_mem>>)
    %dma_start3A_235 = arith.constant 2944 : i32
    %dma_start3A_236 = tpu.memref_slice %arg7[%dma_start3A_235] : memref<5120xi32, #tpu.memory_space<vmem>> -> memref<128xi32, #tpu.memory_space<vmem>>
    %dma_start3A_237 = arith.constant 2944 : i32
    %dma_start3A_238 = tpu.memref_slice %arg6[%dma_start3A_237] : memref<5120xi32, #tpu.memory_space<vmem>> -> memref<128xi32, #tpu.memory_space<vmem>>
    %dma_start3A_239 = arith.constant 0 : i32
    %dma_start3A_240 = tpu.memref_slice %arg3[%dma_start3A_239] : memref<200000xi32, #tpu.memory_space<hbm>> -> memref<200000xi32, #tpu.memory_space<hbm>>
    tpu.enqueue_indirect_dma source(%dma_start3A_240 : memref<200000xi32, #tpu.memory_space<hbm>>) target(%dma_start3A_236 : memref<128xi32, #tpu.memory_space<vmem>>) offsets(%dma_start3A_238 : memref<128xi32, #tpu.memory_space<vmem>>) semaphore(%arg10 : memref<!tpu.dma_semaphore, #tpu.memory_space<semaphore_mem>>)
    %dma_wait3A_241 = arith.constant 2048 : i32
    %dma_wait3A_242 = tpu.memref_slice %arg7[%dma_wait3A_241] : memref<5120xi32, #tpu.memory_space<vmem>> -> memref<128xi32, #tpu.memory_space<vmem>>
    %dma_wait3A_243 = arith.constant 2048 : i32
    %dma_wait3A_244 = tpu.memref_slice %arg6[%dma_wait3A_243] : memref<5120xi32, #tpu.memory_space<vmem>> -> memref<128xi32, #tpu.memory_space<vmem>>
    %dma_wait3A_245 = arith.constant 0 : i32
    %dma_wait3A_246 = tpu.memref_slice %arg3[%dma_wait3A_245] : memref<200000xi32, #tpu.memory_space<hbm>> -> memref<200000xi32, #tpu.memory_space<hbm>>
    tpu.wait_indirect_dma semaphore(%arg10 : memref<!tpu.dma_semaphore, #tpu.memory_space<semaphore_mem>>) src(%dma_wait3A_246 : memref<200000xi32, #tpu.memory_space<hbm>>) dst(%dma_wait3A_242 : memref<128xi32, #tpu.memory_space<vmem>>)
    %dma_wait3A_247 = arith.constant 2176 : i32
    %dma_wait3A_248 = tpu.memref_slice %arg7[%dma_wait3A_247] : memref<5120xi32, #tpu.memory_space<vmem>> -> memref<128xi32, #tpu.memory_space<vmem>>
    %dma_wait3A_249 = arith.constant 2176 : i32
    %dma_wait3A_250 = tpu.memref_slice %arg6[%dma_wait3A_249] : memref<5120xi32, #tpu.memory_space<vmem>> -> memref<128xi32, #tpu.memory_space<vmem>>
    %dma_wait3A_251 = arith.constant 0 : i32
    %dma_wait3A_252 = tpu.memref_slice %arg3[%dma_wait3A_251] : memref<200000xi32, #tpu.memory_space<hbm>> -> memref<200000xi32, #tpu.memory_space<hbm>>
    tpu.wait_indirect_dma semaphore(%arg10 : memref<!tpu.dma_semaphore, #tpu.memory_space<semaphore_mem>>) src(%dma_wait3A_252 : memref<200000xi32, #tpu.memory_space<hbm>>) dst(%dma_wait3A_248 : memref<128xi32, #tpu.memory_space<vmem>>)
    %dma_wait3A_253 = arith.constant 2304 : i32
    %dma_wait3A_254 = tpu.memref_slice %arg7[%dma_wait3A_253] : memref<5120xi32, #tpu.memory_space<vmem>> -> memref<128xi32, #tpu.memory_space<vmem>>
    %dma_wait3A_255 = arith.constant 2304 : i32
    %dma_wait3A_256 = tpu.memref_slice %arg6[%dma_wait3A_255] : memref<5120xi32, #tpu.memory_space<vmem>> -> memref<128xi32, #tpu.memory_space<vmem>>
    %dma_wait3A_257 = arith.constant 0 : i32
    %dma_wait3A_258 = tpu.memref_slice %arg3[%dma_wait3A_257] : memref<200000xi32, #tpu.memory_space<hbm>> -> memref<200000xi32, #tpu.memory_space<hbm>>
    tpu.wait_indirect_dma semaphore(%arg10 : memref<!tpu.dma_semaphore, #tpu.memory_space<semaphore_mem>>) src(%dma_wait3A_258 : memref<200000xi32, #tpu.memory_space<hbm>>) dst(%dma_wait3A_254 : memref<128xi32, #tpu.memory_space<vmem>>)
    %dma_wait3A_259 = arith.constant 2432 : i32
    %dma_wait3A_260 = tpu.memref_slice %arg7[%dma_wait3A_259] : memref<5120xi32, #tpu.memory_space<vmem>> -> memref<128xi32, #tpu.memory_space<vmem>>
    %dma_wait3A_261 = arith.constant 2432 : i32
    %dma_wait3A_262 = tpu.memref_slice %arg6[%dma_wait3A_261] : memref<5120xi32, #tpu.memory_space<vmem>> -> memref<128xi32, #tpu.memory_space<vmem>>
    %dma_wait3A_263 = arith.constant 0 : i32
    %dma_wait3A_264 = tpu.memref_slice %arg3[%dma_wait3A_263] : memref<200000xi32, #tpu.memory_space<hbm>> -> memref<200000xi32, #tpu.memory_space<hbm>>
    tpu.wait_indirect_dma semaphore(%arg10 : memref<!tpu.dma_semaphore, #tpu.memory_space<semaphore_mem>>) src(%dma_wait3A_264 : memref<200000xi32, #tpu.memory_space<hbm>>) dst(%dma_wait3A_260 : memref<128xi32, #tpu.memory_space<vmem>>)
    %dma_wait3A_265 = arith.constant 2560 : i32
    %dma_wait3A_266 = tpu.memref_slice %arg7[%dma_wait3A_265] : memref<5120xi32, #tpu.memory_space<vmem>> -> memref<128xi32, #tpu.memory_space<vmem>>
    %dma_wait3A_267 = arith.constant 2560 : i32
    %dma_wait3A_268 = tpu.memref_slice %arg6[%dma_wait3A_267] : memref<5120xi32, #tpu.memory_space<vmem>> -> memref<128xi32, #tpu.memory_space<vmem>>
    %dma_wait3A_269 = arith.constant 0 : i32
    %dma_wait3A_270 = tpu.memref_slice %arg3[%dma_wait3A_269] : memref<200000xi32, #tpu.memory_space<hbm>> -> memref<200000xi32, #tpu.memory_space<hbm>>
    tpu.wait_indirect_dma semaphore(%arg10 : memref<!tpu.dma_semaphore, #tpu.memory_space<semaphore_mem>>) src(%dma_wait3A_270 : memref<200000xi32, #tpu.memory_space<hbm>>) dst(%dma_wait3A_266 : memref<128xi32, #tpu.memory_space<vmem>>)
    %dma_wait3A_271 = arith.constant 2688 : i32
    %dma_wait3A_272 = tpu.memref_slice %arg7[%dma_wait3A_271] : memref<5120xi32, #tpu.memory_space<vmem>> -> memref<128xi32, #tpu.memory_space<vmem>>
    %dma_wait3A_273 = arith.constant 2688 : i32
    %dma_wait3A_274 = tpu.memref_slice %arg6[%dma_wait3A_273] : memref<5120xi32, #tpu.memory_space<vmem>> -> memref<128xi32, #tpu.memory_space<vmem>>
    %dma_wait3A_275 = arith.constant 0 : i32
    %dma_wait3A_276 = tpu.memref_slice %arg3[%dma_wait3A_275] : memref<200000xi32, #tpu.memory_space<hbm>> -> memref<200000xi32, #tpu.memory_space<hbm>>
    tpu.wait_indirect_dma semaphore(%arg10 : memref<!tpu.dma_semaphore, #tpu.memory_space<semaphore_mem>>) src(%dma_wait3A_276 : memref<200000xi32, #tpu.memory_space<hbm>>) dst(%dma_wait3A_272 : memref<128xi32, #tpu.memory_space<vmem>>)
    %dma_wait3A_277 = arith.constant 2816 : i32
    %dma_wait3A_278 = tpu.memref_slice %arg7[%dma_wait3A_277] : memref<5120xi32, #tpu.memory_space<vmem>> -> memref<128xi32, #tpu.memory_space<vmem>>
    %dma_wait3A_279 = arith.constant 2816 : i32
    %dma_wait3A_280 = tpu.memref_slice %arg6[%dma_wait3A_279] : memref<5120xi32, #tpu.memory_space<vmem>> -> memref<128xi32, #tpu.memory_space<vmem>>
    %dma_wait3A_281 = arith.constant 0 : i32
    %dma_wait3A_282 = tpu.memref_slice %arg3[%dma_wait3A_281] : memref<200000xi32, #tpu.memory_space<hbm>> -> memref<200000xi32, #tpu.memory_space<hbm>>
    tpu.wait_indirect_dma semaphore(%arg10 : memref<!tpu.dma_semaphore, #tpu.memory_space<semaphore_mem>>) src(%dma_wait3A_282 : memref<200000xi32, #tpu.memory_space<hbm>>) dst(%dma_wait3A_278 : memref<128xi32, #tpu.memory_space<vmem>>)
    %dma_wait3A_283 = arith.constant 2944 : i32
    %dma_wait3A_284 = tpu.memref_slice %arg7[%dma_wait3A_283] : memref<5120xi32, #tpu.memory_space<vmem>> -> memref<128xi32, #tpu.memory_space<vmem>>
    %dma_wait3A_285 = arith.constant 2944 : i32
    %dma_wait3A_286 = tpu.memref_slice %arg6[%dma_wait3A_285] : memref<5120xi32, #tpu.memory_space<vmem>> -> memref<128xi32, #tpu.memory_space<vmem>>
    %dma_wait3A_287 = arith.constant 0 : i32
    %dma_wait3A_288 = tpu.memref_slice %arg3[%dma_wait3A_287] : memref<200000xi32, #tpu.memory_space<hbm>> -> memref<200000xi32, #tpu.memory_space<hbm>>
    tpu.wait_indirect_dma semaphore(%arg10 : memref<!tpu.dma_semaphore, #tpu.memory_space<semaphore_mem>>) src(%dma_wait3A_288 : memref<200000xi32, #tpu.memory_space<hbm>>) dst(%dma_wait3A_284 : memref<128xi32, #tpu.memory_space<vmem>>)
    %dma_start3A_289 = arith.constant 3072 : i32
    %dma_start3A_290 = tpu.memref_slice %arg7[%dma_start3A_289] : memref<5120xi32, #tpu.memory_space<vmem>> -> memref<128xi32, #tpu.memory_space<vmem>>
    %dma_start3A_291 = arith.constant 3072 : i32
    %dma_start3A_292 = tpu.memref_slice %arg6[%dma_start3A_291] : memref<5120xi32, #tpu.memory_space<vmem>> -> memref<128xi32, #tpu.memory_space<vmem>>
    %dma_start3A_293 = arith.constant 0 : i32
    %dma_start3A_294 = tpu.memref_slice %arg3[%dma_start3A_293] : memref<200000xi32, #tpu.memory_space<hbm>> -> memref<200000xi32, #tpu.memory_space<hbm>>
    tpu.enqueue_indirect_dma source(%dma_start3A_294 : memref<200000xi32, #tpu.memory_space<hbm>>) target(%dma_start3A_290 : memref<128xi32, #tpu.memory_space<vmem>>) offsets(%dma_start3A_292 : memref<128xi32, #tpu.memory_space<vmem>>) semaphore(%arg10 : memref<!tpu.dma_semaphore, #tpu.memory_space<semaphore_mem>>)
    %dma_start3A_295 = arith.constant 3200 : i32
    %dma_start3A_296 = tpu.memref_slice %arg7[%dma_start3A_295] : memref<5120xi32, #tpu.memory_space<vmem>> -> memref<128xi32, #tpu.memory_space<vmem>>
    %dma_start3A_297 = arith.constant 3200 : i32
    %dma_start3A_298 = tpu.memref_slice %arg6[%dma_start3A_297] : memref<5120xi32, #tpu.memory_space<vmem>> -> memref<128xi32, #tpu.memory_space<vmem>>
    %dma_start3A_299 = arith.constant 0 : i32
    %dma_start3A_300 = tpu.memref_slice %arg3[%dma_start3A_299] : memref<200000xi32, #tpu.memory_space<hbm>> -> memref<200000xi32, #tpu.memory_space<hbm>>
    tpu.enqueue_indirect_dma source(%dma_start3A_300 : memref<200000xi32, #tpu.memory_space<hbm>>) target(%dma_start3A_296 : memref<128xi32, #tpu.memory_space<vmem>>) offsets(%dma_start3A_298 : memref<128xi32, #tpu.memory_space<vmem>>) semaphore(%arg10 : memref<!tpu.dma_semaphore, #tpu.memory_space<semaphore_mem>>)
    %dma_start3A_301 = arith.constant 3328 : i32
    %dma_start3A_302 = tpu.memref_slice %arg7[%dma_start3A_301] : memref<5120xi32, #tpu.memory_space<vmem>> -> memref<128xi32, #tpu.memory_space<vmem>>
    %dma_start3A_303 = arith.constant 3328 : i32
    %dma_start3A_304 = tpu.memref_slice %arg6[%dma_start3A_303] : memref<5120xi32, #tpu.memory_space<vmem>> -> memref<128xi32, #tpu.memory_space<vmem>>
    %dma_start3A_305 = arith.constant 0 : i32
    %dma_start3A_306 = tpu.memref_slice %arg3[%dma_start3A_305] : memref<200000xi32, #tpu.memory_space<hbm>> -> memref<200000xi32, #tpu.memory_space<hbm>>
    tpu.enqueue_indirect_dma source(%dma_start3A_306 : memref<200000xi32, #tpu.memory_space<hbm>>) target(%dma_start3A_302 : memref<128xi32, #tpu.memory_space<vmem>>) offsets(%dma_start3A_304 : memref<128xi32, #tpu.memory_space<vmem>>) semaphore(%arg10 : memref<!tpu.dma_semaphore, #tpu.memory_space<semaphore_mem>>)
    %dma_start3A_307 = arith.constant 3456 : i32
    %dma_start3A_308 = tpu.memref_slice %arg7[%dma_start3A_307] : memref<5120xi32, #tpu.memory_space<vmem>> -> memref<128xi32, #tpu.memory_space<vmem>>
    %dma_start3A_309 = arith.constant 3456 : i32
    %dma_start3A_310 = tpu.memref_slice %arg6[%dma_start3A_309] : memref<5120xi32, #tpu.memory_space<vmem>> -> memref<128xi32, #tpu.memory_space<vmem>>
    %dma_start3A_311 = arith.constant 0 : i32
    %dma_start3A_312 = tpu.memref_slice %arg3[%dma_start3A_311] : memref<200000xi32, #tpu.memory_space<hbm>> -> memref<200000xi32, #tpu.memory_space<hbm>>
    tpu.enqueue_indirect_dma source(%dma_start3A_312 : memref<200000xi32, #tpu.memory_space<hbm>>) target(%dma_start3A_308 : memref<128xi32, #tpu.memory_space<vmem>>) offsets(%dma_start3A_310 : memref<128xi32, #tpu.memory_space<vmem>>) semaphore(%arg10 : memref<!tpu.dma_semaphore, #tpu.memory_space<semaphore_mem>>)
    %dma_start3A_313 = arith.constant 3584 : i32
    %dma_start3A_314 = tpu.memref_slice %arg7[%dma_start3A_313] : memref<5120xi32, #tpu.memory_space<vmem>> -> memref<128xi32, #tpu.memory_space<vmem>>
    %dma_start3A_315 = arith.constant 3584 : i32
    %dma_start3A_316 = tpu.memref_slice %arg6[%dma_start3A_315] : memref<5120xi32, #tpu.memory_space<vmem>> -> memref<128xi32, #tpu.memory_space<vmem>>
    %dma_start3A_317 = arith.constant 0 : i32
    %dma_start3A_318 = tpu.memref_slice %arg3[%dma_start3A_317] : memref<200000xi32, #tpu.memory_space<hbm>> -> memref<200000xi32, #tpu.memory_space<hbm>>
    tpu.enqueue_indirect_dma source(%dma_start3A_318 : memref<200000xi32, #tpu.memory_space<hbm>>) target(%dma_start3A_314 : memref<128xi32, #tpu.memory_space<vmem>>) offsets(%dma_start3A_316 : memref<128xi32, #tpu.memory_space<vmem>>) semaphore(%arg10 : memref<!tpu.dma_semaphore, #tpu.memory_space<semaphore_mem>>)
    %dma_start3A_319 = arith.constant 3712 : i32
    %dma_start3A_320 = tpu.memref_slice %arg7[%dma_start3A_319] : memref<5120xi32, #tpu.memory_space<vmem>> -> memref<128xi32, #tpu.memory_space<vmem>>
    %dma_start3A_321 = arith.constant 3712 : i32
    %dma_start3A_322 = tpu.memref_slice %arg6[%dma_start3A_321] : memref<5120xi32, #tpu.memory_space<vmem>> -> memref<128xi32, #tpu.memory_space<vmem>>
    %dma_start3A_323 = arith.constant 0 : i32
    %dma_start3A_324 = tpu.memref_slice %arg3[%dma_start3A_323] : memref<200000xi32, #tpu.memory_space<hbm>> -> memref<200000xi32, #tpu.memory_space<hbm>>
    tpu.enqueue_indirect_dma source(%dma_start3A_324 : memref<200000xi32, #tpu.memory_space<hbm>>) target(%dma_start3A_320 : memref<128xi32, #tpu.memory_space<vmem>>) offsets(%dma_start3A_322 : memref<128xi32, #tpu.memory_space<vmem>>) semaphore(%arg10 : memref<!tpu.dma_semaphore, #tpu.memory_space<semaphore_mem>>)
    %dma_start3A_325 = arith.constant 3840 : i32
    %dma_start3A_326 = tpu.memref_slice %arg7[%dma_start3A_325] : memref<5120xi32, #tpu.memory_space<vmem>> -> memref<128xi32, #tpu.memory_space<vmem>>
    %dma_start3A_327 = arith.constant 3840 : i32
    %dma_start3A_328 = tpu.memref_slice %arg6[%dma_start3A_327] : memref<5120xi32, #tpu.memory_space<vmem>> -> memref<128xi32, #tpu.memory_space<vmem>>
    %dma_start3A_329 = arith.constant 0 : i32
    %dma_start3A_330 = tpu.memref_slice %arg3[%dma_start3A_329] : memref<200000xi32, #tpu.memory_space<hbm>> -> memref<200000xi32, #tpu.memory_space<hbm>>
    tpu.enqueue_indirect_dma source(%dma_start3A_330 : memref<200000xi32, #tpu.memory_space<hbm>>) target(%dma_start3A_326 : memref<128xi32, #tpu.memory_space<vmem>>) offsets(%dma_start3A_328 : memref<128xi32, #tpu.memory_space<vmem>>) semaphore(%arg10 : memref<!tpu.dma_semaphore, #tpu.memory_space<semaphore_mem>>)
    %dma_start3A_331 = arith.constant 3968 : i32
    %dma_start3A_332 = tpu.memref_slice %arg7[%dma_start3A_331] : memref<5120xi32, #tpu.memory_space<vmem>> -> memref<128xi32, #tpu.memory_space<vmem>>
    %dma_start3A_333 = arith.constant 3968 : i32
    %dma_start3A_334 = tpu.memref_slice %arg6[%dma_start3A_333] : memref<5120xi32, #tpu.memory_space<vmem>> -> memref<128xi32, #tpu.memory_space<vmem>>
    %dma_start3A_335 = arith.constant 0 : i32
    %dma_start3A_336 = tpu.memref_slice %arg3[%dma_start3A_335] : memref<200000xi32, #tpu.memory_space<hbm>> -> memref<200000xi32, #tpu.memory_space<hbm>>
    tpu.enqueue_indirect_dma source(%dma_start3A_336 : memref<200000xi32, #tpu.memory_space<hbm>>) target(%dma_start3A_332 : memref<128xi32, #tpu.memory_space<vmem>>) offsets(%dma_start3A_334 : memref<128xi32, #tpu.memory_space<vmem>>) semaphore(%arg10 : memref<!tpu.dma_semaphore, #tpu.memory_space<semaphore_mem>>)
    %dma_wait3A_337 = arith.constant 3072 : i32
    %dma_wait3A_338 = tpu.memref_slice %arg7[%dma_wait3A_337] : memref<5120xi32, #tpu.memory_space<vmem>> -> memref<128xi32, #tpu.memory_space<vmem>>
    %dma_wait3A_339 = arith.constant 3072 : i32
    %dma_wait3A_340 = tpu.memref_slice %arg6[%dma_wait3A_339] : memref<5120xi32, #tpu.memory_space<vmem>> -> memref<128xi32, #tpu.memory_space<vmem>>
    %dma_wait3A_341 = arith.constant 0 : i32
    %dma_wait3A_342 = tpu.memref_slice %arg3[%dma_wait3A_341] : memref<200000xi32, #tpu.memory_space<hbm>> -> memref<200000xi32, #tpu.memory_space<hbm>>
    tpu.wait_indirect_dma semaphore(%arg10 : memref<!tpu.dma_semaphore, #tpu.memory_space<semaphore_mem>>) src(%dma_wait3A_342 : memref<200000xi32, #tpu.memory_space<hbm>>) dst(%dma_wait3A_338 : memref<128xi32, #tpu.memory_space<vmem>>)
    %dma_wait3A_343 = arith.constant 3200 : i32
    %dma_wait3A_344 = tpu.memref_slice %arg7[%dma_wait3A_343] : memref<5120xi32, #tpu.memory_space<vmem>> -> memref<128xi32, #tpu.memory_space<vmem>>
    %dma_wait3A_345 = arith.constant 3200 : i32
    %dma_wait3A_346 = tpu.memref_slice %arg6[%dma_wait3A_345] : memref<5120xi32, #tpu.memory_space<vmem>> -> memref<128xi32, #tpu.memory_space<vmem>>
    %dma_wait3A_347 = arith.constant 0 : i32
    %dma_wait3A_348 = tpu.memref_slice %arg3[%dma_wait3A_347] : memref<200000xi32, #tpu.memory_space<hbm>> -> memref<200000xi32, #tpu.memory_space<hbm>>
    tpu.wait_indirect_dma semaphore(%arg10 : memref<!tpu.dma_semaphore, #tpu.memory_space<semaphore_mem>>) src(%dma_wait3A_348 : memref<200000xi32, #tpu.memory_space<hbm>>) dst(%dma_wait3A_344 : memref<128xi32, #tpu.memory_space<vmem>>)
    %dma_wait3A_349 = arith.constant 3328 : i32
    %dma_wait3A_350 = tpu.memref_slice %arg7[%dma_wait3A_349] : memref<5120xi32, #tpu.memory_space<vmem>> -> memref<128xi32, #tpu.memory_space<vmem>>
    %dma_wait3A_351 = arith.constant 3328 : i32
    %dma_wait3A_352 = tpu.memref_slice %arg6[%dma_wait3A_351] : memref<5120xi32, #tpu.memory_space<vmem>> -> memref<128xi32, #tpu.memory_space<vmem>>
    %dma_wait3A_353 = arith.constant 0 : i32
    %dma_wait3A_354 = tpu.memref_slice %arg3[%dma_wait3A_353] : memref<200000xi32, #tpu.memory_space<hbm>> -> memref<200000xi32, #tpu.memory_space<hbm>>
    tpu.wait_indirect_dma semaphore(%arg10 : memref<!tpu.dma_semaphore, #tpu.memory_space<semaphore_mem>>) src(%dma_wait3A_354 : memref<200000xi32, #tpu.memory_space<hbm>>) dst(%dma_wait3A_350 : memref<128xi32, #tpu.memory_space<vmem>>)
    %dma_wait3A_355 = arith.constant 3456 : i32
    %dma_wait3A_356 = tpu.memref_slice %arg7[%dma_wait3A_355] : memref<5120xi32, #tpu.memory_space<vmem>> -> memref<128xi32, #tpu.memory_space<vmem>>
    %dma_wait3A_357 = arith.constant 3456 : i32
    %dma_wait3A_358 = tpu.memref_slice %arg6[%dma_wait3A_357] : memref<5120xi32, #tpu.memory_space<vmem>> -> memref<128xi32, #tpu.memory_space<vmem>>
    %dma_wait3A_359 = arith.constant 0 : i32
    %dma_wait3A_360 = tpu.memref_slice %arg3[%dma_wait3A_359] : memref<200000xi32, #tpu.memory_space<hbm>> -> memref<200000xi32, #tpu.memory_space<hbm>>
    tpu.wait_indirect_dma semaphore(%arg10 : memref<!tpu.dma_semaphore, #tpu.memory_space<semaphore_mem>>) src(%dma_wait3A_360 : memref<200000xi32, #tpu.memory_space<hbm>>) dst(%dma_wait3A_356 : memref<128xi32, #tpu.memory_space<vmem>>)
    %dma_wait3A_361 = arith.constant 3584 : i32
    %dma_wait3A_362 = tpu.memref_slice %arg7[%dma_wait3A_361] : memref<5120xi32, #tpu.memory_space<vmem>> -> memref<128xi32, #tpu.memory_space<vmem>>
    %dma_wait3A_363 = arith.constant 3584 : i32
    %dma_wait3A_364 = tpu.memref_slice %arg6[%dma_wait3A_363] : memref<5120xi32, #tpu.memory_space<vmem>> -> memref<128xi32, #tpu.memory_space<vmem>>
    %dma_wait3A_365 = arith.constant 0 : i32
    %dma_wait3A_366 = tpu.memref_slice %arg3[%dma_wait3A_365] : memref<200000xi32, #tpu.memory_space<hbm>> -> memref<200000xi32, #tpu.memory_space<hbm>>
    tpu.wait_indirect_dma semaphore(%arg10 : memref<!tpu.dma_semaphore, #tpu.memory_space<semaphore_mem>>) src(%dma_wait3A_366 : memref<200000xi32, #tpu.memory_space<hbm>>) dst(%dma_wait3A_362 : memref<128xi32, #tpu.memory_space<vmem>>)
    %dma_wait3A_367 = arith.constant 3712 : i32
    %dma_wait3A_368 = tpu.memref_slice %arg7[%dma_wait3A_367] : memref<5120xi32, #tpu.memory_space<vmem>> -> memref<128xi32, #tpu.memory_space<vmem>>
    %dma_wait3A_369 = arith.constant 3712 : i32
    %dma_wait3A_370 = tpu.memref_slice %arg6[%dma_wait3A_369] : memref<5120xi32, #tpu.memory_space<vmem>> -> memref<128xi32, #tpu.memory_space<vmem>>
    %dma_wait3A_371 = arith.constant 0 : i32
    %dma_wait3A_372 = tpu.memref_slice %arg3[%dma_wait3A_371] : memref<200000xi32, #tpu.memory_space<hbm>> -> memref<200000xi32, #tpu.memory_space<hbm>>
    tpu.wait_indirect_dma semaphore(%arg10 : memref<!tpu.dma_semaphore, #tpu.memory_space<semaphore_mem>>) src(%dma_wait3A_372 : memref<200000xi32, #tpu.memory_space<hbm>>) dst(%dma_wait3A_368 : memref<128xi32, #tpu.memory_space<vmem>>)
    %dma_wait3A_373 = arith.constant 3840 : i32
    %dma_wait3A_374 = tpu.memref_slice %arg7[%dma_wait3A_373] : memref<5120xi32, #tpu.memory_space<vmem>> -> memref<128xi32, #tpu.memory_space<vmem>>
    %dma_wait3A_375 = arith.constant 3840 : i32
    %dma_wait3A_376 = tpu.memref_slice %arg6[%dma_wait3A_375] : memref<5120xi32, #tpu.memory_space<vmem>> -> memref<128xi32, #tpu.memory_space<vmem>>
    %dma_wait3A_377 = arith.constant 0 : i32
    %dma_wait3A_378 = tpu.memref_slice %arg3[%dma_wait3A_377] : memref<200000xi32, #tpu.memory_space<hbm>> -> memref<200000xi32, #tpu.memory_space<hbm>>
    tpu.wait_indirect_dma semaphore(%arg10 : memref<!tpu.dma_semaphore, #tpu.memory_space<semaphore_mem>>) src(%dma_wait3A_378 : memref<200000xi32, #tpu.memory_space<hbm>>) dst(%dma_wait3A_374 : memref<128xi32, #tpu.memory_space<vmem>>)
    %dma_wait3A_379 = arith.constant 3968 : i32
    %dma_wait3A_380 = tpu.memref_slice %arg7[%dma_wait3A_379] : memref<5120xi32, #tpu.memory_space<vmem>> -> memref<128xi32, #tpu.memory_space<vmem>>
    %dma_wait3A_381 = arith.constant 3968 : i32
    %dma_wait3A_382 = tpu.memref_slice %arg6[%dma_wait3A_381] : memref<5120xi32, #tpu.memory_space<vmem>> -> memref<128xi32, #tpu.memory_space<vmem>>
    %dma_wait3A_383 = arith.constant 0 : i32
    %dma_wait3A_384 = tpu.memref_slice %arg3[%dma_wait3A_383] : memref<200000xi32, #tpu.memory_space<hbm>> -> memref<200000xi32, #tpu.memory_space<hbm>>
    tpu.wait_indirect_dma semaphore(%arg10 : memref<!tpu.dma_semaphore, #tpu.memory_space<semaphore_mem>>) src(%dma_wait3A_384 : memref<200000xi32, #tpu.memory_space<hbm>>) dst(%dma_wait3A_380 : memref<128xi32, #tpu.memory_space<vmem>>)
    %dma_start3A_385 = arith.constant 4096 : i32
    %dma_start3A_386 = tpu.memref_slice %arg7[%dma_start3A_385] : memref<5120xi32, #tpu.memory_space<vmem>> -> memref<128xi32, #tpu.memory_space<vmem>>
    %dma_start3A_387 = arith.constant 4096 : i32
    %dma_start3A_388 = tpu.memref_slice %arg6[%dma_start3A_387] : memref<5120xi32, #tpu.memory_space<vmem>> -> memref<128xi32, #tpu.memory_space<vmem>>
    %dma_start3A_389 = arith.constant 0 : i32
    %dma_start3A_390 = tpu.memref_slice %arg3[%dma_start3A_389] : memref<200000xi32, #tpu.memory_space<hbm>> -> memref<200000xi32, #tpu.memory_space<hbm>>
    tpu.enqueue_indirect_dma source(%dma_start3A_390 : memref<200000xi32, #tpu.memory_space<hbm>>) target(%dma_start3A_386 : memref<128xi32, #tpu.memory_space<vmem>>) offsets(%dma_start3A_388 : memref<128xi32, #tpu.memory_space<vmem>>) semaphore(%arg10 : memref<!tpu.dma_semaphore, #tpu.memory_space<semaphore_mem>>)
    %dma_start3A_391 = arith.constant 4224 : i32
    %dma_start3A_392 = tpu.memref_slice %arg7[%dma_start3A_391] : memref<5120xi32, #tpu.memory_space<vmem>> -> memref<128xi32, #tpu.memory_space<vmem>>
    %dma_start3A_393 = arith.constant 4224 : i32
    %dma_start3A_394 = tpu.memref_slice %arg6[%dma_start3A_393] : memref<5120xi32, #tpu.memory_space<vmem>> -> memref<128xi32, #tpu.memory_space<vmem>>
    %dma_start3A_395 = arith.constant 0 : i32
    %dma_start3A_396 = tpu.memref_slice %arg3[%dma_start3A_395] : memref<200000xi32, #tpu.memory_space<hbm>> -> memref<200000xi32, #tpu.memory_space<hbm>>
    tpu.enqueue_indirect_dma source(%dma_start3A_396 : memref<200000xi32, #tpu.memory_space<hbm>>) target(%dma_start3A_392 : memref<128xi32, #tpu.memory_space<vmem>>) offsets(%dma_start3A_394 : memref<128xi32, #tpu.memory_space<vmem>>) semaphore(%arg10 : memref<!tpu.dma_semaphore, #tpu.memory_space<semaphore_mem>>)
    %dma_start3A_397 = arith.constant 4352 : i32
    %dma_start3A_398 = tpu.memref_slice %arg7[%dma_start3A_397] : memref<5120xi32, #tpu.memory_space<vmem>> -> memref<128xi32, #tpu.memory_space<vmem>>
    %dma_start3A_399 = arith.constant 4352 : i32
    %dma_start3A_400 = tpu.memref_slice %arg6[%dma_start3A_399] : memref<5120xi32, #tpu.memory_space<vmem>> -> memref<128xi32, #tpu.memory_space<vmem>>
    %dma_start3A_401 = arith.constant 0 : i32
    %dma_start3A_402 = tpu.memref_slice %arg3[%dma_start3A_401] : memref<200000xi32, #tpu.memory_space<hbm>> -> memref<200000xi32, #tpu.memory_space<hbm>>
    tpu.enqueue_indirect_dma source(%dma_start3A_402 : memref<200000xi32, #tpu.memory_space<hbm>>) target(%dma_start3A_398 : memref<128xi32, #tpu.memory_space<vmem>>) offsets(%dma_start3A_400 : memref<128xi32, #tpu.memory_space<vmem>>) semaphore(%arg10 : memref<!tpu.dma_semaphore, #tpu.memory_space<semaphore_mem>>)
    %dma_start3A_403 = arith.constant 4480 : i32
    %dma_start3A_404 = tpu.memref_slice %arg7[%dma_start3A_403] : memref<5120xi32, #tpu.memory_space<vmem>> -> memref<128xi32, #tpu.memory_space<vmem>>
    %dma_start3A_405 = arith.constant 4480 : i32
    %dma_start3A_406 = tpu.memref_slice %arg6[%dma_start3A_405] : memref<5120xi32, #tpu.memory_space<vmem>> -> memref<128xi32, #tpu.memory_space<vmem>>
    %dma_start3A_407 = arith.constant 0 : i32
    %dma_start3A_408 = tpu.memref_slice %arg3[%dma_start3A_407] : memref<200000xi32, #tpu.memory_space<hbm>> -> memref<200000xi32, #tpu.memory_space<hbm>>
    tpu.enqueue_indirect_dma source(%dma_start3A_408 : memref<200000xi32, #tpu.memory_space<hbm>>) target(%dma_start3A_404 : memref<128xi32, #tpu.memory_space<vmem>>) offsets(%dma_start3A_406 : memref<128xi32, #tpu.memory_space<vmem>>) semaphore(%arg10 : memref<!tpu.dma_semaphore, #tpu.memory_space<semaphore_mem>>)
    %dma_start3A_409 = arith.constant 4608 : i32
    %dma_start3A_410 = tpu.memref_slice %arg7[%dma_start3A_409] : memref<5120xi32, #tpu.memory_space<vmem>> -> memref<128xi32, #tpu.memory_space<vmem>>
    %dma_start3A_411 = arith.constant 4608 : i32
    %dma_start3A_412 = tpu.memref_slice %arg6[%dma_start3A_411] : memref<5120xi32, #tpu.memory_space<vmem>> -> memref<128xi32, #tpu.memory_space<vmem>>
    %dma_start3A_413 = arith.constant 0 : i32
    %dma_start3A_414 = tpu.memref_slice %arg3[%dma_start3A_413] : memref<200000xi32, #tpu.memory_space<hbm>> -> memref<200000xi32, #tpu.memory_space<hbm>>
    tpu.enqueue_indirect_dma source(%dma_start3A_414 : memref<200000xi32, #tpu.memory_space<hbm>>) target(%dma_start3A_410 : memref<128xi32, #tpu.memory_space<vmem>>) offsets(%dma_start3A_412 : memref<128xi32, #tpu.memory_space<vmem>>) semaphore(%arg10 : memref<!tpu.dma_semaphore, #tpu.memory_space<semaphore_mem>>)
    %dma_start3A_415 = arith.constant 4736 : i32
    %dma_start3A_416 = tpu.memref_slice %arg7[%dma_start3A_415] : memref<5120xi32, #tpu.memory_space<vmem>> -> memref<128xi32, #tpu.memory_space<vmem>>
    %dma_start3A_417 = arith.constant 4736 : i32
    %dma_start3A_418 = tpu.memref_slice %arg6[%dma_start3A_417] : memref<5120xi32, #tpu.memory_space<vmem>> -> memref<128xi32, #tpu.memory_space<vmem>>
    %dma_start3A_419 = arith.constant 0 : i32
    %dma_start3A_420 = tpu.memref_slice %arg3[%dma_start3A_419] : memref<200000xi32, #tpu.memory_space<hbm>> -> memref<200000xi32, #tpu.memory_space<hbm>>
    tpu.enqueue_indirect_dma source(%dma_start3A_420 : memref<200000xi32, #tpu.memory_space<hbm>>) target(%dma_start3A_416 : memref<128xi32, #tpu.memory_space<vmem>>) offsets(%dma_start3A_418 : memref<128xi32, #tpu.memory_space<vmem>>) semaphore(%arg10 : memref<!tpu.dma_semaphore, #tpu.memory_space<semaphore_mem>>)
    %dma_start3A_421 = arith.constant 4864 : i32
    %dma_start3A_422 = tpu.memref_slice %arg7[%dma_start3A_421] : memref<5120xi32, #tpu.memory_space<vmem>> -> memref<128xi32, #tpu.memory_space<vmem>>
    %dma_start3A_423 = arith.constant 4864 : i32
    %dma_start3A_424 = tpu.memref_slice %arg6[%dma_start3A_423] : memref<5120xi32, #tpu.memory_space<vmem>> -> memref<128xi32, #tpu.memory_space<vmem>>
    %dma_start3A_425 = arith.constant 0 : i32
    %dma_start3A_426 = tpu.memref_slice %arg3[%dma_start3A_425] : memref<200000xi32, #tpu.memory_space<hbm>> -> memref<200000xi32, #tpu.memory_space<hbm>>
    tpu.enqueue_indirect_dma source(%dma_start3A_426 : memref<200000xi32, #tpu.memory_space<hbm>>) target(%dma_start3A_422 : memref<128xi32, #tpu.memory_space<vmem>>) offsets(%dma_start3A_424 : memref<128xi32, #tpu.memory_space<vmem>>) semaphore(%arg10 : memref<!tpu.dma_semaphore, #tpu.memory_space<semaphore_mem>>)
    %dma_start3A_427 = arith.constant 4992 : i32
    %dma_start3A_428 = tpu.memref_slice %arg7[%dma_start3A_427] : memref<5120xi32, #tpu.memory_space<vmem>> -> memref<128xi32, #tpu.memory_space<vmem>>
    %dma_start3A_429 = arith.constant 4992 : i32
    %dma_start3A_430 = tpu.memref_slice %arg6[%dma_start3A_429] : memref<5120xi32, #tpu.memory_space<vmem>> -> memref<128xi32, #tpu.memory_space<vmem>>
    %dma_start3A_431 = arith.constant 0 : i32
    %dma_start3A_432 = tpu.memref_slice %arg3[%dma_start3A_431] : memref<200000xi32, #tpu.memory_space<hbm>> -> memref<200000xi32, #tpu.memory_space<hbm>>
    tpu.enqueue_indirect_dma source(%dma_start3A_432 : memref<200000xi32, #tpu.memory_space<hbm>>) target(%dma_start3A_428 : memref<128xi32, #tpu.memory_space<vmem>>) offsets(%dma_start3A_430 : memref<128xi32, #tpu.memory_space<vmem>>) semaphore(%arg10 : memref<!tpu.dma_semaphore, #tpu.memory_space<semaphore_mem>>)
    %dma_wait3A_433 = arith.constant 4096 : i32
    %dma_wait3A_434 = tpu.memref_slice %arg7[%dma_wait3A_433] : memref<5120xi32, #tpu.memory_space<vmem>> -> memref<128xi32, #tpu.memory_space<vmem>>
    %dma_wait3A_435 = arith.constant 4096 : i32
    %dma_wait3A_436 = tpu.memref_slice %arg6[%dma_wait3A_435] : memref<5120xi32, #tpu.memory_space<vmem>> -> memref<128xi32, #tpu.memory_space<vmem>>
    %dma_wait3A_437 = arith.constant 0 : i32
    %dma_wait3A_438 = tpu.memref_slice %arg3[%dma_wait3A_437] : memref<200000xi32, #tpu.memory_space<hbm>> -> memref<200000xi32, #tpu.memory_space<hbm>>
    tpu.wait_indirect_dma semaphore(%arg10 : memref<!tpu.dma_semaphore, #tpu.memory_space<semaphore_mem>>) src(%dma_wait3A_438 : memref<200000xi32, #tpu.memory_space<hbm>>) dst(%dma_wait3A_434 : memref<128xi32, #tpu.memory_space<vmem>>)
    %dma_wait3A_439 = arith.constant 4224 : i32
    %dma_wait3A_440 = tpu.memref_slice %arg7[%dma_wait3A_439] : memref<5120xi32, #tpu.memory_space<vmem>> -> memref<128xi32, #tpu.memory_space<vmem>>
    %dma_wait3A_441 = arith.constant 4224 : i32
    %dma_wait3A_442 = tpu.memref_slice %arg6[%dma_wait3A_441] : memref<5120xi32, #tpu.memory_space<vmem>> -> memref<128xi32, #tpu.memory_space<vmem>>
    %dma_wait3A_443 = arith.constant 0 : i32
    %dma_wait3A_444 = tpu.memref_slice %arg3[%dma_wait3A_443] : memref<200000xi32, #tpu.memory_space<hbm>> -> memref<200000xi32, #tpu.memory_space<hbm>>
    tpu.wait_indirect_dma semaphore(%arg10 : memref<!tpu.dma_semaphore, #tpu.memory_space<semaphore_mem>>) src(%dma_wait3A_444 : memref<200000xi32, #tpu.memory_space<hbm>>) dst(%dma_wait3A_440 : memref<128xi32, #tpu.memory_space<vmem>>)
    %dma_wait3A_445 = arith.constant 4352 : i32
    %dma_wait3A_446 = tpu.memref_slice %arg7[%dma_wait3A_445] : memref<5120xi32, #tpu.memory_space<vmem>> -> memref<128xi32, #tpu.memory_space<vmem>>
    %dma_wait3A_447 = arith.constant 4352 : i32
    %dma_wait3A_448 = tpu.memref_slice %arg6[%dma_wait3A_447] : memref<5120xi32, #tpu.memory_space<vmem>> -> memref<128xi32, #tpu.memory_space<vmem>>
    %dma_wait3A_449 = arith.constant 0 : i32
    %dma_wait3A_450 = tpu.memref_slice %arg3[%dma_wait3A_449] : memref<200000xi32, #tpu.memory_space<hbm>> -> memref<200000xi32, #tpu.memory_space<hbm>>
    tpu.wait_indirect_dma semaphore(%arg10 : memref<!tpu.dma_semaphore, #tpu.memory_space<semaphore_mem>>) src(%dma_wait3A_450 : memref<200000xi32, #tpu.memory_space<hbm>>) dst(%dma_wait3A_446 : memref<128xi32, #tpu.memory_space<vmem>>)
    %dma_wait3A_451 = arith.constant 4480 : i32
    %dma_wait3A_452 = tpu.memref_slice %arg7[%dma_wait3A_451] : memref<5120xi32, #tpu.memory_space<vmem>> -> memref<128xi32, #tpu.memory_space<vmem>>
    %dma_wait3A_453 = arith.constant 4480 : i32
    %dma_wait3A_454 = tpu.memref_slice %arg6[%dma_wait3A_453] : memref<5120xi32, #tpu.memory_space<vmem>> -> memref<128xi32, #tpu.memory_space<vmem>>
    %dma_wait3A_455 = arith.constant 0 : i32
    %dma_wait3A_456 = tpu.memref_slice %arg3[%dma_wait3A_455] : memref<200000xi32, #tpu.memory_space<hbm>> -> memref<200000xi32, #tpu.memory_space<hbm>>
    tpu.wait_indirect_dma semaphore(%arg10 : memref<!tpu.dma_semaphore, #tpu.memory_space<semaphore_mem>>) src(%dma_wait3A_456 : memref<200000xi32, #tpu.memory_space<hbm>>) dst(%dma_wait3A_452 : memref<128xi32, #tpu.memory_space<vmem>>)
    %dma_wait3A_457 = arith.constant 4608 : i32
    %dma_wait3A_458 = tpu.memref_slice %arg7[%dma_wait3A_457] : memref<5120xi32, #tpu.memory_space<vmem>> -> memref<128xi32, #tpu.memory_space<vmem>>
    %dma_wait3A_459 = arith.constant 4608 : i32
    %dma_wait3A_460 = tpu.memref_slice %arg6[%dma_wait3A_459] : memref<5120xi32, #tpu.memory_space<vmem>> -> memref<128xi32, #tpu.memory_space<vmem>>
    %dma_wait3A_461 = arith.constant 0 : i32
    %dma_wait3A_462 = tpu.memref_slice %arg3[%dma_wait3A_461] : memref<200000xi32, #tpu.memory_space<hbm>> -> memref<200000xi32, #tpu.memory_space<hbm>>
    tpu.wait_indirect_dma semaphore(%arg10 : memref<!tpu.dma_semaphore, #tpu.memory_space<semaphore_mem>>) src(%dma_wait3A_462 : memref<200000xi32, #tpu.memory_space<hbm>>) dst(%dma_wait3A_458 : memref<128xi32, #tpu.memory_space<vmem>>)
    %dma_wait3A_463 = arith.constant 4736 : i32
    %dma_wait3A_464 = tpu.memref_slice %arg7[%dma_wait3A_463] : memref<5120xi32, #tpu.memory_space<vmem>> -> memref<128xi32, #tpu.memory_space<vmem>>
    %dma_wait3A_465 = arith.constant 4736 : i32
    %dma_wait3A_466 = tpu.memref_slice %arg6[%dma_wait3A_465] : memref<5120xi32, #tpu.memory_space<vmem>> -> memref<128xi32, #tpu.memory_space<vmem>>
    %dma_wait3A_467 = arith.constant 0 : i32
    %dma_wait3A_468 = tpu.memref_slice %arg3[%dma_wait3A_467] : memref<200000xi32, #tpu.memory_space<hbm>> -> memref<200000xi32, #tpu.memory_space<hbm>>
    tpu.wait_indirect_dma semaphore(%arg10 : memref<!tpu.dma_semaphore, #tpu.memory_space<semaphore_mem>>) src(%dma_wait3A_468 : memref<200000xi32, #tpu.memory_space<hbm>>) dst(%dma_wait3A_464 : memref<128xi32, #tpu.memory_space<vmem>>)
    %dma_wait3A_469 = arith.constant 4864 : i32
    %dma_wait3A_470 = tpu.memref_slice %arg7[%dma_wait3A_469] : memref<5120xi32, #tpu.memory_space<vmem>> -> memref<128xi32, #tpu.memory_space<vmem>>
    %dma_wait3A_471 = arith.constant 4864 : i32
    %dma_wait3A_472 = tpu.memref_slice %arg6[%dma_wait3A_471] : memref<5120xi32, #tpu.memory_space<vmem>> -> memref<128xi32, #tpu.memory_space<vmem>>
    %dma_wait3A_473 = arith.constant 0 : i32
    %dma_wait3A_474 = tpu.memref_slice %arg3[%dma_wait3A_473] : memref<200000xi32, #tpu.memory_space<hbm>> -> memref<200000xi32, #tpu.memory_space<hbm>>
    tpu.wait_indirect_dma semaphore(%arg10 : memref<!tpu.dma_semaphore, #tpu.memory_space<semaphore_mem>>) src(%dma_wait3A_474 : memref<200000xi32, #tpu.memory_space<hbm>>) dst(%dma_wait3A_470 : memref<128xi32, #tpu.memory_space<vmem>>)
    %dma_wait3A_475 = arith.constant 4992 : i32
    %dma_wait3A_476 = tpu.memref_slice %arg7[%dma_wait3A_475] : memref<5120xi32, #tpu.memory_space<vmem>> -> memref<128xi32, #tpu.memory_space<vmem>>
    %dma_wait3A_477 = arith.constant 4992 : i32
    %dma_wait3A_478 = tpu.memref_slice %arg6[%dma_wait3A_477] : memref<5120xi32, #tpu.memory_space<vmem>> -> memref<128xi32, #tpu.memory_space<vmem>>
    %dma_wait3A_479 = arith.constant 0 : i32
    %dma_wait3A_480 = tpu.memref_slice %arg3[%dma_wait3A_479] : memref<200000xi32, #tpu.memory_space<hbm>> -> memref<200000xi32, #tpu.memory_space<hbm>>
    tpu.wait_indirect_dma semaphore(%arg10 : memref<!tpu.dma_semaphore, #tpu.memory_space<semaphore_mem>>) src(%dma_wait3A_480 : memref<200000xi32, #tpu.memory_space<hbm>>) dst(%dma_wait3A_476 : memref<128xi32, #tpu.memory_space<vmem>>)
    %scan3A = arith.constant 0 : i32
    %scan3A_481 = arith.constant 0 : i32
    %scan3A_482 = arith.constant 10 : i32
    %scan3A_483 = arith.addi %scan3A_481, %scan3A_482 : i32
    %scan3A_484 = arith.constant 1 : i32
    scf.for %scan3A_486 = %scan3A_481 to %scan3A_483 step %scan3A_484  : i32 {
      %mul3A_487 = arith.constant 2 : i32
      %mul3A_488 = arith.muli %mul3A_487, %scan3A_486 : i32
      %add3A_489 = arith.constant 0 : i32
      %add3A_490 = arith.addi %mul3A_488, %add3A_489 : i32
      %mul3A_491 = arith.constant 256 : i32
      %mul3A_492 = arith.muli %add3A_490, %mul3A_491 : i32
      %dma_start3A_493 = arith.constant 0 : i32
      %dma_start3A_494 = arith.constant 0 : i32
      %dma_start3A_495 = tpu.memref_slice %arg8[%dma_start3A_493, %dma_start3A_494] : memref<256x128xf32, #tpu.memory_space<vmem>> -> memref<128x128xf32, #tpu.memory_space<vmem>>
      %dma_start3A_496 = tpu.memref_slice %arg7[%mul3A_492] : memref<5120xi32, #tpu.memory_space<vmem>> -> memref<128xi32, #tpu.memory_space<vmem>>
      %dma_start3A_497 = arith.constant 0 : i32
      %dma_start3A_498 = arith.constant 0 : i32
      %dma_start3A_499 = tpu.memref_slice %arg2[%dma_start3A_497, %dma_start3A_498] : memref<200000x128xf32, #tpu.memory_space<hbm>> -> memref<200000x128xf32, #tpu.memory_space<hbm>>
      tpu.enqueue_indirect_dma source(%dma_start3A_499 : memref<200000x128xf32, #tpu.memory_space<hbm>>) target(%dma_start3A_495 : memref<128x128xf32, #tpu.memory_space<vmem>>) offsets(%dma_start3A_496 : memref<128xi32, #tpu.memory_space<vmem>>) semaphore(%arg11 : memref<!tpu.dma_semaphore, #tpu.memory_space<semaphore_mem>>)
      %add3A_500 = arith.constant 128 : i32
      %add3A_501 = arith.addi %mul3A_492, %add3A_500 : i32
      %dma_start3A_502 = arith.constant 128 : i32
      %dma_start3A_503 = arith.constant 0 : i32
      %dma_start3A_504 = tpu.memref_slice %arg8[%dma_start3A_502, %dma_start3A_503] : memref<256x128xf32, #tpu.memory_space<vmem>> -> memref<128x128xf32, #tpu.memory_space<vmem>>
      %dma_start3A_505 = tpu.memref_slice %arg7[%add3A_501] : memref<5120xi32, #tpu.memory_space<vmem>> -> memref<128xi32, #tpu.memory_space<vmem>>
      %dma_start3A_506 = arith.constant 0 : i32
      %dma_start3A_507 = arith.constant 0 : i32
      %dma_start3A_508 = tpu.memref_slice %arg2[%dma_start3A_506, %dma_start3A_507] : memref<200000x128xf32, #tpu.memory_space<hbm>> -> memref<200000x128xf32, #tpu.memory_space<hbm>>
      tpu.enqueue_indirect_dma source(%dma_start3A_508 : memref<200000x128xf32, #tpu.memory_space<hbm>>) target(%dma_start3A_504 : memref<128x128xf32, #tpu.memory_space<vmem>>) offsets(%dma_start3A_505 : memref<128xi32, #tpu.memory_space<vmem>>) semaphore(%arg11 : memref<!tpu.dma_semaphore, #tpu.memory_space<semaphore_mem>>)
      %mul3A_509 = arith.constant 2 : i32
      %mul3A_510 = arith.muli %mul3A_509, %scan3A_486 : i32
      %add3A_511 = arith.constant 1 : i32
      %add3A_512 = arith.addi %mul3A_510, %add3A_511 : i32
      %mul3A_513 = arith.constant 256 : i32
      %mul3A_514 = arith.muli %add3A_512, %mul3A_513 : i32
      %dma_start3A_515 = arith.constant 0 : i32
      %dma_start3A_516 = arith.constant 0 : i32
      %dma_start3A_517 = tpu.memref_slice %arg9[%dma_start3A_515, %dma_start3A_516] : memref<256x128xf32, #tpu.memory_space<vmem>> -> memref<128x128xf32, #tpu.memory_space<vmem>>
      %dma_start3A_518 = tpu.memref_slice %arg7[%mul3A_514] : memref<5120xi32, #tpu.memory_space<vmem>> -> memref<128xi32, #tpu.memory_space<vmem>>
      %dma_start3A_519 = arith.constant 0 : i32
      %dma_start3A_520 = arith.constant 0 : i32
      %dma_start3A_521 = tpu.memref_slice %arg2[%dma_start3A_519, %dma_start3A_520] : memref<200000x128xf32, #tpu.memory_space<hbm>> -> memref<200000x128xf32, #tpu.memory_space<hbm>>
      tpu.enqueue_indirect_dma source(%dma_start3A_521 : memref<200000x128xf32, #tpu.memory_space<hbm>>) target(%dma_start3A_517 : memref<128x128xf32, #tpu.memory_space<vmem>>) offsets(%dma_start3A_518 : memref<128xi32, #tpu.memory_space<vmem>>) semaphore(%arg11 : memref<!tpu.dma_semaphore, #tpu.memory_space<semaphore_mem>>)
      %add3A_522 = arith.constant 128 : i32
      %add3A_523 = arith.addi %mul3A_514, %add3A_522 : i32
      %dma_start3A_524 = arith.constant 128 : i32
      %dma_start3A_525 = arith.constant 0 : i32
      %dma_start3A_526 = tpu.memref_slice %arg9[%dma_start3A_524, %dma_start3A_525] : memref<256x128xf32, #tpu.memory_space<vmem>> -> memref<128x128xf32, #tpu.memory_space<vmem>>
      %dma_start3A_527 = tpu.memref_slice %arg7[%add3A_523] : memref<5120xi32, #tpu.memory_space<vmem>> -> memref<128xi32, #tpu.memory_space<vmem>>
      %dma_start3A_528 = arith.constant 0 : i32
      %dma_start3A_529 = arith.constant 0 : i32
      %dma_start3A_530 = tpu.memref_slice %arg2[%dma_start3A_528, %dma_start3A_529] : memref<200000x128xf32, #tpu.memory_space<hbm>> -> memref<200000x128xf32, #tpu.memory_space<hbm>>
      tpu.enqueue_indirect_dma source(%dma_start3A_530 : memref<200000x128xf32, #tpu.memory_space<hbm>>) target(%dma_start3A_526 : memref<128x128xf32, #tpu.memory_space<vmem>>) offsets(%dma_start3A_527 : memref<128xi32, #tpu.memory_space<vmem>>) semaphore(%arg11 : memref<!tpu.dma_semaphore, #tpu.memory_space<semaphore_mem>>)
      %mul3A_531 = arith.constant 2 : i32
      %mul3A_532 = arith.muli %mul3A_531, %scan3A_486 : i32
      %add3A_533 = arith.constant 0 : i32
      %add3A_534 = arith.addi %mul3A_532, %add3A_533 : i32
      %mul3A_535 = arith.constant 256 : i32
      %mul3A_536 = arith.muli %add3A_534, %mul3A_535 : i32
      %dma_wait3A_537 = arith.constant 0 : i32
      %dma_wait3A_538 = arith.constant 0 : i32
      %dma_wait3A_539 = tpu.memref_slice %arg8[%dma_wait3A_537, %dma_wait3A_538] : memref<256x128xf32, #tpu.memory_space<vmem>> -> memref<128x128xf32, #tpu.memory_space<vmem>>
      %dma_wait3A_540 = tpu.memref_slice %arg7[%mul3A_492] : memref<5120xi32, #tpu.memory_space<vmem>> -> memref<128xi32, #tpu.memory_space<vmem>>
      %dma_wait3A_541 = arith.constant 0 : i32
      %dma_wait3A_542 = arith.constant 0 : i32
      %dma_wait3A_543 = tpu.memref_slice %arg2[%dma_wait3A_541, %dma_wait3A_542] : memref<200000x128xf32, #tpu.memory_space<hbm>> -> memref<200000x128xf32, #tpu.memory_space<hbm>>
      tpu.wait_indirect_dma semaphore(%arg11 : memref<!tpu.dma_semaphore, #tpu.memory_space<semaphore_mem>>) src(%dma_wait3A_543 : memref<200000x128xf32, #tpu.memory_space<hbm>>) dst(%dma_wait3A_539 : memref<128x128xf32, #tpu.memory_space<vmem>>)
      %dma_wait3A_544 = arith.constant 128 : i32
      %dma_wait3A_545 = arith.constant 0 : i32
      %dma_wait3A_546 = tpu.memref_slice %arg8[%dma_wait3A_544, %dma_wait3A_545] : memref<256x128xf32, #tpu.memory_space<vmem>> -> memref<128x128xf32, #tpu.memory_space<vmem>>
      %dma_wait3A_547 = tpu.memref_slice %arg7[%add3A_501] : memref<5120xi32, #tpu.memory_space<vmem>> -> memref<128xi32, #tpu.memory_space<vmem>>
      %dma_wait3A_548 = arith.constant 0 : i32
      %dma_wait3A_549 = arith.constant 0 : i32
      %dma_wait3A_550 = tpu.memref_slice %arg2[%dma_wait3A_548, %dma_wait3A_549] : memref<200000x128xf32, #tpu.memory_space<hbm>> -> memref<200000x128xf32, #tpu.memory_space<hbm>>
      tpu.wait_indirect_dma semaphore(%arg11 : memref<!tpu.dma_semaphore, #tpu.memory_space<semaphore_mem>>) src(%dma_wait3A_550 : memref<200000x128xf32, #tpu.memory_space<hbm>>) dst(%dma_wait3A_546 : memref<128x128xf32, #tpu.memory_space<vmem>>)
      %add3A_551 = arith.addi %mul3A_2, %mul3A_536 : i32
      %dma_start3A_552 = arith.constant 0 : i32
      %dma_start3A_553 = tpu.memref_slice %arg5[%add3A_551, %dma_start3A_552] : memref<163840x128xf32, #tpu.memory_space<hbm>> -> memref<256x128xf32, #tpu.memory_space<hbm>>
      %dma_start3A_554 = arith.constant 0 : i32
      %dma_start3A_555 = tpu.memref_slice %arg5[%add3A_551, %dma_start3A_554] : memref<163840x128xf32, #tpu.memory_space<hbm>> -> memref<256x128xf32, #tpu.memory_space<hbm>>
      tpu.enqueue_dma source(%arg8 : memref<256x128xf32, #tpu.memory_space<vmem>>) target(%dma_start3A_555 : memref<256x128xf32, #tpu.memory_space<hbm>>) target_semaphore(%arg12 : memref<!tpu.dma_semaphore, #tpu.memory_space<semaphore_mem>>)
      %mul3A_556 = arith.constant 2 : i32
      %mul3A_557 = arith.muli %mul3A_556, %scan3A_486 : i32
      %add3A_558 = arith.constant 1 : i32
      %add3A_559 = arith.addi %mul3A_557, %add3A_558 : i32
      %mul3A_560 = arith.constant 256 : i32
      %mul3A_561 = arith.muli %add3A_559, %mul3A_560 : i32
      %dma_wait3A_562 = arith.constant 0 : i32
      %dma_wait3A_563 = arith.constant 0 : i32
      %dma_wait3A_564 = tpu.memref_slice %arg9[%dma_wait3A_562, %dma_wait3A_563] : memref<256x128xf32, #tpu.memory_space<vmem>> -> memref<128x128xf32, #tpu.memory_space<vmem>>
      %dma_wait3A_565 = tpu.memref_slice %arg7[%mul3A_514] : memref<5120xi32, #tpu.memory_space<vmem>> -> memref<128xi32, #tpu.memory_space<vmem>>
      %dma_wait3A_566 = arith.constant 0 : i32
      %dma_wait3A_567 = arith.constant 0 : i32
      %dma_wait3A_568 = tpu.memref_slice %arg2[%dma_wait3A_566, %dma_wait3A_567] : memref<200000x128xf32, #tpu.memory_space<hbm>> -> memref<200000x128xf32, #tpu.memory_space<hbm>>
      tpu.wait_indirect_dma semaphore(%arg11 : memref<!tpu.dma_semaphore, #tpu.memory_space<semaphore_mem>>) src(%dma_wait3A_568 : memref<200000x128xf32, #tpu.memory_space<hbm>>) dst(%dma_wait3A_564 : memref<128x128xf32, #tpu.memory_space<vmem>>)
      %dma_wait3A_569 = arith.constant 128 : i32
      %dma_wait3A_570 = arith.constant 0 : i32
      %dma_wait3A_571 = tpu.memref_slice %arg9[%dma_wait3A_569, %dma_wait3A_570] : memref<256x128xf32, #tpu.memory_space<vmem>> -> memref<128x128xf32, #tpu.memory_space<vmem>>
      %dma_wait3A_572 = tpu.memref_slice %arg7[%add3A_523] : memref<5120xi32, #tpu.memory_space<vmem>> -> memref<128xi32, #tpu.memory_space<vmem>>
      %dma_wait3A_573 = arith.constant 0 : i32
      %dma_wait3A_574 = arith.constant 0 : i32
      %dma_wait3A_575 = tpu.memref_slice %arg2[%dma_wait3A_573, %dma_wait3A_574] : memref<200000x128xf32, #tpu.memory_space<hbm>> -> memref<200000x128xf32, #tpu.memory_space<hbm>>
      tpu.wait_indirect_dma semaphore(%arg11 : memref<!tpu.dma_semaphore, #tpu.memory_space<semaphore_mem>>) src(%dma_wait3A_575 : memref<200000x128xf32, #tpu.memory_space<hbm>>) dst(%dma_wait3A_571 : memref<128x128xf32, #tpu.memory_space<vmem>>)
      %add3A_576 = arith.addi %mul3A_2, %mul3A_561 : i32
      %dma_start3A_577 = arith.constant 0 : i32
      %dma_start3A_578 = tpu.memref_slice %arg5[%add3A_576, %dma_start3A_577] : memref<163840x128xf32, #tpu.memory_space<hbm>> -> memref<256x128xf32, #tpu.memory_space<hbm>>
      %dma_start3A_579 = arith.constant 0 : i32
      %dma_start3A_580 = tpu.memref_slice %arg5[%add3A_576, %dma_start3A_579] : memref<163840x128xf32, #tpu.memory_space<hbm>> -> memref<256x128xf32, #tpu.memory_space<hbm>>
      tpu.enqueue_dma source(%arg9 : memref<256x128xf32, #tpu.memory_space<vmem>>) target(%dma_start3A_580 : memref<256x128xf32, #tpu.memory_space<hbm>>) target_semaphore(%arg12 : memref<!tpu.dma_semaphore, #tpu.memory_space<semaphore_mem>>)
      %dma_wait3A_581 = arith.constant 0 : i32
      %dma_wait3A_582 = tpu.memref_slice %arg5[%add3A_551, %dma_wait3A_581] : memref<163840x128xf32, #tpu.memory_space<hbm>> -> memref<256x128xf32, #tpu.memory_space<hbm>>
      %dma_wait3A_583 = arith.constant 0 : i32
      %dma_wait3A_584 = tpu.memref_slice %arg5[%add3A_551, %dma_wait3A_583] : memref<163840x128xf32, #tpu.memory_space<hbm>> -> memref<256x128xf32, #tpu.memory_space<hbm>>
      tpu.wait_dma2 semaphore(%arg12 : memref<!tpu.dma_semaphore, #tpu.memory_space<semaphore_mem>>) src(%arg8 : memref<256x128xf32, #tpu.memory_space<vmem>>) dst(%dma_wait3A_584 : memref<256x128xf32, #tpu.memory_space<hbm>>)
      %dma_wait3A_585 = arith.constant 0 : i32
      %dma_wait3A_586 = tpu.memref_slice %arg5[%add3A_576, %dma_wait3A_585] : memref<163840x128xf32, #tpu.memory_space<hbm>> -> memref<256x128xf32, #tpu.memory_space<hbm>>
      %dma_wait3A_587 = arith.constant 0 : i32
      %dma_wait3A_588 = tpu.memref_slice %arg5[%add3A_576, %dma_wait3A_587] : memref<163840x128xf32, #tpu.memory_space<hbm>> -> memref<256x128xf32, #tpu.memory_space<hbm>>
      tpu.wait_dma2 semaphore(%arg12 : memref<!tpu.dma_semaphore, #tpu.memory_space<semaphore_mem>>) src(%arg9 : memref<256x128xf32, #tpu.memory_space<vmem>>) dst(%dma_wait3A_588 : memref<256x128xf32, #tpu.memory_space<hbm>>)
    }
    %scan3A_485 = arith.constant 10 : i32
    return
  }
}

module attributes {stable_mosaic.version = 14 : i64} {
  func.func @body(%arg0: i32, %arg1: memref<5000x1xf32, #tpu.memory_space<vmem>>, %arg2: memref<1x128xf32, #tpu.memory_space<vmem>>, %arg3: memref<1x128xf32, #tpu.memory_space<vmem>>, %arg4: memref<128x128xf32, #tpu.memory_space<vmem>>, %arg5: memref<1x128xf32, #tpu.memory_space<vmem>>, %arg6: memref<5000x128xf32, #tpu.memory_space<vmem>>) attributes {dimension_semantics = [#tpu.dimension_semantics<arbitrary>], iteration_bounds = array<i64: 10>, scalar_prefetch = 0 : i64, scratch_operands = 0 : i64, tpu.core_type = #tpu.core_type<tc>, window_params = [{transform_indices = @transform_0, window_bounds = array<i64: 5000, 1>}, {pipeline_mode = #tpu.pipeline_mode<synchronous>, transform_indices = @transform_1, window_bounds = array<i64: 1, 128>}, {pipeline_mode = #tpu.pipeline_mode<synchronous>, transform_indices = @transform_2, window_bounds = array<i64: 1, 128>}, {pipeline_mode = #tpu.pipeline_mode<synchronous>, transform_indices = @transform_3, window_bounds = array<i64: 128, 128>}, {pipeline_mode = #tpu.pipeline_mode<synchronous>, transform_indices = @transform_4, window_bounds = array<i64: 1, 128>}, {transform_indices = @transform_5, window_bounds = array<i64: 5000, 128>}]} {
    %get3A = arith.constant 0 : index
    %get3A_0 = arith.constant 0 : index
    %get3A_1 = vector.load %arg1[%get3A, %get3A_0] : memref<5000x1xf32, #tpu.memory_space<vmem>>, vector<5000x1xf32>
    %tanh3A = math.tanh %get3A_1 : vector<5000x1xf32>
    %get3A_2 = arith.constant 0 : index
    %get3A_3 = arith.constant 0 : index
    %get3A_4 = vector.load %arg2[%get3A_2, %get3A_3] : memref<1x128xf32, #tpu.memory_space<vmem>>, vector<1x128xf32>
    %mul3A = vector.broadcast %tanh3A : vector<5000x1xf32> to vector<5000x128xf32>
    %mul3A_5 = vector.broadcast %get3A_4 : vector<1x128xf32> to vector<5000x128xf32>
    %mul3A_6 = arith.mulf %mul3A, %mul3A_5 : vector<5000x128xf32>
    %get3A_7 = arith.constant 0 : index
    %get3A_8 = arith.constant 0 : index
    %get3A_9 = vector.load %arg3[%get3A_7, %get3A_8] : memref<1x128xf32, #tpu.memory_space<vmem>>, vector<1x128xf32>
    %add3A = vector.broadcast %get3A_9 : vector<1x128xf32> to vector<5000x128xf32>
    %add3A_10 = arith.addf %mul3A_6, %add3A : vector<5000x128xf32>
    %max3A = arith.constant 0.000000e+00 : f32
    %max3A_11 = vector.broadcast %max3A : f32 to vector<5000x128xf32>
    %max3A_12 = arith.maximumf %add3A_10, %max3A_11 : vector<5000x128xf32>
    %get3A_13 = arith.constant 0 : index
    %get3A_14 = arith.constant 0 : index
    %get3A_15 = vector.load %arg4[%get3A_13, %get3A_14] : memref<128x128xf32, #tpu.memory_space<vmem>>, vector<128x128xf32>
    %convert_element_type3A = arith.truncf %max3A_12 : vector<5000x128xf32> to vector<5000x128xbf16>
    %convert_element_type3A_16 = arith.truncf %get3A_15 : vector<128x128xf32> to vector<128x128xbf16>
    %dot_general3A = arith.constant dense<0.000000e+00> : vector<5000x128xf32>
    %dot_general3A_17 = tpu.matmul %convert_element_type3A, %convert_element_type3A_16, %dot_general3A {dimension_numbers = #tpu.dot_dimension_numbers<[1], [0], [0], [1], [0, 0, 1, 1], [], []>, transpose_lhs_hint = false} : vector<5000x128xbf16>, vector<128x128xbf16>, vector<5000x128xf32> -> vector<5000x128xf32>
    %get3A_18 = arith.constant 0 : index
    %get3A_19 = arith.constant 0 : index
    %get3A_20 = vector.load %arg5[%get3A_18, %get3A_19] : memref<1x128xf32, #tpu.memory_space<vmem>>, vector<1x128xf32>
    %add3A_21 = vector.broadcast %get3A_20 : vector<1x128xf32> to vector<5000x128xf32>
    %add3A_22 = arith.addf %dot_general3A_17, %add3A_21 : vector<5000x128xf32>
    %swap3A = arith.constant 0 : index
    %swap3A_23 = arith.constant 0 : index
    %swap3A_24 = vector.load %arg6[%swap3A, %swap3A_23] : memref<5000x128xf32, #tpu.memory_space<vmem>>, vector<5000x128xf32>
    tpu.vector_store %arg6[%swap3A, %swap3A_23], %add3A_22 {strides = array<i32>} : memref<5000x128xf32, #tpu.memory_space<vmem>>, vector<5000x128xf32>,
    return
  }
  func.func @transform_0(%arg0: i32) -> (i32, i32) {
    %c0_i32 = arith.constant 0 : i32
    %c0_i32_0 = arith.constant 0 : i32
    return %arg0, %c0_i32 : i32, i32
  }
  func.func @transform_1(%arg0: i32) -> (i32, i32) {
    %c0_i32 = arith.constant 0 : i32
    %c0_i32_0 = arith.constant 0 : i32
    %c0_i32_1 = arith.constant 0 : i32
    return %c0_i32, %c0_i32_0 : i32, i32
  }
  func.func @transform_2(%arg0: i32) -> (i32, i32) {
    %c0_i32 = arith.constant 0 : i32
    %c0_i32_0 = arith.constant 0 : i32
    %c0_i32_1 = arith.constant 0 : i32
    return %c0_i32, %c0_i32_0 : i32, i32
  }
  func.func @transform_3(%arg0: i32) -> (i32, i32) {
    %c0_i32 = arith.constant 0 : i32
    %c0_i32_0 = arith.constant 0 : i32
    %c0_i32_1 = arith.constant 0 : i32
    return %c0_i32, %c0_i32_0 : i32, i32
  }
  func.func @transform_4(%arg0: i32) -> (i32, i32) {
    %c0_i32 = arith.constant 0 : i32
    %c0_i32_0 = arith.constant 0 : i32
    %c0_i32_1 = arith.constant 0 : i32
    return %c0_i32, %c0_i32_0 : i32, i32
  }
  func.func @transform_5(%arg0: i32) -> (i32, i32) {
    %c0_i32 = arith.constant 0 : i32
    %c0_i32_0 = arith.constant 0 : i32
    return %arg0, %c0_i32 : i32, i32
  }
}

module attributes {stable_mosaic.version = 14 : i64} {
  func.func @body(%arg0: i32, %arg1: memref<5000x128xf32, #tpu.memory_space<vmem>>, %arg2: memref<5000x128xf32, #tpu.memory_space<vmem>>) attributes {dimension_semantics = [#tpu.dimension_semantics<arbitrary>], iteration_bounds = array<i64: 10>, scalar_prefetch = 0 : i64, scratch_operands = 0 : i64, tpu.core_type = #tpu.core_type<tc>, window_params = [{transform_indices = @transform_0, window_bounds = array<i64: 5000, 128>}, {transform_indices = @transform_1, window_bounds = array<i64: 5000, 128>}]} {
    %get3A = arith.constant 0 : index
    %get3A_0 = arith.constant 0 : index
    %get3A_1 = vector.load %arg1[%get3A, %get3A_0] : memref<5000x128xf32, #tpu.memory_space<vmem>>, vector<5000x128xf32>
    %swap3A = arith.constant 0 : index
    %swap3A_2 = arith.constant 0 : index
    %swap3A_3 = vector.load %arg2[%swap3A, %swap3A_2] : memref<5000x128xf32, #tpu.memory_space<vmem>>, vector<5000x128xf32>
    tpu.vector_store %arg2[%swap3A, %swap3A_2], %get3A_1 {strides = array<i32>} : memref<5000x128xf32, #tpu.memory_space<vmem>>, vector<5000x128xf32>,
    return
  }
  func.func @transform_0(%arg0: i32) -> (i32, i32) {
    %c0_i32 = arith.constant 0 : i32
    %c0_i32_0 = arith.constant 0 : i32
    return %arg0, %c0_i32 : i32, i32
  }
  func.func @transform_1(%arg0: i32) -> (i32, i32) {
    %add3A = arith.constant 20 : i32
    %add3A_0 = arith.addi %arg0, %add3A : i32
    %c0_i32 = arith.constant 0 : i32
    %c0_i32_1 = arith.constant 0 : i32
    return %add3A_0, %c0_i32 : i32, i32
  }
}

module attributes {stable_mosaic.version = 14 : i64} {
  func.func @body(%arg0: i32, %arg1: memref<200000x128xf32, #tpu.memory_space<any>>, %arg2: memref<4000x128xf32, #tpu.memory_space<vmem>>, %arg3: memref<128x128xf32, #tpu.memory_space<vmem>>, %arg4: memref<1x128xf32, #tpu.memory_space<vmem>>, %arg5: memref<128x128xf32, #tpu.memory_space<vmem>>, %arg6: memref<1x128xf32, #tpu.memory_space<vmem>>, %arg7: memref<4000x128xf32, #tpu.memory_space<vmem>>) attributes {dimension_semantics = [#tpu.dimension_semantics<arbitrary>], iteration_bounds = array<i64: 25>, scalar_prefetch = 0 : i64, scratch_operands = 0 : i64, tpu.core_type = #tpu.core_type<tc>, window_params = [{}, {transform_indices = @transform_1, window_bounds = array<i64: 4000, 128>}, {pipeline_mode = #tpu.pipeline_mode<synchronous>, transform_indices = @transform_2, window_bounds = array<i64: 128, 128>}, {pipeline_mode = #tpu.pipeline_mode<synchronous>, transform_indices = @transform_3, window_bounds = array<i64: 1, 128>}, {pipeline_mode = #tpu.pipeline_mode<synchronous>, transform_indices = @transform_4, window_bounds = array<i64: 128, 128>}, {pipeline_mode = #tpu.pipeline_mode<synchronous>, transform_indices = @transform_5, window_bounds = array<i64: 1, 128>}, {transform_indices = @transform_6, window_bounds = array<i64: 4000, 128>}]} {
    %get3A = arith.constant 0 : index
    %get3A_0 = arith.constant 0 : index
    %get3A_1 = vector.load %arg2[%get3A, %get3A_0] : memref<4000x128xf32, #tpu.memory_space<vmem>>, vector<4000x128xf32>
    %get3A_2 = arith.constant 0 : index
    %get3A_3 = arith.constant 0 : index
    %get3A_4 = vector.load %arg3[%get3A_2, %get3A_3] : memref<128x128xf32, #tpu.memory_space<vmem>>, vector<128x128xf32>
    %convert_element_type3A = arith.truncf %get3A_1 : vector<4000x128xf32> to vector<4000x128xbf16>
    %convert_element_type3A_5 = arith.truncf %get3A_4 : vector<128x128xf32> to vector<128x128xbf16>
    %dot_general3A = arith.constant dense<0.000000e+00> : vector<4000x128xf32>
    %dot_general3A_6 = tpu.matmul %convert_element_type3A, %convert_element_type3A_5, %dot_general3A {dimension_numbers = #tpu.dot_dimension_numbers<[1], [0], [0], [1], [0, 0, 1, 1], [], []>, transpose_lhs_hint = false} : vector<4000x128xbf16>, vector<128x128xbf16>, vector<4000x128xf32> -> vector<4000x128xf32>
    %get3A_7 = arith.constant 0 : index
    %get3A_8 = arith.constant 0 : index
    %get3A_9 = vector.load %arg4[%get3A_7, %get3A_8] : memref<1x128xf32, #tpu.memory_space<vmem>>, vector<1x128xf32>
    %add3A = vector.broadcast %get3A_9 : vector<1x128xf32> to vector<4000x128xf32>
    %add3A_10 = arith.addf %dot_general3A_6, %add3A : vector<4000x128xf32>
    %max3A = arith.constant 0.000000e+00 : f32
    %max3A_11 = vector.broadcast %max3A : f32 to vector<4000x128xf32>
    %max3A_12 = arith.maximumf %add3A_10, %max3A_11 : vector<4000x128xf32>
    %get3A_13 = arith.constant 0 : index
    %get3A_14 = arith.constant 0 : index
    %get3A_15 = vector.load %arg5[%get3A_13, %get3A_14] : memref<128x128xf32, #tpu.memory_space<vmem>>, vector<128x128xf32>
    %convert_element_type3A_16 = arith.truncf %max3A_12 : vector<4000x128xf32> to vector<4000x128xbf16>
    %convert_element_type3A_17 = arith.truncf %get3A_15 : vector<128x128xf32> to vector<128x128xbf16>
    %dot_general3A_18 = arith.constant dense<0.000000e+00> : vector<4000x128xf32>
    %dot_general3A_19 = tpu.matmul %convert_element_type3A_16, %convert_element_type3A_17, %dot_general3A_18 {dimension_numbers = #tpu.dot_dimension_numbers<[1], [0], [0], [1], [0, 0, 1, 1], [], []>, transpose_lhs_hint = false} : vector<4000x128xbf16>, vector<128x128xbf16>, vector<4000x128xf32> -> vector<4000x128xf32>
    %get3A_20 = arith.constant 0 : index
    %get3A_21 = arith.constant 0 : index
    %get3A_22 = vector.load %arg6[%get3A_20, %get3A_21] : memref<1x128xf32, #tpu.memory_space<vmem>>, vector<1x128xf32>
    %add3A_23 = vector.broadcast %get3A_22 : vector<1x128xf32> to vector<4000x128xf32>
    %add3A_24 = arith.addf %dot_general3A_19, %add3A_23 : vector<4000x128xf32>
    %swap3A = arith.constant 0 : index
    %swap3A_25 = arith.constant 0 : index
    %swap3A_26 = vector.load %arg7[%swap3A, %swap3A_25] : memref<4000x128xf32, #tpu.memory_space<vmem>>, vector<4000x128xf32>
    tpu.vector_store %arg7[%swap3A, %swap3A_25], %add3A_24 {strides = array<i32>} : memref<4000x128xf32, #tpu.memory_space<vmem>>, vector<4000x128xf32>,
    return
  }
  func.func @transform_1(%arg0: i32) -> (i32, i32) {
    %c0_i32 = arith.constant 0 : i32
    %c0_i32_0 = arith.constant 0 : i32
    return %arg0, %c0_i32 : i32, i32
  }
  func.func @transform_2(%arg0: i32) -> (i32, i32) {
    %c0_i32 = arith.constant 0 : i32
    %c0_i32_0 = arith.constant 0 : i32
    %c0_i32_1 = arith.constant 0 : i32
    return %c0_i32, %c0_i32_0 : i32, i32
  }
  func.func @transform_3(%arg0: i32) -> (i32, i32) {
    %c0_i32 = arith.constant 0 : i32
    %c0_i32_0 = arith.constant 0 : i32
    %c0_i32_1 = arith.constant 0 : i32
    return %c0_i32, %c0_i32_0 : i32, i32
  }
  func.func @transform_4(%arg0: i32) -> (i32, i32) {
    %c0_i32 = arith.constant 0 : i32
    %c0_i32_0 = arith.constant 0 : i32
    %c0_i32_1 = arith.constant 0 : i32
    return %c0_i32, %c0_i32_0 : i32, i32
  }
  func.func @transform_5(%arg0: i32) -> (i32, i32) {
    %c0_i32 = arith.constant 0 : i32
    %c0_i32_0 = arith.constant 0 : i32
    %c0_i32_1 = arith.constant 0 : i32
    return %c0_i32, %c0_i32_0 : i32, i32
  }
  func.func @transform_6(%arg0: i32) -> (i32, i32) {
    %c0_i32 = arith.constant 0 : i32
    %c0_i32_0 = arith.constant 0 : i32
    return %arg0, %c0_i32 : i32, i32
  }
}

module attributes {stable_mosaic.version = 14 : i64} {
  func.func @body(%arg0: i32, %arg1: memref<200000x128xf32, #tpu.memory_space<any>>, %arg2: memref<5000x128xf32, #tpu.memory_space<vmem>>, %arg3: memref<5000x128xf32, #tpu.memory_space<vmem>>, %arg4: memref<5000x128xf32, #tpu.memory_space<vmem>>, %arg5: memref<5000x128xf32, #tpu.memory_space<vmem>>, %arg6: memref<512x128xf32, #tpu.memory_space<vmem>>, %arg7: memref<1x128xf32, #tpu.memory_space<vmem>>, %arg8: memref<128x128xf32, #tpu.memory_space<vmem>>, %arg9: memref<1x128xf32, #tpu.memory_space<vmem>>, %arg10: memref<5000x128xf32, #tpu.memory_space<vmem>>) attributes {dimension_semantics = [#tpu.dimension_semantics<arbitrary>], iteration_bounds = array<i64: 10>, scalar_prefetch = 0 : i64, scratch_operands = 0 : i64, tpu.core_type = #tpu.core_type<tc>, window_params = [{}, {transform_indices = @transform_1, window_bounds = array<i64: 5000, 128>}, {transform_indices = @transform_2, window_bounds = array<i64: 5000, 128>}, {transform_indices = @transform_3, window_bounds = array<i64: 5000, 128>}, {transform_indices = @transform_4, window_bounds = array<i64: 5000, 128>}, {pipeline_mode = #tpu.pipeline_mode<synchronous>, transform_indices = @transform_5, window_bounds = array<i64: 512, 128>}, {pipeline_mode = #tpu.pipeline_mode<synchronous>, transform_indices = @transform_6, window_bounds = array<i64: 1, 128>}, {pipeline_mode = #tpu.pipeline_mode<synchronous>, transform_indices = @transform_7, window_bounds = array<i64: 128, 128>}, {pipeline_mode = #tpu.pipeline_mode<synchronous>, transform_indices = @transform_8, window_bounds = array<i64: 1, 128>}, {transform_indices = @transform_9, window_bounds = array<i64: 5000, 128>}]} {
    %get3A = arith.constant 0 : index
    %get3A_0 = arith.constant 0 : index
    %get3A_1 = vector.load %arg2[%get3A, %get3A_0] : memref<5000x128xf32, #tpu.memory_space<vmem>>, vector<5000x128xf32>
    %get3A_2 = arith.constant 0 : index
    %get3A_3 = arith.constant 0 : index
    %get3A_4 = vector.load %arg6[%get3A_2, %get3A_3] : memref<512x128xf32, #tpu.memory_space<vmem>>, vector<128x128xf32>
    %convert_element_type3A = arith.truncf %get3A_1 : vector<5000x128xf32> to vector<5000x128xbf16>
    %convert_element_type3A_5 = arith.truncf %get3A_4 : vector<128x128xf32> to vector<128x128xbf16>
    %dot_general3A = arith.constant dense<0.000000e+00> : vector<5000x128xf32>
    %dot_general3A_6 = tpu.matmul %convert_element_type3A, %convert_element_type3A_5, %dot_general3A {dimension_numbers = #tpu.dot_dimension_numbers<[1], [0], [0], [1], [0, 0, 1, 1], [], []>, transpose_lhs_hint = false} : vector<5000x128xbf16>, vector<128x128xbf16>, vector<5000x128xf32> -> vector<5000x128xf32>
    %get3A_7 = arith.constant 0 : index
    %get3A_8 = arith.constant 0 : index
    %get3A_9 = vector.load %arg3[%get3A_7, %get3A_8] : memref<5000x128xf32, #tpu.memory_space<vmem>>, vector<5000x128xf32>
    %get3A_10 = arith.constant 128 : index
    %get3A_11 = arith.constant 0 : index
    %get3A_12 = vector.load %arg6[%get3A_10, %get3A_11] : memref<512x128xf32, #tpu.memory_space<vmem>>, vector<128x128xf32>
    %convert_element_type3A_13 = arith.truncf %get3A_9 : vector<5000x128xf32> to vector<5000x128xbf16>
    %convert_element_type3A_14 = arith.truncf %get3A_12 : vector<128x128xf32> to vector<128x128xbf16>
    %dot_general3A_15 = arith.constant dense<0.000000e+00> : vector<5000x128xf32>
    %dot_general3A_16 = tpu.matmul %convert_element_type3A_13, %convert_element_type3A_14, %dot_general3A_15 {dimension_numbers = #tpu.dot_dimension_numbers<[1], [0], [0], [1], [0, 0, 1, 1], [], []>, transpose_lhs_hint = false} : vector<5000x128xbf16>, vector<128x128xbf16>, vector<5000x128xf32> -> vector<5000x128xf32>
    %add3A = arith.addf %dot_general3A_6, %dot_general3A_16 : vector<5000x128xf32>
    %get3A_17 = arith.constant 0 : index
    %get3A_18 = arith.constant 0 : index
    %get3A_19 = vector.load %arg4[%get3A_17, %get3A_18] : memref<5000x128xf32, #tpu.memory_space<vmem>>, vector<5000x128xf32>
    %get3A_20 = arith.constant 256 : index
    %get3A_21 = arith.constant 0 : index
    %get3A_22 = vector.load %arg6[%get3A_20, %get3A_21] : memref<512x128xf32, #tpu.memory_space<vmem>>, vector<128x128xf32>
    %convert_element_type3A_23 = arith.truncf %get3A_19 : vector<5000x128xf32> to vector<5000x128xbf16>
    %convert_element_type3A_24 = arith.truncf %get3A_22 : vector<128x128xf32> to vector<128x128xbf16>
    %dot_general3A_25 = arith.constant dense<0.000000e+00> : vector<5000x128xf32>
    %dot_general3A_26 = tpu.matmul %convert_element_type3A_23, %convert_element_type3A_24, %dot_general3A_25 {dimension_numbers = #tpu.dot_dimension_numbers<[1], [0], [0], [1], [0, 0, 1, 1], [], []>, transpose_lhs_hint = false} : vector<5000x128xbf16>, vector<128x128xbf16>, vector<5000x128xf32> -> vector<5000x128xf32>
    %add3A_27 = arith.addf %add3A, %dot_general3A_26 : vector<5000x128xf32>
    %get3A_28 = arith.constant 0 : index
    %get3A_29 = arith.constant 0 : index
    %get3A_30 = vector.load %arg5[%get3A_28, %get3A_29] : memref<5000x128xf32, #tpu.memory_space<vmem>>, vector<5000x128xf32>
    %get3A_31 = arith.constant 384 : index
    %get3A_32 = arith.constant 0 : index
    %get3A_33 = vector.load %arg6[%get3A_31, %get3A_32] : memref<512x128xf32, #tpu.memory_space<vmem>>, vector<128x128xf32>
    %convert_element_type3A_34 = arith.truncf %get3A_30 : vector<5000x128xf32> to vector<5000x128xbf16>
    %convert_element_type3A_35 = arith.truncf %get3A_33 : vector<128x128xf32> to vector<128x128xbf16>
    %dot_general3A_36 = arith.constant dense<0.000000e+00> : vector<5000x128xf32>
    %dot_general3A_37 = tpu.matmul %convert_element_type3A_34, %convert_element_type3A_35, %dot_general3A_36 {dimension_numbers = #tpu.dot_dimension_numbers<[1], [0], [0], [1], [0, 0, 1, 1], [], []>, transpose_lhs_hint = false} : vector<5000x128xbf16>, vector<128x128xbf16>, vector<5000x128xf32> -> vector<5000x128xf32>
    %add3A_38 = arith.addf %add3A_27, %dot_general3A_37 : vector<5000x128xf32>
    %get3A_39 = arith.constant 0 : index
    %get3A_40 = arith.constant 0 : index
    %get3A_41 = vector.load %arg7[%get3A_39, %get3A_40] : memref<1x128xf32, #tpu.memory_space<vmem>>, vector<1x128xf32>
    %add3A_42 = vector.broadcast %get3A_41 : vector<1x128xf32> to vector<5000x128xf32>
    %add3A_43 = arith.addf %add3A_38, %add3A_42 : vector<5000x128xf32>
    %max3A = arith.constant 0.000000e+00 : f32
    %max3A_44 = vector.broadcast %max3A : f32 to vector<5000x128xf32>
    %max3A_45 = arith.maximumf %add3A_43, %max3A_44 : vector<5000x128xf32>
    %get3A_46 = arith.constant 0 : index
    %get3A_47 = arith.constant 0 : index
    %get3A_48 = vector.load %arg8[%get3A_46, %get3A_47] : memref<128x128xf32, #tpu.memory_space<vmem>>, vector<128x128xf32>
    %convert_element_type3A_49 = arith.truncf %max3A_45 : vector<5000x128xf32> to vector<5000x128xbf16>
    %convert_element_type3A_50 = arith.truncf %get3A_48 : vector<128x128xf32> to vector<128x128xbf16>
    %dot_general3A_51 = arith.constant dense<0.000000e+00> : vector<5000x128xf32>
    %dot_general3A_52 = tpu.matmul %convert_element_type3A_49, %convert_element_type3A_50, %dot_general3A_51 {dimension_numbers = #tpu.dot_dimension_numbers<[1], [0], [0], [1], [0, 0, 1, 1], [], []>, transpose_lhs_hint = false} : vector<5000x128xbf16>, vector<128x128xbf16>, vector<5000x128xf32> -> vector<5000x128xf32>
    %get3A_53 = arith.constant 0 : index
    %get3A_54 = arith.constant 0 : index
    %get3A_55 = vector.load %arg9[%get3A_53, %get3A_54] : memref<1x128xf32, #tpu.memory_space<vmem>>, vector<1x128xf32>
    %add3A_56 = vector.broadcast %get3A_55 : vector<1x128xf32> to vector<5000x128xf32>
    %add3A_57 = arith.addf %dot_general3A_52, %add3A_56 : vector<5000x128xf32>
    %swap3A = arith.constant 0 : index
    %swap3A_58 = arith.constant 0 : index
    %swap3A_59 = vector.load %arg10[%swap3A, %swap3A_58] : memref<5000x128xf32, #tpu.memory_space<vmem>>, vector<5000x128xf32>
    tpu.vector_store %arg10[%swap3A, %swap3A_58], %add3A_57 {strides = array<i32>} : memref<5000x128xf32, #tpu.memory_space<vmem>>, vector<5000x128xf32>,
    return
  }
  func.func @transform_1(%arg0: i32) -> (i32, i32) {
    %c0_i32 = arith.constant 0 : i32
    %c0_i32_0 = arith.constant 0 : i32
    return %arg0, %c0_i32 : i32, i32
  }
  func.func @transform_2(%arg0: i32) -> (i32, i32) {
    %c0_i32 = arith.constant 0 : i32
    %c0_i32_0 = arith.constant 0 : i32
    return %arg0, %c0_i32 : i32, i32
  }
  func.func @transform_3(%arg0: i32) -> (i32, i32) {
    %c0_i32 = arith.constant 0 : i32
    %c0_i32_0 = arith.constant 0 : i32
    return %arg0, %c0_i32 : i32, i32
  }
  func.func @transform_4(%arg0: i32) -> (i32, i32) {
    %c0_i32 = arith.constant 0 : i32
    %c0_i32_0 = arith.constant 0 : i32
    return %arg0, %c0_i32 : i32, i32
  }
  func.func @transform_5(%arg0: i32) -> (i32, i32) {
    %c0_i32 = arith.constant 0 : i32
    %c0_i32_0 = arith.constant 0 : i32
    %c0_i32_1 = arith.constant 0 : i32
    return %c0_i32, %c0_i32_0 : i32, i32
  }
  func.func @transform_6(%arg0: i32) -> (i32, i32) {
    %c0_i32 = arith.constant 0 : i32
    %c0_i32_0 = arith.constant 0 : i32
    %c0_i32_1 = arith.constant 0 : i32
    return %c0_i32, %c0_i32_0 : i32, i32
  }
  func.func @transform_7(%arg0: i32) -> (i32, i32) {
    %c0_i32 = arith.constant 0 : i32
    %c0_i32_0 = arith.constant 0 : i32
    %c0_i32_1 = arith.constant 0 : i32
    return %c0_i32, %c0_i32_0 : i32, i32
  }
  func.func @transform_8(%arg0: i32) -> (i32, i32) {
    %c0_i32 = arith.constant 0 : i32
    %c0_i32_0 = arith.constant 0 : i32
    %c0_i32_1 = arith.constant 0 : i32
    return %c0_i32, %c0_i32_0 : i32, i32
  }
  func.func @transform_9(%arg0: i32) -> (i32, i32) {
    %add3A = arith.constant 30 : i32
    %add3A_0 = arith.addi %arg0, %add3A : i32
    %c0_i32 = arith.constant 0 : i32
    %c0_i32_1 = arith.constant 0 : i32
    return %add3A_0, %c0_i32 : i32, i32
  }
}

module attributes {stable_mosaic.version = 14 : i64} {
  func.func @body1(%arg0: i32, %arg1: memref<1280x128xf32, #tpu.memory_space<vmem>>, %arg2: memref<1280x128xf32, #tpu.memory_space<vmem>>, %arg3: memref<1280x128xf32, #tpu.memory_space<vmem>>, %arg4: memref<1280x128xf32, #tpu.memory_space<vmem>>, %arg5: memref<1280x128xf32, #tpu.memory_space<vmem>>, %arg6: memref<640x128xf32, #tpu.memory_space<vmem>>, %arg7: memref<1x128xf32, #tpu.memory_space<vmem>>, %arg8: memref<128x128xf32, #tpu.memory_space<vmem>>, %arg9: memref<1x128xf32, #tpu.memory_space<vmem>>, %arg10: memref<64x20x128xf32, #tpu.memory_space<vmem>>) attributes {dimension_semantics = [#tpu.dimension_semantics<arbitrary>], iteration_bounds = array<i64: 32>, scalar_prefetch = 0 : i64, scratch_operands = 0 : i64, tpu.core_type = #tpu.core_type<tc>, window_params = [{transform_indices = @transform_0, window_bounds = array<i64: 1280, 128>}, {transform_indices = @transform_1, window_bounds = array<i64: 1280, 128>}, {transform_indices = @transform_2, window_bounds = array<i64: 1280, 128>}, {transform_indices = @transform_3, window_bounds = array<i64: 1280, 128>}, {transform_indices = @transform_4, window_bounds = array<i64: 1280, 128>}, {pipeline_mode = #tpu.pipeline_mode<synchronous>, transform_indices = @transform_5, window_bounds = array<i64: 640, 128>}, {pipeline_mode = #tpu.pipeline_mode<synchronous>, transform_indices = @transform_6, window_bounds = array<i64: 1, 128>}, {pipeline_mode = #tpu.pipeline_mode<synchronous>, transform_indices = @transform_7, window_bounds = array<i64: 128, 128>}, {pipeline_mode = #tpu.pipeline_mode<synchronous>, transform_indices = @transform_8, window_bounds = array<i64: 1, 128>}, {transform_indices = @transform_9, window_bounds = array<i64: 64, 20, 128>}]} {
    %get3A = arith.constant 0 : index
    %get3A_0 = arith.constant 0 : index
    %get3A_1 = vector.load %arg1[%get3A, %get3A_0] : memref<1280x128xf32, #tpu.memory_space<vmem>>, vector<1280x128xf32>
    %get3A_2 = arith.constant 0 : index
    %get3A_3 = arith.constant 0 : index
    %get3A_4 = vector.load %arg6[%get3A_2, %get3A_3] : memref<640x128xf32, #tpu.memory_space<vmem>>, vector<128x128xf32>
    %convert_element_type3A = arith.truncf %get3A_1 : vector<1280x128xf32> to vector<1280x128xbf16>
    %convert_element_type3A_5 = arith.truncf %get3A_4 : vector<128x128xf32> to vector<128x128xbf16>
    %dot_general3A = arith.constant dense<0.000000e+00> : vector<1280x128xf32>
    %dot_general3A_6 = tpu.matmul %convert_element_type3A, %convert_element_type3A_5, %dot_general3A {dimension_numbers = #tpu.dot_dimension_numbers<[1], [0], [0], [1], [0, 0, 1, 1], [], []>, transpose_lhs_hint = false} : vector<1280x128xbf16>, vector<128x128xbf16>, vector<1280x128xf32> -> vector<1280x128xf32>
    %get3A_7 = arith.constant 0 : index
    %get3A_8 = arith.constant 0 : index
    %get3A_9 = vector.load %arg2[%get3A_7, %get3A_8] : memref<1280x128xf32, #tpu.memory_space<vmem>>, vector<1280x128xf32>
    %get3A_10 = arith.constant 128 : index
    %get3A_11 = arith.constant 0 : index
    %get3A_12 = vector.load %arg6[%get3A_10, %get3A_11] : memref<640x128xf32, #tpu.memory_space<vmem>>, vector<128x128xf32>
    %convert_element_type3A_13 = arith.truncf %get3A_9 : vector<1280x128xf32> to vector<1280x128xbf16>
    %convert_element_type3A_14 = arith.truncf %get3A_12 : vector<128x128xf32> to vector<128x128xbf16>
    %dot_general3A_15 = arith.constant dense<0.000000e+00> : vector<1280x128xf32>
    %dot_general3A_16 = tpu.matmul %convert_element_type3A_13, %convert_element_type3A_14, %dot_general3A_15 {dimension_numbers = #tpu.dot_dimension_numbers<[1], [0], [0], [1], [0, 0, 1, 1], [], []>, transpose_lhs_hint = false} : vector<1280x128xbf16>, vector<128x128xbf16>, vector<1280x128xf32> -> vector<1280x128xf32>
    %add3A = arith.addf %dot_general3A_6, %dot_general3A_16 : vector<1280x128xf32>
    %get3A_17 = arith.constant 0 : index
    %get3A_18 = arith.constant 0 : index
    %get3A_19 = vector.load %arg3[%get3A_17, %get3A_18] : memref<1280x128xf32, #tpu.memory_space<vmem>>, vector<1280x128xf32>
    %get3A_20 = arith.constant 256 : index
    %get3A_21 = arith.constant 0 : index
    %get3A_22 = vector.load %arg6[%get3A_20, %get3A_21] : memref<640x128xf32, #tpu.memory_space<vmem>>, vector<128x128xf32>
    %convert_element_type3A_23 = arith.truncf %get3A_19 : vector<1280x128xf32> to vector<1280x128xbf16>
    %convert_element_type3A_24 = arith.truncf %get3A_22 : vector<128x128xf32> to vector<128x128xbf16>
    %dot_general3A_25 = arith.constant dense<0.000000e+00> : vector<1280x128xf32>
    %dot_general3A_26 = tpu.matmul %convert_element_type3A_23, %convert_element_type3A_24, %dot_general3A_25 {dimension_numbers = #tpu.dot_dimension_numbers<[1], [0], [0], [1], [0, 0, 1, 1], [], []>, transpose_lhs_hint = false} : vector<1280x128xbf16>, vector<128x128xbf16>, vector<1280x128xf32> -> vector<1280x128xf32>
    %add3A_27 = arith.addf %add3A, %dot_general3A_26 : vector<1280x128xf32>
    %get3A_28 = arith.constant 0 : index
    %get3A_29 = arith.constant 0 : index
    %get3A_30 = vector.load %arg4[%get3A_28, %get3A_29] : memref<1280x128xf32, #tpu.memory_space<vmem>>, vector<1280x128xf32>
    %get3A_31 = arith.constant 384 : index
    %get3A_32 = arith.constant 0 : index
    %get3A_33 = vector.load %arg6[%get3A_31, %get3A_32] : memref<640x128xf32, #tpu.memory_space<vmem>>, vector<128x128xf32>
    %convert_element_type3A_34 = arith.truncf %get3A_30 : vector<1280x128xf32> to vector<1280x128xbf16>
    %convert_element_type3A_35 = arith.truncf %get3A_33 : vector<128x128xf32> to vector<128x128xbf16>
    %dot_general3A_36 = arith.constant dense<0.000000e+00> : vector<1280x128xf32>
    %dot_general3A_37 = tpu.matmul %convert_element_type3A_34, %convert_element_type3A_35, %dot_general3A_36 {dimension_numbers = #tpu.dot_dimension_numbers<[1], [0], [0], [1], [0, 0, 1, 1], [], []>, transpose_lhs_hint = false} : vector<1280x128xbf16>, vector<128x128xbf16>, vector<1280x128xf32> -> vector<1280x128xf32>
    %add3A_38 = arith.addf %add3A_27, %dot_general3A_37 : vector<1280x128xf32>
    %get3A_39 = arith.constant 0 : index
    %get3A_40 = arith.constant 0 : index
    %get3A_41 = vector.load %arg5[%get3A_39, %get3A_40] : memref<1280x128xf32, #tpu.memory_space<vmem>>, vector<1280x128xf32>
    %get3A_42 = arith.constant 512 : index
    %get3A_43 = arith.constant 0 : index
    %get3A_44 = vector.load %arg6[%get3A_42, %get3A_43] : memref<640x128xf32, #tpu.memory_space<vmem>>, vector<128x128xf32>
    %convert_element_type3A_45 = arith.truncf %get3A_41 : vector<1280x128xf32> to vector<1280x128xbf16>
    %convert_element_type3A_46 = arith.truncf %get3A_44 : vector<128x128xf32> to vector<128x128xbf16>
    %dot_general3A_47 = arith.constant dense<0.000000e+00> : vector<1280x128xf32>
    %dot_general3A_48 = tpu.matmul %convert_element_type3A_45, %convert_element_type3A_46, %dot_general3A_47 {dimension_numbers = #tpu.dot_dimension_numbers<[1], [0], [0], [1], [0, 0, 1, 1], [], []>, transpose_lhs_hint = false} : vector<1280x128xbf16>, vector<128x128xbf16>, vector<1280x128xf32> -> vector<1280x128xf32>
    %add3A_49 = arith.addf %add3A_38, %dot_general3A_48 : vector<1280x128xf32>
    %get3A_50 = arith.constant 0 : index
    %get3A_51 = arith.constant 0 : index
    %get3A_52 = vector.load %arg7[%get3A_50, %get3A_51] : memref<1x128xf32, #tpu.memory_space<vmem>>, vector<1x128xf32>
    %add3A_53 = vector.broadcast %get3A_52 : vector<1x128xf32> to vector<1280x128xf32>
    %add3A_54 = arith.addf %add3A_49, %add3A_53 : vector<1280x128xf32>
    %max3A = arith.constant 0.000000e+00 : f32
    %max3A_55 = vector.broadcast %max3A : f32 to vector<1280x128xf32>
    %max3A_56 = arith.maximumf %add3A_54, %max3A_55 : vector<1280x128xf32>
    %get3A_57 = arith.constant 0 : index
    %get3A_58 = arith.constant 0 : index
    %get3A_59 = vector.load %arg8[%get3A_57, %get3A_58] : memref<128x128xf32, #tpu.memory_space<vmem>>, vector<128x128xf32>
    %convert_element_type3A_60 = arith.truncf %max3A_56 : vector<1280x128xf32> to vector<1280x128xbf16>
    %convert_element_type3A_61 = arith.truncf %get3A_59 : vector<128x128xf32> to vector<128x128xbf16>
    %dot_general3A_62 = arith.constant dense<0.000000e+00> : vector<1280x128xf32>
    %dot_general3A_63 = tpu.matmul %convert_element_type3A_60, %convert_element_type3A_61, %dot_general3A_62 {dimension_numbers = #tpu.dot_dimension_numbers<[1], [0], [0], [1], [0, 0, 1, 1], [], []>, transpose_lhs_hint = false} : vector<1280x128xbf16>, vector<128x128xbf16>, vector<1280x128xf32> -> vector<1280x128xf32>
    %get3A_64 = arith.constant 0 : index
    %get3A_65 = arith.constant 0 : index
    %get3A_66 = vector.load %arg9[%get3A_64, %get3A_65] : memref<1x128xf32, #tpu.memory_space<vmem>>, vector<1x128xf32>
    %add3A_67 = vector.broadcast %get3A_66 : vector<1x128xf32> to vector<1280x128xf32>
    %add3A_68 = arith.addf %dot_general3A_63, %add3A_67 : vector<1280x128xf32>
    %reshape3A = vector.shape_cast %add3A_68 : vector<1280x128xf32> to vector<64x20x128xf32>
    %swap3A = arith.constant 0 : index
    %swap3A_69 = arith.constant 0 : index
    %swap3A_70 = arith.constant 0 : index
    %swap3A_71 = vector.load %arg10[%swap3A, %swap3A_69, %swap3A_70] : memref<64x20x128xf32, #tpu.memory_space<vmem>>, vector<64x20x128xf32>
    tpu.vector_store %arg10[%swap3A, %swap3A_69, %swap3A_70], %reshape3A {strides = array<i32>} : memref<64x20x128xf32, #tpu.memory_space<vmem>>, vector<64x20x128xf32>,
    return
  }
  func.func @transform_0(%arg0: i32) -> (i32, i32) {
    %add3A = arith.constant 0 : i32
    %add3A_0 = arith.addi %add3A, %arg0 : i32
    %c0_i32 = arith.constant 0 : i32
    %c0_i32_1 = arith.constant 0 : i32
    return %add3A_0, %c0_i32 : i32, i32
  }
  func.func @transform_1(%arg0: i32) -> (i32, i32) {
    %add3A = arith.constant 0 : i32
    %add3A_0 = arith.addi %add3A, %arg0 : i32
    %c0_i32 = arith.constant 0 : i32
    %c0_i32_1 = arith.constant 0 : i32
    return %add3A_0, %c0_i32 : i32, i32
  }
  func.func @transform_2(%arg0: i32) -> (i32, i32) {
    %add3A = arith.constant 32 : i32
    %add3A_0 = arith.addi %add3A, %arg0 : i32
    %c0_i32 = arith.constant 0 : i32
    %c0_i32_1 = arith.constant 0 : i32
    return %add3A_0, %c0_i32 : i32, i32
  }
  func.func @transform_3(%arg0: i32) -> (i32, i32) {
    %add3A = arith.constant 64 : i32
    %add3A_0 = arith.addi %add3A, %arg0 : i32
    %c0_i32 = arith.constant 0 : i32
    %c0_i32_1 = arith.constant 0 : i32
    return %add3A_0, %c0_i32 : i32, i32
  }
  func.func @transform_4(%arg0: i32) -> (i32, i32) {
    %add3A = arith.constant 96 : i32
    %add3A_0 = arith.addi %add3A, %arg0 : i32
    %c0_i32 = arith.constant 0 : i32
    %c0_i32_1 = arith.constant 0 : i32
    return %add3A_0, %c0_i32 : i32, i32
  }
  func.func @transform_5(%arg0: i32) -> (i32, i32) {
    %c0_i32 = arith.constant 0 : i32
    %c0_i32_0 = arith.constant 0 : i32
    %c0_i32_1 = arith.constant 0 : i32
    return %c0_i32, %c0_i32_0 : i32, i32
  }
  func.func @transform_6(%arg0: i32) -> (i32, i32) {
    %c0_i32 = arith.constant 0 : i32
    %c0_i32_0 = arith.constant 0 : i32
    %c0_i32_1 = arith.constant 0 : i32
    return %c0_i32, %c0_i32_0 : i32, i32
  }
  func.func @transform_7(%arg0: i32) -> (i32, i32) {
    %c0_i32 = arith.constant 0 : i32
    %c0_i32_0 = arith.constant 0 : i32
    %c0_i32_1 = arith.constant 0 : i32
    return %c0_i32, %c0_i32_0 : i32, i32
  }
  func.func @transform_8(%arg0: i32) -> (i32, i32) {
    %c0_i32 = arith.constant 0 : i32
    %c0_i32_0 = arith.constant 0 : i32
    %c0_i32_1 = arith.constant 0 : i32
    return %c0_i32, %c0_i32_0 : i32, i32
  }
  func.func @transform_9(%arg0: i32) -> (i32, i32, i32) {
    %add3A = arith.constant 0 : i32
    %add3A_0 = arith.addi %add3A, %arg0 : i32
    %c0_i32 = arith.constant 0 : i32
    %c0_i32_1 = arith.constant 0 : i32
    %c0_i32_2 = arith.constant 0 : i32
    return %add3A_0, %c0_i32, %c0_i32_1 : i32, i32, i32
  }
}

module attributes {stable_mosaic.version = 14 : i64} {
  func.func @body(%arg0: i32, %arg1: memref<4096x20x128xf32, #tpu.memory_space<any>>, %arg2: memref<1280x128xf32, #tpu.memory_space<vmem>>, %arg3: memref<1280x128xf32, #tpu.memory_space<vmem>>, %arg4: memref<1280x128xf32, #tpu.memory_space<vmem>>, %arg5: memref<1280x128xf32, #tpu.memory_space<vmem>>, %arg6: memref<1280x128xf32, #tpu.memory_space<vmem>>, %arg7: memref<640x128xf32, #tpu.memory_space<vmem>>, %arg8: memref<1x128xf32, #tpu.memory_space<vmem>>, %arg9: memref<128x128xf32, #tpu.memory_space<vmem>>, %arg10: memref<1x128xf32, #tpu.memory_space<vmem>>, %arg11: memref<64x20x128xf32, #tpu.memory_space<vmem>>) attributes {dimension_semantics = [#tpu.dimension_semantics<arbitrary>], iteration_bounds = array<i64: 32>, scalar_prefetch = 0 : i64, scratch_operands = 0 : i64, tpu.core_type = #tpu.core_type<tc>, window_params = [{}, {transform_indices = @transform_1, window_bounds = array<i64: 1280, 128>}, {transform_indices = @transform_2, window_bounds = array<i64: 1280, 128>}, {transform_indices = @transform_3, window_bounds = array<i64: 1280, 128>}, {transform_indices = @transform_4, window_bounds = array<i64: 1280, 128>}, {transform_indices = @transform_5, window_bounds = array<i64: 1280, 128>}, {pipeline_mode = #tpu.pipeline_mode<synchronous>, transform_indices = @transform_6, window_bounds = array<i64: 640, 128>}, {pipeline_mode = #tpu.pipeline_mode<synchronous>, transform_indices = @transform_7, window_bounds = array<i64: 1, 128>}, {pipeline_mode = #tpu.pipeline_mode<synchronous>, transform_indices = @transform_8, window_bounds = array<i64: 128, 128>}, {pipeline_mode = #tpu.pipeline_mode<synchronous>, transform_indices = @transform_9, window_bounds = array<i64: 1, 128>}, {transform_indices = @transform_10, window_bounds = array<i64: 64, 20, 128>}]} {
    %get3A = arith.constant 0 : index
    %get3A_0 = arith.constant 0 : index
    %get3A_1 = vector.load %arg2[%get3A, %get3A_0] : memref<1280x128xf32, #tpu.memory_space<vmem>>, vector<1280x128xf32>
    %get3A_2 = arith.constant 0 : index
    %get3A_3 = arith.constant 0 : index
    %get3A_4 = vector.load %arg7[%get3A_2, %get3A_3] : memref<640x128xf32, #tpu.memory_space<vmem>>, vector<128x128xf32>
    %convert_element_type3A = arith.truncf %get3A_1 : vector<1280x128xf32> to vector<1280x128xbf16>
    %convert_element_type3A_5 = arith.truncf %get3A_4 : vector<128x128xf32> to vector<128x128xbf16>
    %dot_general3A = arith.constant dense<0.000000e+00> : vector<1280x128xf32>
    %dot_general3A_6 = tpu.matmul %convert_element_type3A, %convert_element_type3A_5, %dot_general3A {dimension_numbers = #tpu.dot_dimension_numbers<[1], [0], [0], [1], [0, 0, 1, 1], [], []>, transpose_lhs_hint = false} : vector<1280x128xbf16>, vector<128x128xbf16>, vector<1280x128xf32> -> vector<1280x128xf32>
    %get3A_7 = arith.constant 0 : index
    %get3A_8 = arith.constant 0 : index
    %get3A_9 = vector.load %arg3[%get3A_7, %get3A_8] : memref<1280x128xf32, #tpu.memory_space<vmem>>, vector<1280x128xf32>
    %get3A_10 = arith.constant 128 : index
    %get3A_11 = arith.constant 0 : index
    %get3A_12 = vector.load %arg7[%get3A_10, %get3A_11] : memref<640x128xf32, #tpu.memory_space<vmem>>, vector<128x128xf32>
    %convert_element_type3A_13 = arith.truncf %get3A_9 : vector<1280x128xf32> to vector<1280x128xbf16>
    %convert_element_type3A_14 = arith.truncf %get3A_12 : vector<128x128xf32> to vector<128x128xbf16>
    %dot_general3A_15 = arith.constant dense<0.000000e+00> : vector<1280x128xf32>
    %dot_general3A_16 = tpu.matmul %convert_element_type3A_13, %convert_element_type3A_14, %dot_general3A_15 {dimension_numbers = #tpu.dot_dimension_numbers<[1], [0], [0], [1], [0, 0, 1, 1], [], []>, transpose_lhs_hint = false} : vector<1280x128xbf16>, vector<128x128xbf16>, vector<1280x128xf32> -> vector<1280x128xf32>
    %add3A = arith.addf %dot_general3A_6, %dot_general3A_16 : vector<1280x128xf32>
    %get3A_17 = arith.constant 0 : index
    %get3A_18 = arith.constant 0 : index
    %get3A_19 = vector.load %arg4[%get3A_17, %get3A_18] : memref<1280x128xf32, #tpu.memory_space<vmem>>, vector<1280x128xf32>
    %get3A_20 = arith.constant 256 : index
    %get3A_21 = arith.constant 0 : index
    %get3A_22 = vector.load %arg7[%get3A_20, %get3A_21] : memref<640x128xf32, #tpu.memory_space<vmem>>, vector<128x128xf32>
    %convert_element_type3A_23 = arith.truncf %get3A_19 : vector<1280x128xf32> to vector<1280x128xbf16>
    %convert_element_type3A_24 = arith.truncf %get3A_22 : vector<128x128xf32> to vector<128x128xbf16>
    %dot_general3A_25 = arith.constant dense<0.000000e+00> : vector<1280x128xf32>
    %dot_general3A_26 = tpu.matmul %convert_element_type3A_23, %convert_element_type3A_24, %dot_general3A_25 {dimension_numbers = #tpu.dot_dimension_numbers<[1], [0], [0], [1], [0, 0, 1, 1], [], []>, transpose_lhs_hint = false} : vector<1280x128xbf16>, vector<128x128xbf16>, vector<1280x128xf32> -> vector<1280x128xf32>
    %add3A_27 = arith.addf %add3A, %dot_general3A_26 : vector<1280x128xf32>
    %get3A_28 = arith.constant 0 : index
    %get3A_29 = arith.constant 0 : index
    %get3A_30 = vector.load %arg5[%get3A_28, %get3A_29] : memref<1280x128xf32, #tpu.memory_space<vmem>>, vector<1280x128xf32>
    %get3A_31 = arith.constant 384 : index
    %get3A_32 = arith.constant 0 : index
    %get3A_33 = vector.load %arg7[%get3A_31, %get3A_32] : memref<640x128xf32, #tpu.memory_space<vmem>>, vector<128x128xf32>
    %convert_element_type3A_34 = arith.truncf %get3A_30 : vector<1280x128xf32> to vector<1280x128xbf16>
    %convert_element_type3A_35 = arith.truncf %get3A_33 : vector<128x128xf32> to vector<128x128xbf16>
    %dot_general3A_36 = arith.constant dense<0.000000e+00> : vector<1280x128xf32>
    %dot_general3A_37 = tpu.matmul %convert_element_type3A_34, %convert_element_type3A_35, %dot_general3A_36 {dimension_numbers = #tpu.dot_dimension_numbers<[1], [0], [0], [1], [0, 0, 1, 1], [], []>, transpose_lhs_hint = false} : vector<1280x128xbf16>, vector<128x128xbf16>, vector<1280x128xf32> -> vector<1280x128xf32>
    %add3A_38 = arith.addf %add3A_27, %dot_general3A_37 : vector<1280x128xf32>
    %get3A_39 = arith.constant 0 : index
    %get3A_40 = arith.constant 0 : index
    %get3A_41 = vector.load %arg6[%get3A_39, %get3A_40] : memref<1280x128xf32, #tpu.memory_space<vmem>>, vector<1280x128xf32>
    %get3A_42 = arith.constant 512 : index
    %get3A_43 = arith.constant 0 : index
    %get3A_44 = vector.load %arg7[%get3A_42, %get3A_43] : memref<640x128xf32, #tpu.memory_space<vmem>>, vector<128x128xf32>
    %convert_element_type3A_45 = arith.truncf %get3A_41 : vector<1280x128xf32> to vector<1280x128xbf16>
    %convert_element_type3A_46 = arith.truncf %get3A_44 : vector<128x128xf32> to vector<128x128xbf16>
    %dot_general3A_47 = arith.constant dense<0.000000e+00> : vector<1280x128xf32>
    %dot_general3A_48 = tpu.matmul %convert_element_type3A_45, %convert_element_type3A_46, %dot_general3A_47 {dimension_numbers = #tpu.dot_dimension_numbers<[1], [0], [0], [1], [0, 0, 1, 1], [], []>, transpose_lhs_hint = false} : vector<1280x128xbf16>, vector<128x128xbf16>, vector<1280x128xf32> -> vector<1280x128xf32>
    %add3A_49 = arith.addf %add3A_38, %dot_general3A_48 : vector<1280x128xf32>
    %get3A_50 = arith.constant 0 : index
    %get3A_51 = arith.constant 0 : index
    %get3A_52 = vector.load %arg8[%get3A_50, %get3A_51] : memref<1x128xf32, #tpu.memory_space<vmem>>, vector<1x128xf32>
    %add3A_53 = vector.broadcast %get3A_52 : vector<1x128xf32> to vector<1280x128xf32>
    %add3A_54 = arith.addf %add3A_49, %add3A_53 : vector<1280x128xf32>
    %max3A = arith.constant 0.000000e+00 : f32
    %max3A_55 = vector.broadcast %max3A : f32 to vector<1280x128xf32>
    %max3A_56 = arith.maximumf %add3A_54, %max3A_55 : vector<1280x128xf32>
    %get3A_57 = arith.constant 0 : index
    %get3A_58 = arith.constant 0 : index
    %get3A_59 = vector.load %arg9[%get3A_57, %get3A_58] : memref<128x128xf32, #tpu.memory_space<vmem>>, vector<128x128xf32>
    %convert_element_type3A_60 = arith.truncf %max3A_56 : vector<1280x128xf32> to vector<1280x128xbf16>
    %convert_element_type3A_61 = arith.truncf %get3A_59 : vector<128x128xf32> to vector<128x128xbf16>
    %dot_general3A_62 = arith.constant dense<0.000000e+00> : vector<1280x128xf32>
    %dot_general3A_63 = tpu.matmul %convert_element_type3A_60, %convert_element_type3A_61, %dot_general3A_62 {dimension_numbers = #tpu.dot_dimension_numbers<[1], [0], [0], [1], [0, 0, 1, 1], [], []>, transpose_lhs_hint = false} : vector<1280x128xbf16>, vector<128x128xbf16>, vector<1280x128xf32> -> vector<1280x128xf32>
    %get3A_64 = arith.constant 0 : index
    %get3A_65 = arith.constant 0 : index
    %get3A_66 = vector.load %arg10[%get3A_64, %get3A_65] : memref<1x128xf32, #tpu.memory_space<vmem>>, vector<1x128xf32>
    %add3A_67 = vector.broadcast %get3A_66 : vector<1x128xf32> to vector<1280x128xf32>
    %add3A_68 = arith.addf %dot_general3A_63, %add3A_67 : vector<1280x128xf32>
    %reshape3A = vector.shape_cast %add3A_68 : vector<1280x128xf32> to vector<64x20x128xf32>
    %swap3A = arith.constant 0 : index
    %swap3A_69 = arith.constant 0 : index
    %swap3A_70 = arith.constant 0 : index
    %swap3A_71 = vector.load %arg11[%swap3A, %swap3A_69, %swap3A_70] : memref<64x20x128xf32, #tpu.memory_space<vmem>>, vector<64x20x128xf32>
    tpu.vector_store %arg11[%swap3A, %swap3A_69, %swap3A_70], %reshape3A {strides = array<i32>} : memref<64x20x128xf32, #tpu.memory_space<vmem>>, vector<64x20x128xf32>,
    return
  }
  func.func @transform_1(%arg0: i32) -> (i32, i32) {
    %add3A = arith.constant 32 : i32
    %add3A_0 = arith.addi %add3A, %arg0 : i32
    %c0_i32 = arith.constant 0 : i32
    %c0_i32_1 = arith.constant 0 : i32
    return %add3A_0, %c0_i32 : i32, i32
  }
  func.func @transform_2(%arg0: i32) -> (i32, i32) {
    %add3A = arith.constant 0 : i32
    %add3A_0 = arith.addi %add3A, %arg0 : i32
    %c0_i32 = arith.constant 0 : i32
    %c0_i32_1 = arith.constant 0 : i32
    return %add3A_0, %c0_i32 : i32, i32
  }
  func.func @transform_3(%arg0: i32) -> (i32, i32) {
    %add3A = arith.constant 32 : i32
    %add3A_0 = arith.addi %add3A, %arg0 : i32
    %c0_i32 = arith.constant 0 : i32
    %c0_i32_1 = arith.constant 0 : i32
    return %add3A_0, %c0_i32 : i32, i32
  }
  func.func @transform_4(%arg0: i32) -> (i32, i32) {
    %add3A = arith.constant 64 : i32
    %add3A_0 = arith.addi %add3A, %arg0 : i32
    %c0_i32 = arith.constant 0 : i32
    %c0_i32_1 = arith.constant 0 : i32
    return %add3A_0, %c0_i32 : i32, i32
  }
  func.func @transform_5(%arg0: i32) -> (i32, i32) {
    %add3A = arith.constant 96 : i32
    %add3A_0 = arith.addi %add3A, %arg0 : i32
    %c0_i32 = arith.constant 0 : i32
    %c0_i32_1 = arith.constant 0 : i32
    return %add3A_0, %c0_i32 : i32, i32
  }
  func.func @transform_6(%arg0: i32) -> (i32, i32) {
    %c0_i32 = arith.constant 0 : i32
    %c0_i32_0 = arith.constant 0 : i32
    %c0_i32_1 = arith.constant 0 : i32
    return %c0_i32, %c0_i32_0 : i32, i32
  }
  func.func @transform_7(%arg0: i32) -> (i32, i32) {
    %c0_i32 = arith.constant 0 : i32
    %c0_i32_0 = arith.constant 0 : i32
    %c0_i32_1 = arith.constant 0 : i32
    return %c0_i32, %c0_i32_0 : i32, i32
  }
  func.func @transform_8(%arg0: i32) -> (i32, i32) {
    %c0_i32 = arith.constant 0 : i32
    %c0_i32_0 = arith.constant 0 : i32
    %c0_i32_1 = arith.constant 0 : i32
    return %c0_i32, %c0_i32_0 : i32, i32
  }
  func.func @transform_9(%arg0: i32) -> (i32, i32) {
    %c0_i32 = arith.constant 0 : i32
    %c0_i32_0 = arith.constant 0 : i32
    %c0_i32_1 = arith.constant 0 : i32
    return %c0_i32, %c0_i32_0 : i32, i32
  }
  func.func @transform_10(%arg0: i32) -> (i32, i32, i32) {
    %add3A = arith.constant 32 : i32
    %add3A_0 = arith.addi %add3A, %arg0 : i32
    %c0_i32 = arith.constant 0 : i32
    %c0_i32_1 = arith.constant 0 : i32
    %c0_i32_2 = arith.constant 0 : i32
    return %add3A_0, %c0_i32, %c0_i32_1 : i32, i32, i32
  }
}

</mosaic_0001>

<sc_bundles>
// kernel: kernel.12.cloned.1.call-start
scs
__scs_entry_jumppad:
0x0: {  	(pc) =	sbr.rel $0x88, $3  }
0x1: {  	(tag) =	ssettag $0x0;
	lr =	simm.s32 $0x1  }
0x2: {  	[smem:$0x3F87] =	sst lr;
	_ =	strace $0xD0000000  }
0x3: {  	_ = 	snop  }
0x4: {  	_ = 	snop  }
0x5: {  	_ = 	snop  }
0x6: {  	_ = 	snop  }
0x7: {  	_ = 	snop  }
__scs_overlays_trampoline_lowered:
0x8: {  	[smem:$0x3F96] =	sst s0  }
0x9: {  	[smem:$0x3F97] =	sst s1  }
0xa: {  	[smem:$0x3F98] =	sst s2  }
0xb: {  	[smem:$0x3F99] =	sst s3  }
0xc: {  	[smem:$0x3F9A] =	sst s4  }
0xd: {  	[smem:$0x3F9B] =	sst s5  }
0xe: {  	[smem:$0x3F9C] =	sst s6  }
0xf: {  	[smem:$0x3F9D] =	sst s7  }
0x10: {  	[smem:$0x3F9E] =	sst s8  }
0x11: {  	[smem:$0x3F9F] =	sst s9;
	s0 =	simm.s32 @!p0 $0x0  }
0x12: {  	s1 =	sld [smem:$0x3F85];
	s0 =	simm.s32 @p0 $0x1  }
0x13: {  	[smem:$0x3FA0] =	sst s0;
	s0 =	simm.s32 @!p1 $0x0  }
0x14: {  	s2 =	sld [smem:$0x3F84];
	s0 =	simm.s32 @p1 $0x1  }
0x15: {  	[smem:$0x3FA1] =	sst s0;
	s0 =	simm.s32 @!p2 $0x0  }
0x16: {  	s3 =	sld [smem:$0x3FDB];
	s0 =	simm.s32 @p2 $0x1  }
0x17: {  	s4 =	simm.s32 $0x1BF5;
	[smem:$0x3FA3] =	sst s0  }
0x18: {  	s0 =	sld [smem:$0x3F86];
	_ =	swait.ge [sflag:s4], $0x0  }
0x19: {  	s7 =	sld [smem:$0x3F87]  }
0x1a: {  	s8 =	sadd.s32 $0xFFFFE003, lr  }
0x1b: {  	s9 =	sadd.s32 $0xFFFFFEF7, lr;
	s5 =	simm.s32 $0xFFFFFFFF;
	p2 =	slt.u32 s8, $0xFFFFF086  }
0x1c: {  	p1 =	slt.u32 s9, $0xF7A;
	s5 =	simm.s32 @!p2 $0x0  }
0x1d: {  	s5 =	simm.s32 @p1 $0x1;
	p0 =	seq.s32 s7, s2  }
0x1e: {  	s7 =	smul.u32 @!p0 $0xF7A, s2;
	p2 =	seq.s32 @!p0 s5, $0x0  }
0x1f: {  	s9 =	smul.u32 $0xF7A, s1;
	s8 =	simm.s32 @!p0 $0x1BF5;
	p2 =	por !p2, p0  }
0x20: {  	[sflag:s8] =	ssyncset.s32 @!p0 $0xFFFFF086;
	s6 =	sadd.s32 @!p0 s3, s7;
	s7 =	simm.s32 @!p0 $0x108  }
0x21: {  	s3 =	sadd.s32 s3, s9;
	s6 =	sadd.s32 @!p0 $0x88, s6;
	s7 =	simm.s32 @p2 $0x1082  }
0x22: {  	[simem:s7], [sflag:s8] =	dma.local @!p0 [hbm:s6], $0xF7A  }
0x23: {  	s9 =	sor.u32 $0xD0000000, s2;
	s6 =	simm.s32 $0x108;
	_ =	swait.ge @!p0 [sflag:s8], $0x0  }
0x24: {  	s3 =	sadd.s32 $0x88, s3;
	s6 =	simm.s32 @!p1 $0x1082;
	[sflag:s4] =	ssyncset.s32 $0xFFFFF086  }
0x25: {  	[simem:s6], [sflag:s4] =	dma.local [hbm:s3], $0xF7A  }
0x26: {  	[smem:$0x3F87] =	sst s1;
	(tag) =	ssettag s2;
	_ =	strace s9  }
0x27: {  	s1 =	sld [smem:$0x3F97]  }
0x28: {  	s2 =	sld [smem:$0x3F98]  }
0x29: {  	s4 =	sld [smem:$0x3F9A]  }
0x2a: {  	p0 =	seq.s32 s5, $0x0;
	s5 =	sld [smem:$0x3F9B]  }
0x2b: {  	s6 =	sld [smem:$0x3F9C]  }
0x2c: {  	s7 =	sld [smem:$0x3F9D]  }
0x2d: {  	s3 =	simm.s32 $0x108;
	s8 =	sld [smem:$0x3F9E]  }
0x2e: {  	s3 =	simm.s32 @!p0 $0x1082;
	s9 =	sld [smem:$0x3F9F]  }
0x2f: {  	lr =	sadd.s32 s0, s3;
	s0 =	sld [smem:$0x3F96]  }
0x30: {  	s3 =	sld [smem:$0x3F99]  }
0x31: {  	[smem:$0x3FA2] =	sst s10  }
0x32: {  	s10 =	sld [smem:$0x3FA0];
	_ =	sdelay $0x3  }
0x33: {  	p0 =	seq.s32 s10, $0x1;
	s10 =	sld [smem:$0x3FA2];
	_ =	sdelay $0x3  }
0x34: {  	[smem:$0x3FA2] =	sst s10  }
0x35: {  	s10 =	sld [smem:$0x3FA1];
	_ =	sdelay $0x3  }
0x36: {  	p1 =	seq.s32 s10, $0x1;
	s10 =	sld [smem:$0x3FA2];
	_ =	sdelay $0x3  }
0x37: {  	[smem:$0x3FA2] =	sst s10  }
0x38: {  	s10 =	sld [smem:$0x3FA3]  }
0x39: {  	_ = 	snop;
	(pc) =	sbr.ind lr, $3  }
0x3a: {  	_ = 	snop  }
0x3b: {  	_ = 	snop  }
0x3c: {  	p2 =	seq.s32 s10, $0x1;
	s10 =	sld [smem:$0x3FA2]  }
0x3d: {  	_ =	shalt  }
0x3e: {  	_ =	shalt  }
0x3f: {  	_ =	shalt  }
0x40: {  	_ =	shalt  }
0x41: {  	_ =	shalt  }
0x42: {  	_ =	shalt  }
0x43: {  	_ =	shalt  }
0x44: {  	_ =	shalt  }
0x45: {  	_ =	shalt  }
0x46: {  	_ =	shalt  }
0x47: {  	_ =	shalt  }
0x48: {  	_ =	shalt  }
0x49: {  	_ =	shalt  }
0x4a: {  	_ =	shalt  }
0x4b: {  	_ =	shalt  }
0x4c: {  	_ =	shalt  }
0x4d: {  	_ =	shalt  }
0x4e: {  	_ =	shalt  }
0x4f: {  	_ =	shalt  }
0x50: {  	_ =	shalt  }
0x51: {  	_ =	shalt  }
0x52: {  	_ =	shalt  }
0x53: {  	_ =	shalt  }
0x54: {  	_ =	shalt  }
0x55: {  	_ =	shalt  }
0x56: {  	_ =	shalt  }
0x57: {  	_ =	shalt  }
0x58: {  	_ =	shalt  }
0x59: {  	_ =	shalt  }
0x5a: {  	_ =	shalt  }
0x5b: {  	_ =	shalt  }
0x5c: {  	_ =	shalt  }
0x5d: {  	_ =	shalt  }
0x5e: {  	_ =	shalt  }
0x5f: {  	_ =	shalt  }
0x60: {  	_ =	shalt  }
0x61: {  	_ =	shalt  }
0x62: {  	_ =	shalt  }
0x63: {  	_ =	shalt  }
0x64: {  	_ =	shalt  }
0x65: {  	_ =	shalt  }
0x66: {  	_ =	shalt  }
0x67: {  	_ =	shalt  }
0x68: {  	_ =	shalt  }
0x69: {  	_ =	shalt  }
0x6a: {  	_ =	shalt  }
0x6b: {  	_ =	shalt  }
0x6c: {  	_ =	shalt  }
0x6d: {  	_ =	shalt  }
0x6e: {  	_ =	shalt  }
0x6f: {  	_ =	shalt  }
0x70: {  	_ =	shalt  }
0x71: {  	_ =	shalt  }
0x72: {  	_ =	shalt  }
0x73: {  	_ =	shalt  }
0x74: {  	_ =	shalt  }
0x75: {  	_ =	shalt  }
0x76: {  	_ =	shalt  }
0x77: {  	_ =	shalt  }
0x78: {  	_ =	shalt  }
0x79: {  	_ =	shalt  }
0x7a: {  	_ =	shalt  }
0x7b: {  	_ =	shalt  }
0x7c: {  	_ =	shalt  }
0x7d: {  	_ =	shalt  }
0x7e: {  	_ =	shalt  }
0x7f: {  	_ =	shalt  }
0x80: {  	_ =	shalt  }
0x81: {  	_ =	shalt  }
0x82: {  	_ =	shalt  }
0x83: {  	_ =	shalt  }
0x84: {  	_ =	shalt  }
0x85: {  	_ =	shalt  }
0x86: {  	_ =	shalt  }
0x87: {  	_ =	shalt  }
.Lfunc_end0:
.L_simem_size_0:
called_computation_lowered:
.L_overlay_start_0:
0x88: {  	s2 =	sld [smem:$0x3FD9]  }
0x89: {  	s3 =	sld [smem:$0x3FFE];
	_ =	sdelay $0x1  }
0x8a: {  	s1 =	srdreg.scid  }
0x8b: {  	s0 =	sand.u32 $0x1, s1  }
0x8c: {  	s17 =	sshll.u32 s0, $0xA;
	s2 =	sadd.s32 s3, s2  }
0x8d: {  	s2 =	sadd.s32 s2, s17  }
0x8e: {  	[smem:$0x3FAE] =	sst s2  }
0x8f: {  	_ = 	snop  }
0x90: {  	s18 =	sld [smem:$0x3FC3]  }
0x91: {  	s5 =	sld [smem:$0x3FC0]  }
0x92: {  	s4 =	sld [smem:$0x3FD0];
	(tm) =	ssettm $0x1  }
0x93: {  	s19 =	sld [smem:$0x3FFB];
	_ =	sdelay $0x3  }
0x94: {  	_ =	strace s19  }
0x95: {  	s2 =	sld [smem:$0x3FFC];
	_ =	sdelay $0x3  }
0x96: {  	_ =	strace s2  }
0x97: {  	s2 =	sld [smem:$0x3FFD];
	_ =	sdelay $0x3  }
0x98: {  	_ =	strace s2  }
0x99: {  	_ =	strace $0x8FFFFFFF  }
0x9a: {  	s20 =	sld [smem:$0x3FDB];
	_ =	sdelay $0x1  }
0x9b: {  	s6 =	simm.s32 $_scs_section_size  }
0x9c: {  	s7 =	simm.s32 $_size__tile_overlayer_lowered;
	s8 =	simm.s32 $_tile_overlayer_lowered  }
0x9d: {  	s9 =	simm.s32 $0x1BFF;
	s21 =	sshll.u32 s8, $0x1;
	s6 =	sadd.s32 s6, s20  }
0x9e: {  	s22 =	simm.s32 $0x0;
	s7 =	sshll.u32 s7, $0x1;
	s8 =	sadd.s32 s21, s6  }
0x9f: {  	[timem:s22], [sflag:s9] =	dma.local [hbm:s8], s7  }
0xa0: {  	_ =	swait.ge [sflag:s9], s7  }
0xa1: {  	s7 =	ssub.s32 $0x0, s7;
	[sflag:s9] =	ssyncset.done $0x0  }
0xa2: {  	[sflag:s9] =	ssyncadd.s32 s7;
	_ =	sdelay $0x1  }
0xa3: {  	s23 =	simm.s32 $0x1B8B  }
0xa4: {  	_ =	swait.ge [sflag:s23], $0x1  }
0xa5: {  	[sflag:s23] =	ssyncset.done $0x0  }
0xa6: {  	[sflag:s23] =	ssyncadd.s32 $0xFFFFFFFF  }
0xa7: {  	s7 =	sld [smem:$0x0]  }
0xa8: {  	s8 =	sand.u32 $0xFFFFFFFE, s1  }
0xa9: {  	p0 =	sne.s32 s1, s8  }
0xaa: {  	s8 =	sshll.u32 @p0 s8, $0xE  }
0xab: {  	s8 =	sadd.s32 @p0 $0x11B8D, s8;
	s9 =	sshll.u32 @p0 s7, $0x11  }
0xac: {  	s8 =	sor.u32 @p0 s9, s8  }
0xad: {  	[sflag:s8] =	ssyncadd.remote.s32 @p0 $0x1;
	_ =	sdelay $0x1  }
0xae: {  	s8 =	simm.s32 @p0 $0x1B8D  }
0xaf: {  	_ =	swait.eq @p0 [sflag:s8], $0x1  }
0xb0: {  	[sflag:s8] =	ssyncadd.s32 @p0 $0xFFFFFFFF  }
0xb1: {  	s9 =	sshll.u32 @!p0 s1, $0xE  }
0xb2: {  	s9 =	sor.u32 @!p0 $0x4000, s9;
	s8 =	simm.s32 @!p0 $0x1B8D  }
0xb3: {  	s7 =	sshll.u32 @!p0 s7, $0x11;
	s9 =	sadd.s32 @!p0 $0x11B8D, s9;
	_ =	swait.eq @!p0 [sflag:s8], $0x1  }
0xb4: {  	s7 =	sor.u32 @!p0 s7, s9;
	[sflag:s8] =	ssyncadd.s32 @!p0 $0xFFFFFFFF  }
0xb5: {  	s25 =	simm.s32 $0x1B8E;
	s24 =	sld [smem:$0x3FFE];
	[sflag:s7] =	ssyncadd.remote.s32 @!p0 $0x1  }
0xb6: {  	s26 =	simm.s32 $execute0_lowered;
	[smem:$0x3FD2] =	sst s25  }
0xb7: {  	s8 =	sshll.u32 s26, $0x1;
	_ =	strace $0x80000049;
	[dreg:$0x1] =	wrdreg $0xFFFFFFFF  }
0xb8: {  	s28 =	simm.s32 $_size_execute0_lowered;
	s6 =	sadd.s32 s6, s8;
	[dreg:$0x0] =	wrdreg $0x0  }
0xb9: {  	s8 =	sshll.u32 s28, $0x1;
	[dreg:$0x2] =	wrdreg s6  }
0xba: {  	[dreg:$0x3] =	wrdreg s8  }
0xbb: {  	[dreg:$0x4] =	wrdreg $0xC0  }
0xbc: {  	_ =	task [dreg:s22], $0x5FFFF  }
0xbd: {  	[dreg:$0x1] =	wrdreg $0xFFFFFFFF  }
0xbe: {  	[dreg:$0x0] =	wrdreg $0x60  }
0xbf: {  	[dreg:$0x2] =	wrdreg s5  }
0xc0: {  	[dreg:$0x3] =	wrdreg s18  }
0xc1: {  	[dreg:$0x4] =	wrdreg s24  }
0xc2: {  	[dreg:$0x5] =	wrdreg s4  }
0xc3: {  	[dreg:$0x6] =	wrdreg $0x9  }
0xc4: {  	_ =	task.clear_ibuf [dreg:s22], $0x7FFFF;
	_ =	strace $0x90000049  }
0xc5: {  	s29 =	simm.s32 $0x9;
	_ =	strace $0x8000004B  }
0xc6: {  	_ =	swait.ge [sflag:s29], $0x1  }
0xc7: {  	[sflag:s29] =	ssyncadd.s32 $0xFFFFFFFF  }
0xc8: {  	_ =	strace $0x9000004B  }
0xc9: {  	_ =	sfence  }
0xca: {  	s30 =	sld [smem:$0x0];
	_ =	sdelay $0x2  }
0xcb: {  	s31 =	sshll.u32 s1, $0xD;
	s1 =	sshrl.u32 s1, $0x2  }
0xcc: {  	s4 =	sand.u32 $0x4000, s31;
	s1 =	sadd.s32 s1, s30  }
0xcd: {  	s0 =	sor.u32 s4, s0;
	s1 =	sshll.u32 s1, $0x11  }
0xce: {  	s0 =	sor.u32 s1, s0  }
0xcf: {  	s0 =	sadd.s32 $0x8F2B, s0  }
0xd0: {  	[sflag:s0] =	ssyncadd.remote.s32 $0x1  }
0xd1: {  	_ =	sfence.sel $0xFFFF  }
0xd2: {  	[dreg:$0x0] =	wrdreg $0xFFFFFFFF;
	(pc) =	sbr.abs _section_cstart, $3  }
0xd3: {  	[dreg:$0x1] =	wrdreg $0xFFFFFFFF  }
0xd4: {  	_ =	task.clear_ibuf [dreg:s22], $0x2FFFF;
	_ =	strace $0x9FFFFFFF  }
0xd5: {  	(tm) =	ssettm $0x7FFFFFFF  }
tec
execute0_lowered:
.L_overlay_start_1:
0x0: {  	(tag) =	ssettag $0x1  }
0x1: {  	s3 =	rddreg [dreg:$0x0]  }
0x2: {  	s20 =	rddreg [dreg:$0x1]  }
0x3: {  	s4 =	rddreg [dreg:$0x2]  }
0x4: {  	s5 =	rddreg [dreg:$0x3];
	s2 =	simm.s32 $0x0  }
0x5: {  	s9 =	simm.s32 $0x100;
	[smem:$0x7FF] =	sst s2  }
0x6: {  	s12 =	simm.s32 $0x180;
	_ =	strace $0x8000004A;
	[dreg:$0xf] =	wrdreg s9  }
0x7: {  	s13 =	simm.s32 $0x200;
	[dreg:$0x10] =	wrdreg s12  }
0x8: {  	s14 =	simm.s32 $0x280;
	[dreg:$0x11] =	wrdreg s13  }
0x9: {  	s15 =	simm.s32 $0x300;
	[dreg:$0x12] =	wrdreg s14  }
0xa: {  	s0 =	srdreg.scid;
	s16 =	simm.s32 $0x380;
	[dreg:$0x13] =	wrdreg s15  }
0xb: {  	s1 =	stileid.u32;
	s17 =	simm.s32 $0x400;
	[dreg:$0x14] =	wrdreg s16  }
0xc: {  	s18 =	simm.s32 $0x480;
	s19 =	simm.s32 $0x500;
	[dreg:$0x15] =	wrdreg s17  }
0xd: {  	s0 =	sand.u32 $0x1, s0;
	s1 =	sshll.u32 s1, $0x1;
	[dreg:$0x16] =	wrdreg s18  }
0xe: {  	s21 =	simm.s32 $0x580;
	s1 =	sor.u32 s0, s1;
	[dreg:$0x17] =	wrdreg s19  }
0xf: {  	s22 =	simm.s32 $0x600;
	[dreg:$0x18] =	wrdreg s21;
	s6 =	smul.u32 $0x140, s1  }
0x10: {  	s23 =	simm.s32 $0x680;
	[dreg:$0x19] =	wrdreg s22;
	s1 =	smul.u32 $0xA000, s1  }
0x11: {  	s31 =	simm.s32 $0x4;
	s24 =	simm.s32 $0x700;
	[dreg:$0x1a] =	wrdreg s23  }
0x12: {  	[dreg:$0x1b] =	wrdreg s24;
	s4 =	sadd.s32 s6, s4;
	s5 =	sadd.s32 s5, s1  }
0x13: {  	s11 =	simm.s32 $0xA00;
	s4 =	sadd.s32 $0x3D4C00, s4;
	[smem:$0x7FC] =	sst s5  }
0x14: {  	p0 =	por $0x0, $0x0;
	s1 =	sadd.s32 $0x1000, s5;
	[dreg:$0x5] =	wrdreg s4  }
0x15: {  	s0 =	ssub.s32 $0x2, s0;
	s25 =	sadd.s32 $0x2000, s5;
	[dreg:$0x6] =	wrdreg s1  }
0x16: {  	s15 =	simm.s32 $0xB80;
	s26 =	sadd.s32 $0x3000, s5;
	[dreg:$0x7] =	wrdreg s25  }
0x17: {  	s9 =	simm.s32 $0x1;
	s28 =	sadd.s32 $0x4000, s5;
	[dreg:$0x8] =	wrdreg s26  }
0x18: {  	s13 =	simm.s32 $0x5400;
	s29 =	sadd.s32 $0x5000, s5;
	[dreg:$0x9] =	wrdreg s28  }
0x19: {  	s14 =	simm.s32 $0xD400;
	s30 =	sadd.s32 $0x6000, s5;
	[dreg:$0xa] =	wrdreg s29  }
0x1a: {  	s7 =	sshrl.u32 s0, $0x1;
	s6 =	sadd.s32 $0x8000, s5;
	[dreg:$0xb] =	wrdreg s30  }
0x1b: {  	s0 =	ssub.s32 s0, s7;
	s8 =	sadd.s32 $0x9000, s5;
	[dreg:$0xd] =	wrdreg s6  }
0x1c: {  	s7 =	simm.s32 $0x2;
	s4 =	sadd.s32 $0x7000, s5;
	[dreg:$0xe] =	wrdreg s8  }
0x1d: {  	s10 =	smax.u32 s0, $0x1;
	s25 =	simm.s32 $0x780;
	[dreg:$0xc] =	wrdreg s4  }
0x1e: {  	p1 =	sne.s32 s10, $0x1;
	s26 =	simm.s32 $0x800;
	[dreg:$0x1c] =	wrdreg s25  }
.Ltmp0:
0x1f: {  	s28 =	simm.s32 $0x880;
	[dreg:$0x1d] =	wrdreg s26;
	(pc) =	sbr.rel @!p1 .LBB2_1-.Ltmp0, $4  }
0x20: {  	s10 =	sadd.s32 $0xFFFFFFFF, s10;
	s29 =	simm.s32 $0x900;
	[dreg:$0x1e] =	wrdreg s28  }
0x21: {  	s1 =	simm.s32 $0xA80;
	s30 =	simm.s32 $0x980;
	[dreg:$0x1f] =	wrdreg s29  }
0x22: {  	s8 =	simm.s32 $0x1400;
	s6 =	simm.s32 $0x9400;
	[smem:$0x7FD] =	sst s30  }
0x23: {  	s5 =	simm.s32 $0x3;
	s4 =	simm.s32 $0x80;
	s12 =	rddreg [dreg:$0x5]  }
0x24: {  	[tilespmem:s2], [sflag:$0x4] =	stream.linear.gather [hbm4b:s12+s2], $0xA00, $0x38;
	[tilespmem:$0x11400] =	vst v63  }
0x25: {  	_ =	swait.ge [sflag:s31], $0xA00  }
0x26: {  	[sflag:s31] =	ssyncset.done $0x0  }
0x27: {  	[sflag:s31] =	ssyncadd.s32 $0xFFFFF600  }
0x28: {  	[tilespmem:s11], [sflag:$0x1] =	stream.indirect.gather [hbm4b:s20+s4], $0x1, s2, s4, $0xb8;
	[tilespmem:$0x11400] =	vst v63  }
0x29: {  	_ = 	snop  }
0x2a: {  	[tilespmem:s1], [sflag:$0x1] =	stream.indirect.gather [hbm4b:s20+s4], $0x1, s4, s4, $0xb8;
	[tilespmem:$0x11400] =	vst v63  }
0x2b: {  	s13 =	smov.u32 s10;
	s10 =	simm.s32 $0xB00;
	s26 =	rddreg [dreg:$0xf]  }
0x2c: {  	[tilespmem:s10], [sflag:$0x1] =	stream.indirect.gather [hbm4b:s20+s4], $0x1, s26, s4, $0xb8;
	[tilespmem:$0x11400] =	vst v63  }
0x2d: {  	s28 =	rddreg [dreg:$0x10]  }
0x2e: {  	[tilespmem:s15], [sflag:$0x1] =	stream.indirect.gather [hbm4b:s20+s4], $0x1, s28, s4, $0xb8;
	[tilespmem:$0x11400] =	vst v63  }
0x2f: {  	s29 =	rddreg [dreg:$0x11];
	s26 =	simm.s32 $0xC00  }
0x30: {  	[tilespmem:s26], [sflag:$0x1] =	stream.indirect.gather [hbm4b:s20+s4], $0x1, s29, s4, $0xb8;
	[tilespmem:$0x11400] =	vst v63  }
0x31: {  	s30 =	rddreg [dreg:$0x12];
	s28 =	simm.s32 $0xC80  }
0x32: {  	[tilespmem:s28], [sflag:$0x1] =	stream.indirect.gather [hbm4b:s20+s4], $0x1, s30, s4, $0xb8;
	[tilespmem:$0x11400] =	vst v63  }
0x33: {  	s22 =	simm.s32 $0xD00;
	s0 =	rddreg [dreg:$0x13]  }
0x34: {  	[tilespmem:s22], [sflag:$0x1] =	stream.indirect.gather [hbm4b:s20+s4], $0x1, s0, s4, $0xb8;
	[tilespmem:$0x11400] =	vst v63  }
0x35: {  	s1 =	rddreg [dreg:$0x14];
	s29 =	simm.s32 $0xD80  }
0x36: {  	[tilespmem:s29], [sflag:$0x1] =	stream.indirect.gather [hbm4b:s20+s4], $0x1, s1, s4, $0xb8;
	[tilespmem:$0x11400] =	vst v63  }
0x37: {  	_ =	swait.ge [sflag:s9], $0x80  }
0x38: {  	[sflag:s9] =	ssyncset.done $0x0  }
0x39: {  	[sflag:s9] =	ssyncadd.s32 $0xFFFFFF80  }
0x3a: {  	_ =	swait.ge [sflag:s9], $0x80  }
0x3b: {  	[sflag:s9] =	ssyncset.done $0x0  }
0x3c: {  	[sflag:s9] =	ssyncadd.s32 $0xFFFFFF80  }
0x3d: {  	_ =	swait.ge [sflag:s9], $0x80  }
0x3e: {  	[sflag:s9] =	ssyncset.done $0x0  }
0x3f: {  	[sflag:s9] =	ssyncadd.s32 $0xFFFFFF80  }
0x40: {  	_ =	swait.ge [sflag:s9], $0x80  }
0x41: {  	[sflag:s9] =	ssyncset.done $0x0  }
0x42: {  	[sflag:s9] =	ssyncadd.s32 $0xFFFFFF80  }
0x43: {  	_ =	swait.ge [sflag:s9], $0x80  }
0x44: {  	[sflag:s9] =	ssyncset.done $0x0  }
0x45: {  	[sflag:s9] =	ssyncadd.s32 $0xFFFFFF80  }
0x46: {  	_ =	swait.ge [sflag:s9], $0x80  }
0x47: {  	[sflag:s9] =	ssyncset.done $0x0  }
0x48: {  	[sflag:s9] =	ssyncadd.s32 $0xFFFFFF80  }
0x49: {  	_ =	swait.ge [sflag:s9], $0x80  }
0x4a: {  	[sflag:s9] =	ssyncset.done $0x0  }
0x4b: {  	[sflag:s9] =	ssyncadd.s32 $0xFFFFFF80  }
0x4c: {  	_ =	swait.ge [sflag:s9], $0x80  }
0x4d: {  	[sflag:s9] =	ssyncset.done $0x0  }
0x4e: {  	s23 =	simm.s32 $0xE00;
	s12 =	rddreg [dreg:$0x15];
	[sflag:s9] =	ssyncadd.s32 $0xFFFFFF80  }
0x4f: {  	[tilespmem:s23], [sflag:$0x1] =	stream.indirect.gather [hbm4b:s20+s4], $0x1, s12, s4, $0xb8;
	[tilespmem:$0x11400] =	vst v63  }
0x50: {  	s30 =	simm.s32 $0xE80;
	s14 =	rddreg [dreg:$0x16]  }
0x51: {  	[tilespmem:s30], [sflag:$0x1] =	stream.indirect.gather [hbm4b:s20+s4], $0x1, s14, s4, $0xb8;
	[tilespmem:$0x11400] =	vst v63  }
0x52: {  	s17 =	simm.s32 $0xF00;
	s15 =	rddreg [dreg:$0x17]  }
0x53: {  	[tilespmem:s17], [sflag:$0x1] =	stream.indirect.gather [hbm4b:s20+s4], $0x1, s15, s4, $0xb8;
	[tilespmem:$0x11400] =	vst v63  }
0x54: {  	s24 =	simm.s32 $0xF80;
	s16 =	rddreg [dreg:$0x18]  }
0x55: {  	[tilespmem:s24], [sflag:$0x1] =	stream.indirect.gather [hbm4b:s20+s4], $0x1, s16, s4, $0xb8;
	[tilespmem:$0x11400] =	vst v63  }
0x56: {  	s0 =	simm.s32 $0x1000;
	s18 =	rddreg [dreg:$0x19]  }
0x57: {  	[tilespmem:s0], [sflag:$0x1] =	stream.indirect.gather [hbm4b:s20+s4], $0x1, s18, s4, $0xb8;
	[tilespmem:$0x11400] =	vst v63  }
0x58: {  	s1 =	simm.s32 $0x1080;
	s19 =	rddreg [dreg:$0x1a]  }
0x59: {  	[tilespmem:s1], [sflag:$0x1] =	stream.indirect.gather [hbm4b:s20+s4], $0x1, s19, s4, $0xb8;
	[tilespmem:$0x11400] =	vst v63  }
0x5a: {  	s25 =	simm.s32 $0x1100;
	s21 =	rddreg [dreg:$0x1b]  }
0x5b: {  	[tilespmem:s25], [sflag:$0x1] =	stream.indirect.gather [hbm4b:s20+s4], $0x1, s21, s4, $0xb8;
	[tilespmem:$0x11400] =	vst v63  }
0x5c: {  	s14 =	rddreg [dreg:$0x1c];
	s19 =	simm.s32 $0x1180  }
0x5d: {  	[tilespmem:s19], [sflag:$0x1] =	stream.indirect.gather [hbm4b:s20+s4], $0x1, s14, s4, $0xb8;
	[tilespmem:$0x11400] =	vst v63  }
0x5e: {  	_ =	swait.ge [sflag:s9], $0x80  }
0x5f: {  	[sflag:s9] =	ssyncset.done $0x0  }
0x60: {  	[sflag:s9] =	ssyncadd.s32 $0xFFFFFF80  }
0x61: {  	_ =	swait.ge [sflag:s9], $0x80  }
0x62: {  	[sflag:s9] =	ssyncset.done $0x0  }
0x63: {  	[sflag:s9] =	ssyncadd.s32 $0xFFFFFF80  }
0x64: {  	_ =	swait.ge [sflag:s9], $0x80  }
0x65: {  	[sflag:s9] =	ssyncset.done $0x0  }
0x66: {  	[sflag:s9] =	ssyncadd.s32 $0xFFFFFF80  }
0x67: {  	_ =	swait.ge [sflag:s9], $0x80  }
0x68: {  	[sflag:s9] =	ssyncset.done $0x0  }
0x69: {  	[sflag:s9] =	ssyncadd.s32 $0xFFFFFF80  }
0x6a: {  	_ =	swait.ge [sflag:s9], $0x80  }
0x6b: {  	[sflag:s9] =	ssyncset.done $0x0  }
0x6c: {  	[sflag:s9] =	ssyncadd.s32 $0xFFFFFF80  }
0x6d: {  	_ =	swait.ge [sflag:s9], $0x80  }
0x6e: {  	[sflag:s9] =	ssyncset.done $0x0  }
0x6f: {  	[sflag:s9] =	ssyncadd.s32 $0xFFFFFF80  }
0x70: {  	_ =	swait.ge [sflag:s9], $0x80  }
0x71: {  	[sflag:s9] =	ssyncset.done $0x0  }
0x72: {  	[sflag:s9] =	ssyncadd.s32 $0xFFFFFF80  }
0x73: {  	_ =	swait.ge [sflag:s9], $0x80  }
0x74: {  	s15 =	rddreg [dreg:$0x1d];
	[sflag:s9] =	ssyncset.done $0x0  }
0x75: {  	s21 =	simm.s32 $0x1200;
	s16 =	rddreg [dreg:$0x1e];
	[sflag:s9] =	ssyncadd.s32 $0xFFFFFF80  }
0x76: {  	[tilespmem:s21], [sflag:$0x1] =	stream.indirect.gather [hbm4b:s20+s4], $0x1, s15, s4, $0xb8;
	[tilespmem:$0x11400] =	vst v63  }
0x77: {  	s18 =	simm.s32 $0x1280;
	s1 =	rddreg [dreg:$0x1f]  }
0x78: {  	[tilespmem:s18], [sflag:$0x1] =	stream.indirect.gather [hbm4b:s20+s4], $0x1, s16, s4, $0xb8;
	[tilespmem:$0x11400] =	vst v63  }
0x79: {  	s14 =	simm.s32 $0x1300;
	s12 =	sld [smem:$0x7FD]  }
0x7a: {  	[tilespmem:s14], [sflag:$0x1] =	stream.indirect.gather [hbm4b:s20+s4], $0x1, s1, s4, $0xb8;
	[tilespmem:$0x11400] =	vst v63  }
0x7b: {  	s15 =	simm.s32 $0x1380  }
0x7c: {  	[tilespmem:s15], [sflag:$0x1] =	stream.indirect.gather [hbm4b:s20+s4], $0x1, s12, s4, $0xb8;
	[tilespmem:$0x11400] =	vst v63  }
0x7d: {  	_ =	swait.ge [sflag:s9], $0x80  }
0x7e: {  	[sflag:s9] =	ssyncset.done $0x0  }
0x7f: {  	[sflag:s9] =	ssyncadd.s32 $0xFFFFFF80  }
0x80: {  	_ =	swait.ge [sflag:s9], $0x80  }
0x81: {  	[sflag:s9] =	ssyncset.done $0x0  }
0x82: {  	[sflag:s9] =	ssyncadd.s32 $0xFFFFFF80  }
0x83: {  	_ =	swait.ge [sflag:s9], $0x80  }
0x84: {  	[sflag:s9] =	ssyncset.done $0x0  }
0x85: {  	[sflag:s9] =	ssyncadd.s32 $0xFFFFFF80  }
0x86: {  	_ =	swait.ge [sflag:s9], $0x80  }
0x87: {  	[sflag:s9] =	ssyncset.done $0x0  }
0x88: {  	s6 =	simm.s32 $0xA00;
	[sflag:s9] =	ssyncadd.s32 $0xFFFFFF80  }
0x89: {  	[tilespmem:s8], [sflag:$0x2] =	stream.indirect.gather [hbm4b:s3+s4], $0x80, s6, s4, $0xb8;
	[tilespmem:$0x11400] =	vst v63  }
0x8a: {  	s1 =	simm.s32 $0x5400;
	s12 =	simm.s32 $0xA80  }
0x8b: {  	[tilespmem:s1], [sflag:$0x2] =	stream.indirect.gather [hbm4b:s3+s4], $0x80, s12, s4, $0xb8;
	[tilespmem:$0x11400] =	vst v63  }
0x8c: {  	s6 =	simm.s32 $0x9400  }
0x8d: {  	[tilespmem:s6], [sflag:$0x2] =	stream.indirect.gather [hbm4b:s3+s4], $0x80, s10, s4, $0xb8;
	[tilespmem:$0x11400] =	vst v63  }
0x8e: {  	s0 =	simm.s32 $0xB80;
	s16 =	simm.s32 $0xD400  }
0x8f: {  	[tilespmem:s16], [sflag:$0x2] =	stream.indirect.gather [hbm4b:s3+s4], $0x80, s0, s4, $0xb8;
	[tilespmem:$0x11400] =	vst v63  }
0x90: {  	_ =	swait.ge [sflag:s7], $0x4000  }
0x91: {  	[sflag:s7] =	ssyncset.done $0x0  }
0x92: {  	[sflag:s7] =	ssyncadd.s32 $0xFFFFC000  }
0x93: {  	_ =	swait.ge [sflag:s7], $0x4000  }
0x94: {  	s12 =	sld [smem:$0x7FC]  }
0x95: {  	[sflag:s7] =	ssyncset.done $0x0  }
0x96: {  	[sflag:s7] =	ssyncadd.s32 $0xFFFFC000  }
0x97: {  	[hbm4b:s12+s2] =	stream.linear.scatter [tilespmem:s8], [sflag:$0x3], $0x8000, $0x38;
	[tilespmem:$0x11400] =	vst v63  }
0x98: {  	_ =	swait.ge [sflag:s7], $0x4000  }
0x99: {  	[sflag:s7] =	ssyncset.done $0x0  }
0x9a: {  	[sflag:s7] =	ssyncadd.s32 $0xFFFFC000  }
0x9b: {  	_ =	swait.ge [sflag:s7], $0x4000  }
0x9c: {  	[sflag:s7] =	ssyncset.done $0x0  }
0x9d: {  	s0 =	rddreg [dreg:$0x6];
	[sflag:s7] =	ssyncadd.s32 $0xFFFFC000  }
0x9e: {  	[hbm4b:s0+s2] =	stream.linear.scatter [tilespmem:s6], [sflag:$0x3], $0x8000, $0x38;
	[tilespmem:$0x11400] =	vst v63  }
0x9f: {  	_ =	swait.ge [sflag:s5], $0x8000  }
0xa0: {  	[sflag:s5] =	ssyncset.done $0x0  }
0xa1: {  	[sflag:s5] =	ssyncadd.s32 $0xFFFF8000  }
0xa2: {  	_ =	swait.ge [sflag:s5], $0x8000  }
0xa3: {  	[sflag:s5] =	ssyncset.done $0x0  }
0xa4: {  	[sflag:s5] =	ssyncadd.s32 $0xFFFF8000  }
0xa5: {  	[tilespmem:s8], [sflag:$0x2] =	stream.indirect.gather [hbm4b:s3+s4], $0x80, s26, s4, $0xb8;
	[tilespmem:$0x11400] =	vst v63  }
0xa6: {  	_ = 	snop  }
0xa7: {  	[tilespmem:s1], [sflag:$0x2] =	stream.indirect.gather [hbm4b:s3+s4], $0x80, s28, s4, $0xb8;
	[tilespmem:$0x11400] =	vst v63  }
0xa8: {  	_ = 	snop  }
0xa9: {  	[tilespmem:s6], [sflag:$0x2] =	stream.indirect.gather [hbm4b:s3+s4], $0x80, s22, s4, $0xb8;
	[tilespmem:$0x11400] =	vst v63  }
0xaa: {  	_ = 	snop  }
0xab: {  	[tilespmem:s16], [sflag:$0x2] =	stream.indirect.gather [hbm4b:s3+s4], $0x80, s29, s4, $0xb8;
	[tilespmem:$0x11400] =	vst v63  }
0xac: {  	_ =	swait.ge [sflag:s7], $0x4000  }
0xad: {  	[sflag:s7] =	ssyncset.done $0x0  }
0xae: {  	[sflag:s7] =	ssyncadd.s32 $0xFFFFC000  }
0xaf: {  	_ =	swait.ge [sflag:s7], $0x4000  }
0xb0: {  	[sflag:s7] =	ssyncset.done $0x0  }
0xb1: {  	s10 =	rddreg [dreg:$0x7];
	[sflag:s7] =	ssyncadd.s32 $0xFFFFC000  }
0xb2: {  	[hbm4b:s10+s2] =	stream.linear.scatter [tilespmem:s8], [sflag:$0x3], $0x8000, $0x38;
	[tilespmem:$0x11400] =	vst v63  }
0xb3: {  	_ =	swait.ge [sflag:s7], $0x4000  }
0xb4: {  	[sflag:s7] =	ssyncset.done $0x0  }
0xb5: {  	[sflag:s7] =	ssyncadd.s32 $0xFFFFC000  }
0xb6: {  	_ =	swait.ge [sflag:s7], $0x4000  }
0xb7: {  	[sflag:s7] =	ssyncset.done $0x0  }
0xb8: {  	s12 =	rddreg [dreg:$0x8];
	[sflag:s7] =	ssyncadd.s32 $0xFFFFC000  }
0xb9: {  	[hbm4b:s12+s2] =	stream.linear.scatter [tilespmem:s6], [sflag:$0x3], $0x8000, $0x38;
	[tilespmem:$0x11400] =	vst v63  }
0xba: {  	_ =	swait.ge [sflag:s5], $0x8000  }
0xbb: {  	[sflag:s5] =	ssyncset.done $0x0  }
0xbc: {  	[sflag:s5] =	ssyncadd.s32 $0xFFFF8000  }
0xbd: {  	_ =	swait.ge [sflag:s5], $0x8000  }
0xbe: {  	[sflag:s5] =	ssyncset.done $0x0  }
0xbf: {  	[sflag:s5] =	ssyncadd.s32 $0xFFFF8000  }
0xc0: {  	[tilespmem:s8], [sflag:$0x2] =	stream.indirect.gather [hbm4b:s3+s4], $0x80, s23, s4, $0xb8;
	[tilespmem:$0x11400] =	vst v63  }
0xc1: {  	_ = 	snop  }
0xc2: {  	[tilespmem:s1], [sflag:$0x2] =	stream.indirect.gather [hbm4b:s3+s4], $0x80, s30, s4, $0xb8;
	[tilespmem:$0x11400] =	vst v63  }
0xc3: {  	_ = 	snop  }
0xc4: {  	[tilespmem:s6], [sflag:$0x2] =	stream.indirect.gather [hbm4b:s3+s4], $0x80, s17, s4, $0xb8;
	[tilespmem:$0x11400] =	vst v63  }
0xc5: {  	_ = 	snop  }
0xc6: {  	[tilespmem:s16], [sflag:$0x2] =	stream.indirect.gather [hbm4b:s3+s4], $0x80, s24, s4, $0xb8;
	[tilespmem:$0x11400] =	vst v63  }
0xc7: {  	_ =	swait.ge [sflag:s7], $0x4000  }
0xc8: {  	[sflag:s7] =	ssyncset.done $0x0  }
0xc9: {  	[sflag:s7] =	ssyncadd.s32 $0xFFFFC000  }
0xca: {  	_ =	swait.ge [sflag:s7], $0x4000  }
0xcb: {  	[sflag:s7] =	ssyncset.done $0x0  }
0xcc: {  	s17 =	rddreg [dreg:$0x9];
	[sflag:s7] =	ssyncadd.s32 $0xFFFFC000  }
0xcd: {  	[hbm4b:s17+s2] =	stream.linear.scatter [tilespmem:s8], [sflag:$0x3], $0x8000, $0x38;
	[tilespmem:$0x11400] =	vst v63  }
0xce: {  	_ =	swait.ge [sflag:s7], $0x4000  }
0xcf: {  	[sflag:s7] =	ssyncset.done $0x0  }
0xd0: {  	[sflag:s7] =	ssyncadd.s32 $0xFFFFC000  }
0xd1: {  	_ =	swait.ge [sflag:s7], $0x4000  }
0xd2: {  	[sflag:s7] =	ssyncset.done $0x0  }
0xd3: {  	s22 =	rddreg [dreg:$0xa];
	[sflag:s7] =	ssyncadd.s32 $0xFFFFC000  }
0xd4: {  	[hbm4b:s22+s2] =	stream.linear.scatter [tilespmem:s6], [sflag:$0x3], $0x8000, $0x38;
	[tilespmem:$0x11400] =	vst v63  }
0xd5: {  	_ =	swait.ge [sflag:s5], $0x8000  }
0xd6: {  	[sflag:s5] =	ssyncset.done $0x0  }
0xd7: {  	[sflag:s5] =	ssyncadd.s32 $0xFFFF8000  }
0xd8: {  	_ =	swait.ge [sflag:s5], $0x8000  }
0xd9: {  	[sflag:s5] =	ssyncset.done $0x0  }
0xda: {  	s23 =	simm.s32 $0x1000;
	[sflag:s5] =	ssyncadd.s32 $0xFFFF8000  }
0xdb: {  	[tilespmem:s8], [sflag:$0x2] =	stream.indirect.gather [hbm4b:s3+s4], $0x80, s23, s4, $0xb8;
	[tilespmem:$0x11400] =	vst v63  }
0xdc: {  	s24 =	simm.s32 $0x1080  }
0xdd: {  	[tilespmem:s1], [sflag:$0x2] =	stream.indirect.gather [hbm4b:s3+s4], $0x80, s24, s4, $0xb8;
	[tilespmem:$0x11400] =	vst v63  }
0xde: {  	_ = 	snop  }
0xdf: {  	[tilespmem:s6], [sflag:$0x2] =	stream.indirect.gather [hbm4b:s3+s4], $0x80, s25, s4, $0xb8;
	[tilespmem:$0x11400] =	vst v63  }
0xe0: {  	_ = 	snop  }
0xe1: {  	[tilespmem:s16], [sflag:$0x2] =	stream.indirect.gather [hbm4b:s3+s4], $0x80, s19, s4, $0xb8;
	[tilespmem:$0x11400] =	vst v63  }
0xe2: {  	_ =	swait.ge [sflag:s7], $0x4000  }
0xe3: {  	[sflag:s7] =	ssyncset.done $0x0  }
0xe4: {  	[sflag:s7] =	ssyncadd.s32 $0xFFFFC000  }
0xe5: {  	_ =	swait.ge [sflag:s7], $0x4000  }
0xe6: {  	[sflag:s7] =	ssyncset.done $0x0  }
0xe7: {  	s26 =	rddreg [dreg:$0xb];
	[sflag:s7] =	ssyncadd.s32 $0xFFFFC000  }
0xe8: {  	[hbm4b:s26+s2] =	stream.linear.scatter [tilespmem:s8], [sflag:$0x3], $0x8000, $0x38;
	[tilespmem:$0x11400] =	vst v63  }
0xe9: {  	_ =	swait.ge [sflag:s7], $0x4000  }
0xea: {  	[sflag:s7] =	ssyncset.done $0x0  }
0xeb: {  	[sflag:s7] =	ssyncadd.s32 $0xFFFFC000  }
0xec: {  	_ =	swait.ge [sflag:s7], $0x4000  }
0xed: {  	[sflag:s7] =	ssyncset.done $0x0  }
0xee: {  	s28 =	rddreg [dreg:$0xc];
	[sflag:s7] =	ssyncadd.s32 $0xFFFFC000  }
0xef: {  	[hbm4b:s28+s2] =	stream.linear.scatter [tilespmem:s6], [sflag:$0x3], $0x8000, $0x38;
	[tilespmem:$0x11400] =	vst v63  }
0xf0: {  	_ =	swait.ge [sflag:s5], $0x8000  }
0xf1: {  	[sflag:s5] =	ssyncset.done $0x0  }
0xf2: {  	[sflag:s5] =	ssyncadd.s32 $0xFFFF8000  }
0xf3: {  	_ =	swait.ge [sflag:s5], $0x8000  }
0xf4: {  	[sflag:s5] =	ssyncset.done $0x0  }
0xf5: {  	[sflag:s5] =	ssyncadd.s32 $0xFFFF8000  }
0xf6: {  	[tilespmem:s8], [sflag:$0x2] =	stream.indirect.gather [hbm4b:s3+s4], $0x80, s21, s4, $0xb8;
	[tilespmem:$0x11400] =	vst v63  }
0xf7: {  	_ = 	snop  }
0xf8: {  	[tilespmem:s1], [sflag:$0x2] =	stream.indirect.gather [hbm4b:s3+s4], $0x80, s18, s4, $0xb8;
	[tilespmem:$0x11400] =	vst v63  }
0xf9: {  	_ = 	snop  }
0xfa: {  	[tilespmem:s6], [sflag:$0x2] =	stream.indirect.gather [hbm4b:s3+s4], $0x80, s14, s4, $0xb8;
	[tilespmem:$0x11400] =	vst v63  }
0xfb: {  	_ = 	snop  }
0xfc: {  	[tilespmem:s16], [sflag:$0x2] =	stream.indirect.gather [hbm4b:s3+s4], $0x80, s15, s4, $0xb8;
	[tilespmem:$0x11400] =	vst v63  }
0xfd: {  	_ =	swait.ge [sflag:s7], $0x4000  }
0xfe: {  	[sflag:s7] =	ssyncset.done $0x0  }
0xff: {  	[sflag:s7] =	ssyncadd.s32 $0xFFFFC000  }
0x100: {  	_ =	swait.ge [sflag:s7], $0x4000  }
0x101: {  	[sflag:s7] =	ssyncset.done $0x0  }
0x102: {  	s29 =	rddreg [dreg:$0xd];
	[sflag:s7] =	ssyncadd.s32 $0xFFFFC000  }
0x103: {  	[hbm4b:s29+s2] =	stream.linear.scatter [tilespmem:s8], [sflag:$0x3], $0x8000, $0x38;
	[tilespmem:$0x11400] =	vst v63  }
0x104: {  	_ =	swait.ge [sflag:s7], $0x4000  }
0x105: {  	[sflag:s7] =	ssyncset.done $0x0  }
0x106: {  	[sflag:s7] =	ssyncadd.s32 $0xFFFFC000  }
0x107: {  	_ =	swait.ge [sflag:s7], $0x4000  }
0x108: {  	[sflag:s7] =	ssyncset.done $0x0  }
0x109: {  	p1 =	sne.s32 s13, $0x1;
	s30 =	rddreg [dreg:$0xe];
	[sflag:s7] =	ssyncadd.s32 $0xFFFFC000  }
0x10a: {  	[hbm4b:s30+s2] =	stream.linear.scatter [tilespmem:s6], [sflag:$0x3], $0x8000, $0x38;
	[tilespmem:$0x11400] =	vst v63  }
.Ltmp1:
0x10b: {  	_ =	swait.ge [sflag:s5], $0x8000;
	(pc) =	sbr.rel @!p1 .LBB2_7-.Ltmp1, $4  }
0x10c: {  	[sflag:s5] =	ssyncset.done $0x0  }
0x10d: {  	[sflag:s5] =	ssyncadd.s32 $0xFFFF8000  }
0x10e: {  	p0 =	por $0x1, $0x1;
	_ =	swait.ge [sflag:s5], $0x8000  }
0x10f: {  	s11 =	sadd.s32 $0xFFFFFFFF, s13;
	s12 =	rddreg [dreg:$0x5];
	[sflag:s5] =	ssyncset.done $0x0  }
0x110: {  	s26 =	simm.s32 $0xB00  }
0x111: {  	s28 =	simm.s32 $0xC80;
	s22 =	simm.s32 $0xD00;
	s29 =	simm.s32 $0xD80  }
0x112: {  	s23 =	simm.s32 $0xE00;
	s30 =	simm.s32 $0xE80;
	s17 =	simm.s32 $0xF00  }
0x113: {  	s24 =	simm.s32 $0xF80;
	s18 =	simm.s32 $0x1000;
	s19 =	simm.s32 $0x1080  }
0x114: {  	s25 =	simm.s32 $0x1100;
	s15 =	simm.s32 $0x1180;
	s21 =	simm.s32 $0x1200  }
0x115: {  	s1 =	simm.s32 $0x1280;
	s10 =	simm.s32 $0x1300;
	s13 =	simm.s32 $0x1380  }
.LBB2_4:
0x116: {  	[sflag:s5] =	ssyncadd.s32 $0xFFFF8000  }
0x117: {  	[tilespmem:s2], [sflag:$0x4] =	stream.linear.gather [hbm4b:s12+s2], $0xA00, $0x38;
	[tilespmem:$0x11400] =	vst v63  }
0x118: {  	_ =	swait.ge [sflag:s31], $0xA00  }
0x119: {  	[sflag:s31] =	ssyncset.done $0x0  }
0x11a: {  	s6 =	simm.s32 $0xA00;
	[sflag:s31] =	ssyncadd.s32 $0xFFFFF600  }
0x11b: {  	[tilespmem:s6], [sflag:$0x1] =	stream.indirect.gather [hbm4b:s20+s4], $0x1, s2, s4, $0xb8;
	[tilespmem:$0x11400] =	vst v63  }
0x11c: {  	s14 =	simm.s32 $0xA80  }
0x11d: {  	[tilespmem:s14], [sflag:$0x1] =	stream.indirect.gather [hbm4b:s20+s4], $0x1, s4, s4, $0xb8;
	[tilespmem:$0x11400] =	vst v63  }
0x11e: {  	s12 =	rddreg [dreg:$0xf]  }
0x11f: {  	[tilespmem:s26], [sflag:$0x1] =	stream.indirect.gather [hbm4b:s20+s4], $0x1, s12, s4, $0xb8;
	[tilespmem:$0x11400] =	vst v63  }
0x120: {  	s0 =	simm.s32 $0xB80;
	s16 =	rddreg [dreg:$0x10]  }
0x121: {  	[tilespmem:s0], [sflag:$0x1] =	stream.indirect.gather [hbm4b:s20+s4], $0x1, s16, s4, $0xb8;
	[tilespmem:$0x11400] =	vst v63  }
0x122: {  	s31 =	simm.s32 $0xC00;
	s12 =	rddreg [dreg:$0x11]  }
0x123: {  	[tilespmem:s31], [sflag:$0x1] =	stream.indirect.gather [hbm4b:s20+s4], $0x1, s12, s4, $0xb8;
	[tilespmem:$0x11400] =	vst v63  }
0x124: {  	s0 =	rddreg [dreg:$0x12]  }
0x125: {  	[tilespmem:s28], [sflag:$0x1] =	stream.indirect.gather [hbm4b:s20+s4], $0x1, s0, s4, $0xb8;
	[tilespmem:$0x11400] =	vst v63  }
0x126: {  	s12 =	rddreg [dreg:$0x13]  }
0x127: {  	[tilespmem:s22], [sflag:$0x1] =	stream.indirect.gather [hbm4b:s20+s4], $0x1, s12, s4, $0xb8;
	[tilespmem:$0x11400] =	vst v63  }
0x128: {  	s0 =	rddreg [dreg:$0x14]  }
0x129: {  	[tilespmem:s29], [sflag:$0x1] =	stream.indirect.gather [hbm4b:s20+s4], $0x1, s0, s4, $0xb8;
	[tilespmem:$0x11400] =	vst v63  }
0x12a: {  	_ =	swait.ge [sflag:s9], $0x80  }
0x12b: {  	[sflag:s9] =	ssyncset.done $0x0  }
0x12c: {  	[sflag:s9] =	ssyncadd.s32 $0xFFFFFF80  }
0x12d: {  	_ =	swait.ge [sflag:s9], $0x80  }
0x12e: {  	[sflag:s9] =	ssyncset.done $0x0  }
0x12f: {  	[sflag:s9] =	ssyncadd.s32 $0xFFFFFF80  }
0x130: {  	_ =	swait.ge [sflag:s9], $0x80  }
0x131: {  	[sflag:s9] =	ssyncset.done $0x0  }
0x132: {  	[sflag:s9] =	ssyncadd.s32 $0xFFFFFF80  }
0x133: {  	_ =	swait.ge [sflag:s9], $0x80  }
0x134: {  	[sflag:s9] =	ssyncset.done $0x0  }
0x135: {  	[sflag:s9] =	ssyncadd.s32 $0xFFFFFF80  }
0x136: {  	_ =	swait.ge [sflag:s9], $0x80  }
0x137: {  	[sflag:s9] =	ssyncset.done $0x0  }
0x138: {  	[sflag:s9] =	ssyncadd.s32 $0xFFFFFF80  }
0x139: {  	_ =	swait.ge [sflag:s9], $0x80  }
0x13a: {  	[sflag:s9] =	ssyncset.done $0x0  }
0x13b: {  	[sflag:s9] =	ssyncadd.s32 $0xFFFFFF80  }
0x13c: {  	_ =	swait.ge [sflag:s9], $0x80  }
0x13d: {  	[sflag:s9] =	ssyncset.done $0x0  }
0x13e: {  	[sflag:s9] =	ssyncadd.s32 $0xFFFFFF80  }
0x13f: {  	_ =	swait.ge [sflag:s9], $0x80  }
0x140: {  	[sflag:s9] =	ssyncset.done $0x0  }
0x141: {  	s16 =	rddreg [dreg:$0x15];
	[sflag:s9] =	ssyncadd.s32 $0xFFFFFF80  }
0x142: {  	[tilespmem:s23], [sflag:$0x1] =	stream.indirect.gather [hbm4b:s20+s4], $0x1, s16, s4, $0xb8;
	[tilespmem:$0x11400] =	vst v63  }
0x143: {  	s0 =	rddreg [dreg:$0x16]  }
0x144: {  	[tilespmem:s30], [sflag:$0x1] =	stream.indirect.gather [hbm4b:s20+s4], $0x1, s0, s4, $0xb8;
	[tilespmem:$0x11400] =	vst v63  }
0x145: {  	s12 =	rddreg [dreg:$0x17]  }
0x146: {  	[tilespmem:s17], [sflag:$0x1] =	stream.indirect.gather [hbm4b:s20+s4], $0x1, s12, s4, $0xb8;
	[tilespmem:$0x11400] =	vst v63  }
0x147: {  	s0 =	rddreg [dreg:$0x18]  }
0x148: {  	[tilespmem:s24], [sflag:$0x1] =	stream.indirect.gather [hbm4b:s20+s4], $0x1, s0, s4, $0xb8;
	[tilespmem:$0x11400] =	vst v63  }
0x149: {  	s12 =	rddreg [dreg:$0x19]  }
0x14a: {  	[tilespmem:s18], [sflag:$0x1] =	stream.indirect.gather [hbm4b:s20+s4], $0x1, s12, s4, $0xb8;
	[tilespmem:$0x11400] =	vst v63  }
0x14b: {  	s0 =	rddreg [dreg:$0x1a]  }
0x14c: {  	[tilespmem:s19], [sflag:$0x1] =	stream.indirect.gather [hbm4b:s20+s4], $0x1, s0, s4, $0xb8;
	[tilespmem:$0x11400] =	vst v63  }
0x14d: {  	s12 =	rddreg [dreg:$0x1b]  }
0x14e: {  	[tilespmem:s25], [sflag:$0x1] =	stream.indirect.gather [hbm4b:s20+s4], $0x1, s12, s4, $0xb8;
	[tilespmem:$0x11400] =	vst v63  }
0x14f: {  	s0 =	rddreg [dreg:$0x1c]  }
0x150: {  	[tilespmem:s15], [sflag:$0x1] =	stream.indirect.gather [hbm4b:s20+s4], $0x1, s0, s4, $0xb8;
	[tilespmem:$0x11400] =	vst v63  }
0x151: {  	_ =	swait.ge [sflag:s9], $0x80  }
0x152: {  	[sflag:s9] =	ssyncset.done $0x0  }
0x153: {  	[sflag:s9] =	ssyncadd.s32 $0xFFFFFF80  }
0x154: {  	_ =	swait.ge [sflag:s9], $0x80  }
0x155: {  	[sflag:s9] =	ssyncset.done $0x0  }
0x156: {  	[sflag:s9] =	ssyncadd.s32 $0xFFFFFF80  }
0x157: {  	_ =	swait.ge [sflag:s9], $0x80  }
0x158: {  	[sflag:s9] =	ssyncset.done $0x0  }
0x159: {  	[sflag:s9] =	ssyncadd.s32 $0xFFFFFF80  }
0x15a: {  	_ =	swait.ge [sflag:s9], $0x80  }
0x15b: {  	[sflag:s9] =	ssyncset.done $0x0  }
0x15c: {  	[sflag:s9] =	ssyncadd.s32 $0xFFFFFF80  }
0x15d: {  	_ =	swait.ge [sflag:s9], $0x80  }
0x15e: {  	[sflag:s9] =	ssyncset.done $0x0  }
0x15f: {  	[sflag:s9] =	ssyncadd.s32 $0xFFFFFF80  }
0x160: {  	_ =	swait.ge [sflag:s9], $0x80  }
0x161: {  	[sflag:s9] =	ssyncset.done $0x0  }
0x162: {  	[sflag:s9] =	ssyncadd.s32 $0xFFFFFF80  }
0x163: {  	_ =	swait.ge [sflag:s9], $0x80  }
0x164: {  	[sflag:s9] =	ssyncset.done $0x0  }
0x165: {  	[sflag:s9] =	ssyncadd.s32 $0xFFFFFF80  }
0x166: {  	_ =	swait.ge [sflag:s9], $0x80  }
0x167: {  	s16 =	rddreg [dreg:$0x1d];
	[sflag:s9] =	ssyncset.done $0x0  }
0x168: {  	s0 =	rddreg [dreg:$0x1e];
	[sflag:s9] =	ssyncadd.s32 $0xFFFFFF80  }
0x169: {  	[tilespmem:s21], [sflag:$0x1] =	stream.indirect.gather [hbm4b:s20+s4], $0x1, s16, s4, $0xb8;
	[tilespmem:$0x11400] =	vst v63  }
0x16a: {  	s12 =	rddreg [dreg:$0x1f]  }
0x16b: {  	[tilespmem:s1], [sflag:$0x1] =	stream.indirect.gather [hbm4b:s20+s4], $0x1, s0, s4, $0xb8;
	[tilespmem:$0x11400] =	vst v63  }
0x16c: {  	s0 =	sld [smem:$0x7FD]  }
0x16d: {  	[tilespmem:s10], [sflag:$0x1] =	stream.indirect.gather [hbm4b:s20+s4], $0x1, s12, s4, $0xb8;
	[tilespmem:$0x11400] =	vst v63  }
0x16e: {  	_ = 	snop  }
0x16f: {  	[tilespmem:s13], [sflag:$0x1] =	stream.indirect.gather [hbm4b:s20+s4], $0x1, s0, s4, $0xb8;
	[tilespmem:$0x11400] =	vst v63  }
0x170: {  	_ =	swait.ge [sflag:s9], $0x80  }
0x171: {  	[sflag:s9] =	ssyncset.done $0x0  }
0x172: {  	[sflag:s9] =	ssyncadd.s32 $0xFFFFFF80  }
0x173: {  	_ =	swait.ge [sflag:s9], $0x80  }
0x174: {  	[sflag:s9] =	ssyncset.done $0x0  }
0x175: {  	[sflag:s9] =	ssyncadd.s32 $0xFFFFFF80  }
0x176: {  	_ =	swait.ge [sflag:s9], $0x80  }
0x177: {  	[sflag:s9] =	ssyncset.done $0x0  }
0x178: {  	[sflag:s9] =	ssyncadd.s32 $0xFFFFFF80  }
0x179: {  	_ =	swait.ge [sflag:s9], $0x80  }
0x17a: {  	[sflag:s9] =	ssyncset.done $0x0  }
0x17b: {  	[sflag:s9] =	ssyncadd.s32 $0xFFFFFF80  }
0x17c: {  	[tilespmem:s8], [sflag:$0x2] =	stream.indirect.gather [hbm4b:s3+s4], $0x80, s6, s4, $0xb8;
	[tilespmem:$0x11400] =	vst v63  }
0x17d: {  	s16 =	simm.s32 $0x5400  }
0x17e: {  	[tilespmem:s16], [sflag:$0x2] =	stream.indirect.gather [hbm4b:s3+s4], $0x80, s14, s4, $0xb8;
	[tilespmem:$0x11400] =	vst v63  }
0x17f: {  	s6 =	simm.s32 $0x9400  }
0x180: {  	[tilespmem:s6], [sflag:$0x2] =	stream.indirect.gather [hbm4b:s3+s4], $0x80, s26, s4, $0xb8;
	[tilespmem:$0x11400] =	vst v63  }
0x181: {  	s12 =	simm.s32 $0xB80;
	s14 =	simm.s32 $0xD400  }
0x182: {  	[tilespmem:s14], [sflag:$0x2] =	stream.indirect.gather [hbm4b:s3+s4], $0x80, s12, s4, $0xb8;
	[tilespmem:$0x11400] =	vst v63  }
0x183: {  	_ =	swait.ge [sflag:s7], $0x4000  }
0x184: {  	[sflag:s7] =	ssyncset.done $0x0  }
0x185: {  	[sflag:s7] =	ssyncadd.s32 $0xFFFFC000  }
0x186: {  	_ =	swait.ge [sflag:s7], $0x4000  }
0x187: {  	s12 =	sld [smem:$0x7FC]  }
0x188: {  	[sflag:s7] =	ssyncset.done $0x0  }
0x189: {  	[sflag:s7] =	ssyncadd.s32 $0xFFFFC000  }
0x18a: {  	[hbm4b:s12+s2] =	stream.linear.scatter [tilespmem:s8], [sflag:$0x3], $0x8000, $0x38;
	[tilespmem:$0x11400] =	vst v63  }
0x18b: {  	_ =	swait.ge [sflag:s7], $0x4000  }
0x18c: {  	[sflag:s7] =	ssyncset.done $0x0  }
0x18d: {  	[sflag:s7] =	ssyncadd.s32 $0xFFFFC000  }
0x18e: {  	_ =	swait.ge [sflag:s7], $0x4000  }
0x18f: {  	[sflag:s7] =	ssyncset.done $0x0  }
0x190: {  	s0 =	rddreg [dreg:$0x6];
	[sflag:s7] =	ssyncadd.s32 $0xFFFFC000  }
0x191: {  	[hbm4b:s0+s2] =	stream.linear.scatter [tilespmem:s6], [sflag:$0x3], $0x8000, $0x38;
	[tilespmem:$0x11400] =	vst v63  }
0x192: {  	_ =	swait.ge [sflag:s5], $0x8000  }
0x193: {  	[sflag:s5] =	ssyncset.done $0x0  }
0x194: {  	[sflag:s5] =	ssyncadd.s32 $0xFFFF8000  }
0x195: {  	_ =	swait.ge [sflag:s5], $0x8000  }
0x196: {  	[sflag:s5] =	ssyncset.done $0x0  }
0x197: {  	[sflag:s5] =	ssyncadd.s32 $0xFFFF8000  }
0x198: {  	[tilespmem:s8], [sflag:$0x2] =	stream.indirect.gather [hbm4b:s3+s4], $0x80, s31, s4, $0xb8;
	[tilespmem:$0x11400] =	vst v63  }
0x199: {  	_ = 	snop  }
0x19a: {  	[tilespmem:s16], [sflag:$0x2] =	stream.indirect.gather [hbm4b:s3+s4], $0x80, s28, s4, $0xb8;
	[tilespmem:$0x11400] =	vst v63  }
0x19b: {  	_ = 	snop  }
0x19c: {  	[tilespmem:s6], [sflag:$0x2] =	stream.indirect.gather [hbm4b:s3+s4], $0x80, s22, s4, $0xb8;
	[tilespmem:$0x11400] =	vst v63  }
0x19d: {  	_ = 	snop  }
0x19e: {  	[tilespmem:s14], [sflag:$0x2] =	stream.indirect.gather [hbm4b:s3+s4], $0x80, s29, s4, $0xb8;
	[tilespmem:$0x11400] =	vst v63  }
0x19f: {  	_ =	swait.ge [sflag:s7], $0x4000  }
0x1a0: {  	[sflag:s7] =	ssyncset.done $0x0  }
0x1a1: {  	[sflag:s7] =	ssyncadd.s32 $0xFFFFC000  }
0x1a2: {  	_ =	swait.ge [sflag:s7], $0x4000  }
0x1a3: {  	[sflag:s7] =	ssyncset.done $0x0  }
0x1a4: {  	s0 =	rddreg [dreg:$0x7];
	[sflag:s7] =	ssyncadd.s32 $0xFFFFC000  }
0x1a5: {  	[hbm4b:s0+s2] =	stream.linear.scatter [tilespmem:s8], [sflag:$0x3], $0x8000, $0x38;
	[tilespmem:$0x11400] =	vst v63  }
0x1a6: {  	_ =	swait.ge [sflag:s7], $0x4000  }
0x1a7: {  	[sflag:s7] =	ssyncset.done $0x0  }
0x1a8: {  	[sflag:s7] =	ssyncadd.s32 $0xFFFFC000  }
0x1a9: {  	_ =	swait.ge [sflag:s7], $0x4000  }
0x1aa: {  	[sflag:s7] =	ssyncset.done $0x0  }
0x1ab: {  	s0 =	rddreg [dreg:$0x8];
	[sflag:s7] =	ssyncadd.s32 $0xFFFFC000  }
0x1ac: {  	[hbm4b:s0+s2] =	stream.linear.scatter [tilespmem:s6], [sflag:$0x3], $0x8000, $0x38;
	[tilespmem:$0x11400] =	vst v63  }
0x1ad: {  	_ =	swait.ge [sflag:s5], $0x8000  }
0x1ae: {  	[sflag:s5] =	ssyncset.done $0x0  }
0x1af: {  	[sflag:s5] =	ssyncadd.s32 $0xFFFF8000  }
0x1b0: {  	_ =	swait.ge [sflag:s5], $0x8000  }
0x1b1: {  	[sflag:s5] =	ssyncset.done $0x0  }
0x1b2: {  	[sflag:s5] =	ssyncadd.s32 $0xFFFF8000  }
0x1b3: {  	[tilespmem:s8], [sflag:$0x2] =	stream.indirect.gather [hbm4b:s3+s4], $0x80, s23, s4, $0xb8;
	[tilespmem:$0x11400] =	vst v63  }
0x1b4: {  	_ = 	snop  }
0x1b5: {  	[tilespmem:s16], [sflag:$0x2] =	stream.indirect.gather [hbm4b:s3+s4], $0x80, s30, s4, $0xb8;
	[tilespmem:$0x11400] =	vst v63  }
0x1b6: {  	_ = 	snop  }
0x1b7: {  	[tilespmem:s6], [sflag:$0x2] =	stream.indirect.gather [hbm4b:s3+s4], $0x80, s17, s4, $0xb8;
	[tilespmem:$0x11400] =	vst v63  }
0x1b8: {  	_ = 	snop  }
0x1b9: {  	[tilespmem:s14], [sflag:$0x2] =	stream.indirect.gather [hbm4b:s3+s4], $0x80, s24, s4, $0xb8;
	[tilespmem:$0x11400] =	vst v63  }
0x1ba: {  	_ =	swait.ge [sflag:s7], $0x4000  }
0x1bb: {  	[sflag:s7] =	ssyncset.done $0x0  }
0x1bc: {  	[sflag:s7] =	ssyncadd.s32 $0xFFFFC000  }
0x1bd: {  	_ =	swait.ge [sflag:s7], $0x4000  }
0x1be: {  	[sflag:s7] =	ssyncset.done $0x0  }
0x1bf: {  	s0 =	rddreg [dreg:$0x9];
	[sflag:s7] =	ssyncadd.s32 $0xFFFFC000  }
0x1c0: {  	[hbm4b:s0+s2] =	stream.linear.scatter [tilespmem:s8], [sflag:$0x3], $0x8000, $0x38;
	[tilespmem:$0x11400] =	vst v63  }
0x1c1: {  	_ =	swait.ge [sflag:s7], $0x4000  }
0x1c2: {  	[sflag:s7] =	ssyncset.done $0x0  }
0x1c3: {  	[sflag:s7] =	ssyncadd.s32 $0xFFFFC000  }
0x1c4: {  	_ =	swait.ge [sflag:s7], $0x4000  }
0x1c5: {  	[sflag:s7] =	ssyncset.done $0x0  }
0x1c6: {  	s0 =	rddreg [dreg:$0xa];
	[sflag:s7] =	ssyncadd.s32 $0xFFFFC000  }
0x1c7: {  	[hbm4b:s0+s2] =	stream.linear.scatter [tilespmem:s6], [sflag:$0x3], $0x8000, $0x38;
	[tilespmem:$0x11400] =	vst v63  }
0x1c8: {  	_ =	swait.ge [sflag:s5], $0x8000  }
0x1c9: {  	[sflag:s5] =	ssyncset.done $0x0  }
0x1ca: {  	[sflag:s5] =	ssyncadd.s32 $0xFFFF8000  }
0x1cb: {  	_ =	swait.ge [sflag:s5], $0x8000  }
0x1cc: {  	[sflag:s5] =	ssyncset.done $0x0  }
0x1cd: {  	[sflag:s5] =	ssyncadd.s32 $0xFFFF8000  }
0x1ce: {  	[tilespmem:s8], [sflag:$0x2] =	stream.indirect.gather [hbm4b:s3+s4], $0x80, s18, s4, $0xb8;
	[tilespmem:$0x11400] =	vst v63  }
0x1cf: {  	_ = 	snop  }
0x1d0: {  	[tilespmem:s16], [sflag:$0x2] =	stream.indirect.gather [hbm4b:s3+s4], $0x80, s19, s4, $0xb8;
	[tilespmem:$0x11400] =	vst v63  }
0x1d1: {  	_ = 	snop  }
0x1d2: {  	[tilespmem:s6], [sflag:$0x2] =	stream.indirect.gather [hbm4b:s3+s4], $0x80, s25, s4, $0xb8;
	[tilespmem:$0x11400] =	vst v63  }
0x1d3: {  	_ = 	snop  }
0x1d4: {  	[tilespmem:s14], [sflag:$0x2] =	stream.indirect.gather [hbm4b:s3+s4], $0x80, s15, s4, $0xb8;
	[tilespmem:$0x11400] =	vst v63  }
0x1d5: {  	_ =	swait.ge [sflag:s7], $0x4000  }
0x1d6: {  	[sflag:s7] =	ssyncset.done $0x0  }
0x1d7: {  	[sflag:s7] =	ssyncadd.s32 $0xFFFFC000  }
0x1d8: {  	_ =	swait.ge [sflag:s7], $0x4000  }
0x1d9: {  	[sflag:s7] =	ssyncset.done $0x0  }
0x1da: {  	s0 =	rddreg [dreg:$0xb];
	[sflag:s7] =	ssyncadd.s32 $0xFFFFC000  }
0x1db: {  	[hbm4b:s0+s2] =	stream.linear.scatter [tilespmem:s8], [sflag:$0x3], $0x8000, $0x38;
	[tilespmem:$0x11400] =	vst v63  }
0x1dc: {  	_ =	swait.ge [sflag:s7], $0x4000  }
0x1dd: {  	[sflag:s7] =	ssyncset.done $0x0  }
0x1de: {  	[sflag:s7] =	ssyncadd.s32 $0xFFFFC000  }
0x1df: {  	_ =	swait.ge [sflag:s7], $0x4000  }
0x1e0: {  	[sflag:s7] =	ssyncset.done $0x0  }
0x1e1: {  	s0 =	rddreg [dreg:$0xc];
	[sflag:s7] =	ssyncadd.s32 $0xFFFFC000  }
0x1e2: {  	[hbm4b:s0+s2] =	stream.linear.scatter [tilespmem:s6], [sflag:$0x3], $0x8000, $0x38;
	[tilespmem:$0x11400] =	vst v63  }
0x1e3: {  	_ =	swait.ge [sflag:s5], $0x8000  }
0x1e4: {  	[sflag:s5] =	ssyncset.done $0x0  }
0x1e5: {  	[sflag:s5] =	ssyncadd.s32 $0xFFFF8000  }
0x1e6: {  	_ =	swait.ge [sflag:s5], $0x8000  }
0x1e7: {  	[sflag:s5] =	ssyncset.done $0x0  }
0x1e8: {  	[sflag:s5] =	ssyncadd.s32 $0xFFFF8000  }
0x1e9: {  	[tilespmem:s8], [sflag:$0x2] =	stream.indirect.gather [hbm4b:s3+s4], $0x80, s21, s4, $0xb8;
	[tilespmem:$0x11400] =	vst v63  }
0x1ea: {  	_ = 	snop  }
0x1eb: {  	[tilespmem:s16], [sflag:$0x2] =	stream.indirect.gather [hbm4b:s3+s4], $0x80, s1, s4, $0xb8;
	[tilespmem:$0x11400] =	vst v63  }
0x1ec: {  	_ = 	snop  }
0x1ed: {  	[tilespmem:s6], [sflag:$0x2] =	stream.indirect.gather [hbm4b:s3+s4], $0x80, s10, s4, $0xb8;
	[tilespmem:$0x11400] =	vst v63  }
0x1ee: {  	_ = 	snop  }
0x1ef: {  	[tilespmem:s14], [sflag:$0x2] =	stream.indirect.gather [hbm4b:s3+s4], $0x80, s13, s4, $0xb8;
	[tilespmem:$0x11400] =	vst v63  }
0x1f0: {  	_ =	swait.ge [sflag:s7], $0x4000  }
0x1f1: {  	[sflag:s7] =	ssyncset.done $0x0  }
0x1f2: {  	[sflag:s7] =	ssyncadd.s32 $0xFFFFC000  }
0x1f3: {  	_ =	swait.ge [sflag:s7], $0x4000  }
0x1f4: {  	[sflag:s7] =	ssyncset.done $0x0  }
0x1f5: {  	s14 =	rddreg [dreg:$0xd];
	[sflag:s7] =	ssyncadd.s32 $0xFFFFC000  }
0x1f6: {  	[hbm4b:s14+s2] =	stream.linear.scatter [tilespmem:s8], [sflag:$0x3], $0x8000, $0x38;
	[tilespmem:$0x11400] =	vst v63  }
0x1f7: {  	_ =	swait.ge [sflag:s7], $0x4000  }
0x1f8: {  	[sflag:s7] =	ssyncset.done $0x0  }
0x1f9: {  	[sflag:s7] =	ssyncadd.s32 $0xFFFFC000  }
0x1fa: {  	_ =	swait.ge [sflag:s7], $0x4000  }
0x1fb: {  	[sflag:s7] =	ssyncset.done $0x0  }
0x1fc: {  	p1 =	sne.s32 s11, $0x1;
	s16 =	rddreg [dreg:$0xe];
	[sflag:s7] =	ssyncadd.s32 $0xFFFFC000  }
0x1fd: {  	[hbm4b:s16+s2] =	stream.linear.scatter [tilespmem:s6], [sflag:$0x3], $0x8000, $0x38;
	[tilespmem:$0x11400] =	vst v63  }
.Ltmp2:
0x1fe: {  	_ =	swait.ge [sflag:s5], $0x8000;
	(pc) =	sbr.rel @p1 .LBB2_4-.Ltmp2, $4  }
0x1ff: {  	[sflag:s5] =	ssyncset.done $0x0  }
0x200: {  	[sflag:s5] =	ssyncadd.s32 $0xFFFF8000  }
0x201: {  	s11 =	sadd.s32 $0xFFFFFFFF, s11;
	_ =	swait.ge [sflag:s5], $0x8000  }
0x202: {  	s31 =	simm.s32 $0x4;
	s12 =	rddreg [dreg:$0x5];
	[sflag:s5] =	ssyncset.done $0x0  }
0x203: {  	s21 =	sld [smem:$0x7FC]  }
0x204: {  	s11 =	simm.s32 $0xA00;
	s13 =	simm.s32 $0x5400;
	s14 =	simm.s32 $0xD400  }
.LBB2_6:
0x205: {  	[sflag:s5] =	ssyncadd.s32 @p0 $0xFFFF8000  }
0x206: {  	[tilespmem:s2], [sflag:$0x4] =	stream.linear.gather [hbm4b:s12+s2], $0xA00, $0x38;
	[tilespmem:$0x11400] =	vst v63  }
0x207: {  	_ =	swait.ge [sflag:s31], $0xA00  }
0x208: {  	[sflag:s31] =	ssyncset.done $0x0  }
0x209: {  	[sflag:s31] =	ssyncadd.s32 $0xFFFFF600  }
0x20a: {  	[tilespmem:s11], [sflag:$0x1] =	stream.indirect.gather [hbm4b:s20+s4], $0x1, s2, s4, $0xb8;
	[tilespmem:$0x11400] =	vst v63  }
0x20b: {  	s1 =	simm.s32 $0xA80  }
0x20c: {  	[tilespmem:s1], [sflag:$0x1] =	stream.indirect.gather [hbm4b:s20+s4], $0x1, s4, s4, $0xb8;
	[tilespmem:$0x11400] =	vst v63  }
0x20d: {  	s16 =	simm.s32 $0xB00;
	s10 =	rddreg [dreg:$0xf]  }
0x20e: {  	[tilespmem:s16], [sflag:$0x1] =	stream.indirect.gather [hbm4b:s20+s4], $0x1, s10, s4, $0xb8;
	[tilespmem:$0x11400] =	vst v63  }
0x20f: {  	s0 =	simm.s32 $0xB80;
	s23 =	rddreg [dreg:$0x10]  }
0x210: {  	[tilespmem:s0], [sflag:$0x1] =	stream.indirect.gather [hbm4b:s20+s4], $0x1, s23, s4, $0xb8;
	[tilespmem:$0x11400] =	vst v63  }
0x211: {  	s29 =	simm.s32 $0xC00;
	s24 =	rddreg [dreg:$0x11]  }
0x212: {  	[tilespmem:s29], [sflag:$0x1] =	stream.indirect.gather [hbm4b:s20+s4], $0x1, s24, s4, $0xb8;
	[tilespmem:$0x11400] =	vst v63  }
0x213: {  	s12 =	simm.s32 $0xC80;
	s25 =	rddreg [dreg:$0x12]  }
0x214: {  	[tilespmem:s12], [sflag:$0x1] =	stream.indirect.gather [hbm4b:s20+s4], $0x1, s25, s4, $0xb8;
	[tilespmem:$0x11400] =	vst v63  }
0x215: {  	s30 =	simm.s32 $0xD00;
	s26 =	rddreg [dreg:$0x13]  }
0x216: {  	[tilespmem:s30], [sflag:$0x1] =	stream.indirect.gather [hbm4b:s20+s4], $0x1, s26, s4, $0xb8;
	[tilespmem:$0x11400] =	vst v63  }
0x217: {  	s28 =	rddreg [dreg:$0x14];
	s31 =	simm.s32 $0xD80  }
0x218: {  	[tilespmem:s31], [sflag:$0x1] =	stream.indirect.gather [hbm4b:s20+s4], $0x1, s28, s4, $0xb8;
	[tilespmem:$0x11400] =	vst v63  }
0x219: {  	_ =	swait.ge [sflag:s9], $0x80  }
0x21a: {  	[sflag:s9] =	ssyncset.done $0x0  }
0x21b: {  	[sflag:s9] =	ssyncadd.s32 $0xFFFFFF80  }
0x21c: {  	_ =	swait.ge [sflag:s9], $0x80  }
0x21d: {  	[sflag:s9] =	ssyncset.done $0x0  }
0x21e: {  	[sflag:s9] =	ssyncadd.s32 $0xFFFFFF80  }
0x21f: {  	_ =	swait.ge [sflag:s9], $0x80  }
0x220: {  	[sflag:s9] =	ssyncset.done $0x0  }
0x221: {  	[sflag:s9] =	ssyncadd.s32 $0xFFFFFF80  }
0x222: {  	_ =	swait.ge [sflag:s9], $0x80  }
0x223: {  	[sflag:s9] =	ssyncset.done $0x0  }
0x224: {  	[sflag:s9] =	ssyncadd.s32 $0xFFFFFF80  }
0x225: {  	_ =	swait.ge [sflag:s9], $0x80  }
0x226: {  	[sflag:s9] =	ssyncset.done $0x0  }
0x227: {  	[sflag:s9] =	ssyncadd.s32 $0xFFFFFF80  }
0x228: {  	_ =	swait.ge [sflag:s9], $0x80  }
0x229: {  	[sflag:s9] =	ssyncset.done $0x0  }
0x22a: {  	[sflag:s9] =	ssyncadd.s32 $0xFFFFFF80  }
0x22b: {  	_ =	swait.ge [sflag:s9], $0x80  }
0x22c: {  	[sflag:s9] =	ssyncset.done $0x0  }
0x22d: {  	[sflag:s9] =	ssyncadd.s32 $0xFFFFFF80  }
0x22e: {  	_ =	swait.ge [sflag:s9], $0x80  }
0x22f: {  	[sflag:s9] =	ssyncset.done $0x0  }
0x230: {  	s24 =	simm.s32 $0xE00;
	s11 =	rddreg [dreg:$0x15];
	[sflag:s9] =	ssyncadd.s32 $0xFFFFFF80  }
0x231: {  	[tilespmem:s24], [sflag:$0x1] =	stream.indirect.gather [hbm4b:s20+s4], $0x1, s11, s4, $0xb8;
	[tilespmem:$0x11400] =	vst v63  }
0x232: {  	s25 =	simm.s32 $0xE80;
	s15 =	rddreg [dreg:$0x16]  }
0x233: {  	[tilespmem:s25], [sflag:$0x1] =	stream.indirect.gather [hbm4b:s20+s4], $0x1, s15, s4, $0xb8;
	[tilespmem:$0x11400] =	vst v63  }
0x234: {  	s26 =	simm.s32 $0xF00;
	s17 =	rddreg [dreg:$0x17]  }
0x235: {  	[tilespmem:s26], [sflag:$0x1] =	stream.indirect.gather [hbm4b:s20+s4], $0x1, s17, s4, $0xb8;
	[tilespmem:$0x11400] =	vst v63  }
0x236: {  	s28 =	simm.s32 $0xF80;
	s18 =	rddreg [dreg:$0x18]  }
0x237: {  	[tilespmem:s28], [sflag:$0x1] =	stream.indirect.gather [hbm4b:s20+s4], $0x1, s18, s4, $0xb8;
	[tilespmem:$0x11400] =	vst v63  }
0x238: {  	s19 =	rddreg [dreg:$0x19];
	s15 =	simm.s32 $0x1000  }
0x239: {  	[tilespmem:s15], [sflag:$0x1] =	stream.indirect.gather [hbm4b:s20+s4], $0x1, s19, s4, $0xb8;
	[tilespmem:$0x11400] =	vst v63  }
0x23a: {  	s22 =	rddreg [dreg:$0x1a];
	s19 =	simm.s32 $0x1080  }
0x23b: {  	[tilespmem:s19], [sflag:$0x1] =	stream.indirect.gather [hbm4b:s20+s4], $0x1, s22, s4, $0xb8;
	[tilespmem:$0x11400] =	vst v63  }
0x23c: {  	s23 =	rddreg [dreg:$0x1b];
	s22 =	simm.s32 $0x1100  }
0x23d: {  	[tilespmem:s22], [sflag:$0x1] =	stream.indirect.gather [hbm4b:s20+s4], $0x1, s23, s4, $0xb8;
	[tilespmem:$0x11400] =	vst v63  }
0x23e: {  	s15 =	rddreg [dreg:$0x1c];
	s23 =	simm.s32 $0x1180  }
0x23f: {  	[tilespmem:s23], [sflag:$0x1] =	stream.indirect.gather [hbm4b:s20+s4], $0x1, s15, s4, $0xb8;
	[tilespmem:$0x11400] =	vst v63  }
0x240: {  	_ =	swait.ge [sflag:s9], $0x80  }
0x241: {  	[sflag:s9] =	ssyncset.done $0x0  }
0x242: {  	[sflag:s9] =	ssyncadd.s32 $0xFFFFFF80  }
0x243: {  	_ =	swait.ge [sflag:s9], $0x80  }
0x244: {  	[sflag:s9] =	ssyncset.done $0x0  }
0x245: {  	[sflag:s9] =	ssyncadd.s32 $0xFFFFFF80  }
0x246: {  	_ =	swait.ge [sflag:s9], $0x80  }
0x247: {  	[sflag:s9] =	ssyncset.done $0x0  }
0x248: {  	[sflag:s9] =	ssyncadd.s32 $0xFFFFFF80  }
0x249: {  	_ =	swait.ge [sflag:s9], $0x80  }
0x24a: {  	[sflag:s9] =	ssyncset.done $0x0  }
0x24b: {  	[sflag:s9] =	ssyncadd.s32 $0xFFFFFF80  }
0x24c: {  	_ =	swait.ge [sflag:s9], $0x80  }
0x24d: {  	[sflag:s9] =	ssyncset.done $0x0  }
0x24e: {  	[sflag:s9] =	ssyncadd.s32 $0xFFFFFF80  }
0x24f: {  	_ =	swait.ge [sflag:s9], $0x80  }
0x250: {  	[sflag:s9] =	ssyncset.done $0x0  }
0x251: {  	[sflag:s9] =	ssyncadd.s32 $0xFFFFFF80  }
0x252: {  	_ =	swait.ge [sflag:s9], $0x80  }
0x253: {  	[sflag:s9] =	ssyncset.done $0x0  }
0x254: {  	[sflag:s9] =	ssyncadd.s32 $0xFFFFFF80  }
0x255: {  	_ =	swait.ge [sflag:s9], $0x80  }
0x256: {  	s17 =	rddreg [dreg:$0x1d];
	[sflag:s9] =	ssyncset.done $0x0  }
0x257: {  	s15 =	simm.s32 $0x1200;
	s18 =	rddreg [dreg:$0x1e];
	[sflag:s9] =	ssyncadd.s32 $0xFFFFFF80  }
0x258: {  	[tilespmem:s15], [sflag:$0x1] =	stream.indirect.gather [hbm4b:s20+s4], $0x1, s17, s4, $0xb8;
	[tilespmem:$0x11400] =	vst v63  }
0x259: {  	s10 =	rddreg [dreg:$0x1f];
	s17 =	simm.s32 $0x1280  }
0x25a: {  	[tilespmem:s17], [sflag:$0x1] =	stream.indirect.gather [hbm4b:s20+s4], $0x1, s18, s4, $0xb8;
	[tilespmem:$0x11400] =	vst v63  }
0x25b: {  	s11 =	sld [smem:$0x7FD];
	s18 =	simm.s32 $0x1300  }
0x25c: {  	[tilespmem:s18], [sflag:$0x1] =	stream.indirect.gather [hbm4b:s20+s4], $0x1, s10, s4, $0xb8;
	[tilespmem:$0x11400] =	vst v63  }
0x25d: {  	s10 =	simm.s32 $0x1380  }
0x25e: {  	[tilespmem:s10], [sflag:$0x1] =	stream.indirect.gather [hbm4b:s20+s4], $0x1, s11, s4, $0xb8;
	[tilespmem:$0x11400] =	vst v63  }
0x25f: {  	_ =	swait.ge [sflag:s9], $0x80  }
0x260: {  	[sflag:s9] =	ssyncset.done $0x0  }
0x261: {  	[sflag:s9] =	ssyncadd.s32 $0xFFFFFF80  }
0x262: {  	_ =	swait.ge [sflag:s9], $0x80  }
0x263: {  	[sflag:s9] =	ssyncset.done $0x0  }
0x264: {  	[sflag:s9] =	ssyncadd.s32 $0xFFFFFF80  }
0x265: {  	_ =	swait.ge [sflag:s9], $0x80  }
0x266: {  	[sflag:s9] =	ssyncset.done $0x0  }
0x267: {  	[sflag:s9] =	ssyncadd.s32 $0xFFFFFF80  }
0x268: {  	_ =	swait.ge [sflag:s9], $0x80  }
0x269: {  	[sflag:s9] =	ssyncset.done $0x0  }
0x26a: {  	s20 =	simm.s32 $0xA00;
	[sflag:s9] =	ssyncadd.s32 $0xFFFFFF80  }
0x26b: {  	[tilespmem:s8], [sflag:$0x2] =	stream.indirect.gather [hbm4b:s3+s4], $0x80, s20, s4, $0xb8;
	[tilespmem:$0x11400] =	vst v63  }
0x26c: {  	_ = 	snop  }
0x26d: {  	[tilespmem:s13], [sflag:$0x2] =	stream.indirect.gather [hbm4b:s3+s4], $0x80, s1, s4, $0xb8;
	[tilespmem:$0x11400] =	vst v63  }
0x26e: {  	_ = 	snop  }
0x26f: {  	[tilespmem:s6], [sflag:$0x2] =	stream.indirect.gather [hbm4b:s3+s4], $0x80, s16, s4, $0xb8;
	[tilespmem:$0x11400] =	vst v63  }
0x270: {  	_ = 	snop  }
0x271: {  	[tilespmem:s14], [sflag:$0x2] =	stream.indirect.gather [hbm4b:s3+s4], $0x80, s0, s4, $0xb8;
	[tilespmem:$0x11400] =	vst v63  }
0x272: {  	_ =	swait.ge [sflag:s7], $0x4000  }
0x273: {  	[sflag:s7] =	ssyncset.done $0x0  }
0x274: {  	[sflag:s7] =	ssyncadd.s32 $0xFFFFC000  }
0x275: {  	_ =	swait.ge [sflag:s7], $0x4000  }
0x276: {  	[sflag:s7] =	ssyncset.done $0x0  }
0x277: {  	[sflag:s7] =	ssyncadd.s32 $0xFFFFC000  }
0x278: {  	[hbm4b:s21+s2] =	stream.linear.scatter [tilespmem:s8], [sflag:$0x3], $0x8000, $0x38;
	[tilespmem:$0x11400] =	vst v63  }
0x279: {  	_ =	swait.ge [sflag:s7], $0x4000  }
0x27a: {  	[sflag:s7] =	ssyncset.done $0x0  }
0x27b: {  	[sflag:s7] =	ssyncadd.s32 $0xFFFFC000  }
0x27c: {  	_ =	swait.ge [sflag:s7], $0x4000  }
0x27d: {  	[sflag:s7] =	ssyncset.done $0x0  }
0x27e: {  	s11 =	rddreg [dreg:$0x6];
	[sflag:s7] =	ssyncadd.s32 $0xFFFFC000  }
0x27f: {  	[hbm4b:s11+s2] =	stream.linear.scatter [tilespmem:s6], [sflag:$0x3], $0x8000, $0x38;
	[tilespmem:$0x11400] =	vst v63  }
0x280: {  	_ =	swait.ge [sflag:s5], $0x8000  }
0x281: {  	[sflag:s5] =	ssyncset.done $0x0  }
0x282: {  	[sflag:s5] =	ssyncadd.s32 $0xFFFF8000  }
0x283: {  	_ =	swait.ge [sflag:s5], $0x8000  }
0x284: {  	[sflag:s5] =	ssyncset.done $0x0  }
0x285: {  	[sflag:s5] =	ssyncadd.s32 $0xFFFF8000  }
0x286: {  	[tilespmem:s8], [sflag:$0x2] =	stream.indirect.gather [hbm4b:s3+s4], $0x80, s29, s4, $0xb8;
	[tilespmem:$0x11400] =	vst v63  }
0x287: {  	_ = 	snop  }
0x288: {  	[tilespmem:s13], [sflag:$0x2] =	stream.indirect.gather [hbm4b:s3+s4], $0x80, s12, s4, $0xb8;
	[tilespmem:$0x11400] =	vst v63  }
0x289: {  	_ = 	snop  }
0x28a: {  	[tilespmem:s6], [sflag:$0x2] =	stream.indirect.gather [hbm4b:s3+s4], $0x80, s30, s4, $0xb8;
	[tilespmem:$0x11400] =	vst v63  }
0x28b: {  	_ = 	snop  }
0x28c: {  	[tilespmem:s14], [sflag:$0x2] =	stream.indirect.gather [hbm4b:s3+s4], $0x80, s31, s4, $0xb8;
	[tilespmem:$0x11400] =	vst v63  }
0x28d: {  	_ =	swait.ge [sflag:s7], $0x4000  }
0x28e: {  	[sflag:s7] =	ssyncset.done $0x0  }
0x28f: {  	[sflag:s7] =	ssyncadd.s32 $0xFFFFC000  }
0x290: {  	_ =	swait.ge [sflag:s7], $0x4000  }
0x291: {  	[sflag:s7] =	ssyncset.done $0x0  }
0x292: {  	s16 =	rddreg [dreg:$0x7];
	[sflag:s7] =	ssyncadd.s32 $0xFFFFC000  }
0x293: {  	[hbm4b:s16+s2] =	stream.linear.scatter [tilespmem:s8], [sflag:$0x3], $0x8000, $0x38;
	[tilespmem:$0x11400] =	vst v63  }
0x294: {  	_ =	swait.ge [sflag:s7], $0x4000  }
0x295: {  	[sflag:s7] =	ssyncset.done $0x0  }
0x296: {  	[sflag:s7] =	ssyncadd.s32 $0xFFFFC000  }
0x297: {  	_ =	swait.ge [sflag:s7], $0x4000  }
0x298: {  	[sflag:s7] =	ssyncset.done $0x0  }
0x299: {  	s20 =	rddreg [dreg:$0x8];
	[sflag:s7] =	ssyncadd.s32 $0xFFFFC000  }
0x29a: {  	[hbm4b:s20+s2] =	stream.linear.scatter [tilespmem:s6], [sflag:$0x3], $0x8000, $0x38;
	[tilespmem:$0x11400] =	vst v63  }
0x29b: {  	_ =	swait.ge [sflag:s5], $0x8000  }
0x29c: {  	[sflag:s5] =	ssyncset.done $0x0  }
0x29d: {  	[sflag:s5] =	ssyncadd.s32 $0xFFFF8000  }
0x29e: {  	_ =	swait.ge [sflag:s5], $0x8000  }
0x29f: {  	[sflag:s5] =	ssyncset.done $0x0  }
0x2a0: {  	[sflag:s5] =	ssyncadd.s32 $0xFFFF8000  }
0x2a1: {  	[tilespmem:s8], [sflag:$0x2] =	stream.indirect.gather [hbm4b:s3+s4], $0x80, s24, s4, $0xb8;
	[tilespmem:$0x11400] =	vst v63  }
0x2a2: {  	_ = 	snop  }
0x2a3: {  	[tilespmem:s13], [sflag:$0x2] =	stream.indirect.gather [hbm4b:s3+s4], $0x80, s25, s4, $0xb8;
	[tilespmem:$0x11400] =	vst v63  }
0x2a4: {  	_ = 	snop  }
0x2a5: {  	[tilespmem:s6], [sflag:$0x2] =	stream.indirect.gather [hbm4b:s3+s4], $0x80, s26, s4, $0xb8;
	[tilespmem:$0x11400] =	vst v63  }
0x2a6: {  	_ = 	snop  }
0x2a7: {  	[tilespmem:s14], [sflag:$0x2] =	stream.indirect.gather [hbm4b:s3+s4], $0x80, s28, s4, $0xb8;
	[tilespmem:$0x11400] =	vst v63  }
0x2a8: {  	_ =	swait.ge [sflag:s7], $0x4000  }
0x2a9: {  	[sflag:s7] =	ssyncset.done $0x0  }
0x2aa: {  	[sflag:s7] =	ssyncadd.s32 $0xFFFFC000  }
0x2ab: {  	_ =	swait.ge [sflag:s7], $0x4000  }
0x2ac: {  	[sflag:s7] =	ssyncset.done $0x0  }
0x2ad: {  	s21 =	rddreg [dreg:$0x9];
	[sflag:s7] =	ssyncadd.s32 $0xFFFFC000  }
0x2ae: {  	[hbm4b:s21+s2] =	stream.linear.scatter [tilespmem:s8], [sflag:$0x3], $0x8000, $0x38;
	[tilespmem:$0x11400] =	vst v63  }
0x2af: {  	_ =	swait.ge [sflag:s7], $0x4000  }
0x2b0: {  	[sflag:s7] =	ssyncset.done $0x0  }
0x2b1: {  	[sflag:s7] =	ssyncadd.s32 $0xFFFFC000  }
0x2b2: {  	_ =	swait.ge [sflag:s7], $0x4000  }
0x2b3: {  	[sflag:s7] =	ssyncset.done $0x0  }
0x2b4: {  	s24 =	rddreg [dreg:$0xa];
	[sflag:s7] =	ssyncadd.s32 $0xFFFFC000  }
0x2b5: {  	[hbm4b:s24+s2] =	stream.linear.scatter [tilespmem:s6], [sflag:$0x3], $0x8000, $0x38;
	[tilespmem:$0x11400] =	vst v63  }
0x2b6: {  	_ =	swait.ge [sflag:s5], $0x8000  }
0x2b7: {  	[sflag:s5] =	ssyncset.done $0x0  }
0x2b8: {  	[sflag:s5] =	ssyncadd.s32 $0xFFFF8000  }
0x2b9: {  	_ =	swait.ge [sflag:s5], $0x8000  }
0x2ba: {  	[sflag:s5] =	ssyncset.done $0x0  }
0x2bb: {  	s25 =	simm.s32 $0x1000;
	[sflag:s5] =	ssyncadd.s32 $0xFFFF8000  }
0x2bc: {  	[tilespmem:s8], [sflag:$0x2] =	stream.indirect.gather [hbm4b:s3+s4], $0x80, s25, s4, $0xb8;
	[tilespmem:$0x11400] =	vst v63  }
0x2bd: {  	_ = 	snop  }
0x2be: {  	[tilespmem:s13], [sflag:$0x2] =	stream.indirect.gather [hbm4b:s3+s4], $0x80, s19, s4, $0xb8;
	[tilespmem:$0x11400] =	vst v63  }
0x2bf: {  	_ = 	snop  }
0x2c0: {  	[tilespmem:s6], [sflag:$0x2] =	stream.indirect.gather [hbm4b:s3+s4], $0x80, s22, s4, $0xb8;
	[tilespmem:$0x11400] =	vst v63  }
0x2c1: {  	_ = 	snop  }
0x2c2: {  	[tilespmem:s14], [sflag:$0x2] =	stream.indirect.gather [hbm4b:s3+s4], $0x80, s23, s4, $0xb8;
	[tilespmem:$0x11400] =	vst v63  }
0x2c3: {  	_ =	swait.ge [sflag:s7], $0x4000  }
0x2c4: {  	[sflag:s7] =	ssyncset.done $0x0  }
0x2c5: {  	[sflag:s7] =	ssyncadd.s32 $0xFFFFC000  }
0x2c6: {  	_ =	swait.ge [sflag:s7], $0x4000  }
0x2c7: {  	[sflag:s7] =	ssyncset.done $0x0  }
0x2c8: {  	s26 =	rddreg [dreg:$0xb];
	[sflag:s7] =	ssyncadd.s32 $0xFFFFC000  }
0x2c9: {  	[hbm4b:s26+s2] =	stream.linear.scatter [tilespmem:s8], [sflag:$0x3], $0x8000, $0x38;
	[tilespmem:$0x11400] =	vst v63  }
0x2ca: {  	_ =	swait.ge [sflag:s7], $0x4000  }
0x2cb: {  	[sflag:s7] =	ssyncset.done $0x0  }
0x2cc: {  	[sflag:s7] =	ssyncadd.s32 $0xFFFFC000  }
0x2cd: {  	_ =	swait.ge [sflag:s7], $0x4000  }
0x2ce: {  	[sflag:s7] =	ssyncset.done $0x0  }
0x2cf: {  	s28 =	rddreg [dreg:$0xc];
	[sflag:s7] =	ssyncadd.s32 $0xFFFFC000  }
0x2d0: {  	[hbm4b:s28+s2] =	stream.linear.scatter [tilespmem:s6], [sflag:$0x3], $0x8000, $0x38;
	[tilespmem:$0x11400] =	vst v63  }
0x2d1: {  	_ =	swait.ge [sflag:s5], $0x8000  }
0x2d2: {  	[sflag:s5] =	ssyncset.done $0x0  }
0x2d3: {  	[sflag:s5] =	ssyncadd.s32 $0xFFFF8000  }
0x2d4: {  	_ =	swait.ge [sflag:s5], $0x8000  }
0x2d5: {  	[sflag:s5] =	ssyncset.done $0x0  }
0x2d6: {  	[sflag:s5] =	ssyncadd.s32 $0xFFFF8000  }
0x2d7: {  	[tilespmem:s8], [sflag:$0x2] =	stream.indirect.gather [hbm4b:s3+s4], $0x80, s15, s4, $0xb8;
	[tilespmem:$0x11400] =	vst v63  }
0x2d8: {  	_ = 	snop  }
0x2d9: {  	[tilespmem:s13], [sflag:$0x2] =	stream.indirect.gather [hbm4b:s3+s4], $0x80, s17, s4, $0xb8;
	[tilespmem:$0x11400] =	vst v63  }
0x2da: {  	_ = 	snop  }
0x2db: {  	[tilespmem:s6], [sflag:$0x2] =	stream.indirect.gather [hbm4b:s3+s4], $0x80, s18, s4, $0xb8;
	[tilespmem:$0x11400] =	vst v63  }
0x2dc: {  	_ = 	snop  }
0x2dd: {  	[tilespmem:s14], [sflag:$0x2] =	stream.indirect.gather [hbm4b:s3+s4], $0x80, s10, s4, $0xb8;
	[tilespmem:$0x11400] =	vst v63  }
0x2de: {  	_ =	swait.ge [sflag:s7], $0x4000  }
0x2df: {  	[sflag:s7] =	ssyncset.done $0x0  }
0x2e0: {  	[sflag:s7] =	ssyncadd.s32 $0xFFFFC000  }
0x2e1: {  	_ =	swait.ge [sflag:s7], $0x4000  }
0x2e2: {  	[sflag:s7] =	ssyncset.done $0x0  }
0x2e3: {  	s29 =	rddreg [dreg:$0xd];
	[sflag:s7] =	ssyncadd.s32 $0xFFFFC000  }
0x2e4: {  	[hbm4b:s29+s2] =	stream.linear.scatter [tilespmem:s8], [sflag:$0x3], $0x8000, $0x38;
	[tilespmem:$0x11400] =	vst v63  }
0x2e5: {  	_ =	swait.ge [sflag:s7], $0x4000  }
0x2e6: {  	[sflag:s7] =	ssyncset.done $0x0  }
0x2e7: {  	[sflag:s7] =	ssyncadd.s32 $0xFFFFC000  }
0x2e8: {  	_ =	swait.ge [sflag:s7], $0x4000  }
0x2e9: {  	[sflag:s7] =	ssyncset.done $0x0  }
0x2ea: {  	s30 =	rddreg [dreg:$0xe];
	[sflag:s7] =	ssyncadd.s32 $0xFFFFC000  }
0x2eb: {  	[hbm4b:s30+s2] =	stream.linear.scatter [tilespmem:s6], [sflag:$0x3], $0x8000, $0x38;
	[tilespmem:$0x11400] =	vst v63  }
0x2ec: {  	_ =	swait.ge [sflag:s5], $0x8000  }
0x2ed: {  	[sflag:s5] =	ssyncset.done $0x0  }
0x2ee: {  	[sflag:s5] =	ssyncadd.s32 $0xFFFF8000  }
0x2ef: {  	_ =	swait.ge [sflag:s5], $0x8000  }
0x2f0: {  	[sflag:s5] =	ssyncset.done $0x0  }
0x2f1: {  	[sflag:s5] =	ssyncadd.s32 $0xFFFF8000  }
0x2f2: {  	_ =	sfence.sel $0x180000  }
0x2f3: {  	[bflag:$0x0] =	sbarrier.arrive $0xFFFF  }
0x2f4: {  	_ =	strace $0x9000004A  }
0x2f5: {  	s31 =	stileid.u32;
	[bflag:$0x2] =	sbarrier.arrive $0xFFFF  }
0x2f6: {  	p0 =	sne.s32 s31, $0x0;
	s0 =	rddreg [dreg:$0x4]  }
0x2f7: {  	s0 =	sadd.s32 @!p0 $0x100000, s0  }
0x2f8: {  	[sflag:s0] =	ssyncadd.tile.s32 @!p0 $0x1;
	_ =	shalt  }
.LBB2_1:
.Ltmp3:
0x2f9: {  	(pc) =	sbr.rel .LBB2_6-.Ltmp3, $2  }
0x2fa: {  	_ =	sdelay $0x2  }
0x2fb: {  	s21 =	sld [smem:$0x7FC]  }
.LBB2_7:
.Ltmp4:
0x2fc: {  	(pc) =	sbr.rel .LBB2_6-.Ltmp4, $3  }
0x2fd: {  	_ =	sdelay $0x1  }
0x2fe: {  	s21 =	sld [smem:$0x7FC]  }
0x2ff: {  	s11 =	simm.s32 $0xA00;
	s13 =	simm.s32 $0x5400;
	s14 =	simm.s32 $0xD400  }
.Lfunc_end2:
_tile_overlayer_lowered:
.L_overlay_start_2:
0x300: {  	(tag) =	ssettag $0x2  }
0x301: {  	s0 =	rddreg [dreg:$0x0];
	s2 =	stileid.u32  }
0x302: {  	s1 =	rddreg [dreg:$0x1];
	p0 =	sne.s32 s2, $0x0  }
0x303: {  	s3 =	rddreg [dreg:$0x2];
	[bflag:$0x3] =	sbarrier.arrive $0xFFFF;
	s2 =	simm.s32 @!p0 $0x1C04  }
0x304: {  	[timem:s3], [sflag:s2] =	dma.local @!p0 [hbm:s0], s1  }
0x305: {  	s0 =	simm.s32 @!p0 $0x4  }
0x306: {  	_ =	swait.ge @!p0 [sflag:s0], s1  }
0x307: {  	s1 =	ssub.s32 @!p0 $0x0, s1;
	[sflag:s0] =	ssyncset.done @!p0 $0x0  }
0x308: {  	[sflag:s0] =	ssyncadd.s32 @!p0 s1  }
0x309: {  	[bflag:$0x3] =	sbarrier.arrive $0xFFFF  }
0x30a: {  	_ =	shalt  }

// kernel: kernel.15.cloned.1.call-start
scs
__scs_entry_jumppad:
0x0: {  	(pc) =	sbr.rel $0x88, $3  }
0x1: {  	(tag) =	ssettag $0x0;
	lr =	simm.s32 $0x1  }
0x2: {  	[smem:$0x3F87] =	sst lr;
	_ =	strace $0xD0000000  }
0x3: {  	_ = 	snop  }
0x4: {  	_ = 	snop  }
0x5: {  	_ = 	snop  }
0x6: {  	_ = 	snop  }
0x7: {  	_ = 	snop  }
__scs_overlays_trampoline_lowered:
0x8: {  	[smem:$0x3F96] =	sst s0  }
0x9: {  	[smem:$0x3F97] =	sst s1  }
0xa: {  	[smem:$0x3F98] =	sst s2  }
0xb: {  	[smem:$0x3F99] =	sst s3  }
0xc: {  	[smem:$0x3F9A] =	sst s4  }
0xd: {  	[smem:$0x3F9B] =	sst s5  }
0xe: {  	[smem:$0x3F9C] =	sst s6  }
0xf: {  	[smem:$0x3F9D] =	sst s7  }
0x10: {  	[smem:$0x3F9E] =	sst s8  }
0x11: {  	[smem:$0x3F9F] =	sst s9;
	s0 =	simm.s32 @!p0 $0x0  }
0x12: {  	s1 =	sld [smem:$0x3F85];
	s0 =	simm.s32 @p0 $0x1  }
0x13: {  	[smem:$0x3FA0] =	sst s0;
	s0 =	simm.s32 @!p1 $0x0  }
0x14: {  	s2 =	sld [smem:$0x3F84];
	s0 =	simm.s32 @p1 $0x1  }
0x15: {  	[smem:$0x3FA1] =	sst s0;
	s0 =	simm.s32 @!p2 $0x0  }
0x16: {  	s3 =	sld [smem:$0x3FDB];
	s0 =	simm.s32 @p2 $0x1  }
0x17: {  	s4 =	simm.s32 $0x1BF5;
	[smem:$0x3FA3] =	sst s0  }
0x18: {  	s0 =	sld [smem:$0x3F86];
	_ =	swait.ge [sflag:s4], $0x0  }
0x19: {  	s7 =	sld [smem:$0x3F87]  }
0x1a: {  	s8 =	sadd.s32 $0xFFFFE003, lr  }
0x1b: {  	s9 =	sadd.s32 $0xFFFFFEF7, lr;
	s5 =	simm.s32 $0xFFFFFFFF;
	p2 =	slt.u32 s8, $0xFFFFF086  }
0x1c: {  	p1 =	slt.u32 s9, $0xF7A;
	s5 =	simm.s32 @!p2 $0x0  }
0x1d: {  	s5 =	simm.s32 @p1 $0x1;
	p0 =	seq.s32 s7, s2  }
0x1e: {  	s7 =	smul.u32 @!p0 $0xF7A, s2;
	p2 =	seq.s32 @!p0 s5, $0x0  }
0x1f: {  	s9 =	smul.u32 $0xF7A, s1;
	s8 =	simm.s32 @!p0 $0x1BF5;
	p2 =	por !p2, p0  }
0x20: {  	[sflag:s8] =	ssyncset.s32 @!p0 $0xFFFFF086;
	s6 =	sadd.s32 @!p0 s3, s7;
	s7 =	simm.s32 @!p0 $0x108  }
0x21: {  	s3 =	sadd.s32 s3, s9;
	s6 =	sadd.s32 @!p0 $0x88, s6;
	s7 =	simm.s32 @p2 $0x1082  }
0x22: {  	[simem:s7], [sflag:s8] =	dma.local @!p0 [hbm:s6], $0xF7A  }
0x23: {  	s9 =	sor.u32 $0xD0000000, s2;
	s6 =	simm.s32 $0x108;
	_ =	swait.ge @!p0 [sflag:s8], $0x0  }
0x24: {  	s3 =	sadd.s32 $0x88, s3;
	s6 =	simm.s32 @!p1 $0x1082;
	[sflag:s4] =	ssyncset.s32 $0xFFFFF086  }
0x25: {  	[simem:s6], [sflag:s4] =	dma.local [hbm:s3], $0xF7A  }
0x26: {  	[smem:$0x3F87] =	sst s1;
	(tag) =	ssettag s2;
	_ =	strace s9  }
0x27: {  	s1 =	sld [smem:$0x3F97]  }
0x28: {  	s2 =	sld [smem:$0x3F98]  }
0x29: {  	s4 =	sld [smem:$0x3F9A]  }
0x2a: {  	p0 =	seq.s32 s5, $0x0;
	s5 =	sld [smem:$0x3F9B]  }
0x2b: {  	s6 =	sld [smem:$0x3F9C]  }
0x2c: {  	s7 =	sld [smem:$0x3F9D]  }
0x2d: {  	s3 =	simm.s32 $0x108;
	s8 =	sld [smem:$0x3F9E]  }
0x2e: {  	s3 =	simm.s32 @!p0 $0x1082;
	s9 =	sld [smem:$0x3F9F]  }
0x2f: {  	lr =	sadd.s32 s0, s3;
	s0 =	sld [smem:$0x3F96]  }
0x30: {  	s3 =	sld [smem:$0x3F99]  }
0x31: {  	[smem:$0x3FA2] =	sst s10  }
0x32: {  	s10 =	sld [smem:$0x3FA0];
	_ =	sdelay $0x3  }
0x33: {  	p0 =	seq.s32 s10, $0x1;
	s10 =	sld [smem:$0x3FA2];
	_ =	sdelay $0x3  }
0x34: {  	[smem:$0x3FA2] =	sst s10  }
0x35: {  	s10 =	sld [smem:$0x3FA1];
	_ =	sdelay $0x3  }
0x36: {  	p1 =	seq.s32 s10, $0x1;
	s10 =	sld [smem:$0x3FA2];
	_ =	sdelay $0x3  }
0x37: {  	[smem:$0x3FA2] =	sst s10  }
0x38: {  	s10 =	sld [smem:$0x3FA3]  }
0x39: {  	_ = 	snop;
	(pc) =	sbr.ind lr, $3  }
0x3a: {  	_ = 	snop  }
0x3b: {  	_ = 	snop  }
0x3c: {  	p2 =	seq.s32 s10, $0x1;
	s10 =	sld [smem:$0x3FA2]  }
0x3d: {  	_ =	shalt  }
0x3e: {  	_ =	shalt  }
0x3f: {  	_ =	shalt  }
0x40: {  	_ =	shalt  }
0x41: {  	_ =	shalt  }
0x42: {  	_ =	shalt  }
0x43: {  	_ =	shalt  }
0x44: {  	_ =	shalt  }
0x45: {  	_ =	shalt  }
0x46: {  	_ =	shalt  }
0x47: {  	_ =	shalt  }
0x48: {  	_ =	shalt  }
0x49: {  	_ =	shalt  }
0x4a: {  	_ =	shalt  }
0x4b: {  	_ =	shalt  }
0x4c: {  	_ =	shalt  }
0x4d: {  	_ =	shalt  }
0x4e: {  	_ =	shalt  }
0x4f: {  	_ =	shalt  }
0x50: {  	_ =	shalt  }
0x51: {  	_ =	shalt  }
0x52: {  	_ =	shalt  }
0x53: {  	_ =	shalt  }
0x54: {  	_ =	shalt  }
0x55: {  	_ =	shalt  }
0x56: {  	_ =	shalt  }
0x57: {  	_ =	shalt  }
0x58: {  	_ =	shalt  }
0x59: {  	_ =	shalt  }
0x5a: {  	_ =	shalt  }
0x5b: {  	_ =	shalt  }
0x5c: {  	_ =	shalt  }
0x5d: {  	_ =	shalt  }
0x5e: {  	_ =	shalt  }
0x5f: {  	_ =	shalt  }
0x60: {  	_ =	shalt  }
0x61: {  	_ =	shalt  }
0x62: {  	_ =	shalt  }
0x63: {  	_ =	shalt  }
0x64: {  	_ =	shalt  }
0x65: {  	_ =	shalt  }
0x66: {  	_ =	shalt  }
0x67: {  	_ =	shalt  }
0x68: {  	_ =	shalt  }
0x69: {  	_ =	shalt  }
0x6a: {  	_ =	shalt  }
0x6b: {  	_ =	shalt  }
0x6c: {  	_ =	shalt  }
0x6d: {  	_ =	shalt  }
0x6e: {  	_ =	shalt  }
0x6f: {  	_ =	shalt  }
0x70: {  	_ =	shalt  }
0x71: {  	_ =	shalt  }
0x72: {  	_ =	shalt  }
0x73: {  	_ =	shalt  }
0x74: {  	_ =	shalt  }
0x75: {  	_ =	shalt  }
0x76: {  	_ =	shalt  }
0x77: {  	_ =	shalt  }
0x78: {  	_ =	shalt  }
0x79: {  	_ =	shalt  }
0x7a: {  	_ =	shalt  }
0x7b: {  	_ =	shalt  }
0x7c: {  	_ =	shalt  }
0x7d: {  	_ =	shalt  }
0x7e: {  	_ =	shalt  }
0x7f: {  	_ =	shalt  }
0x80: {  	_ =	shalt  }
0x81: {  	_ =	shalt  }
0x82: {  	_ =	shalt  }
0x83: {  	_ =	shalt  }
0x84: {  	_ =	shalt  }
0x85: {  	_ =	shalt  }
0x86: {  	_ =	shalt  }
0x87: {  	_ =	shalt  }
.Lfunc_end0:
.L_simem_size_0:
called_computation.1_lowered:
.L_overlay_start_0:
0x88: {  	s2 =	sld [smem:$0x3FD9]  }
0x89: {  	s3 =	sld [smem:$0x3FFE];
	_ =	sdelay $0x1  }
0x8a: {  	s1 =	srdreg.scid  }
0x8b: {  	s0 =	sand.u32 $0x1, s1  }
0x8c: {  	s17 =	sshll.u32 s0, $0xA;
	s2 =	sadd.s32 s3, s2  }
0x8d: {  	s2 =	sadd.s32 s2, s17  }
0x8e: {  	[smem:$0x3FAE] =	sst s2  }
0x8f: {  	_ = 	snop  }
0x90: {  	s2 =	sld [smem:$0x3FC8]  }
0x91: {  	s18 =	sld [smem:$0x3FC7]  }
0x92: {  	s4 =	sld [smem:$0x3FC6]  }
0x93: {  	s5 =	sld [smem:$0x3FC5]  }
0x94: {  	s6 =	sld [smem:$0x3FC4]  }
0x95: {  	s7 =	sld [smem:$0x3FC0];
	(tm) =	ssettm $0x1  }
0x96: {  	s8 =	sld [smem:$0x3FFB];
	_ =	sdelay $0x3  }
0x97: {  	_ =	strace s8  }
0x98: {  	s8 =	sld [smem:$0x3FFC];
	_ =	sdelay $0x3  }
0x99: {  	_ =	strace s8  }
0x9a: {  	s8 =	sld [smem:$0x3FFD];
	_ =	sdelay $0x3  }
0x9b: {  	_ =	strace s8  }
0x9c: {  	_ =	strace $0x8FFFFFFF  }
0x9d: {  	s19 =	sld [smem:$0x3FDB];
	_ =	sdelay $0x1  }
0x9e: {  	s9 =	simm.s32 $_scs_section_size  }
0x9f: {  	s10 =	simm.s32 $_size__tile_overlayer_lowered;
	s11 =	simm.s32 $_tile_overlayer_lowered  }
0xa0: {  	s22 =	simm.s32 $0x1BFF;
	s21 =	sshll.u32 s11, $0x1;
	s8 =	sadd.s32 s9, s19  }
0xa1: {  	s12 =	simm.s32 $0x0;
	s20 =	sshll.u32 s10, $0x1;
	s10 =	sadd.s32 s21, s8  }
0xa2: {  	[timem:s12], [sflag:s22] =	dma.local [hbm:s10], s20  }
0xa3: {  	_ =	swait.ge [sflag:s22], s20  }
0xa4: {  	s9 =	ssub.s32 $0x0, s20;
	[sflag:s22] =	ssyncset.done $0x0  }
0xa5: {  	[sflag:s22] =	ssyncadd.s32 s9;
	_ =	sdelay $0x1  }
0xa6: {  	s23 =	simm.s32 $0x1B8B  }
0xa7: {  	_ =	swait.ge [sflag:s23], $0x1  }
0xa8: {  	[sflag:s23] =	ssyncset.done $0x0  }
0xa9: {  	s25 =	simm.s32 $0x1B8E;
	s24 =	sld [smem:$0x3FFE];
	[sflag:s23] =	ssyncadd.s32 $0xFFFFFFFF  }
0xaa: {  	s26 =	simm.s32 $execute0_lowered;
	[smem:$0x3FD2] =	sst s25  }
0xab: {  	s10 =	sshll.u32 s26, $0x1;
	_ =	strace $0x80000046;
	[dreg:$0x1] =	wrdreg $0xFFFFFFFF  }
0xac: {  	s28 =	simm.s32 $_size_execute0_lowered;
	s8 =	sadd.s32 s8, s10;
	[dreg:$0x0] =	wrdreg $0x0  }
0xad: {  	s10 =	sshll.u32 s28, $0x1;
	[dreg:$0x2] =	wrdreg s8  }
0xae: {  	[dreg:$0x3] =	wrdreg s10  }
0xaf: {  	[dreg:$0x4] =	wrdreg $0xC0  }
0xb0: {  	_ =	task [dreg:s12], $0x5FFFF  }
0xb1: {  	[dreg:$0x1] =	wrdreg $0xFFFFFFFF  }
0xb2: {  	[dreg:$0x0] =	wrdreg $0x60  }
0xb3: {  	[dreg:$0x2] =	wrdreg s7  }
0xb4: {  	[dreg:$0x3] =	wrdreg s24  }
0xb5: {  	[dreg:$0x4] =	wrdreg s2  }
0xb6: {  	[dreg:$0x5] =	wrdreg s18  }
0xb7: {  	[dreg:$0x6] =	wrdreg s4  }
0xb8: {  	[dreg:$0x7] =	wrdreg s5  }
0xb9: {  	[dreg:$0x8] =	wrdreg s6  }
0xba: {  	[dreg:$0x9] =	wrdreg $0xA  }
0xbb: {  	_ =	task.clear_ibuf [dreg:s12], $0xAFFFF;
	_ =	strace $0x90000046  }
0xbc: {  	s29 =	simm.s32 $0xA;
	_ =	strace $0x80000048  }
0xbd: {  	_ =	swait.ge [sflag:s29], $0x1  }
0xbe: {  	[sflag:s29] =	ssyncadd.s32 $0xFFFFFFFF  }
0xbf: {  	_ =	strace $0x90000048  }
0xc0: {  	_ =	sfence  }
0xc1: {  	s30 =	sld [smem:$0x0];
	_ =	sdelay $0x2  }
0xc2: {  	s31 =	sshll.u32 s1, $0xD;
	s1 =	sshrl.u32 s1, $0x2  }
0xc3: {  	s3 =	sand.u32 $0x4000, s31;
	s1 =	sadd.s32 s1, s30  }
0xc4: {  	s0 =	sor.u32 s3, s0;
	s1 =	sshll.u32 s1, $0x11  }
0xc5: {  	s0 =	sor.u32 s1, s0  }
0xc6: {  	s0 =	sadd.s32 $0x8F2B, s0  }
0xc7: {  	[sflag:s0] =	ssyncadd.remote.s32 $0x1  }
0xc8: {  	_ =	sfence.sel $0xFFFF  }
0xc9: {  	[dreg:$0x0] =	wrdreg $0xFFFFFFFF;
	(pc) =	sbr.abs _section_cstart, $3  }
0xca: {  	[dreg:$0x1] =	wrdreg $0xFFFFFFFF  }
0xcb: {  	_ =	task.clear_ibuf [dreg:s12], $0x2FFFF;
	_ =	strace $0x9FFFFFFF  }
0xcc: {  	(tm) =	ssettm $0x7FFFFFFF  }
0xcd: {  	_ =	shalt  }
tec
execute0_lowered:
.L_overlay_start_1:
0x0: {  	(tag) =	ssettag $0x1  }
0x1: {  	s0 =	rddreg [dreg:$0x0]  }
0x2: {  	s1 =	rddreg [dreg:$0x1]  }
0x3: {  	s2 =	rddreg [dreg:$0x2]  }
0x4: {  	s3 =	rddreg [dreg:$0x3]  }
0x5: {  	s6 =	rddreg [dreg:$0x4]  }
0x6: {  	s7 =	rddreg [dreg:$0x5]  }
0x7: {  	s8 =	rddreg [dreg:$0x6];
	s4 =	simm.s32 $0x0;
	s5 =	srdreg.scid  }
0x8: {  	s13 =	stileid.u32;
	s28 =	simm.s32 $0xA700;
	s29 =	simm.s32 $0xE700  }
0x9: {  	s30 =	simm.s32 $0x2;
	s31 =	simm.s32 $0x3;
	[smem:$0x7FF] =	sst s4  }
0xa: {  	s9 =	sand.u32 $0x1, s5;
	s19 =	sshll.u32 s13, $0x1;
	s5 =	sadd.s32 $0x3E00, s1  }
0xb: {  	s15 =	sadd.s32 $0xC7400, s1;
	s16 =	sadd.s32 $0x18AA00, s1;
	s10 =	sor.u32 s9, s19  }
0xc: {  	s17 =	sadd.s32 $0x24E000, s1;
	s11 =	ssub.s32 $0x2, s9;
	s10 =	smul.u32 $0x620, s10  }
0xd: {  	s1 =	sadd.s32 $0x311600, s1;
	s13 =	smul.u32 $0xC40, s13;
	s12 =	sshrl.u32 s11, $0x1  }
0xe: {  	_ =	strace $0x80000047;
	s11 =	ssub.s32 s11, s12;
	s10 =	smin.u32 s10, $0xBD30  }
0xf: {  	s22 =	smul.u32 $0x620, s9;
	s26 =	smax.u32 s11, $0x1;
	s20 =	sshrl.u32 s10, $0x3  }
0x10: {  	s19 =	simm.s32 $0x680;
	[dreg:$0xc] =	wrdreg s26;
	s3 =	sadd.s32 s3, s20  }
0x11: {  	s25 =	sshll.u32 s10, $0x4;
	s21 =	sadd.s32 s6, s20;
	[dreg:$0x8] =	wrdreg s3  }
0x12: {  	s26 =	simm.s32 $0x6700;
	s23 =	sadd.s32 s7, s20;
	[dreg:$0x9] =	wrdreg s21  }
0x13: {  	s24 =	sadd.s32 s8, s20;
	s6 =	sadd.s32 $0x5A00, s25;
	[dreg:$0xa] =	wrdreg s23  }
0x14: {  	s20 =	simm.s32 $0x1;
	s25 =	simm.s32 $0x2700;
	[dreg:$0xb] =	wrdreg s24  }
0x15: {  	s3 =	sadd.s32 s22, s13;
	s11 =	sadd.s32 s15, s6;
	s12 =	sadd.s32 s16, s6  }
0x16: {  	s13 =	sadd.s32 s17, s6;
	s14 =	sadd.s32 s1, s6;
	s3 =	smin.u32 s3, $0xBD30  }
0x17: {  	s21 =	simm.s32 $0x80;
	s22 =	simm.s32 $0x1FA0;
	s3 =	sshll.u32 s3, $0x4  }
0x18: {  	s24 =	simm.s32 $0x2620;
	s23 =	simm.s32 $0x0;
	s15 =	sadd.s32 s3, s15  }
0x19: {  	s16 =	sadd.s32 s3, s16;
	s17 =	sadd.s32 s3, s17;
	s18 =	sadd.s32 s3, s1  }
.LBB2_1:
0x1a: {  	s1 =	rddreg [dreg:$0x8]  }
0x1b: {  	[tilespmem:s4], [sflag:$0x1] =	stream.linear.gather [hbm4b:s1+s4], $0x620, $0x38;
	[tilespmem:$0x12700] =	vst v63  }
0x1c: {  	s7 =	rddreg [dreg:$0x9]  }
0x1d: {  	[tilespmem:s19], [sflag:$0x1] =	stream.linear.gather [hbm4b:s7+s4], $0x620, $0x38;
	[tilespmem:$0x12700] =	vst v63  }
0x1e: {  	s6 =	simm.s32 $0xD00;
	s8 =	rddreg [dreg:$0xa]  }
0x1f: {  	[tilespmem:s6], [sflag:$0x1] =	stream.linear.gather [hbm4b:s8+s4], $0x620, $0x38;
	[tilespmem:$0x12700] =	vst v63  }
0x20: {  	s9 =	rddreg [dreg:$0xb];
	s7 =	simm.s32 $0x1380  }
0x21: {  	[tilespmem:s7], [sflag:$0x1] =	stream.linear.gather [hbm4b:s9+s4], $0x620, $0x38;
	[tilespmem:$0x12700] =	vst v63  }
0x22: {  	_ =	swait.ge [sflag:s20], $0x620  }
0x23: {  	[sflag:s20] =	ssyncset.done $0x0  }
0x24: {  	[sflag:s20] =	ssyncadd.s32 $0xFFFFF9E0  }
0x25: {  	_ =	swait.ge [sflag:s20], $0x620  }
0x26: {  	[sflag:s20] =	ssyncset.done $0x0  }
0x27: {  	[sflag:s20] =	ssyncadd.s32 $0xFFFFF9E0  }
0x28: {  	_ =	swait.ge [sflag:s20], $0x620  }
0x29: {  	[sflag:s20] =	ssyncset.done $0x0  }
0x2a: {  	[sflag:s20] =	ssyncadd.s32 $0xFFFFF9E0  }
0x2b: {  	_ =	swait.ge [sflag:s20], $0x620  }
0x2c: {  	[sflag:s20] =	ssyncset.done $0x0  }
0x2d: {  	s1 =	simm.s32 $0x1A00;
	[sflag:s20] =	ssyncadd.s32 $0xFFFFF9E0  }
0x2e: {  	[tilespmem:s1], [sflag:$0x1] =	stream.indirect.gather [hbm4b:s2+s21], $0x1, s4, s21, $0xb8;
	[tilespmem:$0x12700] =	vst v63  }
0x2f: {  	s3 =	simm.s32 $0x2080  }
0x30: {  	[tilespmem:s3], [sflag:$0x1] =	stream.indirect.gather [hbm4b:s2+s21], $0x1, s19, s21, $0xb8;
	[tilespmem:$0x12700] =	vst v63  }
0x31: {  	s8 =	simm.s32 $0x1A80  }
0x32: {  	[tilespmem:s8], [sflag:$0x1] =	stream.indirect.gather [hbm4b:s2+s21], $0x1, s21, s21, $0xb8;
	[tilespmem:$0x12700] =	vst v63  }
0x33: {  	s10 =	simm.s32 $0x700;
	s9 =	simm.s32 $0x2100  }
0x34: {  	[tilespmem:s9], [sflag:$0x1] =	stream.indirect.gather [hbm4b:s2+s21], $0x1, s10, s21, $0xb8;
	[tilespmem:$0x12700] =	vst v63  }
0x35: {  	s9 =	simm.s32 $0x100;
	s10 =	simm.s32 $0x1B00  }
0x36: {  	[tilespmem:s10], [sflag:$0x1] =	stream.indirect.gather [hbm4b:s2+s21], $0x1, s9, s21, $0xb8;
	[tilespmem:$0x12700] =	vst v63  }
0x37: {  	s9 =	simm.s32 $0x780;
	s10 =	simm.s32 $0x2180  }
0x38: {  	[tilespmem:s10], [sflag:$0x1] =	stream.indirect.gather [hbm4b:s2+s21], $0x1, s9, s21, $0xb8;
	[tilespmem:$0x12700] =	vst v63  }
0x39: {  	s9 =	simm.s32 $0x180;
	s10 =	simm.s32 $0x1B80  }
0x3a: {  	[tilespmem:s10], [sflag:$0x1] =	stream.indirect.gather [hbm4b:s2+s21], $0x1, s9, s21, $0xb8;
	[tilespmem:$0x12700] =	vst v63  }
0x3b: {  	s9 =	simm.s32 $0x800;
	s10 =	simm.s32 $0x2200  }
0x3c: {  	[tilespmem:s10], [sflag:$0x1] =	stream.indirect.gather [hbm4b:s2+s21], $0x1, s9, s21, $0xb8;
	[tilespmem:$0x12700] =	vst v63  }
0x3d: {  	_ =	swait.ge [sflag:s20], $0x80  }
0x3e: {  	[sflag:s20] =	ssyncset.done $0x0  }
0x3f: {  	[sflag:s20] =	ssyncadd.s32 $0xFFFFFF80  }
0x40: {  	_ =	swait.ge [sflag:s20], $0x80  }
0x41: {  	[sflag:s20] =	ssyncset.done $0x0  }
0x42: {  	[sflag:s20] =	ssyncadd.s32 $0xFFFFFF80  }
0x43: {  	_ =	swait.ge [sflag:s20], $0x80  }
0x44: {  	[sflag:s20] =	ssyncset.done $0x0  }
0x45: {  	[sflag:s20] =	ssyncadd.s32 $0xFFFFFF80  }
0x46: {  	_ =	swait.ge [sflag:s20], $0x80  }
0x47: {  	[sflag:s20] =	ssyncset.done $0x0  }
0x48: {  	[sflag:s20] =	ssyncadd.s32 $0xFFFFFF80  }
0x49: {  	_ =	swait.ge [sflag:s20], $0x80  }
0x4a: {  	[sflag:s20] =	ssyncset.done $0x0  }
0x4b: {  	[sflag:s20] =	ssyncadd.s32 $0xFFFFFF80  }
0x4c: {  	_ =	swait.ge [sflag:s20], $0x80  }
0x4d: {  	[sflag:s20] =	ssyncset.done $0x0  }
0x4e: {  	[sflag:s20] =	ssyncadd.s32 $0xFFFFFF80  }
0x4f: {  	_ =	swait.ge [sflag:s20], $0x80  }
0x50: {  	[sflag:s20] =	ssyncset.done $0x0  }
0x51: {  	[sflag:s20] =	ssyncadd.s32 $0xFFFFFF80  }
0x52: {  	_ =	swait.ge [sflag:s20], $0x80  }
0x53: {  	[sflag:s20] =	ssyncset.done $0x0  }
0x54: {  	s9 =	simm.s32 $0x200;
	s10 =	simm.s32 $0x1C00;
	[sflag:s20] =	ssyncadd.s32 $0xFFFFFF80  }
0x55: {  	[tilespmem:s10], [sflag:$0x1] =	stream.indirect.gather [hbm4b:s2+s21], $0x1, s9, s21, $0xb8;
	[tilespmem:$0x12700] =	vst v63  }
0x56: {  	s9 =	simm.s32 $0x880;
	s10 =	simm.s32 $0x2280  }
0x57: {  	[tilespmem:s10], [sflag:$0x1] =	stream.indirect.gather [hbm4b:s2+s21], $0x1, s9, s21, $0xb8;
	[tilespmem:$0x12700] =	vst v63  }
0x58: {  	s9 =	simm.s32 $0x280;
	s10 =	simm.s32 $0x1C80  }
0x59: {  	[tilespmem:s10], [sflag:$0x1] =	stream.indirect.gather [hbm4b:s2+s21], $0x1, s9, s21, $0xb8;
	[tilespmem:$0x12700] =	vst v63  }
0x5a: {  	s9 =	simm.s32 $0x900;
	s10 =	simm.s32 $0x2300  }
0x5b: {  	[tilespmem:s10], [sflag:$0x1] =	stream.indirect.gather [hbm4b:s2+s21], $0x1, s9, s21, $0xb8;
	[tilespmem:$0x12700] =	vst v63  }
0x5c: {  	s9 =	simm.s32 $0x300;
	s10 =	simm.s32 $0x1D00  }
0x5d: {  	[tilespmem:s10], [sflag:$0x1] =	stream.indirect.gather [hbm4b:s2+s21], $0x1, s9, s21, $0xb8;
	[tilespmem:$0x12700] =	vst v63  }
0x5e: {  	s9 =	simm.s32 $0x980;
	s10 =	simm.s32 $0x2380  }
0x5f: {  	[tilespmem:s10], [sflag:$0x1] =	stream.indirect.gather [hbm4b:s2+s21], $0x1, s9, s21, $0xb8;
	[tilespmem:$0x12700] =	vst v63  }
0x60: {  	s9 =	simm.s32 $0x380;
	s10 =	simm.s32 $0x1D80  }
0x61: {  	[tilespmem:s10], [sflag:$0x1] =	stream.indirect.gather [hbm4b:s2+s21], $0x1, s9, s21, $0xb8;
	[tilespmem:$0x12700] =	vst v63  }
0x62: {  	s9 =	simm.s32 $0xA00;
	s10 =	simm.s32 $0x2400  }
0x63: {  	[tilespmem:s10], [sflag:$0x1] =	stream.indirect.gather [hbm4b:s2+s21], $0x1, s9, s21, $0xb8;
	[tilespmem:$0x12700] =	vst v63  }
0x64: {  	_ =	swait.ge [sflag:s20], $0x80  }
0x65: {  	[sflag:s20] =	ssyncset.done $0x0  }
0x66: {  	[sflag:s20] =	ssyncadd.s32 $0xFFFFFF80  }
0x67: {  	_ =	swait.ge [sflag:s20], $0x80  }
0x68: {  	[sflag:s20] =	ssyncset.done $0x0  }
0x69: {  	[sflag:s20] =	ssyncadd.s32 $0xFFFFFF80  }
0x6a: {  	_ =	swait.ge [sflag:s20], $0x80  }
0x6b: {  	[sflag:s20] =	ssyncset.done $0x0  }
0x6c: {  	[sflag:s20] =	ssyncadd.s32 $0xFFFFFF80  }
0x6d: {  	_ =	swait.ge [sflag:s20], $0x80  }
0x6e: {  	[sflag:s20] =	ssyncset.done $0x0  }
0x6f: {  	[sflag:s20] =	ssyncadd.s32 $0xFFFFFF80  }
0x70: {  	_ =	swait.ge [sflag:s20], $0x80  }
0x71: {  	[sflag:s20] =	ssyncset.done $0x0  }
0x72: {  	[sflag:s20] =	ssyncadd.s32 $0xFFFFFF80  }
0x73: {  	_ =	swait.ge [sflag:s20], $0x80  }
0x74: {  	[sflag:s20] =	ssyncset.done $0x0  }
0x75: {  	[sflag:s20] =	ssyncadd.s32 $0xFFFFFF80  }
0x76: {  	_ =	swait.ge [sflag:s20], $0x80  }
0x77: {  	[sflag:s20] =	ssyncset.done $0x0  }
0x78: {  	[sflag:s20] =	ssyncadd.s32 $0xFFFFFF80  }
0x79: {  	_ =	swait.ge [sflag:s20], $0x80  }
0x7a: {  	[sflag:s20] =	ssyncset.done $0x0  }
0x7b: {  	s9 =	simm.s32 $0x400;
	s10 =	simm.s32 $0x1E00;
	[sflag:s20] =	ssyncadd.s32 $0xFFFFFF80  }
0x7c: {  	[tilespmem:s10], [sflag:$0x1] =	stream.indirect.gather [hbm4b:s2+s21], $0x1, s9, s21, $0xb8;
	[tilespmem:$0x12700] =	vst v63  }
0x7d: {  	s9 =	simm.s32 $0xA80;
	s10 =	simm.s32 $0x2480  }
0x7e: {  	[tilespmem:s10], [sflag:$0x1] =	stream.indirect.gather [hbm4b:s2+s21], $0x1, s9, s21, $0xb8;
	[tilespmem:$0x12700] =	vst v63  }
0x7f: {  	s9 =	simm.s32 $0x480;
	s10 =	simm.s32 $0x1E80  }
0x80: {  	[tilespmem:s10], [sflag:$0x1] =	stream.indirect.gather [hbm4b:s2+s21], $0x1, s9, s21, $0xb8;
	[tilespmem:$0x12700] =	vst v63  }
0x81: {  	s9 =	simm.s32 $0xB00;
	s10 =	simm.s32 $0x2500  }
0x82: {  	[tilespmem:s10], [sflag:$0x1] =	stream.indirect.gather [hbm4b:s2+s21], $0x1, s9, s21, $0xb8;
	[tilespmem:$0x12700] =	vst v63  }
0x83: {  	s9 =	simm.s32 $0x500;
	s10 =	simm.s32 $0x1F00  }
0x84: {  	[tilespmem:s10], [sflag:$0x1] =	stream.indirect.gather [hbm4b:s2+s21], $0x1, s9, s21, $0xb8;
	[tilespmem:$0x12700] =	vst v63  }
0x85: {  	s9 =	simm.s32 $0xB80;
	s10 =	simm.s32 $0x2580  }
0x86: {  	[tilespmem:s10], [sflag:$0x1] =	stream.indirect.gather [hbm4b:s2+s21], $0x1, s9, s21, $0xb8;
	[tilespmem:$0x12700] =	vst v63  }
0x87: {  	s9 =	simm.s32 $0x580;
	s10 =	simm.s32 $0x1F80  }
0x88: {  	[tilespmem:s10], [sflag:$0x1] =	stream.indirect.gather [hbm4b:s2+s21], $0x1, s9, s21, $0xb8;
	[tilespmem:$0x12700] =	vst v63  }
0x89: {  	s9 =	simm.s32 $0xC00;
	s10 =	simm.s32 $0x2600  }
0x8a: {  	[tilespmem:s10], [sflag:$0x1] =	stream.indirect.gather [hbm4b:s2+s21], $0x1, s9, s21, $0xb8;
	[tilespmem:$0x12700] =	vst v63  }
0x8b: {  	_ =	swait.ge [sflag:s20], $0x80  }
0x8c: {  	[sflag:s20] =	ssyncset.done $0x0  }
0x8d: {  	[sflag:s20] =	ssyncadd.s32 $0xFFFFFF80  }
0x8e: {  	_ =	swait.ge [sflag:s20], $0x80  }
0x8f: {  	[sflag:s20] =	ssyncset.done $0x0  }
0x90: {  	[sflag:s20] =	ssyncadd.s32 $0xFFFFFF80  }
0x91: {  	_ =	swait.ge [sflag:s20], $0x80  }
0x92: {  	[sflag:s20] =	ssyncset.done $0x0  }
0x93: {  	[sflag:s20] =	ssyncadd.s32 $0xFFFFFF80  }
0x94: {  	_ =	swait.ge [sflag:s20], $0x80  }
0x95: {  	[sflag:s20] =	ssyncset.done $0x0  }
0x96: {  	[sflag:s20] =	ssyncadd.s32 $0xFFFFFF80  }
0x97: {  	_ =	swait.ge [sflag:s20], $0x80  }
0x98: {  	[sflag:s20] =	ssyncset.done $0x0  }
0x99: {  	[sflag:s20] =	ssyncadd.s32 $0xFFFFFF80  }
0x9a: {  	_ =	swait.ge [sflag:s20], $0x80  }
0x9b: {  	[sflag:s20] =	ssyncset.done $0x0  }
0x9c: {  	[sflag:s20] =	ssyncadd.s32 $0xFFFFFF80  }
0x9d: {  	_ =	swait.ge [sflag:s20], $0x80  }
0x9e: {  	[sflag:s20] =	ssyncset.done $0x0  }
0x9f: {  	[sflag:s20] =	ssyncadd.s32 $0xFFFFFF80  }
0xa0: {  	_ =	swait.ge [sflag:s20], $0x80  }
0xa1: {  	[sflag:s20] =	ssyncset.done $0x0  }
0xa2: {  	s9 =	simm.s32 $0x5A0;
	[sflag:s20] =	ssyncadd.s32 $0xFFFFFF80  }
0xa3: {  	[tilespmem:s22], [sflag:$0x1] =	stream.indirect.gather [hbm4b:s2+s21], $0x1, s9, s21, $0xb8;
	[tilespmem:$0x12700] =	vst v63  }
0xa4: {  	s10 =	simm.s32 $0xC20  }
0xa5: {  	[tilespmem:s24], [sflag:$0x1] =	stream.indirect.gather [hbm4b:s2+s21], $0x1, s10, s21, $0xb8;
	[tilespmem:$0x12700] =	vst v63  }
0xa6: {  	_ =	swait.ge [sflag:s20], $0x80  }
0xa7: {  	[sflag:s20] =	ssyncset.done $0x0  }
0xa8: {  	[sflag:s20] =	ssyncadd.s32 $0xFFFFFF80  }
0xa9: {  	_ =	swait.ge [sflag:s20], $0x80  }
0xaa: {  	[sflag:s20] =	ssyncset.done $0x0  }
0xab: {  	[sflag:s20] =	ssyncadd.s32 $0xFFFFFF80  }
0xac: {  	[tilespmem:s25], [sflag:$0x2] =	stream.indirect.gather [hbm4b:s0+s21], $0x80, s1, s21, $0xb8;
	[tilespmem:$0x12700] =	vst v63  }
0xad: {  	_ = 	snop  }
0xae: {  	[tilespmem:s26], [sflag:$0x2] =	stream.indirect.gather [hbm4b:s0+s21], $0x80, s3, s21, $0xb8;
	[tilespmem:$0x12700] =	vst v63  }
0xaf: {  	_ = 	snop  }
0xb0: {  	[tilespmem:s28], [sflag:$0x2] =	stream.indirect.gather [hbm4b:s5+s21], $0x80, s6, s21, $0xb8;
	[tilespmem:$0x12700] =	vst v63  }
0xb1: {  	_ = 	snop  }
0xb2: {  	[tilespmem:s29], [sflag:$0x2] =	stream.indirect.gather [hbm4b:s5+s21], $0x80, s7, s21, $0xb8;
	[tilespmem:$0x12700] =	vst v63  }
0xb3: {  	_ =	swait.ge [sflag:s30], $0x4000  }
0xb4: {  	[sflag:s30] =	ssyncset.done $0x0  }
0xb5: {  	[sflag:s30] =	ssyncadd.s32 $0xFFFFC000  }
0xb6: {  	_ =	swait.ge [sflag:s30], $0x4000  }
0xb7: {  	[sflag:s30] =	ssyncset.done $0x0  }
0xb8: {  	[sflag:s30] =	ssyncadd.s32 $0xFFFFC000  }
0xb9: {  	_ =	swait.ge [sflag:s30], $0x4000  }
0xba: {  	[sflag:s30] =	ssyncset.done $0x0  }
0xbb: {  	[sflag:s30] =	ssyncadd.s32 $0xFFFFC000  }
0xbc: {  	_ =	swait.ge [sflag:s30], $0x4000  }
0xbd: {  	[sflag:s30] =	ssyncset.done $0x0  }
0xbe: {  	s7 =	sadd.s32 $0x0, s15;
	[sflag:s30] =	ssyncadd.s32 $0xFFFFC000  }
0xbf: {  	[hbm4b:s7+s4] =	stream.linear.scatter [tilespmem:s25], [sflag:$0x3], $0x4000, $0x38;
	[tilespmem:$0x12700] =	vst v63  }
0xc0: {  	s8 =	sadd.s32 $0x0, s16  }
0xc1: {  	[hbm4b:s8+s4] =	stream.linear.scatter [tilespmem:s26], [sflag:$0x3], $0x4000, $0x38;
	[tilespmem:$0x12700] =	vst v63  }
0xc2: {  	s9 =	sadd.s32 $0x0, s17  }
0xc3: {  	[hbm4b:s9+s4] =	stream.linear.scatter [tilespmem:s28], [sflag:$0x3], $0x4000, $0x38;
	[tilespmem:$0x12700] =	vst v63  }
0xc4: {  	s10 =	sadd.s32 $0x0, s18  }
0xc5: {  	[hbm4b:s10+s4] =	stream.linear.scatter [tilespmem:s29], [sflag:$0x3], $0x4000, $0x38;
	[tilespmem:$0x12700] =	vst v63  }
0xc6: {  	_ =	swait.ge [sflag:s31], $0x4000  }
0xc7: {  	[sflag:s31] =	ssyncset.done $0x0  }
0xc8: {  	[sflag:s31] =	ssyncadd.s32 $0xFFFFC000  }
0xc9: {  	_ =	swait.ge [sflag:s31], $0x4000  }
0xca: {  	[sflag:s31] =	ssyncset.done $0x0  }
0xcb: {  	[sflag:s31] =	ssyncadd.s32 $0xFFFFC000  }
0xcc: {  	_ =	swait.ge [sflag:s31], $0x4000  }
0xcd: {  	[sflag:s31] =	ssyncset.done $0x0  }
0xce: {  	[sflag:s31] =	ssyncadd.s32 $0xFFFFC000  }
0xcf: {  	s6 =	simm.s32 $0x800;
	_ =	swait.ge [sflag:s31], $0x4000  }
0xd0: {  	s7 =	simm.s32 $0xD80;
	s8 =	simm.s32 $0x1400;
	[sflag:s31] =	ssyncset.done $0x0  }
.LBB2_2:
0xd1: {  	[sflag:s31] =	ssyncadd.s32 $0xFFFFC000;
	s1 =	sadd.s32 $0x80, s1;
	s3 =	sadd.s32 $0x80, s3  }
0xd2: {  	[tilespmem:s25], [sflag:$0x2] =	stream.indirect.gather [hbm4b:s0+s21], $0x80, s1, s21, $0xb8;
	[tilespmem:$0x12700] =	vst v63  }
0xd3: {  	p0 =	sne.s32 s6, $0x5800;
	s9 =	smov.u32 s6;
	s6 =	sadd.s32 $0x800, s6  }
0xd4: {  	[tilespmem:s26], [sflag:$0x2] =	stream.indirect.gather [hbm4b:s0+s21], $0x80, s3, s21, $0xb8;
	[tilespmem:$0x12700] =	vst v63  }
0xd5: {  	_ = 	snop  }
0xd6: {  	[tilespmem:s28], [sflag:$0x2] =	stream.indirect.gather [hbm4b:s5+s21], $0x80, s7, s21, $0xb8;
	[tilespmem:$0x12700] =	vst v63  }
0xd7: {  	_ = 	snop  }
0xd8: {  	[tilespmem:s29], [sflag:$0x2] =	stream.indirect.gather [hbm4b:s5+s21], $0x80, s8, s21, $0xb8;
	[tilespmem:$0x12700] =	vst v63  }
0xd9: {  	_ =	swait.ge [sflag:s30], $0x4000  }
0xda: {  	[sflag:s30] =	ssyncset.done $0x0  }
0xdb: {  	[sflag:s30] =	ssyncadd.s32 $0xFFFFC000  }
0xdc: {  	_ =	swait.ge [sflag:s30], $0x4000  }
0xdd: {  	[sflag:s30] =	ssyncset.done $0x0  }
0xde: {  	[sflag:s30] =	ssyncadd.s32 $0xFFFFC000  }
0xdf: {  	_ =	swait.ge [sflag:s30], $0x4000  }
0xe0: {  	[sflag:s30] =	ssyncset.done $0x0  }
0xe1: {  	[sflag:s30] =	ssyncadd.s32 $0xFFFFC000  }
0xe2: {  	_ =	swait.ge [sflag:s30], $0x4000  }
0xe3: {  	[sflag:s30] =	ssyncset.done $0x0  }
0xe4: {  	s10 =	sadd.s32 s9, s15;
	[sflag:s30] =	ssyncadd.s32 $0xFFFFC000  }
0xe5: {  	[hbm4b:s10+s4] =	stream.linear.scatter [tilespmem:s25], [sflag:$0x3], $0x4000, $0x38;
	[tilespmem:$0x12700] =	vst v63  }
0xe6: {  	s10 =	sadd.s32 s9, s16  }
0xe7: {  	[hbm4b:s10+s4] =	stream.linear.scatter [tilespmem:s26], [sflag:$0x3], $0x4000, $0x38;
	[tilespmem:$0x12700] =	vst v63  }
0xe8: {  	s10 =	sadd.s32 s9, s17  }
0xe9: {  	[hbm4b:s10+s4] =	stream.linear.scatter [tilespmem:s28], [sflag:$0x3], $0x4000, $0x38;
	[tilespmem:$0x12700] =	vst v63  }
0xea: {  	s9 =	sadd.s32 s9, s18  }
0xeb: {  	[hbm4b:s9+s4] =	stream.linear.scatter [tilespmem:s29], [sflag:$0x3], $0x4000, $0x38;
	[tilespmem:$0x12700] =	vst v63  }
0xec: {  	_ =	swait.ge [sflag:s31], $0x4000  }
0xed: {  	[sflag:s31] =	ssyncset.done $0x0  }
0xee: {  	[sflag:s31] =	ssyncadd.s32 $0xFFFFC000  }
0xef: {  	_ =	swait.ge [sflag:s31], $0x4000  }
0xf0: {  	[sflag:s31] =	ssyncset.done $0x0  }
0xf1: {  	[sflag:s31] =	ssyncadd.s32 $0xFFFFC000  }
.Ltmp0:
0xf2: {  	_ =	swait.ge [sflag:s31], $0x4000;
	(pc) =	sbr.rel @p0 .LBB2_2-.Ltmp0, $4  }
0xf3: {  	[sflag:s31] =	ssyncset.done $0x0  }
0xf4: {  	[sflag:s31] =	ssyncadd.s32 $0xFFFFC000  }
0xf5: {  	_ =	swait.ge [sflag:s31], $0x4000  }
0xf6: {  	s7 =	sadd.s32 $0x80, s7;
	s8 =	sadd.s32 $0x80, s8;
	[sflag:s31] =	ssyncset.done $0x0  }
0xf7: {  	[sflag:s31] =	ssyncadd.s32 $0xFFFFC000  }
0xf8: {  	[tilespmem:s25], [sflag:$0x2] =	stream.indirect.gather [hbm4b:s0+s21], $0x80, s22, s21, $0xb8;
	[tilespmem:$0x12700] =	vst v63  }
0xf9: {  	_ = 	snop  }
0xfa: {  	[tilespmem:s26], [sflag:$0x2] =	stream.indirect.gather [hbm4b:s0+s21], $0x80, s24, s21, $0xb8;
	[tilespmem:$0x12700] =	vst v63  }
0xfb: {  	s1 =	simm.s32 $0x12A0  }
0xfc: {  	[tilespmem:s28], [sflag:$0x2] =	stream.indirect.gather [hbm4b:s5+s21], $0x80, s1, s21, $0xb8;
	[tilespmem:$0x12700] =	vst v63  }
0xfd: {  	s9 =	simm.s32 $0x1920  }
0xfe: {  	[tilespmem:s29], [sflag:$0x2] =	stream.indirect.gather [hbm4b:s5+s21], $0x80, s9, s21, $0xb8;
	[tilespmem:$0x12700] =	vst v63  }
0xff: {  	_ =	swait.ge [sflag:s30], $0x4000  }
0x100: {  	[sflag:s30] =	ssyncset.done $0x0  }
0x101: {  	[sflag:s30] =	ssyncadd.s32 $0xFFFFC000  }
0x102: {  	_ =	swait.ge [sflag:s30], $0x4000  }
0x103: {  	[sflag:s30] =	ssyncset.done $0x0  }
0x104: {  	[sflag:s30] =	ssyncadd.s32 $0xFFFFC000  }
0x105: {  	_ =	swait.ge [sflag:s30], $0x4000  }
0x106: {  	[sflag:s30] =	ssyncset.done $0x0  }
0x107: {  	[sflag:s30] =	ssyncadd.s32 $0xFFFFC000  }
0x108: {  	_ =	swait.ge [sflag:s30], $0x4000  }
0x109: {  	[sflag:s30] =	ssyncset.done $0x0  }
0x10a: {  	[sflag:s30] =	ssyncadd.s32 $0xFFFFC000  }
0x10b: {  	[hbm4b:s11+s4] =	stream.linear.scatter [tilespmem:s25], [sflag:$0x3], $0x4000, $0x38;
	[tilespmem:$0x12700] =	vst v63  }
0x10c: {  	_ = 	snop  }
0x10d: {  	[hbm4b:s12+s4] =	stream.linear.scatter [tilespmem:s26], [sflag:$0x3], $0x4000, $0x38;
	[tilespmem:$0x12700] =	vst v63  }
0x10e: {  	_ = 	snop  }
0x10f: {  	[hbm4b:s13+s4] =	stream.linear.scatter [tilespmem:s28], [sflag:$0x3], $0x4000, $0x38;
	[tilespmem:$0x12700] =	vst v63  }
0x110: {  	_ = 	snop  }
0x111: {  	[hbm4b:s14+s4] =	stream.linear.scatter [tilespmem:s29], [sflag:$0x3], $0x4000, $0x38;
	[tilespmem:$0x12700] =	vst v63  }
0x112: {  	_ =	swait.ge [sflag:s31], $0x4000  }
0x113: {  	[sflag:s31] =	ssyncset.done $0x0  }
0x114: {  	[sflag:s31] =	ssyncadd.s32 $0xFFFFC000  }
0x115: {  	_ =	swait.ge [sflag:s31], $0x4000  }
0x116: {  	[sflag:s31] =	ssyncset.done $0x0  }
0x117: {  	[sflag:s31] =	ssyncadd.s32 $0xFFFFC000  }
0x118: {  	_ =	swait.ge [sflag:s31], $0x4000  }
0x119: {  	[sflag:s31] =	ssyncset.done $0x0  }
0x11a: {  	[sflag:s31] =	ssyncadd.s32 $0xFFFFC000  }
0x11b: {  	_ =	swait.ge [sflag:s31], $0x4000  }
0x11c: {  	s23 =	sadd.s32 $0x1, s23;
	s10 =	rddreg [dreg:$0xc]  }
0x11d: {  	p0 =	sne.s32 s23, s10  }
.Ltmp1:
0x11e: {  	_ = 	snop;
	(pc) =	sbr.rel @p0 .LBB2_1-.Ltmp1, $3  }
0x11f: {  	_ =	sdelay $0x1  }
0x120: {  	[sflag:s31] =	ssyncset.done $0x0  }
0x121: {  	[sflag:s31] =	ssyncadd.s32 $0xFFFFC000  }
0x122: {  	_ =	sfence.sel $0x180000  }
0x123: {  	[bflag:$0x0] =	sbarrier.arrive $0xFFFF  }
0x124: {  	_ =	strace $0x90000047  }
0x125: {  	s0 =	stileid.u32;
	[bflag:$0x2] =	sbarrier.arrive $0xFFFF  }
0x126: {  	p0 =	sne.s32 s0, $0x0;
	s0 =	rddreg [dreg:$0x7]  }
0x127: {  	s0 =	sadd.s32 @!p0 $0x100000, s0  }
0x128: {  	[sflag:s0] =	ssyncadd.tile.s32 @!p0 $0x1;
	_ =	shalt  }
.Lfunc_end2:
_tile_overlayer_lowered:
.L_overlay_start_2:
0x129: {  	(tag) =	ssettag $0x2  }
0x12a: {  	s0 =	rddreg [dreg:$0x0];
	s2 =	stileid.u32  }
0x12b: {  	s1 =	rddreg [dreg:$0x1];
	p0 =	sne.s32 s2, $0x0  }
0x12c: {  	s3 =	rddreg [dreg:$0x2];
	[bflag:$0x3] =	sbarrier.arrive $0xFFFF;
	s2 =	simm.s32 @!p0 $0x1C04  }
0x12d: {  	[timem:s3], [sflag:s2] =	dma.local @!p0 [hbm:s0], s1  }
0x12e: {  	s0 =	simm.s32 @!p0 $0x4  }
0x12f: {  	_ =	swait.ge @!p0 [sflag:s0], s1  }
0x130: {  	s1 =	ssub.s32 @!p0 $0x0, s1;
	[sflag:s0] =	ssyncset.done @!p0 $0x0  }
0x131: {  	[sflag:s0] =	ssyncadd.s32 @!p0 s1  }
0x132: {  	[bflag:$0x3] =	sbarrier.arrive $0xFFFF  }
0x133: {  	_ =	shalt  }

// kernel: kernel.18.cloned.1.call-start
scs
__scs_entry_jumppad:
0x0: {  	(pc) =	sbr.rel $0x88, $3  }
0x1: {  	(tag) =	ssettag $0x0;
	lr =	simm.s32 $0x1  }
0x2: {  	[smem:$0x3F87] =	sst lr;
	_ =	strace $0xD0000000  }
0x3: {  	_ = 	snop  }
0x4: {  	_ = 	snop  }
0x5: {  	_ = 	snop  }
0x6: {  	_ = 	snop  }
0x7: {  	_ = 	snop  }
__scs_overlays_trampoline_lowered:
0x8: {  	[smem:$0x3F96] =	sst s0  }
0x9: {  	[smem:$0x3F97] =	sst s1  }
0xa: {  	[smem:$0x3F98] =	sst s2  }
0xb: {  	[smem:$0x3F99] =	sst s3  }
0xc: {  	[smem:$0x3F9A] =	sst s4  }
0xd: {  	[smem:$0x3F9B] =	sst s5  }
0xe: {  	[smem:$0x3F9C] =	sst s6  }
0xf: {  	[smem:$0x3F9D] =	sst s7  }
0x10: {  	[smem:$0x3F9E] =	sst s8  }
0x11: {  	[smem:$0x3F9F] =	sst s9;
	s0 =	simm.s32 @!p0 $0x0  }
0x12: {  	s1 =	sld [smem:$0x3F85];
	s0 =	simm.s32 @p0 $0x1  }
0x13: {  	[smem:$0x3FA0] =	sst s0;
	s0 =	simm.s32 @!p1 $0x0  }
0x14: {  	s2 =	sld [smem:$0x3F84];
	s0 =	simm.s32 @p1 $0x1  }
0x15: {  	[smem:$0x3FA1] =	sst s0;
	s0 =	simm.s32 @!p2 $0x0  }
0x16: {  	s3 =	sld [smem:$0x3FDB];
	s0 =	simm.s32 @p2 $0x1  }
0x17: {  	s4 =	simm.s32 $0x1BF5;
	[smem:$0x3FA3] =	sst s0  }
0x18: {  	s0 =	sld [smem:$0x3F86];
	_ =	swait.ge [sflag:s4], $0x0  }
0x19: {  	s7 =	sld [smem:$0x3F87]  }
0x1a: {  	s8 =	sadd.s32 $0xFFFFE003, lr  }
0x1b: {  	s9 =	sadd.s32 $0xFFFFFEF7, lr;
	s5 =	simm.s32 $0xFFFFFFFF;
	p2 =	slt.u32 s8, $0xFFFFF086  }
0x1c: {  	p1 =	slt.u32 s9, $0xF7A;
	s5 =	simm.s32 @!p2 $0x0  }
0x1d: {  	s5 =	simm.s32 @p1 $0x1;
	p0 =	seq.s32 s7, s2  }
0x1e: {  	s7 =	smul.u32 @!p0 $0xF7A, s2;
	p2 =	seq.s32 @!p0 s5, $0x0  }
0x1f: {  	s9 =	smul.u32 $0xF7A, s1;
	s8 =	simm.s32 @!p0 $0x1BF5;
	p2 =	por !p2, p0  }
0x20: {  	[sflag:s8] =	ssyncset.s32 @!p0 $0xFFFFF086;
	s6 =	sadd.s32 @!p0 s3, s7;
	s7 =	simm.s32 @!p0 $0x108  }
0x21: {  	s3 =	sadd.s32 s3, s9;
	s6 =	sadd.s32 @!p0 $0x88, s6;
	s7 =	simm.s32 @p2 $0x1082  }
0x22: {  	[simem:s7], [sflag:s8] =	dma.local @!p0 [hbm:s6], $0xF7A  }
0x23: {  	s9 =	sor.u32 $0xD0000000, s2;
	s6 =	simm.s32 $0x108;
	_ =	swait.ge @!p0 [sflag:s8], $0x0  }
0x24: {  	s3 =	sadd.s32 $0x88, s3;
	s6 =	simm.s32 @!p1 $0x1082;
	[sflag:s4] =	ssyncset.s32 $0xFFFFF086  }
0x25: {  	[simem:s6], [sflag:s4] =	dma.local [hbm:s3], $0xF7A  }
0x26: {  	[smem:$0x3F87] =	sst s1;
	(tag) =	ssettag s2;
	_ =	strace s9  }
0x27: {  	s1 =	sld [smem:$0x3F97]  }
0x28: {  	s2 =	sld [smem:$0x3F98]  }
0x29: {  	s4 =	sld [smem:$0x3F9A]  }
0x2a: {  	p0 =	seq.s32 s5, $0x0;
	s5 =	sld [smem:$0x3F9B]  }
0x2b: {  	s6 =	sld [smem:$0x3F9C]  }
0x2c: {  	s7 =	sld [smem:$0x3F9D]  }
0x2d: {  	s3 =	simm.s32 $0x108;
	s8 =	sld [smem:$0x3F9E]  }
0x2e: {  	s3 =	simm.s32 @!p0 $0x1082;
	s9 =	sld [smem:$0x3F9F]  }
0x2f: {  	lr =	sadd.s32 s0, s3;
	s0 =	sld [smem:$0x3F96]  }
0x30: {  	s3 =	sld [smem:$0x3F99]  }
0x31: {  	[smem:$0x3FA2] =	sst s10  }
0x32: {  	s10 =	sld [smem:$0x3FA0];
	_ =	sdelay $0x3  }
0x33: {  	p0 =	seq.s32 s10, $0x1;
	s10 =	sld [smem:$0x3FA2];
	_ =	sdelay $0x3  }
0x34: {  	[smem:$0x3FA2] =	sst s10  }
0x35: {  	s10 =	sld [smem:$0x3FA1];
	_ =	sdelay $0x3  }
0x36: {  	p1 =	seq.s32 s10, $0x1;
	s10 =	sld [smem:$0x3FA2];
	_ =	sdelay $0x3  }
0x37: {  	[smem:$0x3FA2] =	sst s10  }
0x38: {  	s10 =	sld [smem:$0x3FA3]  }
0x39: {  	_ = 	snop;
	(pc) =	sbr.ind lr, $3  }
0x3a: {  	_ = 	snop  }
0x3b: {  	_ = 	snop  }
0x3c: {  	p2 =	seq.s32 s10, $0x1;
	s10 =	sld [smem:$0x3FA2]  }
0x3d: {  	_ =	shalt  }
0x3e: {  	_ =	shalt  }
0x3f: {  	_ =	shalt  }
0x40: {  	_ =	shalt  }
0x41: {  	_ =	shalt  }
0x42: {  	_ =	shalt  }
0x43: {  	_ =	shalt  }
0x44: {  	_ =	shalt  }
0x45: {  	_ =	shalt  }
0x46: {  	_ =	shalt  }
0x47: {  	_ =	shalt  }
0x48: {  	_ =	shalt  }
0x49: {  	_ =	shalt  }
0x4a: {  	_ =	shalt  }
0x4b: {  	_ =	shalt  }
0x4c: {  	_ =	shalt  }
0x4d: {  	_ =	shalt  }
0x4e: {  	_ =	shalt  }
0x4f: {  	_ =	shalt  }
0x50: {  	_ =	shalt  }
0x51: {  	_ =	shalt  }
0x52: {  	_ =	shalt  }
0x53: {  	_ =	shalt  }
0x54: {  	_ =	shalt  }
0x55: {  	_ =	shalt  }
0x56: {  	_ =	shalt  }
0x57: {  	_ =	shalt  }
0x58: {  	_ =	shalt  }
0x59: {  	_ =	shalt  }
0x5a: {  	_ =	shalt  }
0x5b: {  	_ =	shalt  }
0x5c: {  	_ =	shalt  }
0x5d: {  	_ =	shalt  }
0x5e: {  	_ =	shalt  }
0x5f: {  	_ =	shalt  }
0x60: {  	_ =	shalt  }
0x61: {  	_ =	shalt  }
0x62: {  	_ =	shalt  }
0x63: {  	_ =	shalt  }
0x64: {  	_ =	shalt  }
0x65: {  	_ =	shalt  }
0x66: {  	_ =	shalt  }
0x67: {  	_ =	shalt  }
0x68: {  	_ =	shalt  }
0x69: {  	_ =	shalt  }
0x6a: {  	_ =	shalt  }
0x6b: {  	_ =	shalt  }
0x6c: {  	_ =	shalt  }
0x6d: {  	_ =	shalt  }
0x6e: {  	_ =	shalt  }
0x6f: {  	_ =	shalt  }
0x70: {  	_ =	shalt  }
0x71: {  	_ =	shalt  }
0x72: {  	_ =	shalt  }
0x73: {  	_ =	shalt  }
0x74: {  	_ =	shalt  }
0x75: {  	_ =	shalt  }
0x76: {  	_ =	shalt  }
0x77: {  	_ =	shalt  }
0x78: {  	_ =	shalt  }
0x79: {  	_ =	shalt  }
0x7a: {  	_ =	shalt  }
0x7b: {  	_ =	shalt  }
0x7c: {  	_ =	shalt  }
0x7d: {  	_ =	shalt  }
0x7e: {  	_ =	shalt  }
0x7f: {  	_ =	shalt  }
0x80: {  	_ =	shalt  }
0x81: {  	_ =	shalt  }
0x82: {  	_ =	shalt  }
0x83: {  	_ =	shalt  }
0x84: {  	_ =	shalt  }
0x85: {  	_ =	shalt  }
0x86: {  	_ =	shalt  }
0x87: {  	_ =	shalt  }
.Lfunc_end0:
.L_simem_size_0:
called_computation.2_lowered:
.L_overlay_start_0:
0x88: {  	s2 =	sld [smem:$0x3FD9]  }
0x89: {  	s3 =	sld [smem:$0x3FFE];
	_ =	sdelay $0x1  }
0x8a: {  	s1 =	srdreg.scid  }
0x8b: {  	s0 =	sand.u32 $0x1, s1  }
0x8c: {  	s17 =	sshll.u32 s0, $0xA;
	s2 =	sadd.s32 s3, s2  }
0x8d: {  	s2 =	sadd.s32 s2, s17  }
0x8e: {  	[smem:$0x3FAE] =	sst s2  }
0x8f: {  	_ = 	snop  }
0x90: {  	(tm) =	ssettm $0x1  }
0x91: {  	s18 =	sld [smem:$0x3FFB];
	_ =	sdelay $0x3  }
0x92: {  	_ =	strace s18  }
0x93: {  	s2 =	sld [smem:$0x3FFC];
	_ =	sdelay $0x3  }
0x94: {  	_ =	strace s2  }
0x95: {  	s2 =	sld [smem:$0x3FFD];
	_ =	sdelay $0x3  }
0x96: {  	_ =	strace s2  }
0x97: {  	_ =	strace $0x8FFFFFFF  }
0x98: {  	s19 =	sld [smem:$0x3FDB];
	_ =	sdelay $0x1  }
0x99: {  	s20 =	simm.s32 $_scs_section_size  }
0x9a: {  	s4 =	simm.s32 $_size__tile_overlayer_lowered;
	s5 =	simm.s32 $_tile_overlayer_lowered  }
0x9b: {  	s6 =	simm.s32 $0x1BFF;
	s21 =	sshll.u32 s5, $0x1;
	s3 =	sadd.s32 s20, s19  }
0x9c: {  	s22 =	simm.s32 $0x0;
	s4 =	sshll.u32 s4, $0x1;
	s5 =	sadd.s32 s21, s3  }
0x9d: {  	[timem:s22], [sflag:s6] =	dma.local [hbm:s5], s4  }
0x9e: {  	_ =	swait.ge [sflag:s6], s4  }
0x9f: {  	s4 =	ssub.s32 $0x0, s4;
	[sflag:s6] =	ssyncset.done $0x0  }
0xa0: {  	[sflag:s6] =	ssyncadd.s32 s4;
	_ =	sdelay $0x1  }
0xa1: {  	s23 =	simm.s32 $0x1B8B  }
0xa2: {  	_ =	swait.ge [sflag:s23], $0x1  }
0xa3: {  	[sflag:s23] =	ssyncset.done $0x0  }
0xa4: {  	[sflag:s23] =	ssyncadd.s32 $0xFFFFFFFF  }
0xa5: {  	s4 =	sld [smem:$0x0]  }
0xa6: {  	s5 =	sand.u32 $0xFFFFFFFE, s1  }
0xa7: {  	p0 =	sne.s32 s1, s5  }
0xa8: {  	s5 =	sshll.u32 @p0 s5, $0xE  }
0xa9: {  	s5 =	sadd.s32 @p0 $0x11B8D, s5;
	s6 =	sshll.u32 @p0 s4, $0x11  }
0xaa: {  	s5 =	sor.u32 @p0 s6, s5  }
0xab: {  	[sflag:s5] =	ssyncadd.remote.s32 @p0 $0x1;
	_ =	sdelay $0x1  }
0xac: {  	s5 =	simm.s32 @p0 $0x1B8D  }
0xad: {  	_ =	swait.eq @p0 [sflag:s5], $0x1  }
0xae: {  	[sflag:s5] =	ssyncadd.s32 @p0 $0xFFFFFFFF  }
0xaf: {  	s6 =	sshll.u32 @!p0 s1, $0xE  }
0xb0: {  	s6 =	sor.u32 @!p0 $0x4000, s6;
	s5 =	simm.s32 @!p0 $0x1B8D  }
0xb1: {  	s4 =	sshll.u32 @!p0 s4, $0x11;
	s6 =	sadd.s32 @!p0 $0x11B8D, s6;
	_ =	swait.eq @!p0 [sflag:s5], $0x1  }
0xb2: {  	s4 =	sor.u32 @!p0 s4, s6;
	[sflag:s5] =	ssyncadd.s32 @!p0 $0xFFFFFFFF  }
0xb3: {  	s25 =	simm.s32 $0x1B8E;
	s24 =	sld [smem:$0x3FFE];
	[sflag:s4] =	ssyncadd.remote.s32 @!p0 $0x1  }
0xb4: {  	s26 =	simm.s32 $execute0_lowered;
	[smem:$0x3FD2] =	sst s25  }
0xb5: {  	s5 =	sshll.u32 s26, $0x1;
	_ =	strace $0x8000004C;
	[dreg:$0x1] =	wrdreg $0xFFFFFFFF  }
0xb6: {  	s28 =	simm.s32 $_size_execute0_lowered;
	s3 =	sadd.s32 s3, s5;
	[dreg:$0x0] =	wrdreg $0x0  }
0xb7: {  	s5 =	sshll.u32 s28, $0x1;
	[dreg:$0x2] =	wrdreg s3  }
0xb8: {  	[dreg:$0x3] =	wrdreg s5  }
0xb9: {  	[dreg:$0x4] =	wrdreg $0xC0  }
0xba: {  	_ =	task [dreg:s22], $0x5FFFF  }
0xbb: {  	[dreg:$0x1] =	wrdreg $0xFFFFFFFF  }
0xbc: {  	[dreg:$0x0] =	wrdreg $0x60  }
0xbd: {  	[dreg:$0x2] =	wrdreg s24  }
0xbe: {  	[dreg:$0x3] =	wrdreg $0xA  }
0xbf: {  	_ =	task.clear_ibuf [dreg:s22], $0x4FFFF;
	_ =	strace $0x9000004C  }
0xc0: {  	s29 =	simm.s32 $0xA;
	_ =	strace $0x8000004E  }
0xc1: {  	_ =	swait.ge [sflag:s29], $0x1  }
0xc2: {  	[sflag:s29] =	ssyncadd.s32 $0xFFFFFFFF  }
0xc3: {  	_ =	strace $0x9000004E  }
0xc4: {  	_ =	sfence  }
0xc5: {  	s30 =	sld [smem:$0x0];
	_ =	sdelay $0x2  }
0xc6: {  	s31 =	sshll.u32 s1, $0xD;
	s1 =	sshrl.u32 s1, $0x2  }
0xc7: {  	s4 =	sand.u32 $0x4000, s31;
	s1 =	sadd.s32 s1, s30  }
0xc8: {  	s0 =	sor.u32 s4, s0;
	s1 =	sshll.u32 s1, $0x11  }
0xc9: {  	s0 =	sor.u32 s1, s0  }
0xca: {  	s0 =	sadd.s32 $0x8F2B, s0  }
0xcb: {  	[sflag:s0] =	ssyncadd.remote.s32 $0x1  }
0xcc: {  	_ =	sfence.sel $0xFFFF  }
0xcd: {  	[dreg:$0x0] =	wrdreg $0xFFFFFFFF;
	(pc) =	sbr.abs _section_cstart, $3  }
0xce: {  	[dreg:$0x1] =	wrdreg $0xFFFFFFFF  }
0xcf: {  	_ =	task.clear_ibuf [dreg:s22], $0x2FFFF;
	_ =	strace $0x9FFFFFFF  }
0xd0: {  	(tm) =	ssettm $0x7FFFFFFF  }
0xd1: {  	_ =	shalt  }
tec
execute0_lowered:
.L_overlay_start_1:
0x0: {  	(tag) =	ssettag $0x1  }
0x1: {  	s0 =	rddreg [dreg:$0x0]  }
0x2: {  	s2 =	simm.s32 $0x0;
	s1 =	srdreg.scid;
	s6 =	stileid.u32  }
0x3: {  	s8 =	simm.s32 $0x4;
	s9 =	simm.s32 $0x80;
	s24 =	simm.s32 $0x1  }
0x4: {  	s13 =	simm.s32 $0x2580;
	s14 =	simm.s32 $0x1200;
	s15 =	simm.s32 $0x2600  }
0x5: {  	s16 =	simm.s32 $0x1280;
	s17 =	simm.s32 $0x2680;
	s18 =	simm.s32 $0x1300  }
0x6: {  	s19 =	simm.s32 $0x2700;
	s20 =	simm.s32 $0x1380;
	s21 =	simm.s32 $0x2780  }
0x7: {  	s22 =	simm.s32 $0x2800;
	s23 =	simm.s32 $0x6800;
	s25 =	simm.s32 $0xA800  }
0x8: {  	s26 =	simm.s32 $0xE800;
	s1 =	sand.u32 $0x1, s1;
	s3 =	sshll.u32 s6, $0x1  }
0x9: {  	s28 =	simm.s32 $0x2;
	s29 =	simm.s32 $0x3;
	s4 =	sor.u32 s1, s3  }
0xa: {  	s30 =	simm.s32 $0x0;
	[smem:$0x7FF] =	sst s2;
	s5 =	smul.u32 $0x1400, s4  }
0xb: {  	s6 =	smul.u32 $0x28000, s6;
	s3 =	sadd.s32 $0x3D7400, s0;
	s7 =	ssub.s32 $0x2, s1  }
0xc: {  	s1 =	smul.u32 $0x14000, s1;
	s4 =	sadd.s32 $0x6E9800, s0;
	s5 =	sshrl.u32 s5, $0x3  }
0xd: {  	s31 =	sshrl.u32 s7, $0x1;
	s5 =	sadd.s32 s5, s0;
	s0 =	sadd.s32 s6, s0  }
0xe: {  	_ =	strace $0x8000004D;
	s6 =	ssub.s32 s7, s31;
	s0 =	sadd.s32 s1, s0  }
0xf: {  	s5 =	sadd.s32 $0x6E4800, s5;
	s6 =	smax.u32 s6, $0x1;
	s7 =	sadd.s32 $0x4E00, s0  }
.LBB2_1:
0x10: {  	[tilespmem:s2], [sflag:$0x4] =	stream.linear.gather [hbm4b:s5+s2], $0x1400, $0x38;
	[tilespmem:$0x12800] =	vst v63  }
0x11: {  	_ =	swait.ge [sflag:s8], $0x1400  }
0x12: {  	[sflag:s8] =	ssyncset.done $0x0  }
0x13: {  	s0 =	simm.s32 $0x1400;
	[sflag:s8] =	ssyncadd.s32 $0xFFFFEC00  }
0x14: {  	[tilespmem:s0], [sflag:$0x1] =	stream.indirect.gather [hbm4b:s4+s9], $0x1, s2, s9, $0xb8;
	[tilespmem:$0x12800] =	vst v63  }
0x15: {  	s1 =	simm.s32 $0x1480  }
0x16: {  	[tilespmem:s1], [sflag:$0x1] =	stream.indirect.gather [hbm4b:s4+s9], $0x1, s9, s9, $0xb8;
	[tilespmem:$0x12800] =	vst v63  }
0x17: {  	s10 =	simm.s32 $0x100;
	s1 =	simm.s32 $0x1500  }
0x18: {  	[tilespmem:s1], [sflag:$0x1] =	stream.indirect.gather [hbm4b:s4+s9], $0x1, s10, s9, $0xb8;
	[tilespmem:$0x12800] =	vst v63  }
0x19: {  	s11 =	simm.s32 $0x180;
	s12 =	simm.s32 $0x1580  }
0x1a: {  	[tilespmem:s12], [sflag:$0x1] =	stream.indirect.gather [hbm4b:s4+s9], $0x1, s11, s9, $0xb8;
	[tilespmem:$0x12800] =	vst v63  }
0x1b: {  	s1 =	simm.s32 $0x200;
	s10 =	simm.s32 $0x1600  }
0x1c: {  	[tilespmem:s10], [sflag:$0x1] =	stream.indirect.gather [hbm4b:s4+s9], $0x1, s1, s9, $0xb8;
	[tilespmem:$0x12800] =	vst v63  }
0x1d: {  	s11 =	simm.s32 $0x280;
	s12 =	simm.s32 $0x1680  }
0x1e: {  	[tilespmem:s12], [sflag:$0x1] =	stream.indirect.gather [hbm4b:s4+s9], $0x1, s11, s9, $0xb8;
	[tilespmem:$0x12800] =	vst v63  }
0x1f: {  	s1 =	simm.s32 $0x300;
	s10 =	simm.s32 $0x1700  }
0x20: {  	[tilespmem:s10], [sflag:$0x1] =	stream.indirect.gather [hbm4b:s4+s9], $0x1, s1, s9, $0xb8;
	[tilespmem:$0x12800] =	vst v63  }
0x21: {  	s11 =	simm.s32 $0x380;
	s12 =	simm.s32 $0x1780  }
0x22: {  	[tilespmem:s12], [sflag:$0x1] =	stream.indirect.gather [hbm4b:s4+s9], $0x1, s11, s9, $0xb8;
	[tilespmem:$0x12800] =	vst v63  }
0x23: {  	_ =	swait.ge [sflag:s24], $0x80  }
0x24: {  	[sflag:s24] =	ssyncset.done $0x0  }
0x25: {  	[sflag:s24] =	ssyncadd.s32 $0xFFFFFF80  }
0x26: {  	_ =	swait.ge [sflag:s24], $0x80  }
0x27: {  	[sflag:s24] =	ssyncset.done $0x0  }
0x28: {  	[sflag:s24] =	ssyncadd.s32 $0xFFFFFF80  }
0x29: {  	_ =	swait.ge [sflag:s24], $0x80  }
0x2a: {  	[sflag:s24] =	ssyncset.done $0x0  }
0x2b: {  	[sflag:s24] =	ssyncadd.s32 $0xFFFFFF80  }
0x2c: {  	_ =	swait.ge [sflag:s24], $0x80  }
0x2d: {  	[sflag:s24] =	ssyncset.done $0x0  }
0x2e: {  	[sflag:s24] =	ssyncadd.s32 $0xFFFFFF80  }
0x2f: {  	_ =	swait.ge [sflag:s24], $0x80  }
0x30: {  	[sflag:s24] =	ssyncset.done $0x0  }
0x31: {  	[sflag:s24] =	ssyncadd.s32 $0xFFFFFF80  }
0x32: {  	_ =	swait.ge [sflag:s24], $0x80  }
0x33: {  	[sflag:s24] =	ssyncset.done $0x0  }
0x34: {  	[sflag:s24] =	ssyncadd.s32 $0xFFFFFF80  }
0x35: {  	_ =	swait.ge [sflag:s24], $0x80  }
0x36: {  	[sflag:s24] =	ssyncset.done $0x0  }
0x37: {  	[sflag:s24] =	ssyncadd.s32 $0xFFFFFF80  }
0x38: {  	_ =	swait.ge [sflag:s24], $0x80  }
0x39: {  	[sflag:s24] =	ssyncset.done $0x0  }
0x3a: {  	s1 =	simm.s32 $0x400;
	s10 =	simm.s32 $0x1800;
	[sflag:s24] =	ssyncadd.s32 $0xFFFFFF80  }
0x3b: {  	[tilespmem:s10], [sflag:$0x1] =	stream.indirect.gather [hbm4b:s4+s9], $0x1, s1, s9, $0xb8;
	[tilespmem:$0x12800] =	vst v63  }
0x3c: {  	s11 =	simm.s32 $0x480;
	s12 =	simm.s32 $0x1880  }
0x3d: {  	[tilespmem:s12], [sflag:$0x1] =	stream.indirect.gather [hbm4b:s4+s9], $0x1, s11, s9, $0xb8;
	[tilespmem:$0x12800] =	vst v63  }
0x3e: {  	s1 =	simm.s32 $0x500;
	s10 =	simm.s32 $0x1900  }
0x3f: {  	[tilespmem:s10], [sflag:$0x1] =	stream.indirect.gather [hbm4b:s4+s9], $0x1, s1, s9, $0xb8;
	[tilespmem:$0x12800] =	vst v63  }
0x40: {  	s11 =	simm.s32 $0x580;
	s12 =	simm.s32 $0x1980  }
0x41: {  	[tilespmem:s12], [sflag:$0x1] =	stream.indirect.gather [hbm4b:s4+s9], $0x1, s11, s9, $0xb8;
	[tilespmem:$0x12800] =	vst v63  }
0x42: {  	s1 =	simm.s32 $0x600;
	s10 =	simm.s32 $0x1A00  }
0x43: {  	[tilespmem:s10], [sflag:$0x1] =	stream.indirect.gather [hbm4b:s4+s9], $0x1, s1, s9, $0xb8;
	[tilespmem:$0x12800] =	vst v63  }
0x44: {  	s11 =	simm.s32 $0x680;
	s12 =	simm.s32 $0x1A80  }
0x45: {  	[tilespmem:s12], [sflag:$0x1] =	stream.indirect.gather [hbm4b:s4+s9], $0x1, s11, s9, $0xb8;
	[tilespmem:$0x12800] =	vst v63  }
0x46: {  	s1 =	simm.s32 $0x700;
	s10 =	simm.s32 $0x1B00  }
0x47: {  	[tilespmem:s10], [sflag:$0x1] =	stream.indirect.gather [hbm4b:s4+s9], $0x1, s1, s9, $0xb8;
	[tilespmem:$0x12800] =	vst v63  }
0x48: {  	s11 =	simm.s32 $0x780;
	s12 =	simm.s32 $0x1B80  }
0x49: {  	[tilespmem:s12], [sflag:$0x1] =	stream.indirect.gather [hbm4b:s4+s9], $0x1, s11, s9, $0xb8;
	[tilespmem:$0x12800] =	vst v63  }
0x4a: {  	_ =	swait.ge [sflag:s24], $0x80  }
0x4b: {  	[sflag:s24] =	ssyncset.done $0x0  }
0x4c: {  	[sflag:s24] =	ssyncadd.s32 $0xFFFFFF80  }
0x4d: {  	_ =	swait.ge [sflag:s24], $0x80  }
0x4e: {  	[sflag:s24] =	ssyncset.done $0x0  }
0x4f: {  	[sflag:s24] =	ssyncadd.s32 $0xFFFFFF80  }
0x50: {  	_ =	swait.ge [sflag:s24], $0x80  }
0x51: {  	[sflag:s24] =	ssyncset.done $0x0  }
0x52: {  	[sflag:s24] =	ssyncadd.s32 $0xFFFFFF80  }
0x53: {  	_ =	swait.ge [sflag:s24], $0x80  }
0x54: {  	[sflag:s24] =	ssyncset.done $0x0  }
0x55: {  	[sflag:s24] =	ssyncadd.s32 $0xFFFFFF80  }
0x56: {  	_ =	swait.ge [sflag:s24], $0x80  }
0x57: {  	[sflag:s24] =	ssyncset.done $0x0  }
0x58: {  	[sflag:s24] =	ssyncadd.s32 $0xFFFFFF80  }
0x59: {  	_ =	swait.ge [sflag:s24], $0x80  }
0x5a: {  	[sflag:s24] =	ssyncset.done $0x0  }
0x5b: {  	[sflag:s24] =	ssyncadd.s32 $0xFFFFFF80  }
0x5c: {  	_ =	swait.ge [sflag:s24], $0x80  }
0x5d: {  	[sflag:s24] =	ssyncset.done $0x0  }
0x5e: {  	[sflag:s24] =	ssyncadd.s32 $0xFFFFFF80  }
0x5f: {  	_ =	swait.ge [sflag:s24], $0x80  }
0x60: {  	[sflag:s24] =	ssyncset.done $0x0  }
0x61: {  	s1 =	simm.s32 $0x800;
	s10 =	simm.s32 $0x1C00;
	[sflag:s24] =	ssyncadd.s32 $0xFFFFFF80  }
0x62: {  	[tilespmem:s10], [sflag:$0x1] =	stream.indirect.gather [hbm4b:s4+s9], $0x1, s1, s9, $0xb8;
	[tilespmem:$0x12800] =	vst v63  }
0x63: {  	s11 =	simm.s32 $0x880;
	s12 =	simm.s32 $0x1C80  }
0x64: {  	[tilespmem:s12], [sflag:$0x1] =	stream.indirect.gather [hbm4b:s4+s9], $0x1, s11, s9, $0xb8;
	[tilespmem:$0x12800] =	vst v63  }
0x65: {  	s1 =	simm.s32 $0x900;
	s10 =	simm.s32 $0x1D00  }
0x66: {  	[tilespmem:s10], [sflag:$0x1] =	stream.indirect.gather [hbm4b:s4+s9], $0x1, s1, s9, $0xb8;
	[tilespmem:$0x12800] =	vst v63  }
0x67: {  	s11 =	simm.s32 $0x980;
	s12 =	simm.s32 $0x1D80  }
0x68: {  	[tilespmem:s12], [sflag:$0x1] =	stream.indirect.gather [hbm4b:s4+s9], $0x1, s11, s9, $0xb8;
	[tilespmem:$0x12800] =	vst v63  }
0x69: {  	s1 =	simm.s32 $0xA00;
	s10 =	simm.s32 $0x1E00  }
0x6a: {  	[tilespmem:s10], [sflag:$0x1] =	stream.indirect.gather [hbm4b:s4+s9], $0x1, s1, s9, $0xb8;
	[tilespmem:$0x12800] =	vst v63  }
0x6b: {  	s11 =	simm.s32 $0xA80;
	s12 =	simm.s32 $0x1E80  }
0x6c: {  	[tilespmem:s12], [sflag:$0x1] =	stream.indirect.gather [hbm4b:s4+s9], $0x1, s11, s9, $0xb8;
	[tilespmem:$0x12800] =	vst v63  }
0x6d: {  	s1 =	simm.s32 $0xB00;
	s10 =	simm.s32 $0x1F00  }
0x6e: {  	[tilespmem:s10], [sflag:$0x1] =	stream.indirect.gather [hbm4b:s4+s9], $0x1, s1, s9, $0xb8;
	[tilespmem:$0x12800] =	vst v63  }
0x6f: {  	s11 =	simm.s32 $0xB80;
	s12 =	simm.s32 $0x1F80  }
0x70: {  	[tilespmem:s12], [sflag:$0x1] =	stream.indirect.gather [hbm4b:s4+s9], $0x1, s11, s9, $0xb8;
	[tilespmem:$0x12800] =	vst v63  }
0x71: {  	_ =	swait.ge [sflag:s24], $0x80  }
0x72: {  	[sflag:s24] =	ssyncset.done $0x0  }
0x73: {  	[sflag:s24] =	ssyncadd.s32 $0xFFFFFF80  }
0x74: {  	_ =	swait.ge [sflag:s24], $0x80  }
0x75: {  	[sflag:s24] =	ssyncset.done $0x0  }
0x76: {  	[sflag:s24] =	ssyncadd.s32 $0xFFFFFF80  }
0x77: {  	_ =	swait.ge [sflag:s24], $0x80  }
0x78: {  	[sflag:s24] =	ssyncset.done $0x0  }
0x79: {  	[sflag:s24] =	ssyncadd.s32 $0xFFFFFF80  }
0x7a: {  	_ =	swait.ge [sflag:s24], $0x80  }
0x7b: {  	[sflag:s24] =	ssyncset.done $0x0  }
0x7c: {  	[sflag:s24] =	ssyncadd.s32 $0xFFFFFF80  }
0x7d: {  	_ =	swait.ge [sflag:s24], $0x80  }
0x7e: {  	[sflag:s24] =	ssyncset.done $0x0  }
0x7f: {  	[sflag:s24] =	ssyncadd.s32 $0xFFFFFF80  }
0x80: {  	_ =	swait.ge [sflag:s24], $0x80  }
0x81: {  	[sflag:s24] =	ssyncset.done $0x0  }
0x82: {  	[sflag:s24] =	ssyncadd.s32 $0xFFFFFF80  }
0x83: {  	_ =	swait.ge [sflag:s24], $0x80  }
0x84: {  	[sflag:s24] =	ssyncset.done $0x0  }
0x85: {  	[sflag:s24] =	ssyncadd.s32 $0xFFFFFF80  }
0x86: {  	_ =	swait.ge [sflag:s24], $0x80  }
0x87: {  	[sflag:s24] =	ssyncset.done $0x0  }
0x88: {  	s1 =	simm.s32 $0xC00;
	s10 =	simm.s32 $0x2000;
	[sflag:s24] =	ssyncadd.s32 $0xFFFFFF80  }
0x89: {  	[tilespmem:s10], [sflag:$0x1] =	stream.indirect.gather [hbm4b:s4+s9], $0x1, s1, s9, $0xb8;
	[tilespmem:$0x12800] =	vst v63  }
0x8a: {  	s11 =	simm.s32 $0xC80;
	s12 =	simm.s32 $0x2080  }
0x8b: {  	[tilespmem:s12], [sflag:$0x1] =	stream.indirect.gather [hbm4b:s4+s9], $0x1, s11, s9, $0xb8;
	[tilespmem:$0x12800] =	vst v63  }
0x8c: {  	s1 =	simm.s32 $0xD00;
	s10 =	simm.s32 $0x2100  }
0x8d: {  	[tilespmem:s10], [sflag:$0x1] =	stream.indirect.gather [hbm4b:s4+s9], $0x1, s1, s9, $0xb8;
	[tilespmem:$0x12800] =	vst v63  }
0x8e: {  	s11 =	simm.s32 $0xD80;
	s12 =	simm.s32 $0x2180  }
0x8f: {  	[tilespmem:s12], [sflag:$0x1] =	stream.indirect.gather [hbm4b:s4+s9], $0x1, s11, s9, $0xb8;
	[tilespmem:$0x12800] =	vst v63  }
0x90: {  	s1 =	simm.s32 $0xE00;
	s10 =	simm.s32 $0x2200  }
0x91: {  	[tilespmem:s10], [sflag:$0x1] =	stream.indirect.gather [hbm4b:s4+s9], $0x1, s1, s9, $0xb8;
	[tilespmem:$0x12800] =	vst v63  }
0x92: {  	s11 =	simm.s32 $0xE80;
	s12 =	simm.s32 $0x2280  }
0x93: {  	[tilespmem:s12], [sflag:$0x1] =	stream.indirect.gather [hbm4b:s4+s9], $0x1, s11, s9, $0xb8;
	[tilespmem:$0x12800] =	vst v63  }
0x94: {  	s1 =	simm.s32 $0xF00;
	s10 =	simm.s32 $0x2300  }
0x95: {  	[tilespmem:s10], [sflag:$0x1] =	stream.indirect.gather [hbm4b:s4+s9], $0x1, s1, s9, $0xb8;
	[tilespmem:$0x12800] =	vst v63  }
0x96: {  	s11 =	simm.s32 $0xF80;
	s12 =	simm.s32 $0x2380  }
0x97: {  	[tilespmem:s12], [sflag:$0x1] =	stream.indirect.gather [hbm4b:s4+s9], $0x1, s11, s9, $0xb8;
	[tilespmem:$0x12800] =	vst v63  }
0x98: {  	_ =	swait.ge [sflag:s24], $0x80  }
0x99: {  	[sflag:s24] =	ssyncset.done $0x0  }
0x9a: {  	[sflag:s24] =	ssyncadd.s32 $0xFFFFFF80  }
0x9b: {  	_ =	swait.ge [sflag:s24], $0x80  }
0x9c: {  	[sflag:s24] =	ssyncset.done $0x0  }
0x9d: {  	[sflag:s24] =	ssyncadd.s32 $0xFFFFFF80  }
0x9e: {  	_ =	swait.ge [sflag:s24], $0x80  }
0x9f: {  	[sflag:s24] =	ssyncset.done $0x0  }
0xa0: {  	[sflag:s24] =	ssyncadd.s32 $0xFFFFFF80  }
0xa1: {  	_ =	swait.ge [sflag:s24], $0x80  }
0xa2: {  	[sflag:s24] =	ssyncset.done $0x0  }
0xa3: {  	[sflag:s24] =	ssyncadd.s32 $0xFFFFFF80  }
0xa4: {  	_ =	swait.ge [sflag:s24], $0x80  }
0xa5: {  	[sflag:s24] =	ssyncset.done $0x0  }
0xa6: {  	[sflag:s24] =	ssyncadd.s32 $0xFFFFFF80  }
0xa7: {  	_ =	swait.ge [sflag:s24], $0x80  }
0xa8: {  	[sflag:s24] =	ssyncset.done $0x0  }
0xa9: {  	[sflag:s24] =	ssyncadd.s32 $0xFFFFFF80  }
0xaa: {  	_ =	swait.ge [sflag:s24], $0x80  }
0xab: {  	[sflag:s24] =	ssyncset.done $0x0  }
0xac: {  	[sflag:s24] =	ssyncadd.s32 $0xFFFFFF80  }
0xad: {  	_ =	swait.ge [sflag:s24], $0x80  }
0xae: {  	[sflag:s24] =	ssyncset.done $0x0  }
0xaf: {  	s1 =	simm.s32 $0x1000;
	s10 =	simm.s32 $0x2400;
	[sflag:s24] =	ssyncadd.s32 $0xFFFFFF80  }
0xb0: {  	[tilespmem:s10], [sflag:$0x1] =	stream.indirect.gather [hbm4b:s4+s9], $0x1, s1, s9, $0xb8;
	[tilespmem:$0x12800] =	vst v63  }
0xb1: {  	s11 =	simm.s32 $0x1080;
	s12 =	simm.s32 $0x2480  }
0xb2: {  	[tilespmem:s12], [sflag:$0x1] =	stream.indirect.gather [hbm4b:s4+s9], $0x1, s11, s9, $0xb8;
	[tilespmem:$0x12800] =	vst v63  }
0xb3: {  	s1 =	simm.s32 $0x1100;
	s10 =	simm.s32 $0x2500  }
0xb4: {  	[tilespmem:s10], [sflag:$0x1] =	stream.indirect.gather [hbm4b:s4+s9], $0x1, s1, s9, $0xb8;
	[tilespmem:$0x12800] =	vst v63  }
0xb5: {  	s11 =	simm.s32 $0x1180  }
0xb6: {  	[tilespmem:s13], [sflag:$0x1] =	stream.indirect.gather [hbm4b:s4+s9], $0x1, s11, s9, $0xb8;
	[tilespmem:$0x12800] =	vst v63  }
0xb7: {  	_ = 	snop  }
0xb8: {  	[tilespmem:s15], [sflag:$0x1] =	stream.indirect.gather [hbm4b:s4+s9], $0x1, s14, s9, $0xb8;
	[tilespmem:$0x12800] =	vst v63  }
0xb9: {  	_ = 	snop  }
0xba: {  	[tilespmem:s17], [sflag:$0x1] =	stream.indirect.gather [hbm4b:s4+s9], $0x1, s16, s9, $0xb8;
	[tilespmem:$0x12800] =	vst v63  }
0xbb: {  	_ = 	snop  }
0xbc: {  	[tilespmem:s19], [sflag:$0x1] =	stream.indirect.gather [hbm4b:s4+s9], $0x1, s18, s9, $0xb8;
	[tilespmem:$0x12800] =	vst v63  }
0xbd: {  	_ = 	snop  }
0xbe: {  	[tilespmem:s21], [sflag:$0x1] =	stream.indirect.gather [hbm4b:s4+s9], $0x1, s20, s9, $0xb8;
	[tilespmem:$0x12800] =	vst v63  }
0xbf: {  	_ =	swait.ge [sflag:s24], $0x80  }
0xc0: {  	[sflag:s24] =	ssyncset.done $0x0  }
0xc1: {  	[sflag:s24] =	ssyncadd.s32 $0xFFFFFF80  }
0xc2: {  	_ =	swait.ge [sflag:s24], $0x80  }
0xc3: {  	[sflag:s24] =	ssyncset.done $0x0  }
0xc4: {  	[sflag:s24] =	ssyncadd.s32 $0xFFFFFF80  }
0xc5: {  	_ =	swait.ge [sflag:s24], $0x80  }
0xc6: {  	[sflag:s24] =	ssyncset.done $0x0  }
0xc7: {  	[sflag:s24] =	ssyncadd.s32 $0xFFFFFF80  }
0xc8: {  	_ =	swait.ge [sflag:s24], $0x80  }
0xc9: {  	[sflag:s24] =	ssyncset.done $0x0  }
0xca: {  	[sflag:s24] =	ssyncadd.s32 $0xFFFFFF80  }
0xcb: {  	_ =	swait.ge [sflag:s24], $0x80  }
0xcc: {  	[sflag:s24] =	ssyncset.done $0x0  }
0xcd: {  	[sflag:s24] =	ssyncadd.s32 $0xFFFFFF80  }
0xce: {  	_ =	swait.ge [sflag:s24], $0x80  }
0xcf: {  	[sflag:s24] =	ssyncset.done $0x0  }
0xd0: {  	[sflag:s24] =	ssyncadd.s32 $0xFFFFFF80  }
0xd1: {  	_ =	swait.ge [sflag:s24], $0x80  }
0xd2: {  	[sflag:s24] =	ssyncset.done $0x0  }
0xd3: {  	[sflag:s24] =	ssyncadd.s32 $0xFFFFFF80  }
0xd4: {  	_ =	swait.ge [sflag:s24], $0x80  }
0xd5: {  	[sflag:s24] =	ssyncset.done $0x0  }
0xd6: {  	s12 =	simm.s32 $0x1400;
	[sflag:s24] =	ssyncadd.s32 $0xFFFFFF80  }
0xd7: {  	[tilespmem:s22], [sflag:$0x2] =	stream.indirect.gather [hbm4b:s3+s9], $0x80, s12, s9, $0xb8;
	[tilespmem:$0x12800] =	vst v63  }
0xd8: {  	s1 =	simm.s32 $0x1480  }
0xd9: {  	[tilespmem:s23], [sflag:$0x2] =	stream.indirect.gather [hbm4b:s3+s9], $0x80, s1, s9, $0xb8;
	[tilespmem:$0x12800] =	vst v63  }
0xda: {  	s10 =	simm.s32 $0x1500  }
0xdb: {  	[tilespmem:s25], [sflag:$0x2] =	stream.indirect.gather [hbm4b:s3+s9], $0x80, s10, s9, $0xb8;
	[tilespmem:$0x12800] =	vst v63  }
0xdc: {  	s11 =	simm.s32 $0x1580  }
0xdd: {  	[tilespmem:s26], [sflag:$0x2] =	stream.indirect.gather [hbm4b:s3+s9], $0x80, s11, s9, $0xb8;
	[tilespmem:$0x12800] =	vst v63  }
0xde: {  	_ =	swait.ge [sflag:s28], $0x4000  }
0xdf: {  	[sflag:s28] =	ssyncset.done $0x0  }
0xe0: {  	[sflag:s28] =	ssyncadd.s32 $0xFFFFC000  }
0xe1: {  	_ =	swait.ge [sflag:s28], $0x4000  }
0xe2: {  	[sflag:s28] =	ssyncset.done $0x0  }
0xe3: {  	s12 =	sadd.s32 $0xFFFFF000, s7;
	[sflag:s28] =	ssyncadd.s32 $0xFFFFC000  }
0xe4: {  	[hbm4b:s12+s2] =	stream.linear.scatter [tilespmem:s22], [sflag:$0x3], $0x8000, $0x38;
	[tilespmem:$0x12800] =	vst v63  }
0xe5: {  	_ =	swait.ge [sflag:s28], $0x4000  }
0xe6: {  	[sflag:s28] =	ssyncset.done $0x0  }
0xe7: {  	[sflag:s28] =	ssyncadd.s32 $0xFFFFC000  }
0xe8: {  	_ =	swait.ge [sflag:s28], $0x4000  }
0xe9: {  	[sflag:s28] =	ssyncset.done $0x0  }
0xea: {  	[sflag:s28] =	ssyncadd.s32 $0xFFFFC000  }
0xeb: {  	[hbm4b:s7+s2] =	stream.linear.scatter [tilespmem:s25], [sflag:$0x3], $0x8000, $0x38;
	[tilespmem:$0x12800] =	vst v63  }
0xec: {  	_ =	swait.ge [sflag:s29], $0x8000  }
0xed: {  	[sflag:s29] =	ssyncset.done $0x0  }
0xee: {  	[sflag:s29] =	ssyncadd.s32 $0xFFFF8000  }
0xef: {  	s31 =	sadd.s32 $0x2000, s7;
	_ =	swait.ge [sflag:s29], $0x8000  }
0xf0: {  	s0 =	simm.s32 $0x200;
	s1 =	simm.s32 $0x1000;
	[sflag:s29] =	ssyncset.done $0x0  }
.LBB2_2:
0xf1: {  	s10 =	sadd.s32 $0x1400, s0  }
0xf2: {  	[sflag:s29] =	ssyncadd.s32 $0xFFFF8000;
	s11 =	smov.u32 s1;
	s12 =	sadd.s32 $0x800, s1  }
0xf3: {  	[tilespmem:s22], [sflag:$0x2] =	stream.indirect.gather [hbm4b:s3+s9], $0x80, s10, s9, $0xb8;
	[tilespmem:$0x12800] =	vst v63  }
0xf4: {  	p0 =	sne.s32 s1, $0x4800;
	s1 =	sadd.s32 $0x1480, s0  }
0xf5: {  	[tilespmem:s23], [sflag:$0x2] =	stream.indirect.gather [hbm4b:s3+s9], $0x80, s1, s9, $0xb8;
	[tilespmem:$0x12800] =	vst v63  }
0xf6: {  	s1 =	sadd.s32 $0x1500, s0  }
0xf7: {  	[tilespmem:s25], [sflag:$0x2] =	stream.indirect.gather [hbm4b:s3+s9], $0x80, s1, s9, $0xb8;
	[tilespmem:$0x12800] =	vst v63  }
0xf8: {  	s0 =	sadd.s32 $0x1580, s0  }
0xf9: {  	[tilespmem:s26], [sflag:$0x2] =	stream.indirect.gather [hbm4b:s3+s9], $0x80, s0, s9, $0xb8;
	[tilespmem:$0x12800] =	vst v63  }
0xfa: {  	_ =	swait.ge [sflag:s28], $0x4000  }
0xfb: {  	[sflag:s28] =	ssyncset.done $0x0  }
0xfc: {  	[sflag:s28] =	ssyncadd.s32 $0xFFFFC000  }
0xfd: {  	_ =	swait.ge [sflag:s28], $0x4000  }
0xfe: {  	[sflag:s28] =	ssyncset.done $0x0  }
0xff: {  	s0 =	sadd.s32 $0xFFFFF000, s31;
	[sflag:s28] =	ssyncadd.s32 $0xFFFFC000  }
0x100: {  	[hbm4b:s0+s2] =	stream.linear.scatter [tilespmem:s22], [sflag:$0x3], $0x8000, $0x38;
	[tilespmem:$0x12800] =	vst v63  }
0x101: {  	_ =	swait.ge [sflag:s28], $0x4000  }
0x102: {  	[sflag:s28] =	ssyncset.done $0x0  }
0x103: {  	[sflag:s28] =	ssyncadd.s32 $0xFFFFC000  }
0x104: {  	_ =	swait.ge [sflag:s28], $0x4000  }
0x105: {  	[sflag:s28] =	ssyncset.done $0x0  }
0x106: {  	[sflag:s28] =	ssyncadd.s32 $0xFFFFC000  }
0x107: {  	[hbm4b:s31+s2] =	stream.linear.scatter [tilespmem:s25], [sflag:$0x3], $0x8000, $0x38;
	[tilespmem:$0x12800] =	vst v63  }
.Ltmp0:
0x108: {  	_ =	swait.ge [sflag:s29], $0x8000;
	(pc) =	sbr.rel @p0 .LBB2_2-.Ltmp0, $4  }
0x109: {  	[sflag:s29] =	ssyncset.done $0x0  }
0x10a: {  	[sflag:s29] =	ssyncadd.s32 $0xFFFF8000  }
0x10b: {  	s1 =	smov.u32 s12;
	_ =	swait.ge [sflag:s29], $0x8000  }
0x10c: {  	s0 =	sshra.s32 s11, $0x2;
	s31 =	sadd.s32 $0x2000, s31;
	[sflag:s29] =	ssyncset.done $0x0  }
0x10d: {  	s1 =	sadd.s32 $0x1400, s0;
	[sflag:s29] =	ssyncadd.s32 $0xFFFF8000  }
0x10e: {  	[tilespmem:s22], [sflag:$0x2] =	stream.indirect.gather [hbm4b:s3+s9], $0x80, s1, s9, $0xb8;
	[tilespmem:$0x12800] =	vst v63  }
0x10f: {  	s12 =	sadd.s32 $0x1480, s0  }
0x110: {  	[tilespmem:s23], [sflag:$0x2] =	stream.indirect.gather [hbm4b:s3+s9], $0x80, s12, s9, $0xb8;
	[tilespmem:$0x12800] =	vst v63  }
0x111: {  	s10 =	sadd.s32 $0x1500, s0  }
0x112: {  	[tilespmem:s25], [sflag:$0x2] =	stream.indirect.gather [hbm4b:s3+s9], $0x80, s10, s9, $0xb8;
	[tilespmem:$0x12800] =	vst v63  }
0x113: {  	s11 =	sadd.s32 $0x1580, s0  }
0x114: {  	[tilespmem:s26], [sflag:$0x2] =	stream.indirect.gather [hbm4b:s3+s9], $0x80, s11, s9, $0xb8;
	[tilespmem:$0x12800] =	vst v63  }
0x115: {  	_ =	swait.ge [sflag:s28], $0x4000  }
0x116: {  	[sflag:s28] =	ssyncset.done $0x0  }
0x117: {  	[sflag:s28] =	ssyncadd.s32 $0xFFFFC000  }
0x118: {  	_ =	swait.ge [sflag:s28], $0x4000  }
0x119: {  	[sflag:s28] =	ssyncset.done $0x0  }
0x11a: {  	s12 =	sadd.s32 $0xFFFFF000, s31;
	[sflag:s28] =	ssyncadd.s32 $0xFFFFC000  }
0x11b: {  	[hbm4b:s12+s2] =	stream.linear.scatter [tilespmem:s22], [sflag:$0x3], $0x8000, $0x38;
	[tilespmem:$0x12800] =	vst v63  }
0x11c: {  	_ =	swait.ge [sflag:s28], $0x4000  }
0x11d: {  	[sflag:s28] =	ssyncset.done $0x0  }
0x11e: {  	[sflag:s28] =	ssyncadd.s32 $0xFFFFC000  }
0x11f: {  	_ =	swait.ge [sflag:s28], $0x4000  }
0x120: {  	[sflag:s28] =	ssyncset.done $0x0  }
0x121: {  	s30 =	sadd.s32 $0x1, s30;
	[sflag:s28] =	ssyncadd.s32 $0xFFFFC000  }
0x122: {  	[hbm4b:s31+s2] =	stream.linear.scatter [tilespmem:s25], [sflag:$0x3], $0x8000, $0x38;
	[tilespmem:$0x12800] =	vst v63  }
0x123: {  	p0 =	sne.s32 s30, s6;
	_ =	swait.ge [sflag:s29], $0x8000  }
.Ltmp1:
0x124: {  	[sflag:s29] =	ssyncset.done $0x0;
	(pc) =	sbr.rel @p0 .LBB2_1-.Ltmp1, $4  }
0x125: {  	[sflag:s29] =	ssyncadd.s32 $0xFFFF8000  }
0x126: {  	_ =	swait.ge [sflag:s29], $0x8000  }
0x127: {  	[sflag:s29] =	ssyncset.done $0x0  }
0x128: {  	[sflag:s29] =	ssyncadd.s32 $0xFFFF8000  }
0x129: {  	_ =	sfence.sel $0x180000  }
0x12a: {  	[bflag:$0x0] =	sbarrier.arrive $0xFFFF  }
0x12b: {  	_ =	strace $0x9000004D  }
0x12c: {  	s0 =	stileid.u32;
	[bflag:$0x2] =	sbarrier.arrive $0xFFFF  }
0x12d: {  	p0 =	sne.s32 s0, $0x0;
	s0 =	rddreg [dreg:$0x1]  }
0x12e: {  	s0 =	sadd.s32 @!p0 $0x100000, s0  }
0x12f: {  	[sflag:s0] =	ssyncadd.tile.s32 @!p0 $0x1;
	_ =	shalt  }
.Lfunc_end2:
_tile_overlayer_lowered:
.L_overlay_start_2:
0x130: {  	(tag) =	ssettag $0x2  }
0x131: {  	s0 =	rddreg [dreg:$0x0];
	s2 =	stileid.u32  }
0x132: {  	s1 =	rddreg [dreg:$0x1];
	p0 =	sne.s32 s2, $0x0  }
0x133: {  	s3 =	rddreg [dreg:$0x2];
	[bflag:$0x3] =	sbarrier.arrive $0xFFFF;
	s2 =	simm.s32 @!p0 $0x1C04  }
0x134: {  	[timem:s3], [sflag:s2] =	dma.local @!p0 [hbm:s0], s1  }
0x135: {  	s0 =	simm.s32 @!p0 $0x4  }
0x136: {  	_ =	swait.ge @!p0 [sflag:s0], s1  }
0x137: {  	s1 =	ssub.s32 @!p0 $0x0, s1;
	[sflag:s0] =	ssyncset.done @!p0 $0x0  }
0x138: {  	[sflag:s0] =	ssyncadd.s32 @!p0 s1  }
0x139: {  	[bflag:$0x3] =	sbarrier.arrive $0xFFFF  }
0x13a: {  	_ =	shalt  }

// kernel: kernel.21.cloned.1.call-start
scs
__scs_entry_jumppad:
0x0: {  	(pc) =	sbr.rel $0x88, $3  }
0x1: {  	(tag) =	ssettag $0x0;
	lr =	simm.s32 $0x1  }
0x2: {  	[smem:$0x3F87] =	sst lr;
	_ =	strace $0xD0000000  }
0x3: {  	_ = 	snop  }
0x4: {  	_ = 	snop  }
0x5: {  	_ = 	snop  }
0x6: {  	_ = 	snop  }
0x7: {  	_ = 	snop  }
__scs_overlays_trampoline_lowered:
0x8: {  	[smem:$0x3F96] =	sst s0  }
0x9: {  	[smem:$0x3F97] =	sst s1  }
0xa: {  	[smem:$0x3F98] =	sst s2  }
0xb: {  	[smem:$0x3F99] =	sst s3  }
0xc: {  	[smem:$0x3F9A] =	sst s4  }
0xd: {  	[smem:$0x3F9B] =	sst s5  }
0xe: {  	[smem:$0x3F9C] =	sst s6  }
0xf: {  	[smem:$0x3F9D] =	sst s7  }
0x10: {  	[smem:$0x3F9E] =	sst s8  }
0x11: {  	[smem:$0x3F9F] =	sst s9;
	s0 =	simm.s32 @!p0 $0x0  }
0x12: {  	s1 =	sld [smem:$0x3F85];
	s0 =	simm.s32 @p0 $0x1  }
0x13: {  	[smem:$0x3FA0] =	sst s0;
	s0 =	simm.s32 @!p1 $0x0  }
0x14: {  	s2 =	sld [smem:$0x3F84];
	s0 =	simm.s32 @p1 $0x1  }
0x15: {  	[smem:$0x3FA1] =	sst s0;
	s0 =	simm.s32 @!p2 $0x0  }
0x16: {  	s3 =	sld [smem:$0x3FDB];
	s0 =	simm.s32 @p2 $0x1  }
0x17: {  	s4 =	simm.s32 $0x1BF5;
	[smem:$0x3FA3] =	sst s0  }
0x18: {  	s0 =	sld [smem:$0x3F86];
	_ =	swait.ge [sflag:s4], $0x0  }
0x19: {  	s7 =	sld [smem:$0x3F87]  }
0x1a: {  	s8 =	sadd.s32 $0xFFFFE003, lr  }
0x1b: {  	s9 =	sadd.s32 $0xFFFFFEF7, lr;
	s5 =	simm.s32 $0xFFFFFFFF;
	p2 =	slt.u32 s8, $0xFFFFF086  }
0x1c: {  	p1 =	slt.u32 s9, $0xF7A;
	s5 =	simm.s32 @!p2 $0x0  }
0x1d: {  	s5 =	simm.s32 @p1 $0x1;
	p0 =	seq.s32 s7, s2  }
0x1e: {  	s7 =	smul.u32 @!p0 $0xF7A, s2;
	p2 =	seq.s32 @!p0 s5, $0x0  }
0x1f: {  	s9 =	smul.u32 $0xF7A, s1;
	s8 =	simm.s32 @!p0 $0x1BF5;
	p2 =	por !p2, p0  }
0x20: {  	[sflag:s8] =	ssyncset.s32 @!p0 $0xFFFFF086;
	s6 =	sadd.s32 @!p0 s3, s7;
	s7 =	simm.s32 @!p0 $0x108  }
0x21: {  	s3 =	sadd.s32 s3, s9;
	s6 =	sadd.s32 @!p0 $0x88, s6;
	s7 =	simm.s32 @p2 $0x1082  }
0x22: {  	[simem:s7], [sflag:s8] =	dma.local @!p0 [hbm:s6], $0xF7A  }
0x23: {  	s9 =	sor.u32 $0xD0000000, s2;
	s6 =	simm.s32 $0x108;
	_ =	swait.ge @!p0 [sflag:s8], $0x0  }
0x24: {  	s3 =	sadd.s32 $0x88, s3;
	s6 =	simm.s32 @!p1 $0x1082;
	[sflag:s4] =	ssyncset.s32 $0xFFFFF086  }
0x25: {  	[simem:s6], [sflag:s4] =	dma.local [hbm:s3], $0xF7A  }
0x26: {  	[smem:$0x3F87] =	sst s1;
	(tag) =	ssettag s2;
	_ =	strace s9  }
0x27: {  	s1 =	sld [smem:$0x3F97]  }
0x28: {  	s2 =	sld [smem:$0x3F98]  }
0x29: {  	s4 =	sld [smem:$0x3F9A]  }
0x2a: {  	p0 =	seq.s32 s5, $0x0;
	s5 =	sld [smem:$0x3F9B]  }
0x2b: {  	s6 =	sld [smem:$0x3F9C]  }
0x2c: {  	s7 =	sld [smem:$0x3F9D]  }
0x2d: {  	s3 =	simm.s32 $0x108;
	s8 =	sld [smem:$0x3F9E]  }
0x2e: {  	s3 =	simm.s32 @!p0 $0x1082;
	s9 =	sld [smem:$0x3F9F]  }
0x2f: {  	lr =	sadd.s32 s0, s3;
	s0 =	sld [smem:$0x3F96]  }
0x30: {  	s3 =	sld [smem:$0x3F99]  }
0x31: {  	[smem:$0x3FA2] =	sst s10  }
0x32: {  	s10 =	sld [smem:$0x3FA0];
	_ =	sdelay $0x3  }
0x33: {  	p0 =	seq.s32 s10, $0x1;
	s10 =	sld [smem:$0x3FA2];
	_ =	sdelay $0x3  }
0x34: {  	[smem:$0x3FA2] =	sst s10  }
0x35: {  	s10 =	sld [smem:$0x3FA1];
	_ =	sdelay $0x3  }
0x36: {  	p1 =	seq.s32 s10, $0x1;
	s10 =	sld [smem:$0x3FA2];
	_ =	sdelay $0x3  }
0x37: {  	[smem:$0x3FA2] =	sst s10  }
0x38: {  	s10 =	sld [smem:$0x3FA3]  }
0x39: {  	_ = 	snop;
	(pc) =	sbr.ind lr, $3  }
0x3a: {  	_ = 	snop  }
0x3b: {  	_ = 	snop  }
0x3c: {  	p2 =	seq.s32 s10, $0x1;
	s10 =	sld [smem:$0x3FA2]  }
0x3d: {  	_ =	shalt  }
0x3e: {  	_ =	shalt  }
0x3f: {  	_ =	shalt  }
0x40: {  	_ =	shalt  }
0x41: {  	_ =	shalt  }
0x42: {  	_ =	shalt  }
0x43: {  	_ =	shalt  }
0x44: {  	_ =	shalt  }
0x45: {  	_ =	shalt  }
0x46: {  	_ =	shalt  }
0x47: {  	_ =	shalt  }
0x48: {  	_ =	shalt  }
0x49: {  	_ =	shalt  }
0x4a: {  	_ =	shalt  }
0x4b: {  	_ =	shalt  }
0x4c: {  	_ =	shalt  }
0x4d: {  	_ =	shalt  }
0x4e: {  	_ =	shalt  }
0x4f: {  	_ =	shalt  }
0x50: {  	_ =	shalt  }
0x51: {  	_ =	shalt  }
0x52: {  	_ =	shalt  }
0x53: {  	_ =	shalt  }
0x54: {  	_ =	shalt  }
0x55: {  	_ =	shalt  }
0x56: {  	_ =	shalt  }
0x57: {  	_ =	shalt  }
0x58: {  	_ =	shalt  }
0x59: {  	_ =	shalt  }
0x5a: {  	_ =	shalt  }
0x5b: {  	_ =	shalt  }
0x5c: {  	_ =	shalt  }
0x5d: {  	_ =	shalt  }
0x5e: {  	_ =	shalt  }
0x5f: {  	_ =	shalt  }
0x60: {  	_ =	shalt  }
0x61: {  	_ =	shalt  }
0x62: {  	_ =	shalt  }
0x63: {  	_ =	shalt  }
0x64: {  	_ =	shalt  }
0x65: {  	_ =	shalt  }
0x66: {  	_ =	shalt  }
0x67: {  	_ =	shalt  }
0x68: {  	_ =	shalt  }
0x69: {  	_ =	shalt  }
0x6a: {  	_ =	shalt  }
0x6b: {  	_ =	shalt  }
0x6c: {  	_ =	shalt  }
0x6d: {  	_ =	shalt  }
0x6e: {  	_ =	shalt  }
0x6f: {  	_ =	shalt  }
0x70: {  	_ =	shalt  }
0x71: {  	_ =	shalt  }
0x72: {  	_ =	shalt  }
0x73: {  	_ =	shalt  }
0x74: {  	_ =	shalt  }
0x75: {  	_ =	shalt  }
0x76: {  	_ =	shalt  }
0x77: {  	_ =	shalt  }
0x78: {  	_ =	shalt  }
0x79: {  	_ =	shalt  }
0x7a: {  	_ =	shalt  }
0x7b: {  	_ =	shalt  }
0x7c: {  	_ =	shalt  }
0x7d: {  	_ =	shalt  }
0x7e: {  	_ =	shalt  }
0x7f: {  	_ =	shalt  }
0x80: {  	_ =	shalt  }
0x81: {  	_ =	shalt  }
0x82: {  	_ =	shalt  }
0x83: {  	_ =	shalt  }
0x84: {  	_ =	shalt  }
0x85: {  	_ =	shalt  }
0x86: {  	_ =	shalt  }
0x87: {  	_ =	shalt  }
.Lfunc_end0:
.L_simem_size_0:
called_computation.3_lowered:
.L_overlay_start_0:
0x88: {  	s2 =	sld [smem:$0x3FD9]  }
0x89: {  	s3 =	sld [smem:$0x3FFE];
	_ =	sdelay $0x1  }
0x8a: {  	s1 =	srdreg.scid  }
0x8b: {  	s0 =	sand.u32 $0x1, s1  }
0x8c: {  	s17 =	sshll.u32 s0, $0xA;
	s2 =	sadd.s32 s3, s2  }
0x8d: {  	s2 =	sadd.s32 s2, s17  }
0x8e: {  	[smem:$0x3FAE] =	sst s2  }
0x8f: {  	_ = 	snop  }
0x90: {  	(tm) =	ssettm $0x1  }
0x91: {  	s18 =	sld [smem:$0x3FFB];
	_ =	sdelay $0x3  }
0x92: {  	_ =	strace s18  }
0x93: {  	s2 =	sld [smem:$0x3FFC];
	_ =	sdelay $0x3  }
0x94: {  	_ =	strace s2  }
0x95: {  	s2 =	sld [smem:$0x3FFD];
	_ =	sdelay $0x3  }
0x96: {  	_ =	strace s2  }
0x97: {  	_ =	strace $0x8FFFFFFF  }
0x98: {  	s19 =	sld [smem:$0x3FDB];
	_ =	sdelay $0x1  }
0x99: {  	s20 =	simm.s32 $_scs_section_size  }
0x9a: {  	s4 =	simm.s32 $_size__tile_overlayer_lowered;
	s5 =	simm.s32 $_tile_overlayer_lowered  }
0x9b: {  	s6 =	simm.s32 $0x1BFF;
	s21 =	sshll.u32 s5, $0x1;
	s3 =	sadd.s32 s20, s19  }
0x9c: {  	s22 =	simm.s32 $0x0;
	s4 =	sshll.u32 s4, $0x1;
	s5 =	sadd.s32 s21, s3  }
0x9d: {  	[timem:s22], [sflag:s6] =	dma.local [hbm:s5], s4  }
0x9e: {  	_ =	swait.ge [sflag:s6], s4  }
0x9f: {  	s4 =	ssub.s32 $0x0, s4;
	[sflag:s6] =	ssyncset.done $0x0  }
0xa0: {  	[sflag:s6] =	ssyncadd.s32 s4;
	_ =	sdelay $0x1  }
0xa1: {  	s23 =	simm.s32 $0x1B8B  }
0xa2: {  	_ =	swait.ge [sflag:s23], $0x1  }
0xa3: {  	[sflag:s23] =	ssyncset.done $0x0  }
0xa4: {  	[sflag:s23] =	ssyncadd.s32 $0xFFFFFFFF  }
0xa5: {  	s4 =	sld [smem:$0x0]  }
0xa6: {  	s5 =	sand.u32 $0xFFFFFFFE, s1  }
0xa7: {  	p0 =	sne.s32 s1, s5  }
0xa8: {  	s5 =	sshll.u32 @p0 s5, $0xE  }
0xa9: {  	s5 =	sadd.s32 @p0 $0x11B8D, s5;
	s6 =	sshll.u32 @p0 s4, $0x11  }
0xaa: {  	s5 =	sor.u32 @p0 s6, s5  }
0xab: {  	[sflag:s5] =	ssyncadd.remote.s32 @p0 $0x1;
	_ =	sdelay $0x1  }
0xac: {  	s5 =	simm.s32 @p0 $0x1B8D  }
0xad: {  	_ =	swait.eq @p0 [sflag:s5], $0x1  }
0xae: {  	[sflag:s5] =	ssyncadd.s32 @p0 $0xFFFFFFFF  }
0xaf: {  	s6 =	sshll.u32 @!p0 s1, $0xE  }
0xb0: {  	s6 =	sor.u32 @!p0 $0x4000, s6;
	s5 =	simm.s32 @!p0 $0x1B8D  }
0xb1: {  	s4 =	sshll.u32 @!p0 s4, $0x11;
	s6 =	sadd.s32 @!p0 $0x11B8D, s6;
	_ =	swait.eq @!p0 [sflag:s5], $0x1  }
0xb2: {  	s4 =	sor.u32 @!p0 s4, s6;
	[sflag:s5] =	ssyncadd.s32 @!p0 $0xFFFFFFFF  }
0xb3: {  	s25 =	simm.s32 $0x1B8E;
	s24 =	sld [smem:$0x3FFE];
	[sflag:s4] =	ssyncadd.remote.s32 @!p0 $0x1  }
0xb4: {  	s26 =	simm.s32 $execute0_lowered;
	[smem:$0x3FD2] =	sst s25  }
0xb5: {  	s5 =	sshll.u32 s26, $0x1;
	_ =	strace $0x8000004F;
	[dreg:$0x1] =	wrdreg $0xFFFFFFFF  }
0xb6: {  	s28 =	simm.s32 $_size_execute0_lowered;
	s3 =	sadd.s32 s3, s5;
	[dreg:$0x0] =	wrdreg $0x0  }
0xb7: {  	s5 =	sshll.u32 s28, $0x1;
	[dreg:$0x2] =	wrdreg s3  }
0xb8: {  	[dreg:$0x3] =	wrdreg s5  }
0xb9: {  	[dreg:$0x4] =	wrdreg $0xC0  }
0xba: {  	_ =	task [dreg:s22], $0x5FFFF  }
0xbb: {  	[dreg:$0x1] =	wrdreg $0xFFFFFFFF  }
0xbc: {  	[dreg:$0x0] =	wrdreg $0x60  }
0xbd: {  	[dreg:$0x2] =	wrdreg s24  }
0xbe: {  	[dreg:$0x3] =	wrdreg $0xB  }
0xbf: {  	_ =	task.clear_ibuf [dreg:s22], $0x4FFFF;
	_ =	strace $0x9000004F  }
0xc0: {  	s29 =	simm.s32 $0xB;
	_ =	strace $0x80000051  }
0xc1: {  	_ =	swait.ge [sflag:s29], $0x1  }
0xc2: {  	[sflag:s29] =	ssyncadd.s32 $0xFFFFFFFF  }
0xc3: {  	_ =	strace $0x90000051  }
0xc4: {  	_ =	sfence  }
0xc5: {  	s30 =	sld [smem:$0x0];
	_ =	sdelay $0x2  }
0xc6: {  	s31 =	sshll.u32 s1, $0xD;
	s1 =	sshrl.u32 s1, $0x2  }
0xc7: {  	s4 =	sand.u32 $0x4000, s31;
	s1 =	sadd.s32 s1, s30  }
0xc8: {  	s0 =	sor.u32 s4, s0;
	s1 =	sshll.u32 s1, $0x11  }
0xc9: {  	s0 =	sor.u32 s1, s0  }
0xca: {  	s0 =	sadd.s32 $0x8F2B, s0  }
0xcb: {  	[sflag:s0] =	ssyncadd.remote.s32 $0x1  }
0xcc: {  	_ =	sfence.sel $0xFFFF  }
0xcd: {  	[dreg:$0x0] =	wrdreg $0xFFFFFFFF;
	(pc) =	sbr.abs _section_cstart, $3  }
0xce: {  	[dreg:$0x1] =	wrdreg $0xFFFFFFFF  }
0xcf: {  	_ =	task.clear_ibuf [dreg:s22], $0x2FFFF;
	_ =	strace $0x9FFFFFFF  }
0xd0: {  	(tm) =	ssettm $0x7FFFFFFF  }
0xd1: {  	_ =	shalt  }
tec
execute0_lowered:
.L_overlay_start_1:
0x0: {  	(tag) =	ssettag $0x1  }
0x1: {  	s0 =	rddreg [dreg:$0x0]  }
0x2: {  	s2 =	simm.s32 $0x0;
	s1 =	srdreg.scid;
	s6 =	stileid.u32  }
0x3: {  	s8 =	simm.s32 $0x4;
	s9 =	simm.s32 $0x80;
	s24 =	simm.s32 $0x1  }
0x4: {  	s13 =	simm.s32 $0x2580;
	s14 =	simm.s32 $0x1200;
	s15 =	simm.s32 $0x2600  }
0x5: {  	s16 =	simm.s32 $0x1280;
	s17 =	simm.s32 $0x2680;
	s18 =	simm.s32 $0x1300  }
0x6: {  	s19 =	simm.s32 $0x2700;
	s20 =	simm.s32 $0x1380;
	s21 =	simm.s32 $0x2780  }
0x7: {  	s22 =	simm.s32 $0x2800;
	s23 =	simm.s32 $0x6800;
	s25 =	simm.s32 $0xA800  }
0x8: {  	s26 =	simm.s32 $0xE800;
	s1 =	sand.u32 $0x1, s1;
	s3 =	sshll.u32 s6, $0x1  }
0x9: {  	s28 =	simm.s32 $0x2;
	s29 =	simm.s32 $0x3;
	s4 =	sor.u32 s1, s3  }
0xa: {  	s30 =	simm.s32 $0x0;
	[smem:$0x7FF] =	sst s2;
	s5 =	smul.u32 $0x1400, s4  }
0xb: {  	s6 =	smul.u32 $0x28000, s6;
	s3 =	sadd.s32 $0x3D7400, s0;
	s7 =	ssub.s32 $0x2, s1  }
0xc: {  	s1 =	smul.u32 $0x14000, s1;
	s4 =	sadd.s32 $0x6E9800, s0;
	s5 =	sshrl.u32 s5, $0x3  }
0xd: {  	s31 =	sshrl.u32 s7, $0x1;
	s5 =	sadd.s32 s5, s0;
	s0 =	sadd.s32 s6, s0  }
0xe: {  	_ =	strace $0x80000050;
	s6 =	ssub.s32 s7, s31;
	s0 =	sadd.s32 s1, s0  }
0xf: {  	s5 =	sadd.s32 $0x283E00, s5;
	s6 =	smax.u32 s6, $0x1;
	s7 =	sadd.s32 $0x6F0A00, s0  }
.LBB2_1:
0x10: {  	[tilespmem:s2], [sflag:$0x4] =	stream.linear.gather [hbm4b:s5+s2], $0x1400, $0x38;
	[tilespmem:$0x12800] =	vst v63  }
0x11: {  	_ =	swait.ge [sflag:s8], $0x1400  }
0x12: {  	[sflag:s8] =	ssyncset.done $0x0  }
0x13: {  	s0 =	simm.s32 $0x1400;
	[sflag:s8] =	ssyncadd.s32 $0xFFFFEC00  }
0x14: {  	[tilespmem:s0], [sflag:$0x1] =	stream.indirect.gather [hbm4b:s4+s9], $0x1, s2, s9, $0xb8;
	[tilespmem:$0x12800] =	vst v63  }
0x15: {  	s1 =	simm.s32 $0x1480  }
0x16: {  	[tilespmem:s1], [sflag:$0x1] =	stream.indirect.gather [hbm4b:s4+s9], $0x1, s9, s9, $0xb8;
	[tilespmem:$0x12800] =	vst v63  }
0x17: {  	s10 =	simm.s32 $0x100;
	s1 =	simm.s32 $0x1500  }
0x18: {  	[tilespmem:s1], [sflag:$0x1] =	stream.indirect.gather [hbm4b:s4+s9], $0x1, s10, s9, $0xb8;
	[tilespmem:$0x12800] =	vst v63  }
0x19: {  	s11 =	simm.s32 $0x180;
	s12 =	simm.s32 $0x1580  }
0x1a: {  	[tilespmem:s12], [sflag:$0x1] =	stream.indirect.gather [hbm4b:s4+s9], $0x1, s11, s9, $0xb8;
	[tilespmem:$0x12800] =	vst v63  }
0x1b: {  	s1 =	simm.s32 $0x200;
	s10 =	simm.s32 $0x1600  }
0x1c: {  	[tilespmem:s10], [sflag:$0x1] =	stream.indirect.gather [hbm4b:s4+s9], $0x1, s1, s9, $0xb8;
	[tilespmem:$0x12800] =	vst v63  }
0x1d: {  	s11 =	simm.s32 $0x280;
	s12 =	simm.s32 $0x1680  }
0x1e: {  	[tilespmem:s12], [sflag:$0x1] =	stream.indirect.gather [hbm4b:s4+s9], $0x1, s11, s9, $0xb8;
	[tilespmem:$0x12800] =	vst v63  }
0x1f: {  	s1 =	simm.s32 $0x300;
	s10 =	simm.s32 $0x1700  }
0x20: {  	[tilespmem:s10], [sflag:$0x1] =	stream.indirect.gather [hbm4b:s4+s9], $0x1, s1, s9, $0xb8;
	[tilespmem:$0x12800] =	vst v63  }
0x21: {  	s11 =	simm.s32 $0x380;
	s12 =	simm.s32 $0x1780  }
0x22: {  	[tilespmem:s12], [sflag:$0x1] =	stream.indirect.gather [hbm4b:s4+s9], $0x1, s11, s9, $0xb8;
	[tilespmem:$0x12800] =	vst v63  }
0x23: {  	_ =	swait.ge [sflag:s24], $0x80  }
0x24: {  	[sflag:s24] =	ssyncset.done $0x0  }
0x25: {  	[sflag:s24] =	ssyncadd.s32 $0xFFFFFF80  }
0x26: {  	_ =	swait.ge [sflag:s24], $0x80  }
0x27: {  	[sflag:s24] =	ssyncset.done $0x0  }
0x28: {  	[sflag:s24] =	ssyncadd.s32 $0xFFFFFF80  }
0x29: {  	_ =	swait.ge [sflag:s24], $0x80  }
0x2a: {  	[sflag:s24] =	ssyncset.done $0x0  }
0x2b: {  	[sflag:s24] =	ssyncadd.s32 $0xFFFFFF80  }
0x2c: {  	_ =	swait.ge [sflag:s24], $0x80  }
0x2d: {  	[sflag:s24] =	ssyncset.done $0x0  }
0x2e: {  	[sflag:s24] =	ssyncadd.s32 $0xFFFFFF80  }
0x2f: {  	_ =	swait.ge [sflag:s24], $0x80  }
0x30: {  	[sflag:s24] =	ssyncset.done $0x0  }
0x31: {  	[sflag:s24] =	ssyncadd.s32 $0xFFFFFF80  }
0x32: {  	_ =	swait.ge [sflag:s24], $0x80  }
0x33: {  	[sflag:s24] =	ssyncset.done $0x0  }
0x34: {  	[sflag:s24] =	ssyncadd.s32 $0xFFFFFF80  }
0x35: {  	_ =	swait.ge [sflag:s24], $0x80  }
0x36: {  	[sflag:s24] =	ssyncset.done $0x0  }
0x37: {  	[sflag:s24] =	ssyncadd.s32 $0xFFFFFF80  }
0x38: {  	_ =	swait.ge [sflag:s24], $0x80  }
0x39: {  	[sflag:s24] =	ssyncset.done $0x0  }
0x3a: {  	s1 =	simm.s32 $0x400;
	s10 =	simm.s32 $0x1800;
	[sflag:s24] =	ssyncadd.s32 $0xFFFFFF80  }
0x3b: {  	[tilespmem:s10], [sflag:$0x1] =	stream.indirect.gather [hbm4b:s4+s9], $0x1, s1, s9, $0xb8;
	[tilespmem:$0x12800] =	vst v63  }
0x3c: {  	s11 =	simm.s32 $0x480;
	s12 =	simm.s32 $0x1880  }
0x3d: {  	[tilespmem:s12], [sflag:$0x1] =	stream.indirect.gather [hbm4b:s4+s9], $0x1, s11, s9, $0xb8;
	[tilespmem:$0x12800] =	vst v63  }
0x3e: {  	s1 =	simm.s32 $0x500;
	s10 =	simm.s32 $0x1900  }
0x3f: {  	[tilespmem:s10], [sflag:$0x1] =	stream.indirect.gather [hbm4b:s4+s9], $0x1, s1, s9, $0xb8;
	[tilespmem:$0x12800] =	vst v63  }
0x40: {  	s11 =	simm.s32 $0x580;
	s12 =	simm.s32 $0x1980  }
0x41: {  	[tilespmem:s12], [sflag:$0x1] =	stream.indirect.gather [hbm4b:s4+s9], $0x1, s11, s9, $0xb8;
	[tilespmem:$0x12800] =	vst v63  }
0x42: {  	s1 =	simm.s32 $0x600;
	s10 =	simm.s32 $0x1A00  }
0x43: {  	[tilespmem:s10], [sflag:$0x1] =	stream.indirect.gather [hbm4b:s4+s9], $0x1, s1, s9, $0xb8;
	[tilespmem:$0x12800] =	vst v63  }
0x44: {  	s11 =	simm.s32 $0x680;
	s12 =	simm.s32 $0x1A80  }
0x45: {  	[tilespmem:s12], [sflag:$0x1] =	stream.indirect.gather [hbm4b:s4+s9], $0x1, s11, s9, $0xb8;
	[tilespmem:$0x12800] =	vst v63  }
0x46: {  	s1 =	simm.s32 $0x700;
	s10 =	simm.s32 $0x1B00  }
0x47: {  	[tilespmem:s10], [sflag:$0x1] =	stream.indirect.gather [hbm4b:s4+s9], $0x1, s1, s9, $0xb8;
	[tilespmem:$0x12800] =	vst v63  }
0x48: {  	s11 =	simm.s32 $0x780;
	s12 =	simm.s32 $0x1B80  }
0x49: {  	[tilespmem:s12], [sflag:$0x1] =	stream.indirect.gather [hbm4b:s4+s9], $0x1, s11, s9, $0xb8;
	[tilespmem:$0x12800] =	vst v63  }
0x4a: {  	_ =	swait.ge [sflag:s24], $0x80  }
0x4b: {  	[sflag:s24] =	ssyncset.done $0x0  }
0x4c: {  	[sflag:s24] =	ssyncadd.s32 $0xFFFFFF80  }
0x4d: {  	_ =	swait.ge [sflag:s24], $0x80  }
0x4e: {  	[sflag:s24] =	ssyncset.done $0x0  }
0x4f: {  	[sflag:s24] =	ssyncadd.s32 $0xFFFFFF80  }
0x50: {  	_ =	swait.ge [sflag:s24], $0x80  }
0x51: {  	[sflag:s24] =	ssyncset.done $0x0  }
0x52: {  	[sflag:s24] =	ssyncadd.s32 $0xFFFFFF80  }
0x53: {  	_ =	swait.ge [sflag:s24], $0x80  }
0x54: {  	[sflag:s24] =	ssyncset.done $0x0  }
0x55: {  	[sflag:s24] =	ssyncadd.s32 $0xFFFFFF80  }
0x56: {  	_ =	swait.ge [sflag:s24], $0x80  }
0x57: {  	[sflag:s24] =	ssyncset.done $0x0  }
0x58: {  	[sflag:s24] =	ssyncadd.s32 $0xFFFFFF80  }
0x59: {  	_ =	swait.ge [sflag:s24], $0x80  }
0x5a: {  	[sflag:s24] =	ssyncset.done $0x0  }
0x5b: {  	[sflag:s24] =	ssyncadd.s32 $0xFFFFFF80  }
0x5c: {  	_ =	swait.ge [sflag:s24], $0x80  }
0x5d: {  	[sflag:s24] =	ssyncset.done $0x0  }
0x5e: {  	[sflag:s24] =	ssyncadd.s32 $0xFFFFFF80  }
0x5f: {  	_ =	swait.ge [sflag:s24], $0x80  }
0x60: {  	[sflag:s24] =	ssyncset.done $0x0  }
0x61: {  	s1 =	simm.s32 $0x800;
	s10 =	simm.s32 $0x1C00;
	[sflag:s24] =	ssyncadd.s32 $0xFFFFFF80  }
0x62: {  	[tilespmem:s10], [sflag:$0x1] =	stream.indirect.gather [hbm4b:s4+s9], $0x1, s1, s9, $0xb8;
	[tilespmem:$0x12800] =	vst v63  }
0x63: {  	s11 =	simm.s32 $0x880;
	s12 =	simm.s32 $0x1C80  }
0x64: {  	[tilespmem:s12], [sflag:$0x1] =	stream.indirect.gather [hbm4b:s4+s9], $0x1, s11, s9, $0xb8;
	[tilespmem:$0x12800] =	vst v63  }
0x65: {  	s1 =	simm.s32 $0x900;
	s10 =	simm.s32 $0x1D00  }
0x66: {  	[tilespmem:s10], [sflag:$0x1] =	stream.indirect.gather [hbm4b:s4+s9], $0x1, s1, s9, $0xb8;
	[tilespmem:$0x12800] =	vst v63  }
0x67: {  	s11 =	simm.s32 $0x980;
	s12 =	simm.s32 $0x1D80  }
0x68: {  	[tilespmem:s12], [sflag:$0x1] =	stream.indirect.gather [hbm4b:s4+s9], $0x1, s11, s9, $0xb8;
	[tilespmem:$0x12800] =	vst v63  }
0x69: {  	s1 =	simm.s32 $0xA00;
	s10 =	simm.s32 $0x1E00  }
0x6a: {  	[tilespmem:s10], [sflag:$0x1] =	stream.indirect.gather [hbm4b:s4+s9], $0x1, s1, s9, $0xb8;
	[tilespmem:$0x12800] =	vst v63  }
0x6b: {  	s11 =	simm.s32 $0xA80;
	s12 =	simm.s32 $0x1E80  }
0x6c: {  	[tilespmem:s12], [sflag:$0x1] =	stream.indirect.gather [hbm4b:s4+s9], $0x1, s11, s9, $0xb8;
	[tilespmem:$0x12800] =	vst v63  }
0x6d: {  	s1 =	simm.s32 $0xB00;
	s10 =	simm.s32 $0x1F00  }
0x6e: {  	[tilespmem:s10], [sflag:$0x1] =	stream.indirect.gather [hbm4b:s4+s9], $0x1, s1, s9, $0xb8;
	[tilespmem:$0x12800] =	vst v63  }
0x6f: {  	s11 =	simm.s32 $0xB80;
	s12 =	simm.s32 $0x1F80  }
0x70: {  	[tilespmem:s12], [sflag:$0x1] =	stream.indirect.gather [hbm4b:s4+s9], $0x1, s11, s9, $0xb8;
	[tilespmem:$0x12800] =	vst v63  }
0x71: {  	_ =	swait.ge [sflag:s24], $0x80  }
0x72: {  	[sflag:s24] =	ssyncset.done $0x0  }
0x73: {  	[sflag:s24] =	ssyncadd.s32 $0xFFFFFF80  }
0x74: {  	_ =	swait.ge [sflag:s24], $0x80  }
0x75: {  	[sflag:s24] =	ssyncset.done $0x0  }
0x76: {  	[sflag:s24] =	ssyncadd.s32 $0xFFFFFF80  }
0x77: {  	_ =	swait.ge [sflag:s24], $0x80  }
0x78: {  	[sflag:s24] =	ssyncset.done $0x0  }
0x79: {  	[sflag:s24] =	ssyncadd.s32 $0xFFFFFF80  }
0x7a: {  	_ =	swait.ge [sflag:s24], $0x80  }
0x7b: {  	[sflag:s24] =	ssyncset.done $0x0  }
0x7c: {  	[sflag:s24] =	ssyncadd.s32 $0xFFFFFF80  }
0x7d: {  	_ =	swait.ge [sflag:s24], $0x80  }
0x7e: {  	[sflag:s24] =	ssyncset.done $0x0  }
0x7f: {  	[sflag:s24] =	ssyncadd.s32 $0xFFFFFF80  }
0x80: {  	_ =	swait.ge [sflag:s24], $0x80  }
0x81: {  	[sflag:s24] =	ssyncset.done $0x0  }
0x82: {  	[sflag:s24] =	ssyncadd.s32 $0xFFFFFF80  }
0x83: {  	_ =	swait.ge [sflag:s24], $0x80  }
0x84: {  	[sflag:s24] =	ssyncset.done $0x0  }
0x85: {  	[sflag:s24] =	ssyncadd.s32 $0xFFFFFF80  }
0x86: {  	_ =	swait.ge [sflag:s24], $0x80  }
0x87: {  	[sflag:s24] =	ssyncset.done $0x0  }
0x88: {  	s1 =	simm.s32 $0xC00;
	s10 =	simm.s32 $0x2000;
	[sflag:s24] =	ssyncadd.s32 $0xFFFFFF80  }
0x89: {  	[tilespmem:s10], [sflag:$0x1] =	stream.indirect.gather [hbm4b:s4+s9], $0x1, s1, s9, $0xb8;
	[tilespmem:$0x12800] =	vst v63  }
0x8a: {  	s11 =	simm.s32 $0xC80;
	s12 =	simm.s32 $0x2080  }
0x8b: {  	[tilespmem:s12], [sflag:$0x1] =	stream.indirect.gather [hbm4b:s4+s9], $0x1, s11, s9, $0xb8;
	[tilespmem:$0x12800] =	vst v63  }
0x8c: {  	s1 =	simm.s32 $0xD00;
	s10 =	simm.s32 $0x2100  }
0x8d: {  	[tilespmem:s10], [sflag:$0x1] =	stream.indirect.gather [hbm4b:s4+s9], $0x1, s1, s9, $0xb8;
	[tilespmem:$0x12800] =	vst v63  }
0x8e: {  	s11 =	simm.s32 $0xD80;
	s12 =	simm.s32 $0x2180  }
0x8f: {  	[tilespmem:s12], [sflag:$0x1] =	stream.indirect.gather [hbm4b:s4+s9], $0x1, s11, s9, $0xb8;
	[tilespmem:$0x12800] =	vst v63  }
0x90: {  	s1 =	simm.s32 $0xE00;
	s10 =	simm.s32 $0x2200  }
0x91: {  	[tilespmem:s10], [sflag:$0x1] =	stream.indirect.gather [hbm4b:s4+s9], $0x1, s1, s9, $0xb8;
	[tilespmem:$0x12800] =	vst v63  }
0x92: {  	s11 =	simm.s32 $0xE80;
	s12 =	simm.s32 $0x2280  }
0x93: {  	[tilespmem:s12], [sflag:$0x1] =	stream.indirect.gather [hbm4b:s4+s9], $0x1, s11, s9, $0xb8;
	[tilespmem:$0x12800] =	vst v63  }
0x94: {  	s1 =	simm.s32 $0xF00;
	s10 =	simm.s32 $0x2300  }
0x95: {  	[tilespmem:s10], [sflag:$0x1] =	stream.indirect.gather [hbm4b:s4+s9], $0x1, s1, s9, $0xb8;
	[tilespmem:$0x12800] =	vst v63  }
0x96: {  	s11 =	simm.s32 $0xF80;
	s12 =	simm.s32 $0x2380  }
0x97: {  	[tilespmem:s12], [sflag:$0x1] =	stream.indirect.gather [hbm4b:s4+s9], $0x1, s11, s9, $0xb8;
	[tilespmem:$0x12800] =	vst v63  }
0x98: {  	_ =	swait.ge [sflag:s24], $0x80  }
0x99: {  	[sflag:s24] =	ssyncset.done $0x0  }
0x9a: {  	[sflag:s24] =	ssyncadd.s32 $0xFFFFFF80  }
0x9b: {  	_ =	swait.ge [sflag:s24], $0x80  }
0x9c: {  	[sflag:s24] =	ssyncset.done $0x0  }
0x9d: {  	[sflag:s24] =	ssyncadd.s32 $0xFFFFFF80  }
0x9e: {  	_ =	swait.ge [sflag:s24], $0x80  }
0x9f: {  	[sflag:s24] =	ssyncset.done $0x0  }
0xa0: {  	[sflag:s24] =	ssyncadd.s32 $0xFFFFFF80  }
0xa1: {  	_ =	swait.ge [sflag:s24], $0x80  }
0xa2: {  	[sflag:s24] =	ssyncset.done $0x0  }
0xa3: {  	[sflag:s24] =	ssyncadd.s32 $0xFFFFFF80  }
0xa4: {  	_ =	swait.ge [sflag:s24], $0x80  }
0xa5: {  	[sflag:s24] =	ssyncset.done $0x0  }
0xa6: {  	[sflag:s24] =	ssyncadd.s32 $0xFFFFFF80  }
0xa7: {  	_ =	swait.ge [sflag:s24], $0x80  }
0xa8: {  	[sflag:s24] =	ssyncset.done $0x0  }
0xa9: {  	[sflag:s24] =	ssyncadd.s32 $0xFFFFFF80  }
0xaa: {  	_ =	swait.ge [sflag:s24], $0x80  }
0xab: {  	[sflag:s24] =	ssyncset.done $0x0  }
0xac: {  	[sflag:s24] =	ssyncadd.s32 $0xFFFFFF80  }
0xad: {  	_ =	swait.ge [sflag:s24], $0x80  }
0xae: {  	[sflag:s24] =	ssyncset.done $0x0  }
0xaf: {  	s1 =	simm.s32 $0x1000;
	s10 =	simm.s32 $0x2400;
	[sflag:s24] =	ssyncadd.s32 $0xFFFFFF80  }
0xb0: {  	[tilespmem:s10], [sflag:$0x1] =	stream.indirect.gather [hbm4b:s4+s9], $0x1, s1, s9, $0xb8;
	[tilespmem:$0x12800] =	vst v63  }
0xb1: {  	s11 =	simm.s32 $0x1080;
	s12 =	simm.s32 $0x2480  }
0xb2: {  	[tilespmem:s12], [sflag:$0x1] =	stream.indirect.gather [hbm4b:s4+s9], $0x1, s11, s9, $0xb8;
	[tilespmem:$0x12800] =	vst v63  }
0xb3: {  	s1 =	simm.s32 $0x1100;
	s10 =	simm.s32 $0x2500  }
0xb4: {  	[tilespmem:s10], [sflag:$0x1] =	stream.indirect.gather [hbm4b:s4+s9], $0x1, s1, s9, $0xb8;
	[tilespmem:$0x12800] =	vst v63  }
0xb5: {  	s11 =	simm.s32 $0x1180  }
0xb6: {  	[tilespmem:s13], [sflag:$0x1] =	stream.indirect.gather [hbm4b:s4+s9], $0x1, s11, s9, $0xb8;
	[tilespmem:$0x12800] =	vst v63  }
0xb7: {  	_ = 	snop  }
0xb8: {  	[tilespmem:s15], [sflag:$0x1] =	stream.indirect.gather [hbm4b:s4+s9], $0x1, s14, s9, $0xb8;
	[tilespmem:$0x12800] =	vst v63  }
0xb9: {  	_ = 	snop  }
0xba: {  	[tilespmem:s17], [sflag:$0x1] =	stream.indirect.gather [hbm4b:s4+s9], $0x1, s16, s9, $0xb8;
	[tilespmem:$0x12800] =	vst v63  }
0xbb: {  	_ = 	snop  }
0xbc: {  	[tilespmem:s19], [sflag:$0x1] =	stream.indirect.gather [hbm4b:s4+s9], $0x1, s18, s9, $0xb8;
	[tilespmem:$0x12800] =	vst v63  }
0xbd: {  	_ = 	snop  }
0xbe: {  	[tilespmem:s21], [sflag:$0x1] =	stream.indirect.gather [hbm4b:s4+s9], $0x1, s20, s9, $0xb8;
	[tilespmem:$0x12800] =	vst v63  }
0xbf: {  	_ =	swait.ge [sflag:s24], $0x80  }
0xc0: {  	[sflag:s24] =	ssyncset.done $0x0  }
0xc1: {  	[sflag:s24] =	ssyncadd.s32 $0xFFFFFF80  }
0xc2: {  	_ =	swait.ge [sflag:s24], $0x80  }
0xc3: {  	[sflag:s24] =	ssyncset.done $0x0  }
0xc4: {  	[sflag:s24] =	ssyncadd.s32 $0xFFFFFF80  }
0xc5: {  	_ =	swait.ge [sflag:s24], $0x80  }
0xc6: {  	[sflag:s24] =	ssyncset.done $0x0  }
0xc7: {  	[sflag:s24] =	ssyncadd.s32 $0xFFFFFF80  }
0xc8: {  	_ =	swait.ge [sflag:s24], $0x80  }
0xc9: {  	[sflag:s24] =	ssyncset.done $0x0  }
0xca: {  	[sflag:s24] =	ssyncadd.s32 $0xFFFFFF80  }
0xcb: {  	_ =	swait.ge [sflag:s24], $0x80  }
0xcc: {  	[sflag:s24] =	ssyncset.done $0x0  }
0xcd: {  	[sflag:s24] =	ssyncadd.s32 $0xFFFFFF80  }
0xce: {  	_ =	swait.ge [sflag:s24], $0x80  }
0xcf: {  	[sflag:s24] =	ssyncset.done $0x0  }
0xd0: {  	[sflag:s24] =	ssyncadd.s32 $0xFFFFFF80  }
0xd1: {  	_ =	swait.ge [sflag:s24], $0x80  }
0xd2: {  	[sflag:s24] =	ssyncset.done $0x0  }
0xd3: {  	[sflag:s24] =	ssyncadd.s32 $0xFFFFFF80  }
0xd4: {  	_ =	swait.ge [sflag:s24], $0x80  }
0xd5: {  	[sflag:s24] =	ssyncset.done $0x0  }
0xd6: {  	s12 =	simm.s32 $0x1400;
	[sflag:s24] =	ssyncadd.s32 $0xFFFFFF80  }
0xd7: {  	[tilespmem:s22], [sflag:$0x2] =	stream.indirect.gather [hbm4b:s3+s9], $0x80, s12, s9, $0xb8;
	[tilespmem:$0x12800] =	vst v63  }
0xd8: {  	s1 =	simm.s32 $0x1480  }
0xd9: {  	[tilespmem:s23], [sflag:$0x2] =	stream.indirect.gather [hbm4b:s3+s9], $0x80, s1, s9, $0xb8;
	[tilespmem:$0x12800] =	vst v63  }
0xda: {  	s10 =	simm.s32 $0x1500  }
0xdb: {  	[tilespmem:s25], [sflag:$0x2] =	stream.indirect.gather [hbm4b:s3+s9], $0x80, s10, s9, $0xb8;
	[tilespmem:$0x12800] =	vst v63  }
0xdc: {  	s11 =	simm.s32 $0x1580  }
0xdd: {  	[tilespmem:s26], [sflag:$0x2] =	stream.indirect.gather [hbm4b:s3+s9], $0x80, s11, s9, $0xb8;
	[tilespmem:$0x12800] =	vst v63  }
0xde: {  	_ =	swait.ge [sflag:s28], $0x4000  }
0xdf: {  	[sflag:s28] =	ssyncset.done $0x0  }
0xe0: {  	[sflag:s28] =	ssyncadd.s32 $0xFFFFC000  }
0xe1: {  	_ =	swait.ge [sflag:s28], $0x4000  }
0xe2: {  	[sflag:s28] =	ssyncset.done $0x0  }
0xe3: {  	s12 =	sadd.s32 $0xFFFFF000, s7;
	[sflag:s28] =	ssyncadd.s32 $0xFFFFC000  }
0xe4: {  	[hbm4b:s12+s2] =	stream.linear.scatter [tilespmem:s22], [sflag:$0x3], $0x8000, $0x38;
	[tilespmem:$0x12800] =	vst v63  }
0xe5: {  	_ =	swait.ge [sflag:s28], $0x4000  }
0xe6: {  	[sflag:s28] =	ssyncset.done $0x0  }
0xe7: {  	[sflag:s28] =	ssyncadd.s32 $0xFFFFC000  }
0xe8: {  	_ =	swait.ge [sflag:s28], $0x4000  }
0xe9: {  	[sflag:s28] =	ssyncset.done $0x0  }
0xea: {  	[sflag:s28] =	ssyncadd.s32 $0xFFFFC000  }
0xeb: {  	[hbm4b:s7+s2] =	stream.linear.scatter [tilespmem:s25], [sflag:$0x3], $0x8000, $0x38;
	[tilespmem:$0x12800] =	vst v63  }
0xec: {  	_ =	swait.ge [sflag:s29], $0x8000  }
0xed: {  	[sflag:s29] =	ssyncset.done $0x0  }
0xee: {  	[sflag:s29] =	ssyncadd.s32 $0xFFFF8000  }
0xef: {  	s31 =	sadd.s32 $0x2000, s7;
	_ =	swait.ge [sflag:s29], $0x8000  }
0xf0: {  	s0 =	simm.s32 $0x200;
	s1 =	simm.s32 $0x1000;
	[sflag:s29] =	ssyncset.done $0x0  }
.LBB2_2:
0xf1: {  	s10 =	sadd.s32 $0x1400, s0  }
0xf2: {  	[sflag:s29] =	ssyncadd.s32 $0xFFFF8000;
	s11 =	smov.u32 s1;
	s12 =	sadd.s32 $0x800, s1  }
0xf3: {  	[tilespmem:s22], [sflag:$0x2] =	stream.indirect.gather [hbm4b:s3+s9], $0x80, s10, s9, $0xb8;
	[tilespmem:$0x12800] =	vst v63  }
0xf4: {  	p0 =	sne.s32 s1, $0x4800;
	s1 =	sadd.s32 $0x1480, s0  }
0xf5: {  	[tilespmem:s23], [sflag:$0x2] =	stream.indirect.gather [hbm4b:s3+s9], $0x80, s1, s9, $0xb8;
	[tilespmem:$0x12800] =	vst v63  }
0xf6: {  	s1 =	sadd.s32 $0x1500, s0  }
0xf7: {  	[tilespmem:s25], [sflag:$0x2] =	stream.indirect.gather [hbm4b:s3+s9], $0x80, s1, s9, $0xb8;
	[tilespmem:$0x12800] =	vst v63  }
0xf8: {  	s0 =	sadd.s32 $0x1580, s0  }
0xf9: {  	[tilespmem:s26], [sflag:$0x2] =	stream.indirect.gather [hbm4b:s3+s9], $0x80, s0, s9, $0xb8;
	[tilespmem:$0x12800] =	vst v63  }
0xfa: {  	_ =	swait.ge [sflag:s28], $0x4000  }
0xfb: {  	[sflag:s28] =	ssyncset.done $0x0  }
0xfc: {  	[sflag:s28] =	ssyncadd.s32 $0xFFFFC000  }
0xfd: {  	_ =	swait.ge [sflag:s28], $0x4000  }
0xfe: {  	[sflag:s28] =	ssyncset.done $0x0  }
0xff: {  	s0 =	sadd.s32 $0xFFFFF000, s31;
	[sflag:s28] =	ssyncadd.s32 $0xFFFFC000  }
0x100: {  	[hbm4b:s0+s2] =	stream.linear.scatter [tilespmem:s22], [sflag:$0x3], $0x8000, $0x38;
	[tilespmem:$0x12800] =	vst v63  }
0x101: {  	_ =	swait.ge [sflag:s28], $0x4000  }
0x102: {  	[sflag:s28] =	ssyncset.done $0x0  }
0x103: {  	[sflag:s28] =	ssyncadd.s32 $0xFFFFC000  }
0x104: {  	_ =	swait.ge [sflag:s28], $0x4000  }
0x105: {  	[sflag:s28] =	ssyncset.done $0x0  }
0x106: {  	[sflag:s28] =	ssyncadd.s32 $0xFFFFC000  }
0x107: {  	[hbm4b:s31+s2] =	stream.linear.scatter [tilespmem:s25], [sflag:$0x3], $0x8000, $0x38;
	[tilespmem:$0x12800] =	vst v63  }
.Ltmp0:
0x108: {  	_ =	swait.ge [sflag:s29], $0x8000;
	(pc) =	sbr.rel @p0 .LBB2_2-.Ltmp0, $4  }
0x109: {  	[sflag:s29] =	ssyncset.done $0x0  }
0x10a: {  	[sflag:s29] =	ssyncadd.s32 $0xFFFF8000  }
0x10b: {  	s1 =	smov.u32 s12;
	_ =	swait.ge [sflag:s29], $0x8000  }
0x10c: {  	s0 =	sshra.s32 s11, $0x2;
	s31 =	sadd.s32 $0x2000, s31;
	[sflag:s29] =	ssyncset.done $0x0  }
0x10d: {  	s1 =	sadd.s32 $0x1400, s0;
	[sflag:s29] =	ssyncadd.s32 $0xFFFF8000  }
0x10e: {  	[tilespmem:s22], [sflag:$0x2] =	stream.indirect.gather [hbm4b:s3+s9], $0x80, s1, s9, $0xb8;
	[tilespmem:$0x12800] =	vst v63  }
0x10f: {  	s12 =	sadd.s32 $0x1480, s0  }
0x110: {  	[tilespmem:s23], [sflag:$0x2] =	stream.indirect.gather [hbm4b:s3+s9], $0x80, s12, s9, $0xb8;
	[tilespmem:$0x12800] =	vst v63  }
0x111: {  	s10 =	sadd.s32 $0x1500, s0  }
0x112: {  	[tilespmem:s25], [sflag:$0x2] =	stream.indirect.gather [hbm4b:s3+s9], $0x80, s10, s9, $0xb8;
	[tilespmem:$0x12800] =	vst v63  }
0x113: {  	s11 =	sadd.s32 $0x1580, s0  }
0x114: {  	[tilespmem:s26], [sflag:$0x2] =	stream.indirect.gather [hbm4b:s3+s9], $0x80, s11, s9, $0xb8;
	[tilespmem:$0x12800] =	vst v63  }
0x115: {  	_ =	swait.ge [sflag:s28], $0x4000  }
0x116: {  	[sflag:s28] =	ssyncset.done $0x0  }
0x117: {  	[sflag:s28] =	ssyncadd.s32 $0xFFFFC000  }
0x118: {  	_ =	swait.ge [sflag:s28], $0x4000  }
0x119: {  	[sflag:s28] =	ssyncset.done $0x0  }
0x11a: {  	s12 =	sadd.s32 $0xFFFFF000, s31;
	[sflag:s28] =	ssyncadd.s32 $0xFFFFC000  }
0x11b: {  	[hbm4b:s12+s2] =	stream.linear.scatter [tilespmem:s22], [sflag:$0x3], $0x8000, $0x38;
	[tilespmem:$0x12800] =	vst v63  }
0x11c: {  	_ =	swait.ge [sflag:s28], $0x4000  }
0x11d: {  	[sflag:s28] =	ssyncset.done $0x0  }
0x11e: {  	[sflag:s28] =	ssyncadd.s32 $0xFFFFC000  }
0x11f: {  	_ =	swait.ge [sflag:s28], $0x4000  }
0x120: {  	[sflag:s28] =	ssyncset.done $0x0  }
0x121: {  	s30 =	sadd.s32 $0x1, s30;
	[sflag:s28] =	ssyncadd.s32 $0xFFFFC000  }
0x122: {  	[hbm4b:s31+s2] =	stream.linear.scatter [tilespmem:s25], [sflag:$0x3], $0x8000, $0x38;
	[tilespmem:$0x12800] =	vst v63  }
0x123: {  	p0 =	sne.s32 s30, s6;
	_ =	swait.ge [sflag:s29], $0x8000  }
.Ltmp1:
0x124: {  	[sflag:s29] =	ssyncset.done $0x0;
	(pc) =	sbr.rel @p0 .LBB2_1-.Ltmp1, $4  }
0x125: {  	[sflag:s29] =	ssyncadd.s32 $0xFFFF8000  }
0x126: {  	_ =	swait.ge [sflag:s29], $0x8000  }
0x127: {  	[sflag:s29] =	ssyncset.done $0x0  }
0x128: {  	[sflag:s29] =	ssyncadd.s32 $0xFFFF8000  }
0x129: {  	_ =	sfence.sel $0x180000  }
0x12a: {  	[bflag:$0x0] =	sbarrier.arrive $0xFFFF  }
0x12b: {  	_ =	strace $0x90000050  }
0x12c: {  	s0 =	stileid.u32;
	[bflag:$0x2] =	sbarrier.arrive $0xFFFF  }
0x12d: {  	p0 =	sne.s32 s0, $0x0;
	s0 =	rddreg [dreg:$0x1]  }
0x12e: {  	s0 =	sadd.s32 @!p0 $0x100000, s0  }
0x12f: {  	[sflag:s0] =	ssyncadd.tile.s32 @!p0 $0x1;
	_ =	shalt  }
.Lfunc_end2:
_tile_overlayer_lowered:
.L_overlay_start_2:
0x130: {  	(tag) =	ssettag $0x2  }
0x131: {  	s0 =	rddreg [dreg:$0x0];
	s2 =	stileid.u32  }
0x132: {  	s1 =	rddreg [dreg:$0x1];
	p0 =	sne.s32 s2, $0x0  }
0x133: {  	s3 =	rddreg [dreg:$0x2];
	[bflag:$0x3] =	sbarrier.arrive $0xFFFF;
	s2 =	simm.s32 @!p0 $0x1C04  }
0x134: {  	[timem:s3], [sflag:s2] =	dma.local @!p0 [hbm:s0], s1  }
0x135: {  	s0 =	simm.s32 @!p0 $0x4  }
0x136: {  	_ =	swait.ge @!p0 [sflag:s0], s1  }
0x137: {  	s1 =	ssub.s32 @!p0 $0x0, s1;
	[sflag:s0] =	ssyncset.done @!p0 $0x0  }
0x138: {  	[sflag:s0] =	ssyncadd.s32 @!p0 s1  }
0x139: {  	[bflag:$0x3] =	sbarrier.arrive $0xFFFF  }
0x13a: {  	_ =	shalt  }

</sc_bundles>
